<compile_context>
chip_gen: v7x
topology: tpu7x:2x2x1
jax: 0.10.2.dev20260603
libtpu: 0.0.44.dev20260713+nightly
codegen_flags: <defaults>
</compile_context>

<pallas_src>
import functools

import jax
import jax.numpy as jnp
from jax import lax
from jax.experimental import pallas as pl
from jax.experimental.pallas import tpu as pltpu
from jax.experimental.pallas import tpu_sc as plsc

_N = 10000
_E = 320000
_D = 128
_NP = 10240
_NC, _NS = 2, 16
_NW = _NC * _NS
_EPW = _E // _NW
_EPWP = 10240
_EP = _EPWP * _NW
_K = 80
_NCH = _EPWP // _K
_RPT = _NP // _NS
_B = 512
_GRID = _NP // _B

_mesh = plsc.VectorSubcoreMesh(core_axis_name="c", subcore_axis_name="s")


@functools.partial(
    pl.kernel,
    out_type=jax.ShapeDtypeStruct((_NW, _NP), jnp.float32),
    mesh=_mesh,
    scratch_types=[
        pltpu.VMEM((_EPW,), jnp.int32),
        pltpu.VMEM((_NP,), jnp.float32),
    ],
    compiler_params=pltpu.CompilerParams(needs_layout_passes=False),
)
def _sc_degree(dst_hbm, degp_hbm, dbuf, hist):
    wid = lax.axis_index("c") * _NS + lax.axis_index("s")
    pltpu.sync_copy(dst_hbm.at[pl.ds(wid * _EPW, _EPW)], dbuf)
    zeros = jnp.zeros((16,), jnp.float32)

    def zbody(i, _):
        hist[pl.ds(i * 16, 16)] = zeros
        return 0

    lax.fori_loop(0, _NP // 16, zbody, 0)
    ones = jnp.ones((16,), jnp.float32)

    def body(i, _):
        idx = dbuf[pl.ds(i * 16, 16)]
        plsc.addupdate_scatter(hist, [idx], ones)
        return 0

    lax.fori_loop(0, _EPW // 16, body, 0)
    pltpu.sync_copy(hist, degp_hbm.at[wid])


@functools.partial(
    pl.kernel,
    out_type=jax.ShapeDtypeStruct((_NC, _NP, _D), jnp.float32),
    mesh=_mesh,
    scratch_types=[
        pltpu.VMEM((4, 2, _K), jnp.int32),
        pltpu.VMEM((2, _K, _D), jnp.float32),
        pltpu.VMEM_SHARED((_NP, _D), jnp.float32),
        pltpu.SemaphoreType.DMA((2,)),
        pltpu.SemaphoreType.DMA((2,)),
        pltpu.SemaphoreType.DMA((4,)),
    ],
)
def _sc_pass(src4_hbm, dst4_hbm, xt_hbm, aggp_hbm, islot, rows, acc, gsem,
             ssem, isem):
    cid = lax.axis_index("c")
    sid = lax.axis_index("s")
    wid = cid * _NS + sid

    zeros = jnp.zeros((16,), jnp.float32)

    def zb(i, _):
        rows[0, i // 8, pl.ds((i % 8) * 16, 16)] = zeros
        return 0

    lax.fori_loop(0, _K * 8, zb, 0)

    def za(i, _):
        pltpu.sync_copy(rows.at[0], acc.at[pl.ds(sid * _RPT + i * _K, _K)])
        return 0

    lax.fori_loop(0, _RPT // _K, za, 0)
    plsc.subcore_barrier()

    def g_issue(t, b):
        pltpu.async_copy(xt_hbm.at[islot.at[t, 0]], rows.at[b], gsem.at[b])

    def g_wait(t, b):
        pltpu.make_async_copy(xt_hbm.at[islot.at[t, 0]], rows.at[b],
                              gsem.at[b]).wait()

    def s_issue(t, b):
        pltpu.async_copy(rows.at[b], acc.at[islot.at[t, 1]], ssem.at[b],
                         add=True)

    def s_wait(t, b):
        pltpu.make_async_copy(rows.at[b], acc.at[islot.at[t, 1]],
                              ssem.at[b]).wait()

    def i_issue(j, t):
        pltpu.async_copy(src4_hbm.at[wid, j], islot.at[t, 0], isem.at[t])
        pltpu.async_copy(dst4_hbm.at[wid, j], islot.at[t, 1], isem.at[t])

    def i_wait(j, t):
        pltpu.make_async_copy(src4_hbm.at[wid, j], islot.at[t, 0],
                              isem.at[t]).wait()
        pltpu.make_async_copy(dst4_hbm.at[wid, j], islot.at[t, 1],
                              isem.at[t]).wait()

    pltpu.sync_copy(src4_hbm.at[wid, 0], islot.at[0, 0])
    pltpu.sync_copy(dst4_hbm.at[wid, 0], islot.at[0, 1])
    i_issue(1, 1)
    g_issue(0, 0)

    def quad(o, _):
        for u in range(4):
            j = 4 * o + u
            t, b = u, u % 2
            tn, nb = (u + 1) % 4, 1 - b
            tp, tq = (u - 1) % 4, (u + 2) % 4

            if u < 2:
                i_issue(j + 2, tq)
            else:
                @pl.when(o < _NCH // 4 - 1)
                def _():
                    i_issue(j + 2, tq)

            def prefetch(first):
                i_wait(j + 1, tn)
                g_wait(t, b)
                if not first:
                    s_wait(tp, nb)
                g_issue(tn, nb)

            if u == 0:
                @pl.when(o == 0)
                def _():
                    prefetch(True)

                @pl.when(o > 0)
                def _():
                    prefetch(False)
            elif u < 3:
                prefetch(False)
            else:
                @pl.when(o < _NCH // 4 - 1)
                def _():
                    prefetch(False)

                @pl.when(o == _NCH // 4 - 1)
                def _():
                    g_wait(t, b)
                    s_wait(tp, nb)

            s_issue(t, b)
        return 0

    lax.fori_loop(0, _NCH // 4, quad, 0)
    s_wait(3, 1)
    plsc.subcore_barrier()
    pltpu.sync_copy(
        acc.at[pl.ds(sid * _RPT, _RPT)],
        aggp_hbm.at[cid, pl.ds(sid * _RPT, _RPT)],
    )


def _dinv(degp):
    ones = jnp.ones((_NW, 1), jnp.float32)
    deg = lax.dot_general(degp, ones, (((0,), (0,)), ((), ())))
    return lax.rsqrt(jnp.maximum(deg, 1.0))


def _tc_pre_body(x_ref, w1_ref, degp_ref, xt1_ref):
    xw = jnp.dot(x_ref[...], w1_ref[...], preferred_element_type=jnp.float32)
    xt1_ref[...] = xw * _dinv(degp_ref[...])


def _tc_mid_body(aggp_ref, degp_ref, b1_ref, xt2_ref):
    di = _dinv(degp_ref[...])
    h1 = jnp.maximum(di * (aggp_ref[0] + aggp_ref[1]) + b1_ref[...], 0.0)
    xt2_ref[...] = di * h1


def _tc_final_body(aggp_ref, degp_ref, w2_ref, wl1_ref, b2_ref, bl1_ref,
                   wl2_ref, bl2_ref, out_ref, acc, w25, b25):
    i = pl.program_id(0)

    @pl.when(i == 0)
    def _():
        w25[...] = jnp.dot(w2_ref[...], wl1_ref[...],
                           preferred_element_type=jnp.float32)
        b25[...] = jnp.dot(b2_ref[...], wl1_ref[...],
                           preferred_element_type=jnp.float32) + bl1_ref[...]
        acc[...] = jnp.zeros((1, _D), jnp.float32)

    a2 = _dinv(degp_ref[...]) * (aggp_ref[0] + aggp_ref[1])
    h = jnp.maximum(
        jnp.dot(a2, w25[...], preferred_element_type=jnp.float32) + b25[...],
        0.0,
    )
    row = i * _B + lax.broadcasted_iota(jnp.int32, (_B, 1), 0)
    h = jnp.where(row < _N, h, 0.0)
    acc[...] += jnp.sum(h, axis=0, keepdims=True)

    @pl.when(i == _GRID - 1)
    def _():
        g = acc[...] * (1.0 / _N)
        out_ref[...] = jnp.dot(g, wl2_ref[...],
                               preferred_element_type=jnp.float32) + bl2_ref[...]


def _tc_pre(x_pad, W1, degp):
    return pl.pallas_call(
        _tc_pre_body,
        grid=(_GRID,),
        in_specs=[
            pl.BlockSpec((_B, _D), lambda i: (i, 0)),
            pl.BlockSpec((_D, _D), lambda i: (0, 0)),
            pl.BlockSpec((_NW, _B), lambda i: (0, i)),
        ],
        out_specs=pl.BlockSpec((_B, _D), lambda i: (i, 0)),
        out_shape=jax.ShapeDtypeStruct((_NP, _D), jnp.float32),
    )(x_pad, W1, degp)


def _tc_mid(aggp, degp, b1r):
    return pl.pallas_call(
        _tc_mid_body,
        grid=(_GRID,),
        in_specs=[
            pl.BlockSpec((_NC, _B, _D), lambda i: (0, i, 0)),
            pl.BlockSpec((_NW, _B), lambda i: (0, i)),
            pl.BlockSpec((1, _D), lambda i: (0, 0)),
        ],
        out_specs=pl.BlockSpec((_B, _D), lambda i: (i, 0)),
        out_shape=jax.ShapeDtypeStruct((_NP, _D), jnp.float32),
    )(aggp, degp, b1r)


def _tc_final(aggp, degp, W2, Wl1, b2r, bl1r, Wl2, bl2r):
    return pl.pallas_call(
        _tc_final_body,
        grid=(_GRID,),
        in_specs=[
            pl.BlockSpec((_NC, _B, _D), lambda i: (0, i, 0)),
            pl.BlockSpec((_NW, _B), lambda i: (0, i)),
            pl.BlockSpec((_D, _D), lambda i: (0, 0)),
            pl.BlockSpec((_D, _D), lambda i: (0, 0)),
            pl.BlockSpec((1, _D), lambda i: (0, 0)),
            pl.BlockSpec((1, _D), lambda i: (0, 0)),
            pl.BlockSpec((_D, _D), lambda i: (0, 0)),
            pl.BlockSpec((1, _D), lambda i: (0, 0)),
        ],
        out_specs=pl.BlockSpec((1, _D), lambda i: (0, 0)),
        out_shape=jax.ShapeDtypeStruct((1, _D), jnp.float32),
        scratch_shapes=[
            pltpu.VMEM((1, _D), jnp.float32),
            pltpu.VMEM((_D, _D), jnp.float32),
            pltpu.VMEM((1, _D), jnp.float32),
        ],
    )(aggp, degp, W2, Wl1, b2r, bl1r, Wl2, bl2r)


def kernel(x, adj, W1, b1, W2, b2, Wl1, bl1, Wl2, bl2):
    dst = adj[1]
    padv = _N + jnp.arange(_EP - _E, dtype=jnp.int32) % (_NP - _N)
    src4 = jnp.concatenate([adj[0], padv]).reshape(_NW, _NCH, _K)
    dst4 = jnp.concatenate([adj[1], padv]).reshape(_NW, _NCH, _K)
    x_pad = jnp.pad(x, ((0, _NP - _N), (0, 0)))
    degp = _sc_degree(dst)
    xt1 = _tc_pre(x_pad, W1, degp)
    aggp1 = _sc_pass(src4, dst4, xt1)
    xt2 = _tc_mid(aggp1, degp, b1.reshape(1, _D))
    aggp2 = _sc_pass(src4, dst4, xt2)
    return _tc_final(aggp2, degp, W2, Wl1, b2.reshape(1, _D),
                     bl1.reshape(1, _D), Wl2, bl2.reshape(1, _D))

# --- scband reference (transcript-rebuilt; emitter-appended) ---
"""Pipeline reference for scband-gnnmodel-56487409877009 (READ-ONLY COPY).

The authoritative reference and input builder live on the scoring server;
editing this copy changes nothing except your own understanding.
"""

import jax, jax.numpy as jnp
import numpy as np

N = 10000
E = 320000
D = 128
H = 128
O = 128


def setup_inputs(seed: int = 0) -> dict:
    key = jax.random.key(seed)
    ks = jax.random.split(key, 12)
    x = jax.random.normal(ks[0], (N, D), dtype=jnp.float32)
    adj = jax.random.randint(ks[1], (2, E), 0, N, dtype=jnp.int32)
    s = 1.0 / np.sqrt(D)
    W1 = jax.random.normal(ks[2], (D, H), dtype=jnp.float32) * s
    b1 = jnp.zeros((H,), dtype=jnp.float32)
    W2 = jax.random.normal(ks[3], (H, O), dtype=jnp.float32) * (1.0 / np.sqrt(H))
    b2 = jnp.zeros((O,), dtype=jnp.float32)
    Wl1 = jax.random.normal(ks[4], (O, O), dtype=jnp.float32) * (1.0 / np.sqrt(O))
    bl1 = jnp.zeros((O,), dtype=jnp.float32)
    Wl2 = jax.random.normal(ks[5], (O, O), dtype=jnp.float32) * (1.0 / np.sqrt(O))
    bl2 = jnp.zeros((O,), dtype=jnp.float32)
    return {"x": x, "adj": adj, "W1": W1, "b1": b1, "W2": W2, "b2": b2,
            "Wl1": Wl1, "bl1": bl1, "Wl2": Wl2, "bl2": bl2}


def _gcn_conv(x, src, dst, W, b):
    deg = jnp.zeros((N,), dtype=x.dtype).at[dst].add(1.0)
    dinv = jax.lax.rsqrt(jnp.maximum(deg, 1.0))
    norm = dinv[src] * dinv[dst]
    msg = x[src] * norm[:, None]
    agg = jax.ops.segment_sum(msg, dst, num_segments=N)
    return agg @ W + b


def reference(x, adj, W1, b1, W2, b2, Wl1, bl1, Wl2, bl2):
    src = adj[0]
    dst = adj[1]
    # GCN: 2-layer graph convolution with symmetric degree normalization
    h = jax.nn.relu(_gcn_conv(x, src, dst, W1, b1))
    h = _gcn_conv(h, src, dst, W2, b2)
    # lin1 + relu
    h = jax.nn.relu(h @ Wl1 + bl1)
    # global mean pool readout over nodes
    g = jnp.mean(h, axis=0, keepdims=True)
    # dropout is identity in eval mode
    out = g @ Wl2 + bl2
    return out

if __name__ == "__main__":
    import jax
    _d = setup_inputs()
    print(jax.jit(kernel)(*tuple(_d.values())))

</pallas_src>

<mosaic_0001>
#map = affine_map<(d0, d1) -> (0, 0, 0)>
#map1 = affine_map<(d0, d1) -> (0, 0)>
module attributes {stable_mosaic.version = 14 : i64} {
  func.func @_sc_pass(%arg0: i32, %arg1: i32, %arg2: memref<32x128x80xi32, #tpu.memory_space<hbm>>, %arg3: memref<32x128x80xi32, #tpu.memory_space<hbm>>, %arg4: memref<10240x128xf32, #tpu.memory_space<hbm>>, %arg5: memref<2x10240x128xf32, #tpu.memory_space<hbm>>, %arg6: memref<4x2x80xi32, #tpu.memory_space<vmem>>, %arg7: memref<2x80x128xf32, #tpu.memory_space<vmem>>, %arg8: memref<10240x128xf32, #tpu.memory_space<vmem_shared>>, %arg9: memref<2x!tpu.dma_semaphore, #tpu.memory_space<semaphore_mem>>, %arg10: memref<2x!tpu.dma_semaphore, #tpu.memory_space<semaphore_mem>>, %arg11: memref<4x!tpu.dma_semaphore, #tpu.memory_space<semaphore_mem>>) attributes {dimension_semantics = [#tpu.dimension_semantics<core_parallel>, #tpu.dimension_semantics<subcore_parallel>], iteration_bounds = array<i64: 2, 16>, scalar_prefetch = 0 : i64, scratch_operands = 6 : i64, tpu.core_type = #tpu.core_type<sc_vector_subcore>, window_params = [{transform_indices = #map}, {transform_indices = #map}, {transform_indices = #map1}, {transform_indices = #map}]} {
    %mul3A = arith.constant 16 : i32
    %mul3A_0 = arith.muli %arg0, %mul3A : i32
    %add3A = arith.addi %mul3A_0, %arg1 : i32
    %broadcast_in_dim3A = arith.constant 0.000000e+00 : f32
    %broadcast_in_dim3A_1 = vector.broadcast %broadcast_in_dim3A : f32 to vector<16xf32>
    %scan3A = arith.constant 0 : i32
    %scan3A_2 = arith.constant 0 : i32
    %scan3A_3 = arith.constant 640 : i32
    %scan3A_4 = arith.addi %scan3A_2, %scan3A_3 : i32
    %scan3A_5 = arith.constant 1 : i32
    %scan3A_6 = scf.for %scan3A_98 = %scan3A_2 to %scan3A_4 step %scan3A_5 iter_args(%scan3A_99 = %scan3A) -> (i32)  : i32 {
      %jit3A = arith.constant 8 : i32
      %div3A = arith.divsi %scan3A_98, %jit3A : i32
      %sign3A = arith.constant 0 : i32
      %sign3A_100 = arith.cmpi sgt, %scan3A_98, %sign3A : i32
      %sign3A_101 = arith.extui %sign3A_100 : i1 to i32
      %sign3A_102 = arith.constant 0 : i32
      %sign3A_103 = arith.cmpi slt, %scan3A_98, %sign3A_102 : i32
      %sign3A_104 = arith.extui %sign3A_103 : i1 to i32
      %sign3A_105 = arith.subi %sign3A_101, %sign3A_104 : i32
      %sign3A_106 = arith.constant 0 : i32
      %sign3A_107 = arith.cmpi sgt, %jit3A, %sign3A_106 : i32
      %sign3A_108 = arith.extui %sign3A_107 : i1 to i32
      %sign3A_109 = arith.constant 0 : i32
      %sign3A_110 = arith.cmpi slt, %jit3A, %sign3A_109 : i32
      %sign3A_111 = arith.extui %sign3A_110 : i1 to i32
      %sign3A_112 = arith.subi %sign3A_108, %sign3A_111 : i32
      %ne3A = arith.cmpi ne, %sign3A_105, %sign3A_112 : i32
      %rem3A = arith.remsi %scan3A_98, %jit3A : i32
      %ne3A_113 = arith.constant 0 : i32
      %ne3A_114 = arith.cmpi ne, %rem3A, %ne3A_113 : i32
      %and3A = arith.andi %ne3A, %ne3A_114 : i1
      %sub3A = arith.constant 1 : i32
      %sub3A_115 = arith.subi %div3A, %sub3A : i32
      %select_n3A = arith.select %and3A, %sub3A_115, %div3A : i32
      %jit3A_116 = arith.constant 8 : i32
      %eq3A = arith.constant 0 : i32
      %eq3A_117 = arith.cmpi eq, %jit3A_116, %eq3A : i32
      %jit3A_118 = arith.constant 1 : i32
      %select_n3A_119 = arith.select %eq3A_117, %jit3A_118, %jit3A_116 : i32
      %rem3A_120 = arith.remsi %scan3A_98, %select_n3A_119 : i32
      %ne3A_121 = arith.constant 0 : i32
      %ne3A_122 = arith.cmpi ne, %rem3A_120, %ne3A_121 : i32
      %lt3A = arith.constant 0 : i32
      %lt3A_123 = arith.cmpi slt, %rem3A_120, %lt3A : i32
      %lt3A_124 = arith.constant 0 : i32
      %lt3A_125 = arith.cmpi slt, %select_n3A_119, %lt3A_124 : i32
      %ne3A_126 = arith.xori %lt3A_123, %lt3A_125 : i1
      %and3A_127 = arith.andi %ne3A_126, %ne3A_122 : i1
      %add3A_128 = arith.addi %rem3A_120, %select_n3A_119 : i32
      %select_n3A_129 = arith.select %and3A_127, %add3A_128, %rem3A_120 : i32
      %mul3A_130 = arith.constant 16 : i32
      %mul3A_131 = arith.muli %select_n3A_129, %mul3A_130 : i32
      %swap3A = arith.constant 0 : i32
      %swap3A_132 = arith.index_cast %swap3A : i32 to index
      %swap3A_133 = arith.index_cast %select_n3A : i32 to index
      %swap3A_134 = arith.index_cast %mul3A_131 : i32 to index
      %swap3A_135 = tpu.vector_load %arg7[%swap3A_132, %swap3A_133, %swap3A_134] {strides = array<i32>} : memref<2x80x128xf32, #tpu.memory_space<vmem>>, vector<1x1x16xf32>,
      %swap3A_136 = vector.shape_cast %swap3A_135 : vector<1x1x16xf32> to vector<16xf32>
      %swap3A_137 = vector.shape_cast %broadcast_in_dim3A_1 : vector<16xf32> to vector<1x1x16xf32>
      tpu.vector_store %arg7[%swap3A_132, %swap3A_133, %swap3A_134], %swap3A_137 {strides = array<i32>} : memref<2x80x128xf32, #tpu.memory_space<vmem>>, vector<1x1x16xf32>,
      %scan3A_138 = arith.constant 0 : i32
      scf.yield %scan3A_138 : i32
    }
    %scan3A_7 = arith.constant 640 : i32
    %scan3A_8 = arith.constant 0 : i32
    %scan3A_9 = arith.constant 0 : i32
    %scan3A_10 = arith.constant 8 : i32
    %scan3A_11 = arith.addi %scan3A_9, %scan3A_10 : i32
    %scan3A_12 = arith.constant 1 : i32
    %scan3A_13 = scf.for %scan3A_98 = %scan3A_9 to %scan3A_11 step %scan3A_12 iter_args(%scan3A_99 = %scan3A_8) -> (i32)  : i32 {
      %mul3A_100 = arith.constant 640 : i32
      %mul3A_101 = arith.muli %arg1, %mul3A_100 : i32
      %mul3A_102 = arith.constant 80 : i32
      %mul3A_103 = arith.muli %scan3A_98, %mul3A_102 : i32
      %add3A_104 = arith.addi %mul3A_101, %mul3A_103 : i32
      %run_scoped3A_105 = arith.constant 0 : i32
      "tpu.region"() ({
        %run_scoped3A_107 = tpu.sem_alloc : memref<!tpu.dma_semaphore, #tpu.memory_space<semaphore_mem>>
        %dma_start3A_108 = arith.constant 0 : i32
        %dma_start3A_109 = arith.constant 0 : i32
        %dma_start3A_110 = tpu.memref_slice %arg7[%run_scoped3A_105, %dma_start3A_108, %dma_start3A_109] : memref<2x80x128xf32, #tpu.memory_space<vmem>> -> memref<1x80x128xf32, #tpu.memory_space<vmem>>
        %dma_start3A_111 = tpu.memref_squeeze %dma_start3A_110 : memref<1x80x128xf32, #tpu.memory_space<vmem>> -> memref<80x128xf32, #tpu.memory_space<vmem>>
        %dma_start3A_112 = arith.constant 0 : i32
        %dma_start3A_113 = tpu.memref_slice %arg8[%add3A_104, %dma_start3A_112] : memref<10240x128xf32, #tpu.memory_space<vmem_shared>> -> memref<80x128xf32, #tpu.memory_space<vmem_shared>>
        %dma_start3A_114 = arith.constant 0 : i32
        %dma_start3A_115 = tpu.memref_slice %arg8[%add3A_104, %dma_start3A_114] : memref<10240x128xf32, #tpu.memory_space<vmem_shared>> -> memref<80x128xf32, #tpu.memory_space<vmem_shared>>
        %dma_start3A_116 = arith.constant 0 : i32
        %dma_start3A_117 = arith.constant 0 : i32
        %dma_start3A_118 = tpu.memref_slice %arg7[%run_scoped3A_105, %dma_start3A_116, %dma_start3A_117] : memref<2x80x128xf32, #tpu.memory_space<vmem>> -> memref<1x80x128xf32, #tpu.memory_space<vmem>>
        %dma_start3A_119 = tpu.memref_squeeze %dma_start3A_118 : memref<1x80x128xf32, #tpu.memory_space<vmem>> -> memref<80x128xf32, #tpu.memory_space<vmem>>
        tpu.enqueue_dma source(%dma_start3A_119 : memref<80x128xf32, #tpu.memory_space<vmem>>) target(%dma_start3A_115 : memref<80x128xf32, #tpu.memory_space<vmem_shared>>) target_semaphore(%run_scoped3A_107 : memref<!tpu.dma_semaphore, #tpu.memory_space<semaphore_mem>>)
        %dma_wait3A_120 = arith.constant 0 : i32
        %dma_wait3A_121 = arith.constant 0 : i32
        %dma_wait3A_122 = tpu.memref_slice %arg7[%run_scoped3A_105, %dma_wait3A_120, %dma_wait3A_121] : memref<2x80x128xf32, #tpu.memory_space<vmem>> -> memref<1x80x128xf32, #tpu.memory_space<vmem>>
        %dma_wait3A_123 = tpu.memref_squeeze %dma_wait3A_122 : memref<1x80x128xf32, #tpu.memory_space<vmem>> -> memref<80x128xf32, #tpu.memory_space<vmem>>
        %dma_wait3A_124 = arith.constant 0 : i32
        %dma_wait3A_125 = tpu.memref_slice %arg8[%add3A_104, %dma_wait3A_124] : memref<10240x128xf32, #tpu.memory_space<vmem_shared>> -> memref<80x128xf32, #tpu.memory_space<vmem_shared>>
        %dma_wait3A_126 = arith.constant 0 : i32
        %dma_wait3A_127 = tpu.memref_slice %arg8[%add3A_104, %dma_wait3A_126] : memref<10240x128xf32, #tpu.memory_space<vmem_shared>> -> memref<80x128xf32, #tpu.memory_space<vmem_shared>>
        %dma_wait3A_128 = arith.constant 0 : i32
        %dma_wait3A_129 = arith.constant 0 : i32
        %dma_wait3A_130 = tpu.memref_slice %arg7[%run_scoped3A_105, %dma_wait3A_128, %dma_wait3A_129] : memref<2x80x128xf32, #tpu.memory_space<vmem>> -> memref<1x80x128xf32, #tpu.memory_space<vmem>>
        %dma_wait3A_131 = tpu.memref_squeeze %dma_wait3A_130 : memref<1x80x128xf32, #tpu.memory_space<vmem>> -> memref<80x128xf32, #tpu.memory_space<vmem>>
        tpu.wait_dma2 semaphore(%run_scoped3A_107 : memref<!tpu.dma_semaphore, #tpu.memory_space<semaphore_mem>>) src(%dma_wait3A_131 : memref<80x128xf32, #tpu.memory_space<vmem>>) dst(%dma_wait3A_127 : memref<80x128xf32, #tpu.memory_space<vmem_shared>>)
        tpu.yield
      }) : () -> ()
      %scan3A_106 = arith.constant 0 : i32
      scf.yield %scan3A_106 : i32
    }
    %scan3A_14 = arith.constant 8 : i32
    %barrier3A = arith.constant 0 : index
    tpu.barrier barrier_id(%barrier3A)
    %run_scoped3A = arith.constant 0 : i32
    %run_scoped3A_15 = arith.constant 0 : i32
    %run_scoped3A_16 = arith.constant 0 : i32
    "tpu.region"() ({
      %run_scoped3A_98 = tpu.sem_alloc : memref<!tpu.dma_semaphore, #tpu.memory_space<semaphore_mem>>
      %dma_start3A_99 = arith.constant 0 : i32
      %dma_start3A_100 = tpu.memref_slice %arg6[%run_scoped3A_15, %run_scoped3A_16, %dma_start3A_99] : memref<4x2x80xi32, #tpu.memory_space<vmem>> -> memref<1x1x80xi32, #tpu.memory_space<vmem>>
      %dma_start3A_101 = tpu.memref_squeeze %dma_start3A_100 : memref<1x1x80xi32, #tpu.memory_space<vmem>> -> memref<80xi32, #tpu.memory_space<vmem>>
      %dma_start3A_102 = arith.constant 0 : i32
      %dma_start3A_103 = tpu.memref_slice %arg2[%add3A, %run_scoped3A, %dma_start3A_102] : memref<32x128x80xi32, #tpu.memory_space<hbm>> -> memref<1x1x80xi32, #tpu.memory_space<hbm>>
      %dma_start3A_104 = tpu.memref_squeeze %dma_start3A_103 : memref<1x1x80xi32, #tpu.memory_space<hbm>> -> memref<80xi32, #tpu.memory_space<hbm>>
      %dma_start3A_105 = arith.constant 0 : i32
      %dma_start3A_106 = tpu.memref_slice %arg6[%run_scoped3A_15, %run_scoped3A_16, %dma_start3A_105] : memref<4x2x80xi32, #tpu.memory_space<vmem>> -> memref<1x1x80xi32, #tpu.memory_space<vmem>>
      %dma_start3A_107 = tpu.memref_squeeze %dma_start3A_106 : memref<1x1x80xi32, #tpu.memory_space<vmem>> -> memref<80xi32, #tpu.memory_space<vmem>>
      %dma_start3A_108 = arith.constant 0 : i32
      %dma_start3A_109 = tpu.memref_slice %arg2[%add3A, %run_scoped3A, %dma_start3A_108] : memref<32x128x80xi32, #tpu.memory_space<hbm>> -> memref<1x1x80xi32, #tpu.memory_space<hbm>>
      %dma_start3A_110 = tpu.memref_squeeze %dma_start3A_109 : memref<1x1x80xi32, #tpu.memory_space<hbm>> -> memref<80xi32, #tpu.memory_space<hbm>>
      tpu.enqueue_dma source(%dma_start3A_110 : memref<80xi32, #tpu.memory_space<hbm>>) target(%dma_start3A_107 : memref<80xi32, #tpu.memory_space<vmem>>) target_semaphore(%run_scoped3A_98 : memref<!tpu.dma_semaphore, #tpu.memory_space<semaphore_mem>>)
      %dma_wait3A_111 = arith.constant 0 : i32
      %dma_wait3A_112 = tpu.memref_slice %arg6[%run_scoped3A_15, %run_scoped3A_16, %dma_wait3A_111] : memref<4x2x80xi32, #tpu.memory_space<vmem>> -> memref<1x1x80xi32, #tpu.memory_space<vmem>>
      %dma_wait3A_113 = tpu.memref_squeeze %dma_wait3A_112 : memref<1x1x80xi32, #tpu.memory_space<vmem>> -> memref<80xi32, #tpu.memory_space<vmem>>
      %dma_wait3A_114 = arith.constant 0 : i32
      %dma_wait3A_115 = tpu.memref_slice %arg2[%add3A, %run_scoped3A, %dma_wait3A_114] : memref<32x128x80xi32, #tpu.memory_space<hbm>> -> memref<1x1x80xi32, #tpu.memory_space<hbm>>
      %dma_wait3A_116 = tpu.memref_squeeze %dma_wait3A_115 : memref<1x1x80xi32, #tpu.memory_space<hbm>> -> memref<80xi32, #tpu.memory_space<hbm>>
      %dma_wait3A_117 = arith.constant 0 : i32
      %dma_wait3A_118 = tpu.memref_slice %arg6[%run_scoped3A_15, %run_scoped3A_16, %dma_wait3A_117] : memref<4x2x80xi32, #tpu.memory_space<vmem>> -> memref<1x1x80xi32, #tpu.memory_space<vmem>>
      %dma_wait3A_119 = tpu.memref_squeeze %dma_wait3A_118 : memref<1x1x80xi32, #tpu.memory_space<vmem>> -> memref<80xi32, #tpu.memory_space<vmem>>
      %dma_wait3A_120 = arith.constant 0 : i32
      %dma_wait3A_121 = tpu.memref_slice %arg2[%add3A, %run_scoped3A, %dma_wait3A_120] : memref<32x128x80xi32, #tpu.memory_space<hbm>> -> memref<1x1x80xi32, #tpu.memory_space<hbm>>
      %dma_wait3A_122 = tpu.memref_squeeze %dma_wait3A_121 : memref<1x1x80xi32, #tpu.memory_space<hbm>> -> memref<80xi32, #tpu.memory_space<hbm>>
      tpu.wait_dma2 semaphore(%run_scoped3A_98 : memref<!tpu.dma_semaphore, #tpu.memory_space<semaphore_mem>>) src(%dma_wait3A_122 : memref<80xi32, #tpu.memory_space<hbm>>) dst(%dma_wait3A_119 : memref<80xi32, #tpu.memory_space<vmem>>)
      tpu.yield
    }) : () -> ()
    %run_scoped3A_17 = arith.constant 0 : i32
    %run_scoped3A_18 = arith.constant 0 : i32
    %run_scoped3A_19 = arith.constant 1 : i32
    "tpu.region"() ({
      %run_scoped3A_98 = tpu.sem_alloc : memref<!tpu.dma_semaphore, #tpu.memory_space<semaphore_mem>>
      %dma_start3A_99 = arith.constant 0 : i32
      %dma_start3A_100 = tpu.memref_slice %arg6[%run_scoped3A_18, %run_scoped3A_19, %dma_start3A_99] : memref<4x2x80xi32, #tpu.memory_space<vmem>> -> memref<1x1x80xi32, #tpu.memory_space<vmem>>
      %dma_start3A_101 = tpu.memref_squeeze %dma_start3A_100 : memref<1x1x80xi32, #tpu.memory_space<vmem>> -> memref<80xi32, #tpu.memory_space<vmem>>
      %dma_start3A_102 = arith.constant 0 : i32
      %dma_start3A_103 = tpu.memref_slice %arg3[%add3A, %run_scoped3A_17, %dma_start3A_102] : memref<32x128x80xi32, #tpu.memory_space<hbm>> -> memref<1x1x80xi32, #tpu.memory_space<hbm>>
      %dma_start3A_104 = tpu.memref_squeeze %dma_start3A_103 : memref<1x1x80xi32, #tpu.memory_space<hbm>> -> memref<80xi32, #tpu.memory_space<hbm>>
      %dma_start3A_105 = arith.constant 0 : i32
      %dma_start3A_106 = tpu.memref_slice %arg6[%run_scoped3A_18, %run_scoped3A_19, %dma_start3A_105] : memref<4x2x80xi32, #tpu.memory_space<vmem>> -> memref<1x1x80xi32, #tpu.memory_space<vmem>>
      %dma_start3A_107 = tpu.memref_squeeze %dma_start3A_106 : memref<1x1x80xi32, #tpu.memory_space<vmem>> -> memref<80xi32, #tpu.memory_space<vmem>>
      %dma_start3A_108 = arith.constant 0 : i32
      %dma_start3A_109 = tpu.memref_slice %arg3[%add3A, %run_scoped3A_17, %dma_start3A_108] : memref<32x128x80xi32, #tpu.memory_space<hbm>> -> memref<1x1x80xi32, #tpu.memory_space<hbm>>
      %dma_start3A_110 = tpu.memref_squeeze %dma_start3A_109 : memref<1x1x80xi32, #tpu.memory_space<hbm>> -> memref<80xi32, #tpu.memory_space<hbm>>
      tpu.enqueue_dma source(%dma_start3A_110 : memref<80xi32, #tpu.memory_space<hbm>>) target(%dma_start3A_107 : memref<80xi32, #tpu.memory_space<vmem>>) target_semaphore(%run_scoped3A_98 : memref<!tpu.dma_semaphore, #tpu.memory_space<semaphore_mem>>)
      %dma_wait3A_111 = arith.constant 0 : i32
      %dma_wait3A_112 = tpu.memref_slice %arg6[%run_scoped3A_18, %run_scoped3A_19, %dma_wait3A_111] : memref<4x2x80xi32, #tpu.memory_space<vmem>> -> memref<1x1x80xi32, #tpu.memory_space<vmem>>
      %dma_wait3A_113 = tpu.memref_squeeze %dma_wait3A_112 : memref<1x1x80xi32, #tpu.memory_space<vmem>> -> memref<80xi32, #tpu.memory_space<vmem>>
      %dma_wait3A_114 = arith.constant 0 : i32
      %dma_wait3A_115 = tpu.memref_slice %arg3[%add3A, %run_scoped3A_17, %dma_wait3A_114] : memref<32x128x80xi32, #tpu.memory_space<hbm>> -> memref<1x1x80xi32, #tpu.memory_space<hbm>>
      %dma_wait3A_116 = tpu.memref_squeeze %dma_wait3A_115 : memref<1x1x80xi32, #tpu.memory_space<hbm>> -> memref<80xi32, #tpu.memory_space<hbm>>
      %dma_wait3A_117 = arith.constant 0 : i32
      %dma_wait3A_118 = tpu.memref_slice %arg6[%run_scoped3A_18, %run_scoped3A_19, %dma_wait3A_117] : memref<4x2x80xi32, #tpu.memory_space<vmem>> -> memref<1x1x80xi32, #tpu.memory_space<vmem>>
      %dma_wait3A_119 = tpu.memref_squeeze %dma_wait3A_118 : memref<1x1x80xi32, #tpu.memory_space<vmem>> -> memref<80xi32, #tpu.memory_space<vmem>>
      %dma_wait3A_120 = arith.constant 0 : i32
      %dma_wait3A_121 = tpu.memref_slice %arg3[%add3A, %run_scoped3A_17, %dma_wait3A_120] : memref<32x128x80xi32, #tpu.memory_space<hbm>> -> memref<1x1x80xi32, #tpu.memory_space<hbm>>
      %dma_wait3A_122 = tpu.memref_squeeze %dma_wait3A_121 : memref<1x1x80xi32, #tpu.memory_space<hbm>> -> memref<80xi32, #tpu.memory_space<hbm>>
      tpu.wait_dma2 semaphore(%run_scoped3A_98 : memref<!tpu.dma_semaphore, #tpu.memory_space<semaphore_mem>>) src(%dma_wait3A_122 : memref<80xi32, #tpu.memory_space<hbm>>) dst(%dma_wait3A_119 : memref<80xi32, #tpu.memory_space<vmem>>)
      tpu.yield
    }) : () -> ()
    %dma_start3A = arith.constant 1 : i32
    %dma_start3A_20 = arith.constant 1 : i32
    %dma_start3A_21 = arith.constant 0 : i32
    %dma_start3A_22 = arith.constant 1 : i32
    %dma_start3A_23 = arith.constant 0 : i32
    %dma_start3A_24 = tpu.memref_slice %arg6[%dma_start3A_20, %dma_start3A_21, %dma_start3A_23] : memref<4x2x80xi32, #tpu.memory_space<vmem>> -> memref<1x1x80xi32, #tpu.memory_space<vmem>>
    %dma_start3A_25 = tpu.memref_squeeze %dma_start3A_24 : memref<1x1x80xi32, #tpu.memory_space<vmem>> -> memref<80xi32, #tpu.memory_space<vmem>>
    %dma_start3A_26 = arith.constant 0 : i32
    %dma_start3A_27 = tpu.memref_slice %arg2[%add3A, %dma_start3A, %dma_start3A_26] : memref<32x128x80xi32, #tpu.memory_space<hbm>> -> memref<1x1x80xi32, #tpu.memory_space<hbm>>
    %dma_start3A_28 = tpu.memref_squeeze %dma_start3A_27 : memref<1x1x80xi32, #tpu.memory_space<hbm>> -> memref<80xi32, #tpu.memory_space<hbm>>
    %dma_start3A_29 = tpu.memref_slice %arg11[%dma_start3A_22] : memref<4x!tpu.dma_semaphore, #tpu.memory_space<semaphore_mem>> -> memref<1x!tpu.dma_semaphore, #tpu.memory_space<semaphore_mem>>
    %dma_start3A_30 = tpu.memref_squeeze %dma_start3A_29 : memref<1x!tpu.dma_semaphore, #tpu.memory_space<semaphore_mem>> -> memref<!tpu.dma_semaphore, #tpu.memory_space<semaphore_mem>>
    %dma_start3A_31 = arith.constant 0 : i32
    %dma_start3A_32 = tpu.memref_slice %arg6[%dma_start3A_20, %dma_start3A_21, %dma_start3A_31] : memref<4x2x80xi32, #tpu.memory_space<vmem>> -> memref<1x1x80xi32, #tpu.memory_space<vmem>>
    %dma_start3A_33 = tpu.memref_squeeze %dma_start3A_32 : memref<1x1x80xi32, #tpu.memory_space<vmem>> -> memref<80xi32, #tpu.memory_space<vmem>>
    %dma_start3A_34 = arith.constant 0 : i32
    %dma_start3A_35 = tpu.memref_slice %arg2[%add3A, %dma_start3A, %dma_start3A_34] : memref<32x128x80xi32, #tpu.memory_space<hbm>> -> memref<1x1x80xi32, #tpu.memory_space<hbm>>
    %dma_start3A_36 = tpu.memref_squeeze %dma_start3A_35 : memref<1x1x80xi32, #tpu.memory_space<hbm>> -> memref<80xi32, #tpu.memory_space<hbm>>
    tpu.enqueue_dma source(%dma_start3A_36 : memref<80xi32, #tpu.memory_space<hbm>>) target(%dma_start3A_33 : memref<80xi32, #tpu.memory_space<vmem>>) target_semaphore(%dma_start3A_30 : memref<!tpu.dma_semaphore, #tpu.memory_space<semaphore_mem>>)
    %dma_start3A_37 = arith.constant 1 : i32
    %dma_start3A_38 = arith.constant 1 : i32
    %dma_start3A_39 = arith.constant 1 : i32
    %dma_start3A_40 = arith.constant 1 : i32
    %dma_start3A_41 = arith.constant 0 : i32
    %dma_start3A_42 = tpu.memref_slice %arg6[%dma_start3A_38, %dma_start3A_39, %dma_start3A_41] : memref<4x2x80xi32, #tpu.memory_space<vmem>> -> memref<1x1x80xi32, #tpu.memory_space<vmem>>
    %dma_start3A_43 = tpu.memref_squeeze %dma_start3A_42 : memref<1x1x80xi32, #tpu.memory_space<vmem>> -> memref<80xi32, #tpu.memory_space<vmem>>
    %dma_start3A_44 = arith.constant 0 : i32
    %dma_start3A_45 = tpu.memref_slice %arg3[%add3A, %dma_start3A_37, %dma_start3A_44] : memref<32x128x80xi32, #tpu.memory_space<hbm>> -> memref<1x1x80xi32, #tpu.memory_space<hbm>>
    %dma_start3A_46 = tpu.memref_squeeze %dma_start3A_45 : memref<1x1x80xi32, #tpu.memory_space<hbm>> -> memref<80xi32, #tpu.memory_space<hbm>>
    %dma_start3A_47 = tpu.memref_slice %arg11[%dma_start3A_40] : memref<4x!tpu.dma_semaphore, #tpu.memory_space<semaphore_mem>> -> memref<1x!tpu.dma_semaphore, #tpu.memory_space<semaphore_mem>>
    %dma_start3A_48 = tpu.memref_squeeze %dma_start3A_47 : memref<1x!tpu.dma_semaphore, #tpu.memory_space<semaphore_mem>> -> memref<!tpu.dma_semaphore, #tpu.memory_space<semaphore_mem>>
    %dma_start3A_49 = arith.constant 0 : i32
    %dma_start3A_50 = tpu.memref_slice %arg6[%dma_start3A_38, %dma_start3A_39, %dma_start3A_49] : memref<4x2x80xi32, #tpu.memory_space<vmem>> -> memref<1x1x80xi32, #tpu.memory_space<vmem>>
    %dma_start3A_51 = tpu.memref_squeeze %dma_start3A_50 : memref<1x1x80xi32, #tpu.memory_space<vmem>> -> memref<80xi32, #tpu.memory_space<vmem>>
    %dma_start3A_52 = arith.constant 0 : i32
    %dma_start3A_53 = tpu.memref_slice %arg3[%add3A, %dma_start3A_37, %dma_start3A_52] : memref<32x128x80xi32, #tpu.memory_space<hbm>> -> memref<1x1x80xi32, #tpu.memory_space<hbm>>
    %dma_start3A_54 = tpu.memref_squeeze %dma_start3A_53 : memref<1x1x80xi32, #tpu.memory_space<hbm>> -> memref<80xi32, #tpu.memory_space<hbm>>
    tpu.enqueue_dma source(%dma_start3A_54 : memref<80xi32, #tpu.memory_space<hbm>>) target(%dma_start3A_51 : memref<80xi32, #tpu.memory_space<vmem>>) target_semaphore(%dma_start3A_48 : memref<!tpu.dma_semaphore, #tpu.memory_space<semaphore_mem>>)
    %dma_start3A_55 = arith.constant 0 : i32
    %dma_start3A_56 = arith.constant 0 : i32
    %dma_start3A_57 = arith.constant 0 : i32
    %dma_start3A_58 = arith.constant 0 : i32
    %dma_start3A_59 = arith.constant 0 : i32
    %dma_start3A_60 = arith.constant 0 : i32
    %dma_start3A_61 = tpu.memref_slice %arg7[%dma_start3A_57, %dma_start3A_59, %dma_start3A_60] : memref<2x80x128xf32, #tpu.memory_space<vmem>> -> memref<1x80x128xf32, #tpu.memory_space<vmem>>
    %dma_start3A_62 = tpu.memref_squeeze %dma_start3A_61 : memref<1x80x128xf32, #tpu.memory_space<vmem>> -> memref<80x128xf32, #tpu.memory_space<vmem>>
    %dma_start3A_63 = arith.constant 0 : i32
    %dma_start3A_64 = tpu.memref_slice %arg6[%dma_start3A_55, %dma_start3A_56, %dma_start3A_63] : memref<4x2x80xi32, #tpu.memory_space<vmem>> -> memref<1x1x80xi32, #tpu.memory_space<vmem>>
    %dma_start3A_65 = tpu.memref_squeeze %dma_start3A_64 : memref<1x1x80xi32, #tpu.memory_space<vmem>> -> memref<80xi32, #tpu.memory_space<vmem>>
    %dma_start3A_66 = arith.constant 0 : i32
    %dma_start3A_67 = arith.constant 0 : i32
    %dma_start3A_68 = tpu.memref_slice %arg4[%dma_start3A_66, %dma_start3A_67] : memref<10240x128xf32, #tpu.memory_space<hbm>> -> memref<10240x128xf32, #tpu.memory_space<hbm>>
    %dma_start3A_69 = tpu.memref_slice %arg9[%dma_start3A_58] : memref<2x!tpu.dma_semaphore, #tpu.memory_space<semaphore_mem>> -> memref<1x!tpu.dma_semaphore, #tpu.memory_space<semaphore_mem>>
    %dma_start3A_70 = tpu.memref_squeeze %dma_start3A_69 : memref<1x!tpu.dma_semaphore, #tpu.memory_space<semaphore_mem>> -> memref<!tpu.dma_semaphore, #tpu.memory_space<semaphore_mem>>
    tpu.enqueue_indirect_dma source(%dma_start3A_68 : memref<10240x128xf32, #tpu.memory_space<hbm>>) target(%dma_start3A_62 : memref<80x128xf32, #tpu.memory_space<vmem>>) offsets(%dma_start3A_65 : memref<80xi32, #tpu.memory_space<vmem>>) semaphore(%dma_start3A_70 : memref<!tpu.dma_semaphore, #tpu.memory_space<semaphore_mem>>)
    %scan3A_71 = arith.constant 0 : i32
    %scan3A_72 = arith.constant 0 : i32
    %scan3A_73 = arith.constant 32 : i32
    %scan3A_74 = arith.addi %scan3A_72, %scan3A_73 : i32
    %scan3A_75 = arith.constant 1 : i32
    %scan3A_76 = scf.for %scan3A_98 = %scan3A_72 to %scan3A_74 step %scan3A_75 iter_args(%scan3A_99 = %scan3A_71) -> (i32)  : i32 {
      %mul3A_100 = arith.constant 4 : i32
      %mul3A_101 = arith.muli %mul3A_100, %scan3A_98 : i32
      %add3A_102 = arith.constant 0 : i32
      %add3A_103 = arith.addi %mul3A_101, %add3A_102 : i32
      %add3A_104 = arith.constant 2 : i32
      %add3A_105 = arith.addi %add3A_103, %add3A_104 : i32
      %dma_start3A_106 = arith.constant 2 : i32
      %dma_start3A_107 = arith.constant 0 : i32
      %dma_start3A_108 = arith.constant 2 : i32
      %dma_start3A_109 = arith.constant 0 : i32
      %dma_start3A_110 = tpu.memref_slice %arg6[%dma_start3A_106, %dma_start3A_107, %dma_start3A_109] : memref<4x2x80xi32, #tpu.memory_space<vmem>> -> memref<1x1x80xi32, #tpu.memory_space<vmem>>
      %dma_start3A_111 = tpu.memref_squeeze %dma_start3A_110 : memref<1x1x80xi32, #tpu.memory_space<vmem>> -> memref<80xi32, #tpu.memory_space<vmem>>
      %dma_start3A_112 = arith.constant 0 : i32
      %dma_start3A_113 = tpu.memref_slice %arg2[%add3A, %add3A_105, %dma_start3A_112] : memref<32x128x80xi32, #tpu.memory_space<hbm>> -> memref<1x1x80xi32, #tpu.memory_space<hbm>>
      %dma_start3A_114 = tpu.memref_squeeze %dma_start3A_113 : memref<1x1x80xi32, #tpu.memory_space<hbm>> -> memref<80xi32, #tpu.memory_space<hbm>>
      %dma_start3A_115 = tpu.memref_slice %arg11[%dma_start3A_108] : memref<4x!tpu.dma_semaphore, #tpu.memory_space<semaphore_mem>> -> memref<1x!tpu.dma_semaphore, #tpu.memory_space<semaphore_mem>>
      %dma_start3A_116 = tpu.memref_squeeze %dma_start3A_115 : memref<1x!tpu.dma_semaphore, #tpu.memory_space<semaphore_mem>> -> memref<!tpu.dma_semaphore, #tpu.memory_space<semaphore_mem>>
      %dma_start3A_117 = arith.constant 0 : i32
      %dma_start3A_118 = tpu.memref_slice %arg6[%dma_start3A_106, %dma_start3A_107, %dma_start3A_117] : memref<4x2x80xi32, #tpu.memory_space<vmem>> -> memref<1x1x80xi32, #tpu.memory_space<vmem>>
      %dma_start3A_119 = tpu.memref_squeeze %dma_start3A_118 : memref<1x1x80xi32, #tpu.memory_space<vmem>> -> memref<80xi32, #tpu.memory_space<vmem>>
      %dma_start3A_120 = arith.constant 0 : i32
      %dma_start3A_121 = tpu.memref_slice %arg2[%add3A, %add3A_105, %dma_start3A_120] : memref<32x128x80xi32, #tpu.memory_space<hbm>> -> memref<1x1x80xi32, #tpu.memory_space<hbm>>
      %dma_start3A_122 = tpu.memref_squeeze %dma_start3A_121 : memref<1x1x80xi32, #tpu.memory_space<hbm>> -> memref<80xi32, #tpu.memory_space<hbm>>
      tpu.enqueue_dma source(%dma_start3A_122 : memref<80xi32, #tpu.memory_space<hbm>>) target(%dma_start3A_119 : memref<80xi32, #tpu.memory_space<vmem>>) target_semaphore(%dma_start3A_116 : memref<!tpu.dma_semaphore, #tpu.memory_space<semaphore_mem>>)
      %dma_start3A_123 = arith.constant 2 : i32
      %dma_start3A_124 = arith.constant 1 : i32
      %dma_start3A_125 = arith.constant 2 : i32
      %dma_start3A_126 = arith.constant 0 : i32
      %dma_start3A_127 = tpu.memref_slice %arg6[%dma_start3A_123, %dma_start3A_124, %dma_start3A_126] : memref<4x2x80xi32, #tpu.memory_space<vmem>> -> memref<1x1x80xi32, #tpu.memory_space<vmem>>
      %dma_start3A_128 = tpu.memref_squeeze %dma_start3A_127 : memref<1x1x80xi32, #tpu.memory_space<vmem>> -> memref<80xi32, #tpu.memory_space<vmem>>
      %dma_start3A_129 = arith.constant 0 : i32
      %dma_start3A_130 = tpu.memref_slice %arg3[%add3A, %add3A_105, %dma_start3A_129] : memref<32x128x80xi32, #tpu.memory_space<hbm>> -> memref<1x1x80xi32, #tpu.memory_space<hbm>>
      %dma_start3A_131 = tpu.memref_squeeze %dma_start3A_130 : memref<1x1x80xi32, #tpu.memory_space<hbm>> -> memref<80xi32, #tpu.memory_space<hbm>>
      %dma_start3A_132 = tpu.memref_slice %arg11[%dma_start3A_125] : memref<4x!tpu.dma_semaphore, #tpu.memory_space<semaphore_mem>> -> memref<1x!tpu.dma_semaphore, #tpu.memory_space<semaphore_mem>>
      %dma_start3A_133 = tpu.memref_squeeze %dma_start3A_132 : memref<1x!tpu.dma_semaphore, #tpu.memory_space<semaphore_mem>> -> memref<!tpu.dma_semaphore, #tpu.memory_space<semaphore_mem>>
      %dma_start3A_134 = arith.constant 0 : i32
      %dma_start3A_135 = tpu.memref_slice %arg6[%dma_start3A_123, %dma_start3A_124, %dma_start3A_134] : memref<4x2x80xi32, #tpu.memory_space<vmem>> -> memref<1x1x80xi32, #tpu.memory_space<vmem>>
      %dma_start3A_136 = tpu.memref_squeeze %dma_start3A_135 : memref<1x1x80xi32, #tpu.memory_space<vmem>> -> memref<80xi32, #tpu.memory_space<vmem>>
      %dma_start3A_137 = arith.constant 0 : i32
      %dma_start3A_138 = tpu.memref_slice %arg3[%add3A, %add3A_105, %dma_start3A_137] : memref<32x128x80xi32, #tpu.memory_space<hbm>> -> memref<1x1x80xi32, #tpu.memory_space<hbm>>
      %dma_start3A_139 = tpu.memref_squeeze %dma_start3A_138 : memref<1x1x80xi32, #tpu.memory_space<hbm>> -> memref<80xi32, #tpu.memory_space<hbm>>
      tpu.enqueue_dma source(%dma_start3A_139 : memref<80xi32, #tpu.memory_space<hbm>>) target(%dma_start3A_136 : memref<80xi32, #tpu.memory_space<vmem>>) target_semaphore(%dma_start3A_133 : memref<!tpu.dma_semaphore, #tpu.memory_space<semaphore_mem>>)
      %eq3A = arith.constant 0 : i32
      %eq3A_140 = arith.cmpi eq, %scan3A_98, %eq3A : i32
      %convert_element_type3A = arith.extui %eq3A_140 : i1 to i32
      %cond3A = arith.constant 0 : i32
      %cond3A_141 = arith.cmpi ne, %convert_element_type3A, %cond3A : i32
      scf.if %cond3A_141 {
        %add3A_446 = arith.constant 1 : i32
        %add3A_447 = arith.addi %add3A_103, %add3A_446 : i32
        %dma_wait3A_448 = arith.constant 1 : i32
        %dma_wait3A_449 = arith.constant 0 : i32
        %dma_wait3A_450 = arith.constant 1 : i32
        %dma_wait3A_451 = arith.constant 0 : i32
        %dma_wait3A_452 = tpu.memref_slice %arg6[%dma_wait3A_448, %dma_wait3A_449, %dma_wait3A_451] : memref<4x2x80xi32, #tpu.memory_space<vmem>> -> memref<1x1x80xi32, #tpu.memory_space<vmem>>
        %dma_wait3A_453 = tpu.memref_squeeze %dma_wait3A_452 : memref<1x1x80xi32, #tpu.memory_space<vmem>> -> memref<80xi32, #tpu.memory_space<vmem>>
        %dma_wait3A_454 = arith.constant 0 : i32
        %dma_wait3A_455 = tpu.memref_slice %arg2[%add3A, %add3A_447, %dma_wait3A_454] : memref<32x128x80xi32, #tpu.memory_space<hbm>> -> memref<1x1x80xi32, #tpu.memory_space<hbm>>
        %dma_wait3A_456 = tpu.memref_squeeze %dma_wait3A_455 : memref<1x1x80xi32, #tpu.memory_space<hbm>> -> memref<80xi32, #tpu.memory_space<hbm>>
        %dma_wait3A_457 = tpu.memref_slice %arg11[%dma_wait3A_450] : memref<4x!tpu.dma_semaphore, #tpu.memory_space<semaphore_mem>> -> memref<1x!tpu.dma_semaphore, #tpu.memory_space<semaphore_mem>>
        %dma_wait3A_458 = tpu.memref_squeeze %dma_wait3A_457 : memref<1x!tpu.dma_semaphore, #tpu.memory_space<semaphore_mem>> -> memref<!tpu.dma_semaphore, #tpu.memory_space<semaphore_mem>>
        %dma_wait3A_459 = arith.constant 0 : i32
        %dma_wait3A_460 = tpu.memref_slice %arg6[%dma_wait3A_448, %dma_wait3A_449, %dma_wait3A_459] : memref<4x2x80xi32, #tpu.memory_space<vmem>> -> memref<1x1x80xi32, #tpu.memory_space<vmem>>
        %dma_wait3A_461 = tpu.memref_squeeze %dma_wait3A_460 : memref<1x1x80xi32, #tpu.memory_space<vmem>> -> memref<80xi32, #tpu.memory_space<vmem>>
        %dma_wait3A_462 = arith.constant 0 : i32
        %dma_wait3A_463 = tpu.memref_slice %arg2[%add3A, %add3A_447, %dma_wait3A_462] : memref<32x128x80xi32, #tpu.memory_space<hbm>> -> memref<1x1x80xi32, #tpu.memory_space<hbm>>
        %dma_wait3A_464 = tpu.memref_squeeze %dma_wait3A_463 : memref<1x1x80xi32, #tpu.memory_space<hbm>> -> memref<80xi32, #tpu.memory_space<hbm>>
        tpu.wait_dma2 semaphore(%dma_wait3A_458 : memref<!tpu.dma_semaphore, #tpu.memory_space<semaphore_mem>>) src(%dma_wait3A_464 : memref<80xi32, #tpu.memory_space<hbm>>) dst(%dma_wait3A_461 : memref<80xi32, #tpu.memory_space<vmem>>)
        %dma_wait3A_465 = arith.constant 1 : i32
        %dma_wait3A_466 = arith.constant 1 : i32
        %dma_wait3A_467 = arith.constant 1 : i32
        %dma_wait3A_468 = arith.constant 0 : i32
        %dma_wait3A_469 = tpu.memref_slice %arg6[%dma_wait3A_465, %dma_wait3A_466, %dma_wait3A_468] : memref<4x2x80xi32, #tpu.memory_space<vmem>> -> memref<1x1x80xi32, #tpu.memory_space<vmem>>
        %dma_wait3A_470 = tpu.memref_squeeze %dma_wait3A_469 : memref<1x1x80xi32, #tpu.memory_space<vmem>> -> memref<80xi32, #tpu.memory_space<vmem>>
        %dma_wait3A_471 = arith.constant 0 : i32
        %dma_wait3A_472 = tpu.memref_slice %arg3[%add3A, %add3A_447, %dma_wait3A_471] : memref<32x128x80xi32, #tpu.memory_space<hbm>> -> memref<1x1x80xi32, #tpu.memory_space<hbm>>
        %dma_wait3A_473 = tpu.memref_squeeze %dma_wait3A_472 : memref<1x1x80xi32, #tpu.memory_space<hbm>> -> memref<80xi32, #tpu.memory_space<hbm>>
        %dma_wait3A_474 = tpu.memref_slice %arg11[%dma_wait3A_467] : memref<4x!tpu.dma_semaphore, #tpu.memory_space<semaphore_mem>> -> memref<1x!tpu.dma_semaphore, #tpu.memory_space<semaphore_mem>>
        %dma_wait3A_475 = tpu.memref_squeeze %dma_wait3A_474 : memref<1x!tpu.dma_semaphore, #tpu.memory_space<semaphore_mem>> -> memref<!tpu.dma_semaphore, #tpu.memory_space<semaphore_mem>>
        %dma_wait3A_476 = arith.constant 0 : i32
        %dma_wait3A_477 = tpu.memref_slice %arg6[%dma_wait3A_465, %dma_wait3A_466, %dma_wait3A_476] : memref<4x2x80xi32, #tpu.memory_space<vmem>> -> memref<1x1x80xi32, #tpu.memory_space<vmem>>
        %dma_wait3A_478 = tpu.memref_squeeze %dma_wait3A_477 : memref<1x1x80xi32, #tpu.memory_space<vmem>> -> memref<80xi32, #tpu.memory_space<vmem>>
        %dma_wait3A_479 = arith.constant 0 : i32
        %dma_wait3A_480 = tpu.memref_slice %arg3[%add3A, %add3A_447, %dma_wait3A_479] : memref<32x128x80xi32, #tpu.memory_space<hbm>> -> memref<1x1x80xi32, #tpu.memory_space<hbm>>
        %dma_wait3A_481 = tpu.memref_squeeze %dma_wait3A_480 : memref<1x1x80xi32, #tpu.memory_space<hbm>> -> memref<80xi32, #tpu.memory_space<hbm>>
        tpu.wait_dma2 semaphore(%dma_wait3A_475 : memref<!tpu.dma_semaphore, #tpu.memory_space<semaphore_mem>>) src(%dma_wait3A_481 : memref<80xi32, #tpu.memory_space<hbm>>) dst(%dma_wait3A_478 : memref<80xi32, #tpu.memory_space<vmem>>)
        %dma_wait3A_482 = arith.constant 0 : i32
        %dma_wait3A_483 = arith.constant 0 : i32
        %dma_wait3A_484 = arith.constant 0 : i32
        %dma_wait3A_485 = arith.constant 0 : i32
        %dma_wait3A_486 = arith.constant 0 : i32
        %dma_wait3A_487 = arith.constant 0 : i32
        %dma_wait3A_488 = tpu.memref_slice %arg7[%dma_wait3A_484, %dma_wait3A_486, %dma_wait3A_487] : memref<2x80x128xf32, #tpu.memory_space<vmem>> -> memref<1x80x128xf32, #tpu.memory_space<vmem>>
        %dma_wait3A_489 = tpu.memref_squeeze %dma_wait3A_488 : memref<1x80x128xf32, #tpu.memory_space<vmem>> -> memref<80x128xf32, #tpu.memory_space<vmem>>
        %dma_wait3A_490 = arith.constant 0 : i32
        %dma_wait3A_491 = tpu.memref_slice %arg6[%dma_wait3A_482, %dma_wait3A_483, %dma_wait3A_490] : memref<4x2x80xi32, #tpu.memory_space<vmem>> -> memref<1x1x80xi32, #tpu.memory_space<vmem>>
        %dma_wait3A_492 = tpu.memref_squeeze %dma_wait3A_491 : memref<1x1x80xi32, #tpu.memory_space<vmem>> -> memref<80xi32, #tpu.memory_space<vmem>>
        %dma_wait3A_493 = arith.constant 0 : i32
        %dma_wait3A_494 = arith.constant 0 : i32
        %dma_wait3A_495 = tpu.memref_slice %arg4[%dma_wait3A_493, %dma_wait3A_494] : memref<10240x128xf32, #tpu.memory_space<hbm>> -> memref<10240x128xf32, #tpu.memory_space<hbm>>
        %dma_wait3A_496 = tpu.memref_slice %arg9[%dma_wait3A_485] : memref<2x!tpu.dma_semaphore, #tpu.memory_space<semaphore_mem>> -> memref<1x!tpu.dma_semaphore, #tpu.memory_space<semaphore_mem>>
        %dma_wait3A_497 = tpu.memref_squeeze %dma_wait3A_496 : memref<1x!tpu.dma_semaphore, #tpu.memory_space<semaphore_mem>> -> memref<!tpu.dma_semaphore, #tpu.memory_space<semaphore_mem>>
        tpu.wait_indirect_dma semaphore(%dma_wait3A_497 : memref<!tpu.dma_semaphore, #tpu.memory_space<semaphore_mem>>) src(%dma_wait3A_495 : memref<10240x128xf32, #tpu.memory_space<hbm>>) dst(%dma_wait3A_489 : memref<80x128xf32, #tpu.memory_space<vmem>>)
        %dma_start3A_498 = arith.constant 1 : i32
        %dma_start3A_499 = arith.constant 0 : i32
        %dma_start3A_500 = arith.constant 1 : i32
        %dma_start3A_501 = arith.constant 1 : i32
        %dma_start3A_502 = arith.constant 0 : i32
        %dma_start3A_503 = arith.constant 0 : i32
        %dma_start3A_504 = tpu.memref_slice %arg7[%dma_start3A_500, %dma_start3A_502, %dma_start3A_503] : memref<2x80x128xf32, #tpu.memory_space<vmem>> -> memref<1x80x128xf32, #tpu.memory_space<vmem>>
        %dma_start3A_505 = tpu.memref_squeeze %dma_start3A_504 : memref<1x80x128xf32, #tpu.memory_space<vmem>> -> memref<80x128xf32, #tpu.memory_space<vmem>>
        %dma_start3A_506 = arith.constant 0 : i32
        %dma_start3A_507 = tpu.memref_slice %arg6[%dma_start3A_498, %dma_start3A_499, %dma_start3A_506] : memref<4x2x80xi32, #tpu.memory_space<vmem>> -> memref<1x1x80xi32, #tpu.memory_space<vmem>>
        %dma_start3A_508 = tpu.memref_squeeze %dma_start3A_507 : memref<1x1x80xi32, #tpu.memory_space<vmem>> -> memref<80xi32, #tpu.memory_space<vmem>>
        %dma_start3A_509 = arith.constant 0 : i32
        %dma_start3A_510 = arith.constant 0 : i32
        %dma_start3A_511 = tpu.memref_slice %arg4[%dma_start3A_509, %dma_start3A_510] : memref<10240x128xf32, #tpu.memory_space<hbm>> -> memref<10240x128xf32, #tpu.memory_space<hbm>>
        %dma_start3A_512 = tpu.memref_slice %arg9[%dma_start3A_501] : memref<2x!tpu.dma_semaphore, #tpu.memory_space<semaphore_mem>> -> memref<1x!tpu.dma_semaphore, #tpu.memory_space<semaphore_mem>>
        %dma_start3A_513 = tpu.memref_squeeze %dma_start3A_512 : memref<1x!tpu.dma_semaphore, #tpu.memory_space<semaphore_mem>> -> memref<!tpu.dma_semaphore, #tpu.memory_space<semaphore_mem>>
        tpu.enqueue_indirect_dma source(%dma_start3A_511 : memref<10240x128xf32, #tpu.memory_space<hbm>>) target(%dma_start3A_505 : memref<80x128xf32, #tpu.memory_space<vmem>>) offsets(%dma_start3A_508 : memref<80xi32, #tpu.memory_space<vmem>>) semaphore(%dma_start3A_513 : memref<!tpu.dma_semaphore, #tpu.memory_space<semaphore_mem>>)
      } else {
      }
      %gt3A = arith.constant 0 : i32
      %gt3A_142 = arith.cmpi sgt, %scan3A_98, %gt3A : i32
      %convert_element_type3A_143 = arith.extui %gt3A_142 : i1 to i32
      %cond3A_144 = arith.constant 0 : i32
      %cond3A_145 = arith.cmpi ne, %convert_element_type3A_143, %cond3A_144 : i32
      scf.if %cond3A_145 {
        %add3A_446 = arith.constant 1 : i32
        %add3A_447 = arith.addi %add3A_103, %add3A_446 : i32
        %dma_wait3A_448 = arith.constant 1 : i32
        %dma_wait3A_449 = arith.constant 0 : i32
        %dma_wait3A_450 = arith.constant 1 : i32
        %dma_wait3A_451 = arith.constant 0 : i32
        %dma_wait3A_452 = tpu.memref_slice %arg6[%dma_wait3A_448, %dma_wait3A_449, %dma_wait3A_451] : memref<4x2x80xi32, #tpu.memory_space<vmem>> -> memref<1x1x80xi32, #tpu.memory_space<vmem>>
        %dma_wait3A_453 = tpu.memref_squeeze %dma_wait3A_452 : memref<1x1x80xi32, #tpu.memory_space<vmem>> -> memref<80xi32, #tpu.memory_space<vmem>>
        %dma_wait3A_454 = arith.constant 0 : i32
        %dma_wait3A_455 = tpu.memref_slice %arg2[%add3A, %add3A_447, %dma_wait3A_454] : memref<32x128x80xi32, #tpu.memory_space<hbm>> -> memref<1x1x80xi32, #tpu.memory_space<hbm>>
        %dma_wait3A_456 = tpu.memref_squeeze %dma_wait3A_455 : memref<1x1x80xi32, #tpu.memory_space<hbm>> -> memref<80xi32, #tpu.memory_space<hbm>>
        %dma_wait3A_457 = tpu.memref_slice %arg11[%dma_wait3A_450] : memref<4x!tpu.dma_semaphore, #tpu.memory_space<semaphore_mem>> -> memref<1x!tpu.dma_semaphore, #tpu.memory_space<semaphore_mem>>
        %dma_wait3A_458 = tpu.memref_squeeze %dma_wait3A_457 : memref<1x!tpu.dma_semaphore, #tpu.memory_space<semaphore_mem>> -> memref<!tpu.dma_semaphore, #tpu.memory_space<semaphore_mem>>
        %dma_wait3A_459 = arith.constant 0 : i32
        %dma_wait3A_460 = tpu.memref_slice %arg6[%dma_wait3A_448, %dma_wait3A_449, %dma_wait3A_459] : memref<4x2x80xi32, #tpu.memory_space<vmem>> -> memref<1x1x80xi32, #tpu.memory_space<vmem>>
        %dma_wait3A_461 = tpu.memref_squeeze %dma_wait3A_460 : memref<1x1x80xi32, #tpu.memory_space<vmem>> -> memref<80xi32, #tpu.memory_space<vmem>>
        %dma_wait3A_462 = arith.constant 0 : i32
        %dma_wait3A_463 = tpu.memref_slice %arg2[%add3A, %add3A_447, %dma_wait3A_462] : memref<32x128x80xi32, #tpu.memory_space<hbm>> -> memref<1x1x80xi32, #tpu.memory_space<hbm>>
        %dma_wait3A_464 = tpu.memref_squeeze %dma_wait3A_463 : memref<1x1x80xi32, #tpu.memory_space<hbm>> -> memref<80xi32, #tpu.memory_space<hbm>>
        tpu.wait_dma2 semaphore(%dma_wait3A_458 : memref<!tpu.dma_semaphore, #tpu.memory_space<semaphore_mem>>) src(%dma_wait3A_464 : memref<80xi32, #tpu.memory_space<hbm>>) dst(%dma_wait3A_461 : memref<80xi32, #tpu.memory_space<vmem>>)
        %dma_wait3A_465 = arith.constant 1 : i32
        %dma_wait3A_466 = arith.constant 1 : i32
        %dma_wait3A_467 = arith.constant 1 : i32
        %dma_wait3A_468 = arith.constant 0 : i32
        %dma_wait3A_469 = tpu.memref_slice %arg6[%dma_wait3A_465, %dma_wait3A_466, %dma_wait3A_468] : memref<4x2x80xi32, #tpu.memory_space<vmem>> -> memref<1x1x80xi32, #tpu.memory_space<vmem>>
        %dma_wait3A_470 = tpu.memref_squeeze %dma_wait3A_469 : memref<1x1x80xi32, #tpu.memory_space<vmem>> -> memref<80xi32, #tpu.memory_space<vmem>>
        %dma_wait3A_471 = arith.constant 0 : i32
        %dma_wait3A_472 = tpu.memref_slice %arg3[%add3A, %add3A_447, %dma_wait3A_471] : memref<32x128x80xi32, #tpu.memory_space<hbm>> -> memref<1x1x80xi32, #tpu.memory_space<hbm>>
        %dma_wait3A_473 = tpu.memref_squeeze %dma_wait3A_472 : memref<1x1x80xi32, #tpu.memory_space<hbm>> -> memref<80xi32, #tpu.memory_space<hbm>>
        %dma_wait3A_474 = tpu.memref_slice %arg11[%dma_wait3A_467] : memref<4x!tpu.dma_semaphore, #tpu.memory_space<semaphore_mem>> -> memref<1x!tpu.dma_semaphore, #tpu.memory_space<semaphore_mem>>
        %dma_wait3A_475 = tpu.memref_squeeze %dma_wait3A_474 : memref<1x!tpu.dma_semaphore, #tpu.memory_space<semaphore_mem>> -> memref<!tpu.dma_semaphore, #tpu.memory_space<semaphore_mem>>
        %dma_wait3A_476 = arith.constant 0 : i32
        %dma_wait3A_477 = tpu.memref_slice %arg6[%dma_wait3A_465, %dma_wait3A_466, %dma_wait3A_476] : memref<4x2x80xi32, #tpu.memory_space<vmem>> -> memref<1x1x80xi32, #tpu.memory_space<vmem>>
        %dma_wait3A_478 = tpu.memref_squeeze %dma_wait3A_477 : memref<1x1x80xi32, #tpu.memory_space<vmem>> -> memref<80xi32, #tpu.memory_space<vmem>>
        %dma_wait3A_479 = arith.constant 0 : i32
        %dma_wait3A_480 = tpu.memref_slice %arg3[%add3A, %add3A_447, %dma_wait3A_479] : memref<32x128x80xi32, #tpu.memory_space<hbm>> -> memref<1x1x80xi32, #tpu.memory_space<hbm>>
        %dma_wait3A_481 = tpu.memref_squeeze %dma_wait3A_480 : memref<1x1x80xi32, #tpu.memory_space<hbm>> -> memref<80xi32, #tpu.memory_space<hbm>>
        tpu.wait_dma2 semaphore(%dma_wait3A_475 : memref<!tpu.dma_semaphore, #tpu.memory_space<semaphore_mem>>) src(%dma_wait3A_481 : memref<80xi32, #tpu.memory_space<hbm>>) dst(%dma_wait3A_478 : memref<80xi32, #tpu.memory_space<vmem>>)
        %dma_wait3A_482 = arith.constant 0 : i32
        %dma_wait3A_483 = arith.constant 0 : i32
        %dma_wait3A_484 = arith.constant 0 : i32
        %dma_wait3A_485 = arith.constant 0 : i32
        %dma_wait3A_486 = arith.constant 0 : i32
        %dma_wait3A_487 = arith.constant 0 : i32
        %dma_wait3A_488 = tpu.memref_slice %arg7[%dma_wait3A_484, %dma_wait3A_486, %dma_wait3A_487] : memref<2x80x128xf32, #tpu.memory_space<vmem>> -> memref<1x80x128xf32, #tpu.memory_space<vmem>>
        %dma_wait3A_489 = tpu.memref_squeeze %dma_wait3A_488 : memref<1x80x128xf32, #tpu.memory_space<vmem>> -> memref<80x128xf32, #tpu.memory_space<vmem>>
        %dma_wait3A_490 = arith.constant 0 : i32
        %dma_wait3A_491 = tpu.memref_slice %arg6[%dma_wait3A_482, %dma_wait3A_483, %dma_wait3A_490] : memref<4x2x80xi32, #tpu.memory_space<vmem>> -> memref<1x1x80xi32, #tpu.memory_space<vmem>>
        %dma_wait3A_492 = tpu.memref_squeeze %dma_wait3A_491 : memref<1x1x80xi32, #tpu.memory_space<vmem>> -> memref<80xi32, #tpu.memory_space<vmem>>
        %dma_wait3A_493 = arith.constant 0 : i32
        %dma_wait3A_494 = arith.constant 0 : i32
        %dma_wait3A_495 = tpu.memref_slice %arg4[%dma_wait3A_493, %dma_wait3A_494] : memref<10240x128xf32, #tpu.memory_space<hbm>> -> memref<10240x128xf32, #tpu.memory_space<hbm>>
        %dma_wait3A_496 = tpu.memref_slice %arg9[%dma_wait3A_485] : memref<2x!tpu.dma_semaphore, #tpu.memory_space<semaphore_mem>> -> memref<1x!tpu.dma_semaphore, #tpu.memory_space<semaphore_mem>>
        %dma_wait3A_497 = tpu.memref_squeeze %dma_wait3A_496 : memref<1x!tpu.dma_semaphore, #tpu.memory_space<semaphore_mem>> -> memref<!tpu.dma_semaphore, #tpu.memory_space<semaphore_mem>>
        tpu.wait_indirect_dma semaphore(%dma_wait3A_497 : memref<!tpu.dma_semaphore, #tpu.memory_space<semaphore_mem>>) src(%dma_wait3A_495 : memref<10240x128xf32, #tpu.memory_space<hbm>>) dst(%dma_wait3A_489 : memref<80x128xf32, #tpu.memory_space<vmem>>)
        %dma_wait3A_498 = arith.constant 1 : i32
        %dma_wait3A_499 = arith.constant 3 : i32
        %dma_wait3A_500 = arith.constant 1 : i32
        %dma_wait3A_501 = arith.constant 1 : i32
        %dma_wait3A_502 = arith.constant 0 : i32
        %dma_wait3A_503 = arith.constant 0 : i32
        %dma_wait3A_504 = tpu.memref_slice %arg7[%dma_wait3A_498, %dma_wait3A_502, %dma_wait3A_503] : memref<2x80x128xf32, #tpu.memory_space<vmem>> -> memref<1x80x128xf32, #tpu.memory_space<vmem>>
        %dma_wait3A_505 = tpu.memref_squeeze %dma_wait3A_504 : memref<1x80x128xf32, #tpu.memory_space<vmem>> -> memref<80x128xf32, #tpu.memory_space<vmem>>
        %dma_wait3A_506 = arith.constant 0 : i32
        %dma_wait3A_507 = tpu.memref_slice %arg6[%dma_wait3A_499, %dma_wait3A_500, %dma_wait3A_506] : memref<4x2x80xi32, #tpu.memory_space<vmem>> -> memref<1x1x80xi32, #tpu.memory_space<vmem>>
        %dma_wait3A_508 = tpu.memref_squeeze %dma_wait3A_507 : memref<1x1x80xi32, #tpu.memory_space<vmem>> -> memref<80xi32, #tpu.memory_space<vmem>>
        %dma_wait3A_509 = arith.constant 0 : i32
        %dma_wait3A_510 = arith.constant 0 : i32
        %dma_wait3A_511 = tpu.memref_slice %arg8[%dma_wait3A_509, %dma_wait3A_510] : memref<10240x128xf32, #tpu.memory_space<vmem_shared>> -> memref<10240x128xf32, #tpu.memory_space<vmem_shared>>
        %dma_wait3A_512 = tpu.memref_slice %arg10[%dma_wait3A_501] : memref<2x!tpu.dma_semaphore, #tpu.memory_space<semaphore_mem>> -> memref<1x!tpu.dma_semaphore, #tpu.memory_space<semaphore_mem>>
        %dma_wait3A_513 = tpu.memref_squeeze %dma_wait3A_512 : memref<1x!tpu.dma_semaphore, #tpu.memory_space<semaphore_mem>> -> memref<!tpu.dma_semaphore, #tpu.memory_space<semaphore_mem>>
        tpu.wait_indirect_dma semaphore(%dma_wait3A_513 : memref<!tpu.dma_semaphore, #tpu.memory_space<semaphore_mem>>) src(%dma_wait3A_505 : memref<80x128xf32, #tpu.memory_space<vmem>>) dst(%dma_wait3A_511 : memref<10240x128xf32, #tpu.memory_space<vmem_shared>>)
        %dma_start3A_514 = arith.constant 1 : i32
        %dma_start3A_515 = arith.constant 0 : i32
        %dma_start3A_516 = arith.constant 1 : i32
        %dma_start3A_517 = arith.constant 1 : i32
        %dma_start3A_518 = arith.constant 0 : i32
        %dma_start3A_519 = arith.constant 0 : i32
        %dma_start3A_520 = tpu.memref_slice %arg7[%dma_start3A_516, %dma_start3A_518, %dma_start3A_519] : memref<2x80x128xf32, #tpu.memory_space<vmem>> -> memref<1x80x128xf32, #tpu.memory_space<vmem>>
        %dma_start3A_521 = tpu.memref_squeeze %dma_start3A_520 : memref<1x80x128xf32, #tpu.memory_space<vmem>> -> memref<80x128xf32, #tpu.memory_space<vmem>>
        %dma_start3A_522 = arith.constant 0 : i32
        %dma_start3A_523 = tpu.memref_slice %arg6[%dma_start3A_514, %dma_start3A_515, %dma_start3A_522] : memref<4x2x80xi32, #tpu.memory_space<vmem>> -> memref<1x1x80xi32, #tpu.memory_space<vmem>>
        %dma_start3A_524 = tpu.memref_squeeze %dma_start3A_523 : memref<1x1x80xi32, #tpu.memory_space<vmem>> -> memref<80xi32, #tpu.memory_space<vmem>>
        %dma_start3A_525 = arith.constant 0 : i32
        %dma_start3A_526 = arith.constant 0 : i32
        %dma_start3A_527 = tpu.memref_slice %arg4[%dma_start3A_525, %dma_start3A_526] : memref<10240x128xf32, #tpu.memory_space<hbm>> -> memref<10240x128xf32, #tpu.memory_space<hbm>>
        %dma_start3A_528 = tpu.memref_slice %arg9[%dma_start3A_517] : memref<2x!tpu.dma_semaphore, #tpu.memory_space<semaphore_mem>> -> memref<1x!tpu.dma_semaphore, #tpu.memory_space<semaphore_mem>>
        %dma_start3A_529 = tpu.memref_squeeze %dma_start3A_528 : memref<1x!tpu.dma_semaphore, #tpu.memory_space<semaphore_mem>> -> memref<!tpu.dma_semaphore, #tpu.memory_space<semaphore_mem>>
        tpu.enqueue_indirect_dma source(%dma_start3A_527 : memref<10240x128xf32, #tpu.memory_space<hbm>>) target(%dma_start3A_521 : memref<80x128xf32, #tpu.memory_space<vmem>>) offsets(%dma_start3A_524 : memref<80xi32, #tpu.memory_space<vmem>>) semaphore(%dma_start3A_529 : memref<!tpu.dma_semaphore, #tpu.memory_space<semaphore_mem>>)
      } else {
      }
      %dma_start3A_146 = arith.constant 0 : i32
      %dma_start3A_147 = arith.constant 0 : i32
      %dma_start3A_148 = arith.constant 1 : i32
      %dma_start3A_149 = arith.constant 0 : i32
      %dma_start3A_150 = arith.constant 0 : i32
      %dma_start3A_151 = arith.constant 0 : i32
      %dma_start3A_152 = tpu.memref_slice %arg7[%dma_start3A_146, %dma_start3A_150, %dma_start3A_151] : memref<2x80x128xf32, #tpu.memory_space<vmem>> -> memref<1x80x128xf32, #tpu.memory_space<vmem>>
      %dma_start3A_153 = tpu.memref_squeeze %dma_start3A_152 : memref<1x80x128xf32, #tpu.memory_space<vmem>> -> memref<80x128xf32, #tpu.memory_space<vmem>>
      %dma_start3A_154 = arith.constant 0 : i32
      %dma_start3A_155 = tpu.memref_slice %arg6[%dma_start3A_147, %dma_start3A_148, %dma_start3A_154] : memref<4x2x80xi32, #tpu.memory_space<vmem>> -> memref<1x1x80xi32, #tpu.memory_space<vmem>>
      %dma_start3A_156 = tpu.memref_squeeze %dma_start3A_155 : memref<1x1x80xi32, #tpu.memory_space<vmem>> -> memref<80xi32, #tpu.memory_space<vmem>>
      %dma_start3A_157 = arith.constant 0 : i32
      %dma_start3A_158 = arith.constant 0 : i32
      %dma_start3A_159 = tpu.memref_slice %arg8[%dma_start3A_157, %dma_start3A_158] : memref<10240x128xf32, #tpu.memory_space<vmem_shared>> -> memref<10240x128xf32, #tpu.memory_space<vmem_shared>>
      %dma_start3A_160 = tpu.memref_slice %arg10[%dma_start3A_149] : memref<2x!tpu.dma_semaphore, #tpu.memory_space<semaphore_mem>> -> memref<1x!tpu.dma_semaphore, #tpu.memory_space<semaphore_mem>>
      %dma_start3A_161 = tpu.memref_squeeze %dma_start3A_160 : memref<1x!tpu.dma_semaphore, #tpu.memory_space<semaphore_mem>> -> memref<!tpu.dma_semaphore, #tpu.memory_space<semaphore_mem>>
      tpu.enqueue_indirect_dma source(%dma_start3A_153 : memref<80x128xf32, #tpu.memory_space<vmem>>) target(%dma_start3A_159 : memref<10240x128xf32, #tpu.memory_space<vmem_shared>>) offsets(%dma_start3A_156 : memref<80xi32, #tpu.memory_space<vmem>>) semaphore(%dma_start3A_161 : memref<!tpu.dma_semaphore, #tpu.memory_space<semaphore_mem>>) {add = true}
      %mul3A_162 = arith.constant 4 : i32
      %mul3A_163 = arith.muli %mul3A_162, %scan3A_98 : i32
      %add3A_164 = arith.constant 1 : i32
      %add3A_165 = arith.addi %mul3A_163, %add3A_164 : i32
      %add3A_166 = arith.constant 2 : i32
      %add3A_167 = arith.addi %add3A_165, %add3A_166 : i32
      %dma_start3A_168 = arith.constant 3 : i32
      %dma_start3A_169 = arith.constant 0 : i32
      %dma_start3A_170 = arith.constant 3 : i32
      %dma_start3A_171 = arith.constant 0 : i32
      %dma_start3A_172 = tpu.memref_slice %arg6[%dma_start3A_168, %dma_start3A_169, %dma_start3A_171] : memref<4x2x80xi32, #tpu.memory_space<vmem>> -> memref<1x1x80xi32, #tpu.memory_space<vmem>>
      %dma_start3A_173 = tpu.memref_squeeze %dma_start3A_172 : memref<1x1x80xi32, #tpu.memory_space<vmem>> -> memref<80xi32, #tpu.memory_space<vmem>>
      %dma_start3A_174 = arith.constant 0 : i32
      %dma_start3A_175 = tpu.memref_slice %arg2[%add3A, %add3A_167, %dma_start3A_174] : memref<32x128x80xi32, #tpu.memory_space<hbm>> -> memref<1x1x80xi32, #tpu.memory_space<hbm>>
      %dma_start3A_176 = tpu.memref_squeeze %dma_start3A_175 : memref<1x1x80xi32, #tpu.memory_space<hbm>> -> memref<80xi32, #tpu.memory_space<hbm>>
      %dma_start3A_177 = tpu.memref_slice %arg11[%dma_start3A_170] : memref<4x!tpu.dma_semaphore, #tpu.memory_space<semaphore_mem>> -> memref<1x!tpu.dma_semaphore, #tpu.memory_space<semaphore_mem>>
      %dma_start3A_178 = tpu.memref_squeeze %dma_start3A_177 : memref<1x!tpu.dma_semaphore, #tpu.memory_space<semaphore_mem>> -> memref<!tpu.dma_semaphore, #tpu.memory_space<semaphore_mem>>
      %dma_start3A_179 = arith.constant 0 : i32
      %dma_start3A_180 = tpu.memref_slice %arg6[%dma_start3A_168, %dma_start3A_169, %dma_start3A_179] : memref<4x2x80xi32, #tpu.memory_space<vmem>> -> memref<1x1x80xi32, #tpu.memory_space<vmem>>
      %dma_start3A_181 = tpu.memref_squeeze %dma_start3A_180 : memref<1x1x80xi32, #tpu.memory_space<vmem>> -> memref<80xi32, #tpu.memory_space<vmem>>
      %dma_start3A_182 = arith.constant 0 : i32
      %dma_start3A_183 = tpu.memref_slice %arg2[%add3A, %add3A_167, %dma_start3A_182] : memref<32x128x80xi32, #tpu.memory_space<hbm>> -> memref<1x1x80xi32, #tpu.memory_space<hbm>>
      %dma_start3A_184 = tpu.memref_squeeze %dma_start3A_183 : memref<1x1x80xi32, #tpu.memory_space<hbm>> -> memref<80xi32, #tpu.memory_space<hbm>>
      tpu.enqueue_dma source(%dma_start3A_184 : memref<80xi32, #tpu.memory_space<hbm>>) target(%dma_start3A_181 : memref<80xi32, #tpu.memory_space<vmem>>) target_semaphore(%dma_start3A_178 : memref<!tpu.dma_semaphore, #tpu.memory_space<semaphore_mem>>)
      %dma_start3A_185 = arith.constant 3 : i32
      %dma_start3A_186 = arith.constant 1 : i32
      %dma_start3A_187 = arith.constant 3 : i32
      %dma_start3A_188 = arith.constant 0 : i32
      %dma_start3A_189 = tpu.memref_slice %arg6[%dma_start3A_185, %dma_start3A_186, %dma_start3A_188] : memref<4x2x80xi32, #tpu.memory_space<vmem>> -> memref<1x1x80xi32, #tpu.memory_space<vmem>>
      %dma_start3A_190 = tpu.memref_squeeze %dma_start3A_189 : memref<1x1x80xi32, #tpu.memory_space<vmem>> -> memref<80xi32, #tpu.memory_space<vmem>>
      %dma_start3A_191 = arith.constant 0 : i32
      %dma_start3A_192 = tpu.memref_slice %arg3[%add3A, %add3A_167, %dma_start3A_191] : memref<32x128x80xi32, #tpu.memory_space<hbm>> -> memref<1x1x80xi32, #tpu.memory_space<hbm>>
      %dma_start3A_193 = tpu.memref_squeeze %dma_start3A_192 : memref<1x1x80xi32, #tpu.memory_space<hbm>> -> memref<80xi32, #tpu.memory_space<hbm>>
      %dma_start3A_194 = tpu.memref_slice %arg11[%dma_start3A_187] : memref<4x!tpu.dma_semaphore, #tpu.memory_space<semaphore_mem>> -> memref<1x!tpu.dma_semaphore, #tpu.memory_space<semaphore_mem>>
      %dma_start3A_195 = tpu.memref_squeeze %dma_start3A_194 : memref<1x!tpu.dma_semaphore, #tpu.memory_space<semaphore_mem>> -> memref<!tpu.dma_semaphore, #tpu.memory_space<semaphore_mem>>
      %dma_start3A_196 = arith.constant 0 : i32
      %dma_start3A_197 = tpu.memref_slice %arg6[%dma_start3A_185, %dma_start3A_186, %dma_start3A_196] : memref<4x2x80xi32, #tpu.memory_space<vmem>> -> memref<1x1x80xi32, #tpu.memory_space<vmem>>
      %dma_start3A_198 = tpu.memref_squeeze %dma_start3A_197 : memref<1x1x80xi32, #tpu.memory_space<vmem>> -> memref<80xi32, #tpu.memory_space<vmem>>
      %dma_start3A_199 = arith.constant 0 : i32
      %dma_start3A_200 = tpu.memref_slice %arg3[%add3A, %add3A_167, %dma_start3A_199] : memref<32x128x80xi32, #tpu.memory_space<hbm>> -> memref<1x1x80xi32, #tpu.memory_space<hbm>>
      %dma_start3A_201 = tpu.memref_squeeze %dma_start3A_200 : memref<1x1x80xi32, #tpu.memory_space<hbm>> -> memref<80xi32, #tpu.memory_space<hbm>>
      tpu.enqueue_dma source(%dma_start3A_201 : memref<80xi32, #tpu.memory_space<hbm>>) target(%dma_start3A_198 : memref<80xi32, #tpu.memory_space<vmem>>) target_semaphore(%dma_start3A_195 : memref<!tpu.dma_semaphore, #tpu.memory_space<semaphore_mem>>)
      %add3A_202 = arith.constant 1 : i32
      %add3A_203 = arith.addi %add3A_165, %add3A_202 : i32
      %dma_wait3A_204 = arith.constant 2 : i32
      %dma_wait3A_205 = arith.constant 0 : i32
      %dma_wait3A_206 = arith.constant 2 : i32
      %dma_wait3A_207 = arith.constant 0 : i32
      %dma_wait3A_208 = tpu.memref_slice %arg6[%dma_wait3A_204, %dma_wait3A_205, %dma_wait3A_207] : memref<4x2x80xi32, #tpu.memory_space<vmem>> -> memref<1x1x80xi32, #tpu.memory_space<vmem>>
      %dma_wait3A_209 = tpu.memref_squeeze %dma_wait3A_208 : memref<1x1x80xi32, #tpu.memory_space<vmem>> -> memref<80xi32, #tpu.memory_space<vmem>>
      %dma_wait3A_210 = arith.constant 0 : i32
      %dma_wait3A_211 = tpu.memref_slice %arg2[%add3A, %add3A_203, %dma_wait3A_210] : memref<32x128x80xi32, #tpu.memory_space<hbm>> -> memref<1x1x80xi32, #tpu.memory_space<hbm>>
      %dma_wait3A_212 = tpu.memref_squeeze %dma_wait3A_211 : memref<1x1x80xi32, #tpu.memory_space<hbm>> -> memref<80xi32, #tpu.memory_space<hbm>>
      %dma_wait3A_213 = tpu.memref_slice %arg11[%dma_wait3A_206] : memref<4x!tpu.dma_semaphore, #tpu.memory_space<semaphore_mem>> -> memref<1x!tpu.dma_semaphore, #tpu.memory_space<semaphore_mem>>
      %dma_wait3A_214 = tpu.memref_squeeze %dma_wait3A_213 : memref<1x!tpu.dma_semaphore, #tpu.memory_space<semaphore_mem>> -> memref<!tpu.dma_semaphore, #tpu.memory_space<semaphore_mem>>
      %dma_wait3A_215 = arith.constant 0 : i32
      %dma_wait3A_216 = tpu.memref_slice %arg6[%dma_wait3A_204, %dma_wait3A_205, %dma_wait3A_215] : memref<4x2x80xi32, #tpu.memory_space<vmem>> -> memref<1x1x80xi32, #tpu.memory_space<vmem>>
      %dma_wait3A_217 = tpu.memref_squeeze %dma_wait3A_216 : memref<1x1x80xi32, #tpu.memory_space<vmem>> -> memref<80xi32, #tpu.memory_space<vmem>>
      %dma_wait3A_218 = arith.constant 0 : i32
      %dma_wait3A_219 = tpu.memref_slice %arg2[%add3A, %add3A_203, %dma_wait3A_218] : memref<32x128x80xi32, #tpu.memory_space<hbm>> -> memref<1x1x80xi32, #tpu.memory_space<hbm>>
      %dma_wait3A_220 = tpu.memref_squeeze %dma_wait3A_219 : memref<1x1x80xi32, #tpu.memory_space<hbm>> -> memref<80xi32, #tpu.memory_space<hbm>>
      tpu.wait_dma2 semaphore(%dma_wait3A_214 : memref<!tpu.dma_semaphore, #tpu.memory_space<semaphore_mem>>) src(%dma_wait3A_220 : memref<80xi32, #tpu.memory_space<hbm>>) dst(%dma_wait3A_217 : memref<80xi32, #tpu.memory_space<vmem>>)
      %dma_wait3A_221 = arith.constant 2 : i32
      %dma_wait3A_222 = arith.constant 1 : i32
      %dma_wait3A_223 = arith.constant 2 : i32
      %dma_wait3A_224 = arith.constant 0 : i32
      %dma_wait3A_225 = tpu.memref_slice %arg6[%dma_wait3A_221, %dma_wait3A_222, %dma_wait3A_224] : memref<4x2x80xi32, #tpu.memory_space<vmem>> -> memref<1x1x80xi32, #tpu.memory_space<vmem>>
      %dma_wait3A_226 = tpu.memref_squeeze %dma_wait3A_225 : memref<1x1x80xi32, #tpu.memory_space<vmem>> -> memref<80xi32, #tpu.memory_space<vmem>>
      %dma_wait3A_227 = arith.constant 0 : i32
      %dma_wait3A_228 = tpu.memref_slice %arg3[%add3A, %add3A_203, %dma_wait3A_227] : memref<32x128x80xi32, #tpu.memory_space<hbm>> -> memref<1x1x80xi32, #tpu.memory_space<hbm>>
      %dma_wait3A_229 = tpu.memref_squeeze %dma_wait3A_228 : memref<1x1x80xi32, #tpu.memory_space<hbm>> -> memref<80xi32, #tpu.memory_space<hbm>>
      %dma_wait3A_230 = tpu.memref_slice %arg11[%dma_wait3A_223] : memref<4x!tpu.dma_semaphore, #tpu.memory_space<semaphore_mem>> -> memref<1x!tpu.dma_semaphore, #tpu.memory_space<semaphore_mem>>
      %dma_wait3A_231 = tpu.memref_squeeze %dma_wait3A_230 : memref<1x!tpu.dma_semaphore, #tpu.memory_space<semaphore_mem>> -> memref<!tpu.dma_semaphore, #tpu.memory_space<semaphore_mem>>
      %dma_wait3A_232 = arith.constant 0 : i32
      %dma_wait3A_233 = tpu.memref_slice %arg6[%dma_wait3A_221, %dma_wait3A_222, %dma_wait3A_232] : memref<4x2x80xi32, #tpu.memory_space<vmem>> -> memref<1x1x80xi32, #tpu.memory_space<vmem>>
      %dma_wait3A_234 = tpu.memref_squeeze %dma_wait3A_233 : memref<1x1x80xi32, #tpu.memory_space<vmem>> -> memref<80xi32, #tpu.memory_space<vmem>>
      %dma_wait3A_235 = arith.constant 0 : i32
      %dma_wait3A_236 = tpu.memref_slice %arg3[%add3A, %add3A_203, %dma_wait3A_235] : memref<32x128x80xi32, #tpu.memory_space<hbm>> -> memref<1x1x80xi32, #tpu.memory_space<hbm>>
      %dma_wait3A_237 = tpu.memref_squeeze %dma_wait3A_236 : memref<1x1x80xi32, #tpu.memory_space<hbm>> -> memref<80xi32, #tpu.memory_space<hbm>>
      tpu.wait_dma2 semaphore(%dma_wait3A_231 : memref<!tpu.dma_semaphore, #tpu.memory_space<semaphore_mem>>) src(%dma_wait3A_237 : memref<80xi32, #tpu.memory_space<hbm>>) dst(%dma_wait3A_234 : memref<80xi32, #tpu.memory_space<vmem>>)
      %dma_wait3A_238 = arith.constant 1 : i32
      %dma_wait3A_239 = arith.constant 0 : i32
      %dma_wait3A_240 = arith.constant 1 : i32
      %dma_wait3A_241 = arith.constant 1 : i32
      %dma_wait3A_242 = arith.constant 0 : i32
      %dma_wait3A_243 = arith.constant 0 : i32
      %dma_wait3A_244 = tpu.memref_slice %arg7[%dma_wait3A_240, %dma_wait3A_242, %dma_wait3A_243] : memref<2x80x128xf32, #tpu.memory_space<vmem>> -> memref<1x80x128xf32, #tpu.memory_space<vmem>>
      %dma_wait3A_245 = tpu.memref_squeeze %dma_wait3A_244 : memref<1x80x128xf32, #tpu.memory_space<vmem>> -> memref<80x128xf32, #tpu.memory_space<vmem>>
      %dma_wait3A_246 = arith.constant 0 : i32
      %dma_wait3A_247 = tpu.memref_slice %arg6[%dma_wait3A_238, %dma_wait3A_239, %dma_wait3A_246] : memref<4x2x80xi32, #tpu.memory_space<vmem>> -> memref<1x1x80xi32, #tpu.memory_space<vmem>>
      %dma_wait3A_248 = tpu.memref_squeeze %dma_wait3A_247 : memref<1x1x80xi32, #tpu.memory_space<vmem>> -> memref<80xi32, #tpu.memory_space<vmem>>
      %dma_wait3A_249 = arith.constant 0 : i32
      %dma_wait3A_250 = arith.constant 0 : i32
      %dma_wait3A_251 = tpu.memref_slice %arg4[%dma_wait3A_249, %dma_wait3A_250] : memref<10240x128xf32, #tpu.memory_space<hbm>> -> memref<10240x128xf32, #tpu.memory_space<hbm>>
      %dma_wait3A_252 = tpu.memref_slice %arg9[%dma_wait3A_241] : memref<2x!tpu.dma_semaphore, #tpu.memory_space<semaphore_mem>> -> memref<1x!tpu.dma_semaphore, #tpu.memory_space<semaphore_mem>>
      %dma_wait3A_253 = tpu.memref_squeeze %dma_wait3A_252 : memref<1x!tpu.dma_semaphore, #tpu.memory_space<semaphore_mem>> -> memref<!tpu.dma_semaphore, #tpu.memory_space<semaphore_mem>>
      tpu.wait_indirect_dma semaphore(%dma_wait3A_253 : memref<!tpu.dma_semaphore, #tpu.memory_space<semaphore_mem>>) src(%dma_wait3A_251 : memref<10240x128xf32, #tpu.memory_space<hbm>>) dst(%dma_wait3A_245 : memref<80x128xf32, #tpu.memory_space<vmem>>)
      %dma_wait3A_254 = arith.constant 0 : i32
      %dma_wait3A_255 = arith.constant 0 : i32
      %dma_wait3A_256 = arith.constant 1 : i32
      %dma_wait3A_257 = arith.constant 0 : i32
      %dma_wait3A_258 = arith.constant 0 : i32
      %dma_wait3A_259 = arith.constant 0 : i32
      %dma_wait3A_260 = tpu.memref_slice %arg7[%dma_wait3A_254, %dma_wait3A_258, %dma_wait3A_259] : memref<2x80x128xf32, #tpu.memory_space<vmem>> -> memref<1x80x128xf32, #tpu.memory_space<vmem>>
      %dma_wait3A_261 = tpu.memref_squeeze %dma_wait3A_260 : memref<1x80x128xf32, #tpu.memory_space<vmem>> -> memref<80x128xf32, #tpu.memory_space<vmem>>
      %dma_wait3A_262 = arith.constant 0 : i32
      %dma_wait3A_263 = tpu.memref_slice %arg6[%dma_wait3A_255, %dma_wait3A_256, %dma_wait3A_262] : memref<4x2x80xi32, #tpu.memory_space<vmem>> -> memref<1x1x80xi32, #tpu.memory_space<vmem>>
      %dma_wait3A_264 = tpu.memref_squeeze %dma_wait3A_263 : memref<1x1x80xi32, #tpu.memory_space<vmem>> -> memref<80xi32, #tpu.memory_space<vmem>>
      %dma_wait3A_265 = arith.constant 0 : i32
      %dma_wait3A_266 = arith.constant 0 : i32
      %dma_wait3A_267 = tpu.memref_slice %arg8[%dma_wait3A_265, %dma_wait3A_266] : memref<10240x128xf32, #tpu.memory_space<vmem_shared>> -> memref<10240x128xf32, #tpu.memory_space<vmem_shared>>
      %dma_wait3A_268 = tpu.memref_slice %arg10[%dma_wait3A_257] : memref<2x!tpu.dma_semaphore, #tpu.memory_space<semaphore_mem>> -> memref<1x!tpu.dma_semaphore, #tpu.memory_space<semaphore_mem>>
      %dma_wait3A_269 = tpu.memref_squeeze %dma_wait3A_268 : memref<1x!tpu.dma_semaphore, #tpu.memory_space<semaphore_mem>> -> memref<!tpu.dma_semaphore, #tpu.memory_space<semaphore_mem>>
      tpu.wait_indirect_dma semaphore(%dma_wait3A_269 : memref<!tpu.dma_semaphore, #tpu.memory_space<semaphore_mem>>) src(%dma_wait3A_261 : memref<80x128xf32, #tpu.memory_space<vmem>>) dst(%dma_wait3A_267 : memref<10240x128xf32, #tpu.memory_space<vmem_shared>>)
      %dma_start3A_270 = arith.constant 2 : i32
      %dma_start3A_271 = arith.constant 0 : i32
      %dma_start3A_272 = arith.constant 0 : i32
      %dma_start3A_273 = arith.constant 0 : i32
      %dma_start3A_274 = arith.constant 0 : i32
      %dma_start3A_275 = arith.constant 0 : i32
      %dma_start3A_276 = tpu.memref_slice %arg7[%dma_start3A_272, %dma_start3A_274, %dma_start3A_275] : memref<2x80x128xf32, #tpu.memory_space<vmem>> -> memref<1x80x128xf32, #tpu.memory_space<vmem>>
      %dma_start3A_277 = tpu.memref_squeeze %dma_start3A_276 : memref<1x80x128xf32, #tpu.memory_space<vmem>> -> memref<80x128xf32, #tpu.memory_space<vmem>>
      %dma_start3A_278 = arith.constant 0 : i32
      %dma_start3A_279 = tpu.memref_slice %arg6[%dma_start3A_270, %dma_start3A_271, %dma_start3A_278] : memref<4x2x80xi32, #tpu.memory_space<vmem>> -> memref<1x1x80xi32, #tpu.memory_space<vmem>>
      %dma_start3A_280 = tpu.memref_squeeze %dma_start3A_279 : memref<1x1x80xi32, #tpu.memory_space<vmem>> -> memref<80xi32, #tpu.memory_space<vmem>>
      %dma_start3A_281 = arith.constant 0 : i32
      %dma_start3A_282 = arith.constant 0 : i32
      %dma_start3A_283 = tpu.memref_slice %arg4[%dma_start3A_281, %dma_start3A_282] : memref<10240x128xf32, #tpu.memory_space<hbm>> -> memref<10240x128xf32, #tpu.memory_space<hbm>>
      %dma_start3A_284 = tpu.memref_slice %arg9[%dma_start3A_273] : memref<2x!tpu.dma_semaphore, #tpu.memory_space<semaphore_mem>> -> memref<1x!tpu.dma_semaphore, #tpu.memory_space<semaphore_mem>>
      %dma_start3A_285 = tpu.memref_squeeze %dma_start3A_284 : memref<1x!tpu.dma_semaphore, #tpu.memory_space<semaphore_mem>> -> memref<!tpu.dma_semaphore, #tpu.memory_space<semaphore_mem>>
      tpu.enqueue_indirect_dma source(%dma_start3A_283 : memref<10240x128xf32, #tpu.memory_space<hbm>>) target(%dma_start3A_277 : memref<80x128xf32, #tpu.memory_space<vmem>>) offsets(%dma_start3A_280 : memref<80xi32, #tpu.memory_space<vmem>>) semaphore(%dma_start3A_285 : memref<!tpu.dma_semaphore, #tpu.memory_space<semaphore_mem>>)
      %dma_start3A_286 = arith.constant 1 : i32
      %dma_start3A_287 = arith.constant 1 : i32
      %dma_start3A_288 = arith.constant 1 : i32
      %dma_start3A_289 = arith.constant 1 : i32
      %dma_start3A_290 = arith.constant 0 : i32
      %dma_start3A_291 = arith.constant 0 : i32
      %dma_start3A_292 = tpu.memref_slice %arg7[%dma_start3A_286, %dma_start3A_290, %dma_start3A_291] : memref<2x80x128xf32, #tpu.memory_space<vmem>> -> memref<1x80x128xf32, #tpu.memory_space<vmem>>
      %dma_start3A_293 = tpu.memref_squeeze %dma_start3A_292 : memref<1x80x128xf32, #tpu.memory_space<vmem>> -> memref<80x128xf32, #tpu.memory_space<vmem>>
      %dma_start3A_294 = arith.constant 0 : i32
      %dma_start3A_295 = tpu.memref_slice %arg6[%dma_start3A_287, %dma_start3A_288, %dma_start3A_294] : memref<4x2x80xi32, #tpu.memory_space<vmem>> -> memref<1x1x80xi32, #tpu.memory_space<vmem>>
      %dma_start3A_296 = tpu.memref_squeeze %dma_start3A_295 : memref<1x1x80xi32, #tpu.memory_space<vmem>> -> memref<80xi32, #tpu.memory_space<vmem>>
      %dma_start3A_297 = arith.constant 0 : i32
      %dma_start3A_298 = arith.constant 0 : i32
      %dma_start3A_299 = tpu.memref_slice %arg8[%dma_start3A_297, %dma_start3A_298] : memref<10240x128xf32, #tpu.memory_space<vmem_shared>> -> memref<10240x128xf32, #tpu.memory_space<vmem_shared>>
      %dma_start3A_300 = tpu.memref_slice %arg10[%dma_start3A_289] : memref<2x!tpu.dma_semaphore, #tpu.memory_space<semaphore_mem>> -> memref<1x!tpu.dma_semaphore, #tpu.memory_space<semaphore_mem>>
      %dma_start3A_301 = tpu.memref_squeeze %dma_start3A_300 : memref<1x!tpu.dma_semaphore, #tpu.memory_space<semaphore_mem>> -> memref<!tpu.dma_semaphore, #tpu.memory_space<semaphore_mem>>
      tpu.enqueue_indirect_dma source(%dma_start3A_293 : memref<80x128xf32, #tpu.memory_space<vmem>>) target(%dma_start3A_299 : memref<10240x128xf32, #tpu.memory_space<vmem_shared>>) offsets(%dma_start3A_296 : memref<80xi32, #tpu.memory_space<vmem>>) semaphore(%dma_start3A_301 : memref<!tpu.dma_semaphore, #tpu.memory_space<semaphore_mem>>) {add = true}
      %mul3A_302 = arith.constant 4 : i32
      %mul3A_303 = arith.muli %mul3A_302, %scan3A_98 : i32
      %add3A_304 = arith.constant 2 : i32
      %add3A_305 = arith.addi %mul3A_303, %add3A_304 : i32
      %lt3A = arith.constant 31 : i32
      %lt3A_306 = arith.cmpi slt, %scan3A_98, %lt3A : i32
      %convert_element_type3A_307 = arith.extui %lt3A_306 : i1 to i32
      %cond3A_308 = arith.constant 0 : i32
      %cond3A_309 = arith.cmpi ne, %convert_element_type3A_307, %cond3A_308 : i32
      scf.if %cond3A_309 {
        %add3A_446 = arith.constant 2 : i32
        %add3A_447 = arith.addi %add3A_305, %add3A_446 : i32
        %dma_start3A_448 = arith.constant 0 : i32
        %dma_start3A_449 = arith.constant 0 : i32
        %dma_start3A_450 = arith.constant 0 : i32
        %dma_start3A_451 = arith.constant 0 : i32
        %dma_start3A_452 = tpu.memref_slice %arg6[%dma_start3A_448, %dma_start3A_449, %dma_start3A_451] : memref<4x2x80xi32, #tpu.memory_space<vmem>> -> memref<1x1x80xi32, #tpu.memory_space<vmem>>
        %dma_start3A_453 = tpu.memref_squeeze %dma_start3A_452 : memref<1x1x80xi32, #tpu.memory_space<vmem>> -> memref<80xi32, #tpu.memory_space<vmem>>
        %dma_start3A_454 = arith.constant 0 : i32
        %dma_start3A_455 = tpu.memref_slice %arg2[%add3A, %add3A_447, %dma_start3A_454] : memref<32x128x80xi32, #tpu.memory_space<hbm>> -> memref<1x1x80xi32, #tpu.memory_space<hbm>>
        %dma_start3A_456 = tpu.memref_squeeze %dma_start3A_455 : memref<1x1x80xi32, #tpu.memory_space<hbm>> -> memref<80xi32, #tpu.memory_space<hbm>>
        %dma_start3A_457 = tpu.memref_slice %arg11[%dma_start3A_450] : memref<4x!tpu.dma_semaphore, #tpu.memory_space<semaphore_mem>> -> memref<1x!tpu.dma_semaphore, #tpu.memory_space<semaphore_mem>>
        %dma_start3A_458 = tpu.memref_squeeze %dma_start3A_457 : memref<1x!tpu.dma_semaphore, #tpu.memory_space<semaphore_mem>> -> memref<!tpu.dma_semaphore, #tpu.memory_space<semaphore_mem>>
        %dma_start3A_459 = arith.constant 0 : i32
        %dma_start3A_460 = tpu.memref_slice %arg6[%dma_start3A_448, %dma_start3A_449, %dma_start3A_459] : memref<4x2x80xi32, #tpu.memory_space<vmem>> -> memref<1x1x80xi32, #tpu.memory_space<vmem>>
        %dma_start3A_461 = tpu.memref_squeeze %dma_start3A_460 : memref<1x1x80xi32, #tpu.memory_space<vmem>> -> memref<80xi32, #tpu.memory_space<vmem>>
        %dma_start3A_462 = arith.constant 0 : i32
        %dma_start3A_463 = tpu.memref_slice %arg2[%add3A, %add3A_447, %dma_start3A_462] : memref<32x128x80xi32, #tpu.memory_space<hbm>> -> memref<1x1x80xi32, #tpu.memory_space<hbm>>
        %dma_start3A_464 = tpu.memref_squeeze %dma_start3A_463 : memref<1x1x80xi32, #tpu.memory_space<hbm>> -> memref<80xi32, #tpu.memory_space<hbm>>
        tpu.enqueue_dma source(%dma_start3A_464 : memref<80xi32, #tpu.memory_space<hbm>>) target(%dma_start3A_461 : memref<80xi32, #tpu.memory_space<vmem>>) target_semaphore(%dma_start3A_458 : memref<!tpu.dma_semaphore, #tpu.memory_space<semaphore_mem>>)
        %dma_start3A_465 = arith.constant 0 : i32
        %dma_start3A_466 = arith.constant 1 : i32
        %dma_start3A_467 = arith.constant 0 : i32
        %dma_start3A_468 = arith.constant 0 : i32
        %dma_start3A_469 = tpu.memref_slice %arg6[%dma_start3A_465, %dma_start3A_466, %dma_start3A_468] : memref<4x2x80xi32, #tpu.memory_space<vmem>> -> memref<1x1x80xi32, #tpu.memory_space<vmem>>
        %dma_start3A_470 = tpu.memref_squeeze %dma_start3A_469 : memref<1x1x80xi32, #tpu.memory_space<vmem>> -> memref<80xi32, #tpu.memory_space<vmem>>
        %dma_start3A_471 = arith.constant 0 : i32
        %dma_start3A_472 = tpu.memref_slice %arg3[%add3A, %add3A_447, %dma_start3A_471] : memref<32x128x80xi32, #tpu.memory_space<hbm>> -> memref<1x1x80xi32, #tpu.memory_space<hbm>>
        %dma_start3A_473 = tpu.memref_squeeze %dma_start3A_472 : memref<1x1x80xi32, #tpu.memory_space<hbm>> -> memref<80xi32, #tpu.memory_space<hbm>>
        %dma_start3A_474 = tpu.memref_slice %arg11[%dma_start3A_467] : memref<4x!tpu.dma_semaphore, #tpu.memory_space<semaphore_mem>> -> memref<1x!tpu.dma_semaphore, #tpu.memory_space<semaphore_mem>>
        %dma_start3A_475 = tpu.memref_squeeze %dma_start3A_474 : memref<1x!tpu.dma_semaphore, #tpu.memory_space<semaphore_mem>> -> memref<!tpu.dma_semaphore, #tpu.memory_space<semaphore_mem>>
        %dma_start3A_476 = arith.constant 0 : i32
        %dma_start3A_477 = tpu.memref_slice %arg6[%dma_start3A_465, %dma_start3A_466, %dma_start3A_476] : memref<4x2x80xi32, #tpu.memory_space<vmem>> -> memref<1x1x80xi32, #tpu.memory_space<vmem>>
        %dma_start3A_478 = tpu.memref_squeeze %dma_start3A_477 : memref<1x1x80xi32, #tpu.memory_space<vmem>> -> memref<80xi32, #tpu.memory_space<vmem>>
        %dma_start3A_479 = arith.constant 0 : i32
        %dma_start3A_480 = tpu.memref_slice %arg3[%add3A, %add3A_447, %dma_start3A_479] : memref<32x128x80xi32, #tpu.memory_space<hbm>> -> memref<1x1x80xi32, #tpu.memory_space<hbm>>
        %dma_start3A_481 = tpu.memref_squeeze %dma_start3A_480 : memref<1x1x80xi32, #tpu.memory_space<hbm>> -> memref<80xi32, #tpu.memory_space<hbm>>
        tpu.enqueue_dma source(%dma_start3A_481 : memref<80xi32, #tpu.memory_space<hbm>>) target(%dma_start3A_478 : memref<80xi32, #tpu.memory_space<vmem>>) target_semaphore(%dma_start3A_475 : memref<!tpu.dma_semaphore, #tpu.memory_space<semaphore_mem>>)
      } else {
      }
      %add3A_310 = arith.constant 1 : i32
      %add3A_311 = arith.addi %add3A_305, %add3A_310 : i32
      %dma_wait3A_312 = arith.constant 3 : i32
      %dma_wait3A_313 = arith.constant 0 : i32
      %dma_wait3A_314 = arith.constant 3 : i32
      %dma_wait3A_315 = arith.constant 0 : i32
      %dma_wait3A_316 = tpu.memref_slice %arg6[%dma_wait3A_312, %dma_wait3A_313, %dma_wait3A_315] : memref<4x2x80xi32, #tpu.memory_space<vmem>> -> memref<1x1x80xi32, #tpu.memory_space<vmem>>
      %dma_wait3A_317 = tpu.memref_squeeze %dma_wait3A_316 : memref<1x1x80xi32, #tpu.memory_space<vmem>> -> memref<80xi32, #tpu.memory_space<vmem>>
      %dma_wait3A_318 = arith.constant 0 : i32
      %dma_wait3A_319 = tpu.memref_slice %arg2[%add3A, %add3A_311, %dma_wait3A_318] : memref<32x128x80xi32, #tpu.memory_space<hbm>> -> memref<1x1x80xi32, #tpu.memory_space<hbm>>
      %dma_wait3A_320 = tpu.memref_squeeze %dma_wait3A_319 : memref<1x1x80xi32, #tpu.memory_space<hbm>> -> memref<80xi32, #tpu.memory_space<hbm>>
      %dma_wait3A_321 = tpu.memref_slice %arg11[%dma_wait3A_314] : memref<4x!tpu.dma_semaphore, #tpu.memory_space<semaphore_mem>> -> memref<1x!tpu.dma_semaphore, #tpu.memory_space<semaphore_mem>>
      %dma_wait3A_322 = tpu.memref_squeeze %dma_wait3A_321 : memref<1x!tpu.dma_semaphore, #tpu.memory_space<semaphore_mem>> -> memref<!tpu.dma_semaphore, #tpu.memory_space<semaphore_mem>>
      %dma_wait3A_323 = arith.constant 0 : i32
      %dma_wait3A_324 = tpu.memref_slice %arg6[%dma_wait3A_312, %dma_wait3A_313, %dma_wait3A_323] : memref<4x2x80xi32, #tpu.memory_space<vmem>> -> memref<1x1x80xi32, #tpu.memory_space<vmem>>
      %dma_wait3A_325 = tpu.memref_squeeze %dma_wait3A_324 : memref<1x1x80xi32, #tpu.memory_space<vmem>> -> memref<80xi32, #tpu.memory_space<vmem>>
      %dma_wait3A_326 = arith.constant 0 : i32
      %dma_wait3A_327 = tpu.memref_slice %arg2[%add3A, %add3A_311, %dma_wait3A_326] : memref<32x128x80xi32, #tpu.memory_space<hbm>> -> memref<1x1x80xi32, #tpu.memory_space<hbm>>
      %dma_wait3A_328 = tpu.memref_squeeze %dma_wait3A_327 : memref<1x1x80xi32, #tpu.memory_space<hbm>> -> memref<80xi32, #tpu.memory_space<hbm>>
      tpu.wait_dma2 semaphore(%dma_wait3A_322 : memref<!tpu.dma_semaphore, #tpu.memory_space<semaphore_mem>>) src(%dma_wait3A_328 : memref<80xi32, #tpu.memory_space<hbm>>) dst(%dma_wait3A_325 : memref<80xi32, #tpu.memory_space<vmem>>)
      %dma_wait3A_329 = arith.constant 3 : i32
      %dma_wait3A_330 = arith.constant 1 : i32
      %dma_wait3A_331 = arith.constant 3 : i32
      %dma_wait3A_332 = arith.constant 0 : i32
      %dma_wait3A_333 = tpu.memref_slice %arg6[%dma_wait3A_329, %dma_wait3A_330, %dma_wait3A_332] : memref<4x2x80xi32, #tpu.memory_space<vmem>> -> memref<1x1x80xi32, #tpu.memory_space<vmem>>
      %dma_wait3A_334 = tpu.memref_squeeze %dma_wait3A_333 : memref<1x1x80xi32, #tpu.memory_space<vmem>> -> memref<80xi32, #tpu.memory_space<vmem>>
      %dma_wait3A_335 = arith.constant 0 : i32
      %dma_wait3A_336 = tpu.memref_slice %arg3[%add3A, %add3A_311, %dma_wait3A_335] : memref<32x128x80xi32, #tpu.memory_space<hbm>> -> memref<1x1x80xi32, #tpu.memory_space<hbm>>
      %dma_wait3A_337 = tpu.memref_squeeze %dma_wait3A_336 : memref<1x1x80xi32, #tpu.memory_space<hbm>> -> memref<80xi32, #tpu.memory_space<hbm>>
      %dma_wait3A_338 = tpu.memref_slice %arg11[%dma_wait3A_331] : memref<4x!tpu.dma_semaphore, #tpu.memory_space<semaphore_mem>> -> memref<1x!tpu.dma_semaphore, #tpu.memory_space<semaphore_mem>>
      %dma_wait3A_339 = tpu.memref_squeeze %dma_wait3A_338 : memref<1x!tpu.dma_semaphore, #tpu.memory_space<semaphore_mem>> -> memref<!tpu.dma_semaphore, #tpu.memory_space<semaphore_mem>>
      %dma_wait3A_340 = arith.constant 0 : i32
      %dma_wait3A_341 = tpu.memref_slice %arg6[%dma_wait3A_329, %dma_wait3A_330, %dma_wait3A_340] : memref<4x2x80xi32, #tpu.memory_space<vmem>> -> memref<1x1x80xi32, #tpu.memory_space<vmem>>
      %dma_wait3A_342 = tpu.memref_squeeze %dma_wait3A_341 : memref<1x1x80xi32, #tpu.memory_space<vmem>> -> memref<80xi32, #tpu.memory_space<vmem>>
      %dma_wait3A_343 = arith.constant 0 : i32
      %dma_wait3A_344 = tpu.memref_slice %arg3[%add3A, %add3A_311, %dma_wait3A_343] : memref<32x128x80xi32, #tpu.memory_space<hbm>> -> memref<1x1x80xi32, #tpu.memory_space<hbm>>
      %dma_wait3A_345 = tpu.memref_squeeze %dma_wait3A_344 : memref<1x1x80xi32, #tpu.memory_space<hbm>> -> memref<80xi32, #tpu.memory_space<hbm>>
      tpu.wait_dma2 semaphore(%dma_wait3A_339 : memref<!tpu.dma_semaphore, #tpu.memory_space<semaphore_mem>>) src(%dma_wait3A_345 : memref<80xi32, #tpu.memory_space<hbm>>) dst(%dma_wait3A_342 : memref<80xi32, #tpu.memory_space<vmem>>)
      %dma_wait3A_346 = arith.constant 2 : i32
      %dma_wait3A_347 = arith.constant 0 : i32
      %dma_wait3A_348 = arith.constant 0 : i32
      %dma_wait3A_349 = arith.constant 0 : i32
      %dma_wait3A_350 = arith.constant 0 : i32
      %dma_wait3A_351 = arith.constant 0 : i32
      %dma_wait3A_352 = tpu.memref_slice %arg7[%dma_wait3A_348, %dma_wait3A_350, %dma_wait3A_351] : memref<2x80x128xf32, #tpu.memory_space<vmem>> -> memref<1x80x128xf32, #tpu.memory_space<vmem>>
      %dma_wait3A_353 = tpu.memref_squeeze %dma_wait3A_352 : memref<1x80x128xf32, #tpu.memory_space<vmem>> -> memref<80x128xf32, #tpu.memory_space<vmem>>
      %dma_wait3A_354 = arith.constant 0 : i32
      %dma_wait3A_355 = tpu.memref_slice %arg6[%dma_wait3A_346, %dma_wait3A_347, %dma_wait3A_354] : memref<4x2x80xi32, #tpu.memory_space<vmem>> -> memref<1x1x80xi32, #tpu.memory_space<vmem>>
      %dma_wait3A_356 = tpu.memref_squeeze %dma_wait3A_355 : memref<1x1x80xi32, #tpu.memory_space<vmem>> -> memref<80xi32, #tpu.memory_space<vmem>>
      %dma_wait3A_357 = arith.constant 0 : i32
      %dma_wait3A_358 = arith.constant 0 : i32
      %dma_wait3A_359 = tpu.memref_slice %arg4[%dma_wait3A_357, %dma_wait3A_358] : memref<10240x128xf32, #tpu.memory_space<hbm>> -> memref<10240x128xf32, #tpu.memory_space<hbm>>
      %dma_wait3A_360 = tpu.memref_slice %arg9[%dma_wait3A_349] : memref<2x!tpu.dma_semaphore, #tpu.memory_space<semaphore_mem>> -> memref<1x!tpu.dma_semaphore, #tpu.memory_space<semaphore_mem>>
      %dma_wait3A_361 = tpu.memref_squeeze %dma_wait3A_360 : memref<1x!tpu.dma_semaphore, #tpu.memory_space<semaphore_mem>> -> memref<!tpu.dma_semaphore, #tpu.memory_space<semaphore_mem>>
      tpu.wait_indirect_dma semaphore(%dma_wait3A_361 : memref<!tpu.dma_semaphore, #tpu.memory_space<semaphore_mem>>) src(%dma_wait3A_359 : memref<10240x128xf32, #tpu.memory_space<hbm>>) dst(%dma_wait3A_353 : memref<80x128xf32, #tpu.memory_space<vmem>>)
      %dma_wait3A_362 = arith.constant 1 : i32
      %dma_wait3A_363 = arith.constant 1 : i32
      %dma_wait3A_364 = arith.constant 1 : i32
      %dma_wait3A_365 = arith.constant 1 : i32
      %dma_wait3A_366 = arith.constant 0 : i32
      %dma_wait3A_367 = arith.constant 0 : i32
      %dma_wait3A_368 = tpu.memref_slice %arg7[%dma_wait3A_362, %dma_wait3A_366, %dma_wait3A_367] : memref<2x80x128xf32, #tpu.memory_space<vmem>> -> memref<1x80x128xf32, #tpu.memory_space<vmem>>
      %dma_wait3A_369 = tpu.memref_squeeze %dma_wait3A_368 : memref<1x80x128xf32, #tpu.memory_space<vmem>> -> memref<80x128xf32, #tpu.memory_space<vmem>>
      %dma_wait3A_370 = arith.constant 0 : i32
      %dma_wait3A_371 = tpu.memref_slice %arg6[%dma_wait3A_363, %dma_wait3A_364, %dma_wait3A_370] : memref<4x2x80xi32, #tpu.memory_space<vmem>> -> memref<1x1x80xi32, #tpu.memory_space<vmem>>
      %dma_wait3A_372 = tpu.memref_squeeze %dma_wait3A_371 : memref<1x1x80xi32, #tpu.memory_space<vmem>> -> memref<80xi32, #tpu.memory_space<vmem>>
      %dma_wait3A_373 = arith.constant 0 : i32
      %dma_wait3A_374 = arith.constant 0 : i32
      %dma_wait3A_375 = tpu.memref_slice %arg8[%dma_wait3A_373, %dma_wait3A_374] : memref<10240x128xf32, #tpu.memory_space<vmem_shared>> -> memref<10240x128xf32, #tpu.memory_space<vmem_shared>>
      %dma_wait3A_376 = tpu.memref_slice %arg10[%dma_wait3A_365] : memref<2x!tpu.dma_semaphore, #tpu.memory_space<semaphore_mem>> -> memref<1x!tpu.dma_semaphore, #tpu.memory_space<semaphore_mem>>
      %dma_wait3A_377 = tpu.memref_squeeze %dma_wait3A_376 : memref<1x!tpu.dma_semaphore, #tpu.memory_space<semaphore_mem>> -> memref<!tpu.dma_semaphore, #tpu.memory_space<semaphore_mem>>
      tpu.wait_indirect_dma semaphore(%dma_wait3A_377 : memref<!tpu.dma_semaphore, #tpu.memory_space<semaphore_mem>>) src(%dma_wait3A_369 : memref<80x128xf32, #tpu.memory_space<vmem>>) dst(%dma_wait3A_375 : memref<10240x128xf32, #tpu.memory_space<vmem_shared>>)
      %dma_start3A_378 = arith.constant 3 : i32
      %dma_start3A_379 = arith.constant 0 : i32
      %dma_start3A_380 = arith.constant 1 : i32
      %dma_start3A_381 = arith.constant 1 : i32
      %dma_start3A_382 = arith.constant 0 : i32
      %dma_start3A_383 = arith.constant 0 : i32
      %dma_start3A_384 = tpu.memref_slice %arg7[%dma_start3A_380, %dma_start3A_382, %dma_start3A_383] : memref<2x80x128xf32, #tpu.memory_space<vmem>> -> memref<1x80x128xf32, #tpu.memory_space<vmem>>
      %dma_start3A_385 = tpu.memref_squeeze %dma_start3A_384 : memref<1x80x128xf32, #tpu.memory_space<vmem>> -> memref<80x128xf32, #tpu.memory_space<vmem>>
      %dma_start3A_386 = arith.constant 0 : i32
      %dma_start3A_387 = tpu.memref_slice %arg6[%dma_start3A_378, %dma_start3A_379, %dma_start3A_386] : memref<4x2x80xi32, #tpu.memory_space<vmem>> -> memref<1x1x80xi32, #tpu.memory_space<vmem>>
      %dma_start3A_388 = tpu.memref_squeeze %dma_start3A_387 : memref<1x1x80xi32, #tpu.memory_space<vmem>> -> memref<80xi32, #tpu.memory_space<vmem>>
      %dma_start3A_389 = arith.constant 0 : i32
      %dma_start3A_390 = arith.constant 0 : i32
      %dma_start3A_391 = tpu.memref_slice %arg4[%dma_start3A_389, %dma_start3A_390] : memref<10240x128xf32, #tpu.memory_space<hbm>> -> memref<10240x128xf32, #tpu.memory_space<hbm>>
      %dma_start3A_392 = tpu.memref_slice %arg9[%dma_start3A_381] : memref<2x!tpu.dma_semaphore, #tpu.memory_space<semaphore_mem>> -> memref<1x!tpu.dma_semaphore, #tpu.memory_space<semaphore_mem>>
      %dma_start3A_393 = tpu.memref_squeeze %dma_start3A_392 : memref<1x!tpu.dma_semaphore, #tpu.memory_space<semaphore_mem>> -> memref<!tpu.dma_semaphore, #tpu.memory_space<semaphore_mem>>
      tpu.enqueue_indirect_dma source(%dma_start3A_391 : memref<10240x128xf32, #tpu.memory_space<hbm>>) target(%dma_start3A_385 : memref<80x128xf32, #tpu.memory_space<vmem>>) offsets(%dma_start3A_388 : memref<80xi32, #tpu.memory_space<vmem>>) semaphore(%dma_start3A_393 : memref<!tpu.dma_semaphore, #tpu.memory_space<semaphore_mem>>)
      %dma_start3A_394 = arith.constant 0 : i32
      %dma_start3A_395 = arith.constant 2 : i32
      %dma_start3A_396 = arith.constant 1 : i32
      %dma_start3A_397 = arith.constant 0 : i32
      %dma_start3A_398 = arith.constant 0 : i32
      %dma_start3A_399 = arith.constant 0 : i32
      %dma_start3A_400 = tpu.memref_slice %arg7[%dma_start3A_394, %dma_start3A_398, %dma_start3A_399] : memref<2x80x128xf32, #tpu.memory_space<vmem>> -> memref<1x80x128xf32, #tpu.memory_space<vmem>>
      %dma_start3A_401 = tpu.memref_squeeze %dma_start3A_400 : memref<1x80x128xf32, #tpu.memory_space<vmem>> -> memref<80x128xf32, #tpu.memory_space<vmem>>
      %dma_start3A_402 = arith.constant 0 : i32
      %dma_start3A_403 = tpu.memref_slice %arg6[%dma_start3A_395, %dma_start3A_396, %dma_start3A_402] : memref<4x2x80xi32, #tpu.memory_space<vmem>> -> memref<1x1x80xi32, #tpu.memory_space<vmem>>
      %dma_start3A_404 = tpu.memref_squeeze %dma_start3A_403 : memref<1x1x80xi32, #tpu.memory_space<vmem>> -> memref<80xi32, #tpu.memory_space<vmem>>
      %dma_start3A_405 = arith.constant 0 : i32
      %dma_start3A_406 = arith.constant 0 : i32
      %dma_start3A_407 = tpu.memref_slice %arg8[%dma_start3A_405, %dma_start3A_406] : memref<10240x128xf32, #tpu.memory_space<vmem_shared>> -> memref<10240x128xf32, #tpu.memory_space<vmem_shared>>
      %dma_start3A_408 = tpu.memref_slice %arg10[%dma_start3A_397] : memref<2x!tpu.dma_semaphore, #tpu.memory_space<semaphore_mem>> -> memref<1x!tpu.dma_semaphore, #tpu.memory_space<semaphore_mem>>
      %dma_start3A_409 = tpu.memref_squeeze %dma_start3A_408 : memref<1x!tpu.dma_semaphore, #tpu.memory_space<semaphore_mem>> -> memref<!tpu.dma_semaphore, #tpu.memory_space<semaphore_mem>>
      tpu.enqueue_indirect_dma source(%dma_start3A_401 : memref<80x128xf32, #tpu.memory_space<vmem>>) target(%dma_start3A_407 : memref<10240x128xf32, #tpu.memory_space<vmem_shared>>) offsets(%dma_start3A_404 : memref<80xi32, #tpu.memory_space<vmem>>) semaphore(%dma_start3A_409 : memref<!tpu.dma_semaphore, #tpu.memory_space<semaphore_mem>>) {add = true}
      %mul3A_410 = arith.constant 4 : i32
      %mul3A_411 = arith.muli %mul3A_410, %scan3A_98 : i32
      %add3A_412 = arith.constant 3 : i32
      %add3A_413 = arith.addi %mul3A_411, %add3A_412 : i32
      %lt3A_414 = arith.constant 31 : i32
      %lt3A_415 = arith.cmpi slt, %scan3A_98, %lt3A_414 : i32
      %convert_element_type3A_416 = arith.extui %lt3A_415 : i1 to i32
      %cond3A_417 = arith.constant 0 : i32
      %cond3A_418 = arith.cmpi ne, %convert_element_type3A_416, %cond3A_417 : i32
      scf.if %cond3A_418 {
        %add3A_446 = arith.constant 2 : i32
        %add3A_447 = arith.addi %add3A_413, %add3A_446 : i32
        %dma_start3A_448 = arith.constant 1 : i32
        %dma_start3A_449 = arith.constant 0 : i32
        %dma_start3A_450 = arith.constant 1 : i32
        %dma_start3A_451 = arith.constant 0 : i32
        %dma_start3A_452 = tpu.memref_slice %arg6[%dma_start3A_448, %dma_start3A_449, %dma_start3A_451] : memref<4x2x80xi32, #tpu.memory_space<vmem>> -> memref<1x1x80xi32, #tpu.memory_space<vmem>>
        %dma_start3A_453 = tpu.memref_squeeze %dma_start3A_452 : memref<1x1x80xi32, #tpu.memory_space<vmem>> -> memref<80xi32, #tpu.memory_space<vmem>>
        %dma_start3A_454 = arith.constant 0 : i32
        %dma_start3A_455 = tpu.memref_slice %arg2[%add3A, %add3A_447, %dma_start3A_454] : memref<32x128x80xi32, #tpu.memory_space<hbm>> -> memref<1x1x80xi32, #tpu.memory_space<hbm>>
        %dma_start3A_456 = tpu.memref_squeeze %dma_start3A_455 : memref<1x1x80xi32, #tpu.memory_space<hbm>> -> memref<80xi32, #tpu.memory_space<hbm>>
        %dma_start3A_457 = tpu.memref_slice %arg11[%dma_start3A_450] : memref<4x!tpu.dma_semaphore, #tpu.memory_space<semaphore_mem>> -> memref<1x!tpu.dma_semaphore, #tpu.memory_space<semaphore_mem>>
        %dma_start3A_458 = tpu.memref_squeeze %dma_start3A_457 : memref<1x!tpu.dma_semaphore, #tpu.memory_space<semaphore_mem>> -> memref<!tpu.dma_semaphore, #tpu.memory_space<semaphore_mem>>
        %dma_start3A_459 = arith.constant 0 : i32
        %dma_start3A_460 = tpu.memref_slice %arg6[%dma_start3A_448, %dma_start3A_449, %dma_start3A_459] : memref<4x2x80xi32, #tpu.memory_space<vmem>> -> memref<1x1x80xi32, #tpu.memory_space<vmem>>
        %dma_start3A_461 = tpu.memref_squeeze %dma_start3A_460 : memref<1x1x80xi32, #tpu.memory_space<vmem>> -> memref<80xi32, #tpu.memory_space<vmem>>
        %dma_start3A_462 = arith.constant 0 : i32
        %dma_start3A_463 = tpu.memref_slice %arg2[%add3A, %add3A_447, %dma_start3A_462] : memref<32x128x80xi32, #tpu.memory_space<hbm>> -> memref<1x1x80xi32, #tpu.memory_space<hbm>>
        %dma_start3A_464 = tpu.memref_squeeze %dma_start3A_463 : memref<1x1x80xi32, #tpu.memory_space<hbm>> -> memref<80xi32, #tpu.memory_space<hbm>>
        tpu.enqueue_dma source(%dma_start3A_464 : memref<80xi32, #tpu.memory_space<hbm>>) target(%dma_start3A_461 : memref<80xi32, #tpu.memory_space<vmem>>) target_semaphore(%dma_start3A_458 : memref<!tpu.dma_semaphore, #tpu.memory_space<semaphore_mem>>)
        %dma_start3A_465 = arith.constant 1 : i32
        %dma_start3A_466 = arith.constant 1 : i32
        %dma_start3A_467 = arith.constant 1 : i32
        %dma_start3A_468 = arith.constant 0 : i32
        %dma_start3A_469 = tpu.memref_slice %arg6[%dma_start3A_465, %dma_start3A_466, %dma_start3A_468] : memref<4x2x80xi32, #tpu.memory_space<vmem>> -> memref<1x1x80xi32, #tpu.memory_space<vmem>>
        %dma_start3A_470 = tpu.memref_squeeze %dma_start3A_469 : memref<1x1x80xi32, #tpu.memory_space<vmem>> -> memref<80xi32, #tpu.memory_space<vmem>>
        %dma_start3A_471 = arith.constant 0 : i32
        %dma_start3A_472 = tpu.memref_slice %arg3[%add3A, %add3A_447, %dma_start3A_471] : memref<32x128x80xi32, #tpu.memory_space<hbm>> -> memref<1x1x80xi32, #tpu.memory_space<hbm>>
        %dma_start3A_473 = tpu.memref_squeeze %dma_start3A_472 : memref<1x1x80xi32, #tpu.memory_space<hbm>> -> memref<80xi32, #tpu.memory_space<hbm>>
        %dma_start3A_474 = tpu.memref_slice %arg11[%dma_start3A_467] : memref<4x!tpu.dma_semaphore, #tpu.memory_space<semaphore_mem>> -> memref<1x!tpu.dma_semaphore, #tpu.memory_space<semaphore_mem>>
        %dma_start3A_475 = tpu.memref_squeeze %dma_start3A_474 : memref<1x!tpu.dma_semaphore, #tpu.memory_space<semaphore_mem>> -> memref<!tpu.dma_semaphore, #tpu.memory_space<semaphore_mem>>
        %dma_start3A_476 = arith.constant 0 : i32
        %dma_start3A_477 = tpu.memref_slice %arg6[%dma_start3A_465, %dma_start3A_466, %dma_start3A_476] : memref<4x2x80xi32, #tpu.memory_space<vmem>> -> memref<1x1x80xi32, #tpu.memory_space<vmem>>
        %dma_start3A_478 = tpu.memref_squeeze %dma_start3A_477 : memref<1x1x80xi32, #tpu.memory_space<vmem>> -> memref<80xi32, #tpu.memory_space<vmem>>
        %dma_start3A_479 = arith.constant 0 : i32
        %dma_start3A_480 = tpu.memref_slice %arg3[%add3A, %add3A_447, %dma_start3A_479] : memref<32x128x80xi32, #tpu.memory_space<hbm>> -> memref<1x1x80xi32, #tpu.memory_space<hbm>>
        %dma_start3A_481 = tpu.memref_squeeze %dma_start3A_480 : memref<1x1x80xi32, #tpu.memory_space<hbm>> -> memref<80xi32, #tpu.memory_space<hbm>>
        tpu.enqueue_dma source(%dma_start3A_481 : memref<80xi32, #tpu.memory_space<hbm>>) target(%dma_start3A_478 : memref<80xi32, #tpu.memory_space<vmem>>) target_semaphore(%dma_start3A_475 : memref<!tpu.dma_semaphore, #tpu.memory_space<semaphore_mem>>)
      } else {
      }
      %lt3A_419 = arith.constant 31 : i32
      %lt3A_420 = arith.cmpi slt, %scan3A_98, %lt3A_419 : i32
      %convert_element_type3A_421 = arith.extui %lt3A_420 : i1 to i32
      %cond3A_422 = arith.constant 0 : i32
      %cond3A_423 = arith.cmpi ne, %convert_element_type3A_421, %cond3A_422 : i32
      scf.if %cond3A_423 {
        %add3A_446 = arith.constant 1 : i32
        %add3A_447 = arith.addi %add3A_413, %add3A_446 : i32
        %dma_wait3A_448 = arith.constant 0 : i32
        %dma_wait3A_449 = arith.constant 0 : i32
        %dma_wait3A_450 = arith.constant 0 : i32
        %dma_wait3A_451 = arith.constant 0 : i32
        %dma_wait3A_452 = tpu.memref_slice %arg6[%dma_wait3A_448, %dma_wait3A_449, %dma_wait3A_451] : memref<4x2x80xi32, #tpu.memory_space<vmem>> -> memref<1x1x80xi32, #tpu.memory_space<vmem>>
        %dma_wait3A_453 = tpu.memref_squeeze %dma_wait3A_452 : memref<1x1x80xi32, #tpu.memory_space<vmem>> -> memref<80xi32, #tpu.memory_space<vmem>>
        %dma_wait3A_454 = arith.constant 0 : i32
        %dma_wait3A_455 = tpu.memref_slice %arg2[%add3A, %add3A_447, %dma_wait3A_454] : memref<32x128x80xi32, #tpu.memory_space<hbm>> -> memref<1x1x80xi32, #tpu.memory_space<hbm>>
        %dma_wait3A_456 = tpu.memref_squeeze %dma_wait3A_455 : memref<1x1x80xi32, #tpu.memory_space<hbm>> -> memref<80xi32, #tpu.memory_space<hbm>>
        %dma_wait3A_457 = tpu.memref_slice %arg11[%dma_wait3A_450] : memref<4x!tpu.dma_semaphore, #tpu.memory_space<semaphore_mem>> -> memref<1x!tpu.dma_semaphore, #tpu.memory_space<semaphore_mem>>
        %dma_wait3A_458 = tpu.memref_squeeze %dma_wait3A_457 : memref<1x!tpu.dma_semaphore, #tpu.memory_space<semaphore_mem>> -> memref<!tpu.dma_semaphore, #tpu.memory_space<semaphore_mem>>
        %dma_wait3A_459 = arith.constant 0 : i32
        %dma_wait3A_460 = tpu.memref_slice %arg6[%dma_wait3A_448, %dma_wait3A_449, %dma_wait3A_459] : memref<4x2x80xi32, #tpu.memory_space<vmem>> -> memref<1x1x80xi32, #tpu.memory_space<vmem>>
        %dma_wait3A_461 = tpu.memref_squeeze %dma_wait3A_460 : memref<1x1x80xi32, #tpu.memory_space<vmem>> -> memref<80xi32, #tpu.memory_space<vmem>>
        %dma_wait3A_462 = arith.constant 0 : i32
        %dma_wait3A_463 = tpu.memref_slice %arg2[%add3A, %add3A_447, %dma_wait3A_462] : memref<32x128x80xi32, #tpu.memory_space<hbm>> -> memref<1x1x80xi32, #tpu.memory_space<hbm>>
        %dma_wait3A_464 = tpu.memref_squeeze %dma_wait3A_463 : memref<1x1x80xi32, #tpu.memory_space<hbm>> -> memref<80xi32, #tpu.memory_space<hbm>>
        tpu.wait_dma2 semaphore(%dma_wait3A_458 : memref<!tpu.dma_semaphore, #tpu.memory_space<semaphore_mem>>) src(%dma_wait3A_464 : memref<80xi32, #tpu.memory_space<hbm>>) dst(%dma_wait3A_461 : memref<80xi32, #tpu.memory_space<vmem>>)
        %dma_wait3A_465 = arith.constant 0 : i32
        %dma_wait3A_466 = arith.constant 1 : i32
        %dma_wait3A_467 = arith.constant 0 : i32
        %dma_wait3A_468 = arith.constant 0 : i32
        %dma_wait3A_469 = tpu.memref_slice %arg6[%dma_wait3A_465, %dma_wait3A_466, %dma_wait3A_468] : memref<4x2x80xi32, #tpu.memory_space<vmem>> -> memref<1x1x80xi32, #tpu.memory_space<vmem>>
        %dma_wait3A_470 = tpu.memref_squeeze %dma_wait3A_469 : memref<1x1x80xi32, #tpu.memory_space<vmem>> -> memref<80xi32, #tpu.memory_space<vmem>>
        %dma_wait3A_471 = arith.constant 0 : i32
        %dma_wait3A_472 = tpu.memref_slice %arg3[%add3A, %add3A_447, %dma_wait3A_471] : memref<32x128x80xi32, #tpu.memory_space<hbm>> -> memref<1x1x80xi32, #tpu.memory_space<hbm>>
        %dma_wait3A_473 = tpu.memref_squeeze %dma_wait3A_472 : memref<1x1x80xi32, #tpu.memory_space<hbm>> -> memref<80xi32, #tpu.memory_space<hbm>>
        %dma_wait3A_474 = tpu.memref_slice %arg11[%dma_wait3A_467] : memref<4x!tpu.dma_semaphore, #tpu.memory_space<semaphore_mem>> -> memref<1x!tpu.dma_semaphore, #tpu.memory_space<semaphore_mem>>
        %dma_wait3A_475 = tpu.memref_squeeze %dma_wait3A_474 : memref<1x!tpu.dma_semaphore, #tpu.memory_space<semaphore_mem>> -> memref<!tpu.dma_semaphore, #tpu.memory_space<semaphore_mem>>
        %dma_wait3A_476 = arith.constant 0 : i32
        %dma_wait3A_477 = tpu.memref_slice %arg6[%dma_wait3A_465, %dma_wait3A_466, %dma_wait3A_476] : memref<4x2x80xi32, #tpu.memory_space<vmem>> -> memref<1x1x80xi32, #tpu.memory_space<vmem>>
        %dma_wait3A_478 = tpu.memref_squeeze %dma_wait3A_477 : memref<1x1x80xi32, #tpu.memory_space<vmem>> -> memref<80xi32, #tpu.memory_space<vmem>>
        %dma_wait3A_479 = arith.constant 0 : i32
        %dma_wait3A_480 = tpu.memref_slice %arg3[%add3A, %add3A_447, %dma_wait3A_479] : memref<32x128x80xi32, #tpu.memory_space<hbm>> -> memref<1x1x80xi32, #tpu.memory_space<hbm>>
        %dma_wait3A_481 = tpu.memref_squeeze %dma_wait3A_480 : memref<1x1x80xi32, #tpu.memory_space<hbm>> -> memref<80xi32, #tpu.memory_space<hbm>>
        tpu.wait_dma2 semaphore(%dma_wait3A_475 : memref<!tpu.dma_semaphore, #tpu.memory_space<semaphore_mem>>) src(%dma_wait3A_481 : memref<80xi32, #tpu.memory_space<hbm>>) dst(%dma_wait3A_478 : memref<80xi32, #tpu.memory_space<vmem>>)
        %dma_wait3A_482 = arith.constant 3 : i32
        %dma_wait3A_483 = arith.constant 0 : i32
        %dma_wait3A_484 = arith.constant 1 : i32
        %dma_wait3A_485 = arith.constant 1 : i32
        %dma_wait3A_486 = arith.constant 0 : i32
        %dma_wait3A_487 = arith.constant 0 : i32
        %dma_wait3A_488 = tpu.memref_slice %arg7[%dma_wait3A_484, %dma_wait3A_486, %dma_wait3A_487] : memref<2x80x128xf32, #tpu.memory_space<vmem>> -> memref<1x80x128xf32, #tpu.memory_space<vmem>>
        %dma_wait3A_489 = tpu.memref_squeeze %dma_wait3A_488 : memref<1x80x128xf32, #tpu.memory_space<vmem>> -> memref<80x128xf32, #tpu.memory_space<vmem>>
        %dma_wait3A_490 = arith.constant 0 : i32
        %dma_wait3A_491 = tpu.memref_slice %arg6[%dma_wait3A_482, %dma_wait3A_483, %dma_wait3A_490] : memref<4x2x80xi32, #tpu.memory_space<vmem>> -> memref<1x1x80xi32, #tpu.memory_space<vmem>>
        %dma_wait3A_492 = tpu.memref_squeeze %dma_wait3A_491 : memref<1x1x80xi32, #tpu.memory_space<vmem>> -> memref<80xi32, #tpu.memory_space<vmem>>
        %dma_wait3A_493 = arith.constant 0 : i32
        %dma_wait3A_494 = arith.constant 0 : i32
        %dma_wait3A_495 = tpu.memref_slice %arg4[%dma_wait3A_493, %dma_wait3A_494] : memref<10240x128xf32, #tpu.memory_space<hbm>> -> memref<10240x128xf32, #tpu.memory_space<hbm>>
        %dma_wait3A_496 = tpu.memref_slice %arg9[%dma_wait3A_485] : memref<2x!tpu.dma_semaphore, #tpu.memory_space<semaphore_mem>> -> memref<1x!tpu.dma_semaphore, #tpu.memory_space<semaphore_mem>>
        %dma_wait3A_497 = tpu.memref_squeeze %dma_wait3A_496 : memref<1x!tpu.dma_semaphore, #tpu.memory_space<semaphore_mem>> -> memref<!tpu.dma_semaphore, #tpu.memory_space<semaphore_mem>>
        tpu.wait_indirect_dma semaphore(%dma_wait3A_497 : memref<!tpu.dma_semaphore, #tpu.memory_space<semaphore_mem>>) src(%dma_wait3A_495 : memref<10240x128xf32, #tpu.memory_space<hbm>>) dst(%dma_wait3A_489 : memref<80x128xf32, #tpu.memory_space<vmem>>)
        %dma_wait3A_498 = arith.constant 0 : i32
        %dma_wait3A_499 = arith.constant 2 : i32
        %dma_wait3A_500 = arith.constant 1 : i32
        %dma_wait3A_501 = arith.constant 0 : i32
        %dma_wait3A_502 = arith.constant 0 : i32
        %dma_wait3A_503 = arith.constant 0 : i32
        %dma_wait3A_504 = tpu.memref_slice %arg7[%dma_wait3A_498, %dma_wait3A_502, %dma_wait3A_503] : memref<2x80x128xf32, #tpu.memory_space<vmem>> -> memref<1x80x128xf32, #tpu.memory_space<vmem>>
        %dma_wait3A_505 = tpu.memref_squeeze %dma_wait3A_504 : memref<1x80x128xf32, #tpu.memory_space<vmem>> -> memref<80x128xf32, #tpu.memory_space<vmem>>
        %dma_wait3A_506 = arith.constant 0 : i32
        %dma_wait3A_507 = tpu.memref_slice %arg6[%dma_wait3A_499, %dma_wait3A_500, %dma_wait3A_506] : memref<4x2x80xi32, #tpu.memory_space<vmem>> -> memref<1x1x80xi32, #tpu.memory_space<vmem>>
        %dma_wait3A_508 = tpu.memref_squeeze %dma_wait3A_507 : memref<1x1x80xi32, #tpu.memory_space<vmem>> -> memref<80xi32, #tpu.memory_space<vmem>>
        %dma_wait3A_509 = arith.constant 0 : i32
        %dma_wait3A_510 = arith.constant 0 : i32
        %dma_wait3A_511 = tpu.memref_slice %arg8[%dma_wait3A_509, %dma_wait3A_510] : memref<10240x128xf32, #tpu.memory_space<vmem_shared>> -> memref<10240x128xf32, #tpu.memory_space<vmem_shared>>
        %dma_wait3A_512 = tpu.memref_slice %arg10[%dma_wait3A_501] : memref<2x!tpu.dma_semaphore, #tpu.memory_space<semaphore_mem>> -> memref<1x!tpu.dma_semaphore, #tpu.memory_space<semaphore_mem>>
        %dma_wait3A_513 = tpu.memref_squeeze %dma_wait3A_512 : memref<1x!tpu.dma_semaphore, #tpu.memory_space<semaphore_mem>> -> memref<!tpu.dma_semaphore, #tpu.memory_space<semaphore_mem>>
        tpu.wait_indirect_dma semaphore(%dma_wait3A_513 : memref<!tpu.dma_semaphore, #tpu.memory_space<semaphore_mem>>) src(%dma_wait3A_505 : memref<80x128xf32, #tpu.memory_space<vmem>>) dst(%dma_wait3A_511 : memref<10240x128xf32, #tpu.memory_space<vmem_shared>>)
        %dma_start3A_514 = arith.constant 0 : i32
        %dma_start3A_515 = arith.constant 0 : i32
        %dma_start3A_516 = arith.constant 0 : i32
        %dma_start3A_517 = arith.constant 0 : i32
        %dma_start3A_518 = arith.constant 0 : i32
        %dma_start3A_519 = arith.constant 0 : i32
        %dma_start3A_520 = tpu.memref_slice %arg7[%dma_start3A_516, %dma_start3A_518, %dma_start3A_519] : memref<2x80x128xf32, #tpu.memory_space<vmem>> -> memref<1x80x128xf32, #tpu.memory_space<vmem>>
        %dma_start3A_521 = tpu.memref_squeeze %dma_start3A_520 : memref<1x80x128xf32, #tpu.memory_space<vmem>> -> memref<80x128xf32, #tpu.memory_space<vmem>>
        %dma_start3A_522 = arith.constant 0 : i32
        %dma_start3A_523 = tpu.memref_slice %arg6[%dma_start3A_514, %dma_start3A_515, %dma_start3A_522] : memref<4x2x80xi32, #tpu.memory_space<vmem>> -> memref<1x1x80xi32, #tpu.memory_space<vmem>>
        %dma_start3A_524 = tpu.memref_squeeze %dma_start3A_523 : memref<1x1x80xi32, #tpu.memory_space<vmem>> -> memref<80xi32, #tpu.memory_space<vmem>>
        %dma_start3A_525 = arith.constant 0 : i32
        %dma_start3A_526 = arith.constant 0 : i32
        %dma_start3A_527 = tpu.memref_slice %arg4[%dma_start3A_525, %dma_start3A_526] : memref<10240x128xf32, #tpu.memory_space<hbm>> -> memref<10240x128xf32, #tpu.memory_space<hbm>>
        %dma_start3A_528 = tpu.memref_slice %arg9[%dma_start3A_517] : memref<2x!tpu.dma_semaphore, #tpu.memory_space<semaphore_mem>> -> memref<1x!tpu.dma_semaphore, #tpu.memory_space<semaphore_mem>>
        %dma_start3A_529 = tpu.memref_squeeze %dma_start3A_528 : memref<1x!tpu.dma_semaphore, #tpu.memory_space<semaphore_mem>> -> memref<!tpu.dma_semaphore, #tpu.memory_space<semaphore_mem>>
        tpu.enqueue_indirect_dma source(%dma_start3A_527 : memref<10240x128xf32, #tpu.memory_space<hbm>>) target(%dma_start3A_521 : memref<80x128xf32, #tpu.memory_space<vmem>>) offsets(%dma_start3A_524 : memref<80xi32, #tpu.memory_space<vmem>>) semaphore(%dma_start3A_529 : memref<!tpu.dma_semaphore, #tpu.memory_space<semaphore_mem>>)
      } else {
      }
      %eq3A_424 = arith.constant 31 : i32
      %eq3A_425 = arith.cmpi eq, %scan3A_98, %eq3A_424 : i32
      %convert_element_type3A_426 = arith.extui %eq3A_425 : i1 to i32
      %cond3A_427 = arith.constant 0 : i32
      %cond3A_428 = arith.cmpi ne, %convert_element_type3A_426, %cond3A_427 : i32
      scf.if %cond3A_428 {
        %dma_wait3A_446 = arith.constant 3 : i32
        %dma_wait3A_447 = arith.constant 0 : i32
        %dma_wait3A_448 = arith.constant 1 : i32
        %dma_wait3A_449 = arith.constant 1 : i32
        %dma_wait3A_450 = arith.constant 0 : i32
        %dma_wait3A_451 = arith.constant 0 : i32
        %dma_wait3A_452 = tpu.memref_slice %arg7[%dma_wait3A_448, %dma_wait3A_450, %dma_wait3A_451] : memref<2x80x128xf32, #tpu.memory_space<vmem>> -> memref<1x80x128xf32, #tpu.memory_space<vmem>>
        %dma_wait3A_453 = tpu.memref_squeeze %dma_wait3A_452 : memref<1x80x128xf32, #tpu.memory_space<vmem>> -> memref<80x128xf32, #tpu.memory_space<vmem>>
        %dma_wait3A_454 = arith.constant 0 : i32
        %dma_wait3A_455 = tpu.memref_slice %arg6[%dma_wait3A_446, %dma_wait3A_447, %dma_wait3A_454] : memref<4x2x80xi32, #tpu.memory_space<vmem>> -> memref<1x1x80xi32, #tpu.memory_space<vmem>>
        %dma_wait3A_456 = tpu.memref_squeeze %dma_wait3A_455 : memref<1x1x80xi32, #tpu.memory_space<vmem>> -> memref<80xi32, #tpu.memory_space<vmem>>
        %dma_wait3A_457 = arith.constant 0 : i32
        %dma_wait3A_458 = arith.constant 0 : i32
        %dma_wait3A_459 = tpu.memref_slice %arg4[%dma_wait3A_457, %dma_wait3A_458] : memref<10240x128xf32, #tpu.memory_space<hbm>> -> memref<10240x128xf32, #tpu.memory_space<hbm>>
        %dma_wait3A_460 = tpu.memref_slice %arg9[%dma_wait3A_449] : memref<2x!tpu.dma_semaphore, #tpu.memory_space<semaphore_mem>> -> memref<1x!tpu.dma_semaphore, #tpu.memory_space<semaphore_mem>>
        %dma_wait3A_461 = tpu.memref_squeeze %dma_wait3A_460 : memref<1x!tpu.dma_semaphore, #tpu.memory_space<semaphore_mem>> -> memref<!tpu.dma_semaphore, #tpu.memory_space<semaphore_mem>>
        tpu.wait_indirect_dma semaphore(%dma_wait3A_461 : memref<!tpu.dma_semaphore, #tpu.memory_space<semaphore_mem>>) src(%dma_wait3A_459 : memref<10240x128xf32, #tpu.memory_space<hbm>>) dst(%dma_wait3A_453 : memref<80x128xf32, #tpu.memory_space<vmem>>)
        %dma_wait3A_462 = arith.constant 0 : i32
        %dma_wait3A_463 = arith.constant 2 : i32
        %dma_wait3A_464 = arith.constant 1 : i32
        %dma_wait3A_465 = arith.constant 0 : i32
        %dma_wait3A_466 = arith.constant 0 : i32
        %dma_wait3A_467 = arith.constant 0 : i32
        %dma_wait3A_468 = tpu.memref_slice %arg7[%dma_wait3A_462, %dma_wait3A_466, %dma_wait3A_467] : memref<2x80x128xf32, #tpu.memory_space<vmem>> -> memref<1x80x128xf32, #tpu.memory_space<vmem>>
        %dma_wait3A_469 = tpu.memref_squeeze %dma_wait3A_468 : memref<1x80x128xf32, #tpu.memory_space<vmem>> -> memref<80x128xf32, #tpu.memory_space<vmem>>
        %dma_wait3A_470 = arith.constant 0 : i32
        %dma_wait3A_471 = tpu.memref_slice %arg6[%dma_wait3A_463, %dma_wait3A_464, %dma_wait3A_470] : memref<4x2x80xi32, #tpu.memory_space<vmem>> -> memref<1x1x80xi32, #tpu.memory_space<vmem>>
        %dma_wait3A_472 = tpu.memref_squeeze %dma_wait3A_471 : memref<1x1x80xi32, #tpu.memory_space<vmem>> -> memref<80xi32, #tpu.memory_space<vmem>>
        %dma_wait3A_473 = arith.constant 0 : i32
        %dma_wait3A_474 = arith.constant 0 : i32
        %dma_wait3A_475 = tpu.memref_slice %arg8[%dma_wait3A_473, %dma_wait3A_474] : memref<10240x128xf32, #tpu.memory_space<vmem_shared>> -> memref<10240x128xf32, #tpu.memory_space<vmem_shared>>
        %dma_wait3A_476 = tpu.memref_slice %arg10[%dma_wait3A_465] : memref<2x!tpu.dma_semaphore, #tpu.memory_space<semaphore_mem>> -> memref<1x!tpu.dma_semaphore, #tpu.memory_space<semaphore_mem>>
        %dma_wait3A_477 = tpu.memref_squeeze %dma_wait3A_476 : memref<1x!tpu.dma_semaphore, #tpu.memory_space<semaphore_mem>> -> memref<!tpu.dma_semaphore, #tpu.memory_space<semaphore_mem>>
        tpu.wait_indirect_dma semaphore(%dma_wait3A_477 : memref<!tpu.dma_semaphore, #tpu.memory_space<semaphore_mem>>) src(%dma_wait3A_469 : memref<80x128xf32, #tpu.memory_space<vmem>>) dst(%dma_wait3A_475 : memref<10240x128xf32, #tpu.memory_space<vmem_shared>>)
      } else {
      }
      %dma_start3A_429 = arith.constant 1 : i32
      %dma_start3A_430 = arith.constant 3 : i32
      %dma_start3A_431 = arith.constant 1 : i32
      %dma_start3A_432 = arith.constant 1 : i32
      %dma_start3A_433 = arith.constant 0 : i32
      %dma_start3A_434 = arith.constant 0 : i32
      %dma_start3A_435 = tpu.memref_slice %arg7[%dma_start3A_429, %dma_start3A_433, %dma_start3A_434] : memref<2x80x128xf32, #tpu.memory_space<vmem>> -> memref<1x80x128xf32, #tpu.memory_space<vmem>>
      %dma_start3A_436 = tpu.memref_squeeze %dma_start3A_435 : memref<1x80x128xf32, #tpu.memory_space<vmem>> -> memref<80x128xf32, #tpu.memory_space<vmem>>
      %dma_start3A_437 = arith.constant 0 : i32
      %dma_start3A_438 = tpu.memref_slice %arg6[%dma_start3A_430, %dma_start3A_431, %dma_start3A_437] : memref<4x2x80xi32, #tpu.memory_space<vmem>> -> memref<1x1x80xi32, #tpu.memory_space<vmem>>
      %dma_start3A_439 = tpu.memref_squeeze %dma_start3A_438 : memref<1x1x80xi32, #tpu.memory_space<vmem>> -> memref<80xi32, #tpu.memory_space<vmem>>
      %dma_start3A_440 = arith.constant 0 : i32
      %dma_start3A_441 = arith.constant 0 : i32
      %dma_start3A_442 = tpu.memref_slice %arg8[%dma_start3A_440, %dma_start3A_441] : memref<10240x128xf32, #tpu.memory_space<vmem_shared>> -> memref<10240x128xf32, #tpu.memory_space<vmem_shared>>
      %dma_start3A_443 = tpu.memref_slice %arg10[%dma_start3A_432] : memref<2x!tpu.dma_semaphore, #tpu.memory_space<semaphore_mem>> -> memref<1x!tpu.dma_semaphore, #tpu.memory_space<semaphore_mem>>
      %dma_start3A_444 = tpu.memref_squeeze %dma_start3A_443 : memref<1x!tpu.dma_semaphore, #tpu.memory_space<semaphore_mem>> -> memref<!tpu.dma_semaphore, #tpu.memory_space<semaphore_mem>>
      tpu.enqueue_indirect_dma source(%dma_start3A_436 : memref<80x128xf32, #tpu.memory_space<vmem>>) target(%dma_start3A_442 : memref<10240x128xf32, #tpu.memory_space<vmem_shared>>) offsets(%dma_start3A_439 : memref<80xi32, #tpu.memory_space<vmem>>) semaphore(%dma_start3A_444 : memref<!tpu.dma_semaphore, #tpu.memory_space<semaphore_mem>>) {add = true}
      %scan3A_445 = arith.constant 0 : i32
      scf.yield %scan3A_445 : i32
    }
    %scan3A_77 = arith.constant 32 : i32
    %dma_wait3A = arith.constant 1 : i32
    %dma_wait3A_78 = arith.constant 3 : i32
    %dma_wait3A_79 = arith.constant 1 : i32
    %dma_wait3A_80 = arith.constant 1 : i32
    %dma_wait3A_81 = arith.constant 0 : i32
    %dma_wait3A_82 = arith.constant 0 : i32
    %dma_wait3A_83 = tpu.memref_slice %arg7[%dma_wait3A, %dma_wait3A_81, %dma_wait3A_82] : memref<2x80x128xf32, #tpu.memory_space<vmem>> -> memref<1x80x128xf32, #tpu.memory_space<vmem>>
    %dma_wait3A_84 = tpu.memref_squeeze %dma_wait3A_83 : memref<1x80x128xf32, #tpu.memory_space<vmem>> -> memref<80x128xf32, #tpu.memory_space<vmem>>
    %dma_wait3A_85 = arith.constant 0 : i32
    %dma_wait3A_86 = tpu.memref_slice %arg6[%dma_wait3A_78, %dma_wait3A_79, %dma_wait3A_85] : memref<4x2x80xi32, #tpu.memory_space<vmem>> -> memref<1x1x80xi32, #tpu.memory_space<vmem>>
    %dma_wait3A_87 = tpu.memref_squeeze %dma_wait3A_86 : memref<1x1x80xi32, #tpu.memory_space<vmem>> -> memref<80xi32, #tpu.memory_space<vmem>>
    %dma_wait3A_88 = arith.constant 0 : i32
    %dma_wait3A_89 = arith.constant 0 : i32
    %dma_wait3A_90 = tpu.memref_slice %arg8[%dma_wait3A_88, %dma_wait3A_89] : memref<10240x128xf32, #tpu.memory_space<vmem_shared>> -> memref<10240x128xf32, #tpu.memory_space<vmem_shared>>
    %dma_wait3A_91 = tpu.memref_slice %arg10[%dma_wait3A_80] : memref<2x!tpu.dma_semaphore, #tpu.memory_space<semaphore_mem>> -> memref<1x!tpu.dma_semaphore, #tpu.memory_space<semaphore_mem>>
    %dma_wait3A_92 = tpu.memref_squeeze %dma_wait3A_91 : memref<1x!tpu.dma_semaphore, #tpu.memory_space<semaphore_mem>> -> memref<!tpu.dma_semaphore, #tpu.memory_space<semaphore_mem>>
    tpu.wait_indirect_dma semaphore(%dma_wait3A_92 : memref<!tpu.dma_semaphore, #tpu.memory_space<semaphore_mem>>) src(%dma_wait3A_84 : memref<80x128xf32, #tpu.memory_space<vmem>>) dst(%dma_wait3A_90 : memref<10240x128xf32, #tpu.memory_space<vmem_shared>>)
    %barrier3A_93 = arith.constant 0 : index
    tpu.barrier barrier_id(%barrier3A_93)
    %mul3A_94 = arith.constant 640 : i32
    %mul3A_95 = arith.muli %arg1, %mul3A_94 : i32
    %mul3A_96 = arith.constant 640 : i32
    %mul3A_97 = arith.muli %arg1, %mul3A_96 : i32
    "tpu.region"() ({
      %run_scoped3A_98 = tpu.sem_alloc : memref<!tpu.dma_semaphore, #tpu.memory_space<semaphore_mem>>
      %dma_start3A_99 = arith.constant 0 : i32
      %dma_start3A_100 = tpu.memref_slice %arg5[%arg0, %mul3A_97, %dma_start3A_99] : memref<2x10240x128xf32, #tpu.memory_space<hbm>> -> memref<1x640x128xf32, #tpu.memory_space<hbm>>
      %dma_start3A_101 = tpu.memref_squeeze %dma_start3A_100 : memref<1x640x128xf32, #tpu.memory_space<hbm>> -> memref<640x128xf32, #tpu.memory_space<hbm>>
      %dma_start3A_102 = arith.constant 0 : i32
      %dma_start3A_103 = tpu.memref_slice %arg8[%mul3A_95, %dma_start3A_102] : memref<10240x128xf32, #tpu.memory_space<vmem_shared>> -> memref<640x128xf32, #tpu.memory_space<vmem_shared>>
      tpu.enqueue_dma source(%dma_start3A_103 : memref<640x128xf32, #tpu.memory_space<vmem_shared>>) target(%dma_start3A_101 : memref<640x128xf32, #tpu.memory_space<hbm>>) target_semaphore(%run_scoped3A_98 : memref<!tpu.dma_semaphore, #tpu.memory_space<semaphore_mem>>)
      %dma_wait3A_104 = arith.constant 0 : i32
      %dma_wait3A_105 = tpu.memref_slice %arg5[%arg0, %mul3A_97, %dma_wait3A_104] : memref<2x10240x128xf32, #tpu.memory_space<hbm>> -> memref<1x640x128xf32, #tpu.memory_space<hbm>>
      %dma_wait3A_106 = tpu.memref_squeeze %dma_wait3A_105 : memref<1x640x128xf32, #tpu.memory_space<hbm>> -> memref<640x128xf32, #tpu.memory_space<hbm>>
      %dma_wait3A_107 = arith.constant 0 : i32
      %dma_wait3A_108 = tpu.memref_slice %arg8[%mul3A_95, %dma_wait3A_107] : memref<10240x128xf32, #tpu.memory_space<vmem_shared>> -> memref<640x128xf32, #tpu.memory_space<vmem_shared>>
      tpu.wait_dma2 semaphore(%run_scoped3A_98 : memref<!tpu.dma_semaphore, #tpu.memory_space<semaphore_mem>>) src(%dma_wait3A_108 : memref<640x128xf32, #tpu.memory_space<vmem_shared>>) dst(%dma_wait3A_106 : memref<640x128xf32, #tpu.memory_space<hbm>>)
      tpu.yield
    }) : () -> ()
    return
  }
}

#map = affine_map<(d0, d1) -> (0, 0, 0)>
#map1 = affine_map<(d0, d1) -> (0, 0)>
module attributes {stable_mosaic.version = 14 : i64} {
  func.func @_sc_pass(%arg0: i32, %arg1: i32, %arg2: memref<32x128x80xi32, #tpu.memory_space<hbm>>, %arg3: memref<32x128x80xi32, #tpu.memory_space<hbm>>, %arg4: memref<10240x128xf32, #tpu.memory_space<hbm>>, %arg5: memref<2x10240x128xf32, #tpu.memory_space<hbm>>, %arg6: memref<4x2x80xi32, #tpu.memory_space<vmem>>, %arg7: memref<2x80x128xf32, #tpu.memory_space<vmem>>, %arg8: memref<10240x128xf32, #tpu.memory_space<vmem_shared>>, %arg9: memref<2x!tpu.dma_semaphore, #tpu.memory_space<semaphore_mem>>, %arg10: memref<2x!tpu.dma_semaphore, #tpu.memory_space<semaphore_mem>>, %arg11: memref<4x!tpu.dma_semaphore, #tpu.memory_space<semaphore_mem>>) attributes {dimension_semantics = [#tpu.dimension_semantics<core_parallel>, #tpu.dimension_semantics<subcore_parallel>], iteration_bounds = array<i64: 2, 16>, scalar_prefetch = 0 : i64, scratch_operands = 6 : i64, tpu.core_type = #tpu.core_type<sc_vector_subcore>, window_params = [{transform_indices = #map}, {transform_indices = #map}, {transform_indices = #map1}, {transform_indices = #map}]} {
    %mul3A = arith.constant 16 : i32
    %mul3A_0 = arith.muli %arg0, %mul3A : i32
    %add3A = arith.addi %mul3A_0, %arg1 : i32
    %broadcast_in_dim3A = arith.constant 0.000000e+00 : f32
    %broadcast_in_dim3A_1 = vector.broadcast %broadcast_in_dim3A : f32 to vector<16xf32>
    %scan3A = arith.constant 0 : i32
    %scan3A_2 = arith.constant 0 : i32
    %scan3A_3 = arith.constant 640 : i32
    %scan3A_4 = arith.addi %scan3A_2, %scan3A_3 : i32
    %scan3A_5 = arith.constant 1 : i32
    %scan3A_6 = scf.for %scan3A_98 = %scan3A_2 to %scan3A_4 step %scan3A_5 iter_args(%scan3A_99 = %scan3A) -> (i32)  : i32 {
      %jit3A = arith.constant 8 : i32
      %div3A = arith.divsi %scan3A_98, %jit3A : i32
      %sign3A = arith.constant 0 : i32
      %sign3A_100 = arith.cmpi sgt, %scan3A_98, %sign3A : i32
      %sign3A_101 = arith.extui %sign3A_100 : i1 to i32
      %sign3A_102 = arith.constant 0 : i32
      %sign3A_103 = arith.cmpi slt, %scan3A_98, %sign3A_102 : i32
      %sign3A_104 = arith.extui %sign3A_103 : i1 to i32
      %sign3A_105 = arith.subi %sign3A_101, %sign3A_104 : i32
      %sign3A_106 = arith.constant 0 : i32
      %sign3A_107 = arith.cmpi sgt, %jit3A, %sign3A_106 : i32
      %sign3A_108 = arith.extui %sign3A_107 : i1 to i32
      %sign3A_109 = arith.constant 0 : i32
      %sign3A_110 = arith.cmpi slt, %jit3A, %sign3A_109 : i32
      %sign3A_111 = arith.extui %sign3A_110 : i1 to i32
      %sign3A_112 = arith.subi %sign3A_108, %sign3A_111 : i32
      %ne3A = arith.cmpi ne, %sign3A_105, %sign3A_112 : i32
      %rem3A = arith.remsi %scan3A_98, %jit3A : i32
      %ne3A_113 = arith.constant 0 : i32
      %ne3A_114 = arith.cmpi ne, %rem3A, %ne3A_113 : i32
      %and3A = arith.andi %ne3A, %ne3A_114 : i1
      %sub3A = arith.constant 1 : i32
      %sub3A_115 = arith.subi %div3A, %sub3A : i32
      %select_n3A = arith.select %and3A, %sub3A_115, %div3A : i32
      %jit3A_116 = arith.constant 8 : i32
      %eq3A = arith.constant 0 : i32
      %eq3A_117 = arith.cmpi eq, %jit3A_116, %eq3A : i32
      %jit3A_118 = arith.constant 1 : i32
      %select_n3A_119 = arith.select %eq3A_117, %jit3A_118, %jit3A_116 : i32
      %rem3A_120 = arith.remsi %scan3A_98, %select_n3A_119 : i32
      %ne3A_121 = arith.constant 0 : i32
      %ne3A_122 = arith.cmpi ne, %rem3A_120, %ne3A_121 : i32
      %lt3A = arith.constant 0 : i32
      %lt3A_123 = arith.cmpi slt, %rem3A_120, %lt3A : i32
      %lt3A_124 = arith.constant 0 : i32
      %lt3A_125 = arith.cmpi slt, %select_n3A_119, %lt3A_124 : i32
      %ne3A_126 = arith.xori %lt3A_123, %lt3A_125 : i1
      %and3A_127 = arith.andi %ne3A_126, %ne3A_122 : i1
      %add3A_128 = arith.addi %rem3A_120, %select_n3A_119 : i32
      %select_n3A_129 = arith.select %and3A_127, %add3A_128, %rem3A_120 : i32
      %mul3A_130 = arith.constant 16 : i32
      %mul3A_131 = arith.muli %select_n3A_129, %mul3A_130 : i32
      %swap3A = arith.constant 0 : i32
      %swap3A_132 = arith.index_cast %swap3A : i32 to index
      %swap3A_133 = arith.index_cast %select_n3A : i32 to index
      %swap3A_134 = arith.index_cast %mul3A_131 : i32 to index
      %swap3A_135 = tpu.vector_load %arg7[%swap3A_132, %swap3A_133, %swap3A_134] {strides = array<i32>} : memref<2x80x128xf32, #tpu.memory_space<vmem>>, vector<1x1x16xf32>,
      %swap3A_136 = vector.shape_cast %swap3A_135 : vector<1x1x16xf32> to vector<16xf32>
      %swap3A_137 = vector.shape_cast %broadcast_in_dim3A_1 : vector<16xf32> to vector<1x1x16xf32>
      tpu.vector_store %arg7[%swap3A_132, %swap3A_133, %swap3A_134], %swap3A_137 {strides = array<i32>} : memref<2x80x128xf32, #tpu.memory_space<vmem>>, vector<1x1x16xf32>,
      %scan3A_138 = arith.constant 0 : i32
      scf.yield %scan3A_138 : i32
    }
    %scan3A_7 = arith.constant 640 : i32
    %scan3A_8 = arith.constant 0 : i32
    %scan3A_9 = arith.constant 0 : i32
    %scan3A_10 = arith.constant 8 : i32
    %scan3A_11 = arith.addi %scan3A_9, %scan3A_10 : i32
    %scan3A_12 = arith.constant 1 : i32
    %scan3A_13 = scf.for %scan3A_98 = %scan3A_9 to %scan3A_11 step %scan3A_12 iter_args(%scan3A_99 = %scan3A_8) -> (i32)  : i32 {
      %mul3A_100 = arith.constant 640 : i32
      %mul3A_101 = arith.muli %arg1, %mul3A_100 : i32
      %mul3A_102 = arith.constant 80 : i32
      %mul3A_103 = arith.muli %scan3A_98, %mul3A_102 : i32
      %add3A_104 = arith.addi %mul3A_101, %mul3A_103 : i32
      %run_scoped3A_105 = arith.constant 0 : i32
      "tpu.region"() ({
        %run_scoped3A_107 = tpu.sem_alloc : memref<!tpu.dma_semaphore, #tpu.memory_space<semaphore_mem>>
        %dma_start3A_108 = arith.constant 0 : i32
        %dma_start3A_109 = arith.constant 0 : i32
        %dma_start3A_110 = tpu.memref_slice %arg7[%run_scoped3A_105, %dma_start3A_108, %dma_start3A_109] : memref<2x80x128xf32, #tpu.memory_space<vmem>> -> memref<1x80x128xf32, #tpu.memory_space<vmem>>
        %dma_start3A_111 = tpu.memref_squeeze %dma_start3A_110 : memref<1x80x128xf32, #tpu.memory_space<vmem>> -> memref<80x128xf32, #tpu.memory_space<vmem>>
        %dma_start3A_112 = arith.constant 0 : i32
        %dma_start3A_113 = tpu.memref_slice %arg8[%add3A_104, %dma_start3A_112] : memref<10240x128xf32, #tpu.memory_space<vmem_shared>> -> memref<80x128xf32, #tpu.memory_space<vmem_shared>>
        %dma_start3A_114 = arith.constant 0 : i32
        %dma_start3A_115 = tpu.memref_slice %arg8[%add3A_104, %dma_start3A_114] : memref<10240x128xf32, #tpu.memory_space<vmem_shared>> -> memref<80x128xf32, #tpu.memory_space<vmem_shared>>
        %dma_start3A_116 = arith.constant 0 : i32
        %dma_start3A_117 = arith.constant 0 : i32
        %dma_start3A_118 = tpu.memref_slice %arg7[%run_scoped3A_105, %dma_start3A_116, %dma_start3A_117] : memref<2x80x128xf32, #tpu.memory_space<vmem>> -> memref<1x80x128xf32, #tpu.memory_space<vmem>>
        %dma_start3A_119 = tpu.memref_squeeze %dma_start3A_118 : memref<1x80x128xf32, #tpu.memory_space<vmem>> -> memref<80x128xf32, #tpu.memory_space<vmem>>
        tpu.enqueue_dma source(%dma_start3A_119 : memref<80x128xf32, #tpu.memory_space<vmem>>) target(%dma_start3A_115 : memref<80x128xf32, #tpu.memory_space<vmem_shared>>) target_semaphore(%run_scoped3A_107 : memref<!tpu.dma_semaphore, #tpu.memory_space<semaphore_mem>>)
        %dma_wait3A_120 = arith.constant 0 : i32
        %dma_wait3A_121 = arith.constant 0 : i32
        %dma_wait3A_122 = tpu.memref_slice %arg7[%run_scoped3A_105, %dma_wait3A_120, %dma_wait3A_121] : memref<2x80x128xf32, #tpu.memory_space<vmem>> -> memref<1x80x128xf32, #tpu.memory_space<vmem>>
        %dma_wait3A_123 = tpu.memref_squeeze %dma_wait3A_122 : memref<1x80x128xf32, #tpu.memory_space<vmem>> -> memref<80x128xf32, #tpu.memory_space<vmem>>
        %dma_wait3A_124 = arith.constant 0 : i32
        %dma_wait3A_125 = tpu.memref_slice %arg8[%add3A_104, %dma_wait3A_124] : memref<10240x128xf32, #tpu.memory_space<vmem_shared>> -> memref<80x128xf32, #tpu.memory_space<vmem_shared>>
        %dma_wait3A_126 = arith.constant 0 : i32
        %dma_wait3A_127 = tpu.memref_slice %arg8[%add3A_104, %dma_wait3A_126] : memref<10240x128xf32, #tpu.memory_space<vmem_shared>> -> memref<80x128xf32, #tpu.memory_space<vmem_shared>>
        %dma_wait3A_128 = arith.constant 0 : i32
        %dma_wait3A_129 = arith.constant 0 : i32
        %dma_wait3A_130 = tpu.memref_slice %arg7[%run_scoped3A_105, %dma_wait3A_128, %dma_wait3A_129] : memref<2x80x128xf32, #tpu.memory_space<vmem>> -> memref<1x80x128xf32, #tpu.memory_space<vmem>>
        %dma_wait3A_131 = tpu.memref_squeeze %dma_wait3A_130 : memref<1x80x128xf32, #tpu.memory_space<vmem>> -> memref<80x128xf32, #tpu.memory_space<vmem>>
        tpu.wait_dma2 semaphore(%run_scoped3A_107 : memref<!tpu.dma_semaphore, #tpu.memory_space<semaphore_mem>>) src(%dma_wait3A_131 : memref<80x128xf32, #tpu.memory_space<vmem>>) dst(%dma_wait3A_127 : memref<80x128xf32, #tpu.memory_space<vmem_shared>>)
        tpu.yield
      }) : () -> ()
      %scan3A_106 = arith.constant 0 : i32
      scf.yield %scan3A_106 : i32
    }
    %scan3A_14 = arith.constant 8 : i32
    %barrier3A = arith.constant 0 : index
    tpu.barrier barrier_id(%barrier3A)
    %run_scoped3A = arith.constant 0 : i32
    %run_scoped3A_15 = arith.constant 0 : i32
    %run_scoped3A_16 = arith.constant 0 : i32
    "tpu.region"() ({
      %run_scoped3A_98 = tpu.sem_alloc : memref<!tpu.dma_semaphore, #tpu.memory_space<semaphore_mem>>
      %dma_start3A_99 = arith.constant 0 : i32
      %dma_start3A_100 = tpu.memref_slice %arg6[%run_scoped3A_15, %run_scoped3A_16, %dma_start3A_99] : memref<4x2x80xi32, #tpu.memory_space<vmem>> -> memref<1x1x80xi32, #tpu.memory_space<vmem>>
      %dma_start3A_101 = tpu.memref_squeeze %dma_start3A_100 : memref<1x1x80xi32, #tpu.memory_space<vmem>> -> memref<80xi32, #tpu.memory_space<vmem>>
      %dma_start3A_102 = arith.constant 0 : i32
      %dma_start3A_103 = tpu.memref_slice %arg2[%add3A, %run_scoped3A, %dma_start3A_102] : memref<32x128x80xi32, #tpu.memory_space<hbm>> -> memref<1x1x80xi32, #tpu.memory_space<hbm>>
      %dma_start3A_104 = tpu.memref_squeeze %dma_start3A_103 : memref<1x1x80xi32, #tpu.memory_space<hbm>> -> memref<80xi32, #tpu.memory_space<hbm>>
      %dma_start3A_105 = arith.constant 0 : i32
      %dma_start3A_106 = tpu.memref_slice %arg6[%run_scoped3A_15, %run_scoped3A_16, %dma_start3A_105] : memref<4x2x80xi32, #tpu.memory_space<vmem>> -> memref<1x1x80xi32, #tpu.memory_space<vmem>>
      %dma_start3A_107 = tpu.memref_squeeze %dma_start3A_106 : memref<1x1x80xi32, #tpu.memory_space<vmem>> -> memref<80xi32, #tpu.memory_space<vmem>>
      %dma_start3A_108 = arith.constant 0 : i32
      %dma_start3A_109 = tpu.memref_slice %arg2[%add3A, %run_scoped3A, %dma_start3A_108] : memref<32x128x80xi32, #tpu.memory_space<hbm>> -> memref<1x1x80xi32, #tpu.memory_space<hbm>>
      %dma_start3A_110 = tpu.memref_squeeze %dma_start3A_109 : memref<1x1x80xi32, #tpu.memory_space<hbm>> -> memref<80xi32, #tpu.memory_space<hbm>>
      tpu.enqueue_dma source(%dma_start3A_110 : memref<80xi32, #tpu.memory_space<hbm>>) target(%dma_start3A_107 : memref<80xi32, #tpu.memory_space<vmem>>) target_semaphore(%run_scoped3A_98 : memref<!tpu.dma_semaphore, #tpu.memory_space<semaphore_mem>>)
      %dma_wait3A_111 = arith.constant 0 : i32
      %dma_wait3A_112 = tpu.memref_slice %arg6[%run_scoped3A_15, %run_scoped3A_16, %dma_wait3A_111] : memref<4x2x80xi32, #tpu.memory_space<vmem>> -> memref<1x1x80xi32, #tpu.memory_space<vmem>>
      %dma_wait3A_113 = tpu.memref_squeeze %dma_wait3A_112 : memref<1x1x80xi32, #tpu.memory_space<vmem>> -> memref<80xi32, #tpu.memory_space<vmem>>
      %dma_wait3A_114 = arith.constant 0 : i32
      %dma_wait3A_115 = tpu.memref_slice %arg2[%add3A, %run_scoped3A, %dma_wait3A_114] : memref<32x128x80xi32, #tpu.memory_space<hbm>> -> memref<1x1x80xi32, #tpu.memory_space<hbm>>
      %dma_wait3A_116 = tpu.memref_squeeze %dma_wait3A_115 : memref<1x1x80xi32, #tpu.memory_space<hbm>> -> memref<80xi32, #tpu.memory_space<hbm>>
      %dma_wait3A_117 = arith.constant 0 : i32
      %dma_wait3A_118 = tpu.memref_slice %arg6[%run_scoped3A_15, %run_scoped3A_16, %dma_wait3A_117] : memref<4x2x80xi32, #tpu.memory_space<vmem>> -> memref<1x1x80xi32, #tpu.memory_space<vmem>>
      %dma_wait3A_119 = tpu.memref_squeeze %dma_wait3A_118 : memref<1x1x80xi32, #tpu.memory_space<vmem>> -> memref<80xi32, #tpu.memory_space<vmem>>
      %dma_wait3A_120 = arith.constant 0 : i32
      %dma_wait3A_121 = tpu.memref_slice %arg2[%add3A, %run_scoped3A, %dma_wait3A_120] : memref<32x128x80xi32, #tpu.memory_space<hbm>> -> memref<1x1x80xi32, #tpu.memory_space<hbm>>
      %dma_wait3A_122 = tpu.memref_squeeze %dma_wait3A_121 : memref<1x1x80xi32, #tpu.memory_space<hbm>> -> memref<80xi32, #tpu.memory_space<hbm>>
      tpu.wait_dma2 semaphore(%run_scoped3A_98 : memref<!tpu.dma_semaphore, #tpu.memory_space<semaphore_mem>>) src(%dma_wait3A_122 : memref<80xi32, #tpu.memory_space<hbm>>) dst(%dma_wait3A_119 : memref<80xi32, #tpu.memory_space<vmem>>)
      tpu.yield
    }) : () -> ()
    %run_scoped3A_17 = arith.constant 0 : i32
    %run_scoped3A_18 = arith.constant 0 : i32
    %run_scoped3A_19 = arith.constant 1 : i32
    "tpu.region"() ({
      %run_scoped3A_98 = tpu.sem_alloc : memref<!tpu.dma_semaphore, #tpu.memory_space<semaphore_mem>>
      %dma_start3A_99 = arith.constant 0 : i32
      %dma_start3A_100 = tpu.memref_slice %arg6[%run_scoped3A_18, %run_scoped3A_19, %dma_start3A_99] : memref<4x2x80xi32, #tpu.memory_space<vmem>> -> memref<1x1x80xi32, #tpu.memory_space<vmem>>
      %dma_start3A_101 = tpu.memref_squeeze %dma_start3A_100 : memref<1x1x80xi32, #tpu.memory_space<vmem>> -> memref<80xi32, #tpu.memory_space<vmem>>
      %dma_start3A_102 = arith.constant 0 : i32
      %dma_start3A_103 = tpu.memref_slice %arg3[%add3A, %run_scoped3A_17, %dma_start3A_102] : memref<32x128x80xi32, #tpu.memory_space<hbm>> -> memref<1x1x80xi32, #tpu.memory_space<hbm>>
      %dma_start3A_104 = tpu.memref_squeeze %dma_start3A_103 : memref<1x1x80xi32, #tpu.memory_space<hbm>> -> memref<80xi32, #tpu.memory_space<hbm>>
      %dma_start3A_105 = arith.constant 0 : i32
      %dma_start3A_106 = tpu.memref_slice %arg6[%run_scoped3A_18, %run_scoped3A_19, %dma_start3A_105] : memref<4x2x80xi32, #tpu.memory_space<vmem>> -> memref<1x1x80xi32, #tpu.memory_space<vmem>>
      %dma_start3A_107 = tpu.memref_squeeze %dma_start3A_106 : memref<1x1x80xi32, #tpu.memory_space<vmem>> -> memref<80xi32, #tpu.memory_space<vmem>>
      %dma_start3A_108 = arith.constant 0 : i32
      %dma_start3A_109 = tpu.memref_slice %arg3[%add3A, %run_scoped3A_17, %dma_start3A_108] : memref<32x128x80xi32, #tpu.memory_space<hbm>> -> memref<1x1x80xi32, #tpu.memory_space<hbm>>
      %dma_start3A_110 = tpu.memref_squeeze %dma_start3A_109 : memref<1x1x80xi32, #tpu.memory_space<hbm>> -> memref<80xi32, #tpu.memory_space<hbm>>
      tpu.enqueue_dma source(%dma_start3A_110 : memref<80xi32, #tpu.memory_space<hbm>>) target(%dma_start3A_107 : memref<80xi32, #tpu.memory_space<vmem>>) target_semaphore(%run_scoped3A_98 : memref<!tpu.dma_semaphore, #tpu.memory_space<semaphore_mem>>)
      %dma_wait3A_111 = arith.constant 0 : i32
      %dma_wait3A_112 = tpu.memref_slice %arg6[%run_scoped3A_18, %run_scoped3A_19, %dma_wait3A_111] : memref<4x2x80xi32, #tpu.memory_space<vmem>> -> memref<1x1x80xi32, #tpu.memory_space<vmem>>
      %dma_wait3A_113 = tpu.memref_squeeze %dma_wait3A_112 : memref<1x1x80xi32, #tpu.memory_space<vmem>> -> memref<80xi32, #tpu.memory_space<vmem>>
      %dma_wait3A_114 = arith.constant 0 : i32
      %dma_wait3A_115 = tpu.memref_slice %arg3[%add3A, %run_scoped3A_17, %dma_wait3A_114] : memref<32x128x80xi32, #tpu.memory_space<hbm>> -> memref<1x1x80xi32, #tpu.memory_space<hbm>>
      %dma_wait3A_116 = tpu.memref_squeeze %dma_wait3A_115 : memref<1x1x80xi32, #tpu.memory_space<hbm>> -> memref<80xi32, #tpu.memory_space<hbm>>
      %dma_wait3A_117 = arith.constant 0 : i32
      %dma_wait3A_118 = tpu.memref_slice %arg6[%run_scoped3A_18, %run_scoped3A_19, %dma_wait3A_117] : memref<4x2x80xi32, #tpu.memory_space<vmem>> -> memref<1x1x80xi32, #tpu.memory_space<vmem>>
      %dma_wait3A_119 = tpu.memref_squeeze %dma_wait3A_118 : memref<1x1x80xi32, #tpu.memory_space<vmem>> -> memref<80xi32, #tpu.memory_space<vmem>>
      %dma_wait3A_120 = arith.constant 0 : i32
      %dma_wait3A_121 = tpu.memref_slice %arg3[%add3A, %run_scoped3A_17, %dma_wait3A_120] : memref<32x128x80xi32, #tpu.memory_space<hbm>> -> memref<1x1x80xi32, #tpu.memory_space<hbm>>
      %dma_wait3A_122 = tpu.memref_squeeze %dma_wait3A_121 : memref<1x1x80xi32, #tpu.memory_space<hbm>> -> memref<80xi32, #tpu.memory_space<hbm>>
      tpu.wait_dma2 semaphore(%run_scoped3A_98 : memref<!tpu.dma_semaphore, #tpu.memory_space<semaphore_mem>>) src(%dma_wait3A_122 : memref<80xi32, #tpu.memory_space<hbm>>) dst(%dma_wait3A_119 : memref<80xi32, #tpu.memory_space<vmem>>)
      tpu.yield
    }) : () -> ()
    %dma_start3A = arith.constant 1 : i32
    %dma_start3A_20 = arith.constant 1 : i32
    %dma_start3A_21 = arith.constant 0 : i32
    %dma_start3A_22 = arith.constant 1 : i32
    %dma_start3A_23 = arith.constant 0 : i32
    %dma_start3A_24 = tpu.memref_slice %arg6[%dma_start3A_20, %dma_start3A_21, %dma_start3A_23] : memref<4x2x80xi32, #tpu.memory_space<vmem>> -> memref<1x1x80xi32, #tpu.memory_space<vmem>>
    %dma_start3A_25 = tpu.memref_squeeze %dma_start3A_24 : memref<1x1x80xi32, #tpu.memory_space<vmem>> -> memref<80xi32, #tpu.memory_space<vmem>>
    %dma_start3A_26 = arith.constant 0 : i32
    %dma_start3A_27 = tpu.memref_slice %arg2[%add3A, %dma_start3A, %dma_start3A_26] : memref<32x128x80xi32, #tpu.memory_space<hbm>> -> memref<1x1x80xi32, #tpu.memory_space<hbm>>
    %dma_start3A_28 = tpu.memref_squeeze %dma_start3A_27 : memref<1x1x80xi32, #tpu.memory_space<hbm>> -> memref<80xi32, #tpu.memory_space<hbm>>
    %dma_start3A_29 = tpu.memref_slice %arg11[%dma_start3A_22] : memref<4x!tpu.dma_semaphore, #tpu.memory_space<semaphore_mem>> -> memref<1x!tpu.dma_semaphore, #tpu.memory_space<semaphore_mem>>
    %dma_start3A_30 = tpu.memref_squeeze %dma_start3A_29 : memref<1x!tpu.dma_semaphore, #tpu.memory_space<semaphore_mem>> -> memref<!tpu.dma_semaphore, #tpu.memory_space<semaphore_mem>>
    %dma_start3A_31 = arith.constant 0 : i32
    %dma_start3A_32 = tpu.memref_slice %arg6[%dma_start3A_20, %dma_start3A_21, %dma_start3A_31] : memref<4x2x80xi32, #tpu.memory_space<vmem>> -> memref<1x1x80xi32, #tpu.memory_space<vmem>>
    %dma_start3A_33 = tpu.memref_squeeze %dma_start3A_32 : memref<1x1x80xi32, #tpu.memory_space<vmem>> -> memref<80xi32, #tpu.memory_space<vmem>>
    %dma_start3A_34 = arith.constant 0 : i32
    %dma_start3A_35 = tpu.memref_slice %arg2[%add3A, %dma_start3A, %dma_start3A_34] : memref<32x128x80xi32, #tpu.memory_space<hbm>> -> memref<1x1x80xi32, #tpu.memory_space<hbm>>
    %dma_start3A_36 = tpu.memref_squeeze %dma_start3A_35 : memref<1x1x80xi32, #tpu.memory_space<hbm>> -> memref<80xi32, #tpu.memory_space<hbm>>
    tpu.enqueue_dma source(%dma_start3A_36 : memref<80xi32, #tpu.memory_space<hbm>>) target(%dma_start3A_33 : memref<80xi32, #tpu.memory_space<vmem>>) target_semaphore(%dma_start3A_30 : memref<!tpu.dma_semaphore, #tpu.memory_space<semaphore_mem>>)
    %dma_start3A_37 = arith.constant 1 : i32
    %dma_start3A_38 = arith.constant 1 : i32
    %dma_start3A_39 = arith.constant 1 : i32
    %dma_start3A_40 = arith.constant 1 : i32
    %dma_start3A_41 = arith.constant 0 : i32
    %dma_start3A_42 = tpu.memref_slice %arg6[%dma_start3A_38, %dma_start3A_39, %dma_start3A_41] : memref<4x2x80xi32, #tpu.memory_space<vmem>> -> memref<1x1x80xi32, #tpu.memory_space<vmem>>
    %dma_start3A_43 = tpu.memref_squeeze %dma_start3A_42 : memref<1x1x80xi32, #tpu.memory_space<vmem>> -> memref<80xi32, #tpu.memory_space<vmem>>
    %dma_start3A_44 = arith.constant 0 : i32
    %dma_start3A_45 = tpu.memref_slice %arg3[%add3A, %dma_start3A_37, %dma_start3A_44] : memref<32x128x80xi32, #tpu.memory_space<hbm>> -> memref<1x1x80xi32, #tpu.memory_space<hbm>>
    %dma_start3A_46 = tpu.memref_squeeze %dma_start3A_45 : memref<1x1x80xi32, #tpu.memory_space<hbm>> -> memref<80xi32, #tpu.memory_space<hbm>>
    %dma_start3A_47 = tpu.memref_slice %arg11[%dma_start3A_40] : memref<4x!tpu.dma_semaphore, #tpu.memory_space<semaphore_mem>> -> memref<1x!tpu.dma_semaphore, #tpu.memory_space<semaphore_mem>>
    %dma_start3A_48 = tpu.memref_squeeze %dma_start3A_47 : memref<1x!tpu.dma_semaphore, #tpu.memory_space<semaphore_mem>> -> memref<!tpu.dma_semaphore, #tpu.memory_space<semaphore_mem>>
    %dma_start3A_49 = arith.constant 0 : i32
    %dma_start3A_50 = tpu.memref_slice %arg6[%dma_start3A_38, %dma_start3A_39, %dma_start3A_49] : memref<4x2x80xi32, #tpu.memory_space<vmem>> -> memref<1x1x80xi32, #tpu.memory_space<vmem>>
    %dma_start3A_51 = tpu.memref_squeeze %dma_start3A_50 : memref<1x1x80xi32, #tpu.memory_space<vmem>> -> memref<80xi32, #tpu.memory_space<vmem>>
    %dma_start3A_52 = arith.constant 0 : i32
    %dma_start3A_53 = tpu.memref_slice %arg3[%add3A, %dma_start3A_37, %dma_start3A_52] : memref<32x128x80xi32, #tpu.memory_space<hbm>> -> memref<1x1x80xi32, #tpu.memory_space<hbm>>
    %dma_start3A_54 = tpu.memref_squeeze %dma_start3A_53 : memref<1x1x80xi32, #tpu.memory_space<hbm>> -> memref<80xi32, #tpu.memory_space<hbm>>
    tpu.enqueue_dma source(%dma_start3A_54 : memref<80xi32, #tpu.memory_space<hbm>>) target(%dma_start3A_51 : memref<80xi32, #tpu.memory_space<vmem>>) target_semaphore(%dma_start3A_48 : memref<!tpu.dma_semaphore, #tpu.memory_space<semaphore_mem>>)
    %dma_start3A_55 = arith.constant 0 : i32
    %dma_start3A_56 = arith.constant 0 : i32
    %dma_start3A_57 = arith.constant 0 : i32
    %dma_start3A_58 = arith.constant 0 : i32
    %dma_start3A_59 = arith.constant 0 : i32
    %dma_start3A_60 = arith.constant 0 : i32
    %dma_start3A_61 = tpu.memref_slice %arg7[%dma_start3A_57, %dma_start3A_59, %dma_start3A_60] : memref<2x80x128xf32, #tpu.memory_space<vmem>> -> memref<1x80x128xf32, #tpu.memory_space<vmem>>
    %dma_start3A_62 = tpu.memref_squeeze %dma_start3A_61 : memref<1x80x128xf32, #tpu.memory_space<vmem>> -> memref<80x128xf32, #tpu.memory_space<vmem>>
    %dma_start3A_63 = arith.constant 0 : i32
    %dma_start3A_64 = tpu.memref_slice %arg6[%dma_start3A_55, %dma_start3A_56, %dma_start3A_63] : memref<4x2x80xi32, #tpu.memory_space<vmem>> -> memref<1x1x80xi32, #tpu.memory_space<vmem>>
    %dma_start3A_65 = tpu.memref_squeeze %dma_start3A_64 : memref<1x1x80xi32, #tpu.memory_space<vmem>> -> memref<80xi32, #tpu.memory_space<vmem>>
    %dma_start3A_66 = arith.constant 0 : i32
    %dma_start3A_67 = arith.constant 0 : i32
    %dma_start3A_68 = tpu.memref_slice %arg4[%dma_start3A_66, %dma_start3A_67] : memref<10240x128xf32, #tpu.memory_space<hbm>> -> memref<10240x128xf32, #tpu.memory_space<hbm>>
    %dma_start3A_69 = tpu.memref_slice %arg9[%dma_start3A_58] : memref<2x!tpu.dma_semaphore, #tpu.memory_space<semaphore_mem>> -> memref<1x!tpu.dma_semaphore, #tpu.memory_space<semaphore_mem>>
    %dma_start3A_70 = tpu.memref_squeeze %dma_start3A_69 : memref<1x!tpu.dma_semaphore, #tpu.memory_space<semaphore_mem>> -> memref<!tpu.dma_semaphore, #tpu.memory_space<semaphore_mem>>
    tpu.enqueue_indirect_dma source(%dma_start3A_68 : memref<10240x128xf32, #tpu.memory_space<hbm>>) target(%dma_start3A_62 : memref<80x128xf32, #tpu.memory_space<vmem>>) offsets(%dma_start3A_65 : memref<80xi32, #tpu.memory_space<vmem>>) semaphore(%dma_start3A_70 : memref<!tpu.dma_semaphore, #tpu.memory_space<semaphore_mem>>)
    %scan3A_71 = arith.constant 0 : i32
    %scan3A_72 = arith.constant 0 : i32
    %scan3A_73 = arith.constant 32 : i32
    %scan3A_74 = arith.addi %scan3A_72, %scan3A_73 : i32
    %scan3A_75 = arith.constant 1 : i32
    %scan3A_76 = scf.for %scan3A_98 = %scan3A_72 to %scan3A_74 step %scan3A_75 iter_args(%scan3A_99 = %scan3A_71) -> (i32)  : i32 {
      %mul3A_100 = arith.constant 4 : i32
      %mul3A_101 = arith.muli %mul3A_100, %scan3A_98 : i32
      %add3A_102 = arith.constant 0 : i32
      %add3A_103 = arith.addi %mul3A_101, %add3A_102 : i32
      %add3A_104 = arith.constant 2 : i32
      %add3A_105 = arith.addi %add3A_103, %add3A_104 : i32
      %dma_start3A_106 = arith.constant 2 : i32
      %dma_start3A_107 = arith.constant 0 : i32
      %dma_start3A_108 = arith.constant 2 : i32
      %dma_start3A_109 = arith.constant 0 : i32
      %dma_start3A_110 = tpu.memref_slice %arg6[%dma_start3A_106, %dma_start3A_107, %dma_start3A_109] : memref<4x2x80xi32, #tpu.memory_space<vmem>> -> memref<1x1x80xi32, #tpu.memory_space<vmem>>
      %dma_start3A_111 = tpu.memref_squeeze %dma_start3A_110 : memref<1x1x80xi32, #tpu.memory_space<vmem>> -> memref<80xi32, #tpu.memory_space<vmem>>
      %dma_start3A_112 = arith.constant 0 : i32
      %dma_start3A_113 = tpu.memref_slice %arg2[%add3A, %add3A_105, %dma_start3A_112] : memref<32x128x80xi32, #tpu.memory_space<hbm>> -> memref<1x1x80xi32, #tpu.memory_space<hbm>>
      %dma_start3A_114 = tpu.memref_squeeze %dma_start3A_113 : memref<1x1x80xi32, #tpu.memory_space<hbm>> -> memref<80xi32, #tpu.memory_space<hbm>>
      %dma_start3A_115 = tpu.memref_slice %arg11[%dma_start3A_108] : memref<4x!tpu.dma_semaphore, #tpu.memory_space<semaphore_mem>> -> memref<1x!tpu.dma_semaphore, #tpu.memory_space<semaphore_mem>>
      %dma_start3A_116 = tpu.memref_squeeze %dma_start3A_115 : memref<1x!tpu.dma_semaphore, #tpu.memory_space<semaphore_mem>> -> memref<!tpu.dma_semaphore, #tpu.memory_space<semaphore_mem>>
      %dma_start3A_117 = arith.constant 0 : i32
      %dma_start3A_118 = tpu.memref_slice %arg6[%dma_start3A_106, %dma_start3A_107, %dma_start3A_117] : memref<4x2x80xi32, #tpu.memory_space<vmem>> -> memref<1x1x80xi32, #tpu.memory_space<vmem>>
      %dma_start3A_119 = tpu.memref_squeeze %dma_start3A_118 : memref<1x1x80xi32, #tpu.memory_space<vmem>> -> memref<80xi32, #tpu.memory_space<vmem>>
      %dma_start3A_120 = arith.constant 0 : i32
      %dma_start3A_121 = tpu.memref_slice %arg2[%add3A, %add3A_105, %dma_start3A_120] : memref<32x128x80xi32, #tpu.memory_space<hbm>> -> memref<1x1x80xi32, #tpu.memory_space<hbm>>
      %dma_start3A_122 = tpu.memref_squeeze %dma_start3A_121 : memref<1x1x80xi32, #tpu.memory_space<hbm>> -> memref<80xi32, #tpu.memory_space<hbm>>
      tpu.enqueue_dma source(%dma_start3A_122 : memref<80xi32, #tpu.memory_space<hbm>>) target(%dma_start3A_119 : memref<80xi32, #tpu.memory_space<vmem>>) target_semaphore(%dma_start3A_116 : memref<!tpu.dma_semaphore, #tpu.memory_space<semaphore_mem>>)
      %dma_start3A_123 = arith.constant 2 : i32
      %dma_start3A_124 = arith.constant 1 : i32
      %dma_start3A_125 = arith.constant 2 : i32
      %dma_start3A_126 = arith.constant 0 : i32
      %dma_start3A_127 = tpu.memref_slice %arg6[%dma_start3A_123, %dma_start3A_124, %dma_start3A_126] : memref<4x2x80xi32, #tpu.memory_space<vmem>> -> memref<1x1x80xi32, #tpu.memory_space<vmem>>
      %dma_start3A_128 = tpu.memref_squeeze %dma_start3A_127 : memref<1x1x80xi32, #tpu.memory_space<vmem>> -> memref<80xi32, #tpu.memory_space<vmem>>
      %dma_start3A_129 = arith.constant 0 : i32
      %dma_start3A_130 = tpu.memref_slice %arg3[%add3A, %add3A_105, %dma_start3A_129] : memref<32x128x80xi32, #tpu.memory_space<hbm>> -> memref<1x1x80xi32, #tpu.memory_space<hbm>>
      %dma_start3A_131 = tpu.memref_squeeze %dma_start3A_130 : memref<1x1x80xi32, #tpu.memory_space<hbm>> -> memref<80xi32, #tpu.memory_space<hbm>>
      %dma_start3A_132 = tpu.memref_slice %arg11[%dma_start3A_125] : memref<4x!tpu.dma_semaphore, #tpu.memory_space<semaphore_mem>> -> memref<1x!tpu.dma_semaphore, #tpu.memory_space<semaphore_mem>>
      %dma_start3A_133 = tpu.memref_squeeze %dma_start3A_132 : memref<1x!tpu.dma_semaphore, #tpu.memory_space<semaphore_mem>> -> memref<!tpu.dma_semaphore, #tpu.memory_space<semaphore_mem>>
      %dma_start3A_134 = arith.constant 0 : i32
      %dma_start3A_135 = tpu.memref_slice %arg6[%dma_start3A_123, %dma_start3A_124, %dma_start3A_134] : memref<4x2x80xi32, #tpu.memory_space<vmem>> -> memref<1x1x80xi32, #tpu.memory_space<vmem>>
      %dma_start3A_136 = tpu.memref_squeeze %dma_start3A_135 : memref<1x1x80xi32, #tpu.memory_space<vmem>> -> memref<80xi32, #tpu.memory_space<vmem>>
      %dma_start3A_137 = arith.constant 0 : i32
      %dma_start3A_138 = tpu.memref_slice %arg3[%add3A, %add3A_105, %dma_start3A_137] : memref<32x128x80xi32, #tpu.memory_space<hbm>> -> memref<1x1x80xi32, #tpu.memory_space<hbm>>
      %dma_start3A_139 = tpu.memref_squeeze %dma_start3A_138 : memref<1x1x80xi32, #tpu.memory_space<hbm>> -> memref<80xi32, #tpu.memory_space<hbm>>
      tpu.enqueue_dma source(%dma_start3A_139 : memref<80xi32, #tpu.memory_space<hbm>>) target(%dma_start3A_136 : memref<80xi32, #tpu.memory_space<vmem>>) target_semaphore(%dma_start3A_133 : memref<!tpu.dma_semaphore, #tpu.memory_space<semaphore_mem>>)
      %eq3A = arith.constant 0 : i32
      %eq3A_140 = arith.cmpi eq, %scan3A_98, %eq3A : i32
      %convert_element_type3A = arith.extui %eq3A_140 : i1 to i32
      %cond3A = arith.constant 0 : i32
      %cond3A_141 = arith.cmpi ne, %convert_element_type3A, %cond3A : i32
      scf.if %cond3A_141 {
        %add3A_446 = arith.constant 1 : i32
        %add3A_447 = arith.addi %add3A_103, %add3A_446 : i32
        %dma_wait3A_448 = arith.constant 1 : i32
        %dma_wait3A_449 = arith.constant 0 : i32
        %dma_wait3A_450 = arith.constant 1 : i32
        %dma_wait3A_451 = arith.constant 0 : i32
        %dma_wait3A_452 = tpu.memref_slice %arg6[%dma_wait3A_448, %dma_wait3A_449, %dma_wait3A_451] : memref<4x2x80xi32, #tpu.memory_space<vmem>> -> memref<1x1x80xi32, #tpu.memory_space<vmem>>
        %dma_wait3A_453 = tpu.memref_squeeze %dma_wait3A_452 : memref<1x1x80xi32, #tpu.memory_space<vmem>> -> memref<80xi32, #tpu.memory_space<vmem>>
        %dma_wait3A_454 = arith.constant 0 : i32
        %dma_wait3A_455 = tpu.memref_slice %arg2[%add3A, %add3A_447, %dma_wait3A_454] : memref<32x128x80xi32, #tpu.memory_space<hbm>> -> memref<1x1x80xi32, #tpu.memory_space<hbm>>
        %dma_wait3A_456 = tpu.memref_squeeze %dma_wait3A_455 : memref<1x1x80xi32, #tpu.memory_space<hbm>> -> memref<80xi32, #tpu.memory_space<hbm>>
        %dma_wait3A_457 = tpu.memref_slice %arg11[%dma_wait3A_450] : memref<4x!tpu.dma_semaphore, #tpu.memory_space<semaphore_mem>> -> memref<1x!tpu.dma_semaphore, #tpu.memory_space<semaphore_mem>>
        %dma_wait3A_458 = tpu.memref_squeeze %dma_wait3A_457 : memref<1x!tpu.dma_semaphore, #tpu.memory_space<semaphore_mem>> -> memref<!tpu.dma_semaphore, #tpu.memory_space<semaphore_mem>>
        %dma_wait3A_459 = arith.constant 0 : i32
        %dma_wait3A_460 = tpu.memref_slice %arg6[%dma_wait3A_448, %dma_wait3A_449, %dma_wait3A_459] : memref<4x2x80xi32, #tpu.memory_space<vmem>> -> memref<1x1x80xi32, #tpu.memory_space<vmem>>
        %dma_wait3A_461 = tpu.memref_squeeze %dma_wait3A_460 : memref<1x1x80xi32, #tpu.memory_space<vmem>> -> memref<80xi32, #tpu.memory_space<vmem>>
        %dma_wait3A_462 = arith.constant 0 : i32
        %dma_wait3A_463 = tpu.memref_slice %arg2[%add3A, %add3A_447, %dma_wait3A_462] : memref<32x128x80xi32, #tpu.memory_space<hbm>> -> memref<1x1x80xi32, #tpu.memory_space<hbm>>
        %dma_wait3A_464 = tpu.memref_squeeze %dma_wait3A_463 : memref<1x1x80xi32, #tpu.memory_space<hbm>> -> memref<80xi32, #tpu.memory_space<hbm>>
        tpu.wait_dma2 semaphore(%dma_wait3A_458 : memref<!tpu.dma_semaphore, #tpu.memory_space<semaphore_mem>>) src(%dma_wait3A_464 : memref<80xi32, #tpu.memory_space<hbm>>) dst(%dma_wait3A_461 : memref<80xi32, #tpu.memory_space<vmem>>)
        %dma_wait3A_465 = arith.constant 1 : i32
        %dma_wait3A_466 = arith.constant 1 : i32
        %dma_wait3A_467 = arith.constant 1 : i32
        %dma_wait3A_468 = arith.constant 0 : i32
        %dma_wait3A_469 = tpu.memref_slice %arg6[%dma_wait3A_465, %dma_wait3A_466, %dma_wait3A_468] : memref<4x2x80xi32, #tpu.memory_space<vmem>> -> memref<1x1x80xi32, #tpu.memory_space<vmem>>
        %dma_wait3A_470 = tpu.memref_squeeze %dma_wait3A_469 : memref<1x1x80xi32, #tpu.memory_space<vmem>> -> memref<80xi32, #tpu.memory_space<vmem>>
        %dma_wait3A_471 = arith.constant 0 : i32
        %dma_wait3A_472 = tpu.memref_slice %arg3[%add3A, %add3A_447, %dma_wait3A_471] : memref<32x128x80xi32, #tpu.memory_space<hbm>> -> memref<1x1x80xi32, #tpu.memory_space<hbm>>
        %dma_wait3A_473 = tpu.memref_squeeze %dma_wait3A_472 : memref<1x1x80xi32, #tpu.memory_space<hbm>> -> memref<80xi32, #tpu.memory_space<hbm>>
        %dma_wait3A_474 = tpu.memref_slice %arg11[%dma_wait3A_467] : memref<4x!tpu.dma_semaphore, #tpu.memory_space<semaphore_mem>> -> memref<1x!tpu.dma_semaphore, #tpu.memory_space<semaphore_mem>>
        %dma_wait3A_475 = tpu.memref_squeeze %dma_wait3A_474 : memref<1x!tpu.dma_semaphore, #tpu.memory_space<semaphore_mem>> -> memref<!tpu.dma_semaphore, #tpu.memory_space<semaphore_mem>>
        %dma_wait3A_476 = arith.constant 0 : i32
        %dma_wait3A_477 = tpu.memref_slice %arg6[%dma_wait3A_465, %dma_wait3A_466, %dma_wait3A_476] : memref<4x2x80xi32, #tpu.memory_space<vmem>> -> memref<1x1x80xi32, #tpu.memory_space<vmem>>
        %dma_wait3A_478 = tpu.memref_squeeze %dma_wait3A_477 : memref<1x1x80xi32, #tpu.memory_space<vmem>> -> memref<80xi32, #tpu.memory_space<vmem>>
        %dma_wait3A_479 = arith.constant 0 : i32
        %dma_wait3A_480 = tpu.memref_slice %arg3[%add3A, %add3A_447, %dma_wait3A_479] : memref<32x128x80xi32, #tpu.memory_space<hbm>> -> memref<1x1x80xi32, #tpu.memory_space<hbm>>
        %dma_wait3A_481 = tpu.memref_squeeze %dma_wait3A_480 : memref<1x1x80xi32, #tpu.memory_space<hbm>> -> memref<80xi32, #tpu.memory_space<hbm>>
        tpu.wait_dma2 semaphore(%dma_wait3A_475 : memref<!tpu.dma_semaphore, #tpu.memory_space<semaphore_mem>>) src(%dma_wait3A_481 : memref<80xi32, #tpu.memory_space<hbm>>) dst(%dma_wait3A_478 : memref<80xi32, #tpu.memory_space<vmem>>)
        %dma_wait3A_482 = arith.constant 0 : i32
        %dma_wait3A_483 = arith.constant 0 : i32
        %dma_wait3A_484 = arith.constant 0 : i32
        %dma_wait3A_485 = arith.constant 0 : i32
        %dma_wait3A_486 = arith.constant 0 : i32
        %dma_wait3A_487 = arith.constant 0 : i32
        %dma_wait3A_488 = tpu.memref_slice %arg7[%dma_wait3A_484, %dma_wait3A_486, %dma_wait3A_487] : memref<2x80x128xf32, #tpu.memory_space<vmem>> -> memref<1x80x128xf32, #tpu.memory_space<vmem>>
        %dma_wait3A_489 = tpu.memref_squeeze %dma_wait3A_488 : memref<1x80x128xf32, #tpu.memory_space<vmem>> -> memref<80x128xf32, #tpu.memory_space<vmem>>
        %dma_wait3A_490 = arith.constant 0 : i32
        %dma_wait3A_491 = tpu.memref_slice %arg6[%dma_wait3A_482, %dma_wait3A_483, %dma_wait3A_490] : memref<4x2x80xi32, #tpu.memory_space<vmem>> -> memref<1x1x80xi32, #tpu.memory_space<vmem>>
        %dma_wait3A_492 = tpu.memref_squeeze %dma_wait3A_491 : memref<1x1x80xi32, #tpu.memory_space<vmem>> -> memref<80xi32, #tpu.memory_space<vmem>>
        %dma_wait3A_493 = arith.constant 0 : i32
        %dma_wait3A_494 = arith.constant 0 : i32
        %dma_wait3A_495 = tpu.memref_slice %arg4[%dma_wait3A_493, %dma_wait3A_494] : memref<10240x128xf32, #tpu.memory_space<hbm>> -> memref<10240x128xf32, #tpu.memory_space<hbm>>
        %dma_wait3A_496 = tpu.memref_slice %arg9[%dma_wait3A_485] : memref<2x!tpu.dma_semaphore, #tpu.memory_space<semaphore_mem>> -> memref<1x!tpu.dma_semaphore, #tpu.memory_space<semaphore_mem>>
        %dma_wait3A_497 = tpu.memref_squeeze %dma_wait3A_496 : memref<1x!tpu.dma_semaphore, #tpu.memory_space<semaphore_mem>> -> memref<!tpu.dma_semaphore, #tpu.memory_space<semaphore_mem>>
        tpu.wait_indirect_dma semaphore(%dma_wait3A_497 : memref<!tpu.dma_semaphore, #tpu.memory_space<semaphore_mem>>) src(%dma_wait3A_495 : memref<10240x128xf32, #tpu.memory_space<hbm>>) dst(%dma_wait3A_489 : memref<80x128xf32, #tpu.memory_space<vmem>>)
        %dma_start3A_498 = arith.constant 1 : i32
        %dma_start3A_499 = arith.constant 0 : i32
        %dma_start3A_500 = arith.constant 1 : i32
        %dma_start3A_501 = arith.constant 1 : i32
        %dma_start3A_502 = arith.constant 0 : i32
        %dma_start3A_503 = arith.constant 0 : i32
        %dma_start3A_504 = tpu.memref_slice %arg7[%dma_start3A_500, %dma_start3A_502, %dma_start3A_503] : memref<2x80x128xf32, #tpu.memory_space<vmem>> -> memref<1x80x128xf32, #tpu.memory_space<vmem>>
        %dma_start3A_505 = tpu.memref_squeeze %dma_start3A_504 : memref<1x80x128xf32, #tpu.memory_space<vmem>> -> memref<80x128xf32, #tpu.memory_space<vmem>>
        %dma_start3A_506 = arith.constant 0 : i32
        %dma_start3A_507 = tpu.memref_slice %arg6[%dma_start3A_498, %dma_start3A_499, %dma_start3A_506] : memref<4x2x80xi32, #tpu.memory_space<vmem>> -> memref<1x1x80xi32, #tpu.memory_space<vmem>>
        %dma_start3A_508 = tpu.memref_squeeze %dma_start3A_507 : memref<1x1x80xi32, #tpu.memory_space<vmem>> -> memref<80xi32, #tpu.memory_space<vmem>>
        %dma_start3A_509 = arith.constant 0 : i32
        %dma_start3A_510 = arith.constant 0 : i32
        %dma_start3A_511 = tpu.memref_slice %arg4[%dma_start3A_509, %dma_start3A_510] : memref<10240x128xf32, #tpu.memory_space<hbm>> -> memref<10240x128xf32, #tpu.memory_space<hbm>>
        %dma_start3A_512 = tpu.memref_slice %arg9[%dma_start3A_501] : memref<2x!tpu.dma_semaphore, #tpu.memory_space<semaphore_mem>> -> memref<1x!tpu.dma_semaphore, #tpu.memory_space<semaphore_mem>>
        %dma_start3A_513 = tpu.memref_squeeze %dma_start3A_512 : memref<1x!tpu.dma_semaphore, #tpu.memory_space<semaphore_mem>> -> memref<!tpu.dma_semaphore, #tpu.memory_space<semaphore_mem>>
        tpu.enqueue_indirect_dma source(%dma_start3A_511 : memref<10240x128xf32, #tpu.memory_space<hbm>>) target(%dma_start3A_505 : memref<80x128xf32, #tpu.memory_space<vmem>>) offsets(%dma_start3A_508 : memref<80xi32, #tpu.memory_space<vmem>>) semaphore(%dma_start3A_513 : memref<!tpu.dma_semaphore, #tpu.memory_space<semaphore_mem>>)
      } else {
      }
      %gt3A = arith.constant 0 : i32
      %gt3A_142 = arith.cmpi sgt, %scan3A_98, %gt3A : i32
      %convert_element_type3A_143 = arith.extui %gt3A_142 : i1 to i32
      %cond3A_144 = arith.constant 0 : i32
      %cond3A_145 = arith.cmpi ne, %convert_element_type3A_143, %cond3A_144 : i32
      scf.if %cond3A_145 {
        %add3A_446 = arith.constant 1 : i32
        %add3A_447 = arith.addi %add3A_103, %add3A_446 : i32
        %dma_wait3A_448 = arith.constant 1 : i32
        %dma_wait3A_449 = arith.constant 0 : i32
        %dma_wait3A_450 = arith.constant 1 : i32
        %dma_wait3A_451 = arith.constant 0 : i32
        %dma_wait3A_452 = tpu.memref_slice %arg6[%dma_wait3A_448, %dma_wait3A_449, %dma_wait3A_451] : memref<4x2x80xi32, #tpu.memory_space<vmem>> -> memref<1x1x80xi32, #tpu.memory_space<vmem>>
        %dma_wait3A_453 = tpu.memref_squeeze %dma_wait3A_452 : memref<1x1x80xi32, #tpu.memory_space<vmem>> -> memref<80xi32, #tpu.memory_space<vmem>>
        %dma_wait3A_454 = arith.constant 0 : i32
        %dma_wait3A_455 = tpu.memref_slice %arg2[%add3A, %add3A_447, %dma_wait3A_454] : memref<32x128x80xi32, #tpu.memory_space<hbm>> -> memref<1x1x80xi32, #tpu.memory_space<hbm>>
        %dma_wait3A_456 = tpu.memref_squeeze %dma_wait3A_455 : memref<1x1x80xi32, #tpu.memory_space<hbm>> -> memref<80xi32, #tpu.memory_space<hbm>>
        %dma_wait3A_457 = tpu.memref_slice %arg11[%dma_wait3A_450] : memref<4x!tpu.dma_semaphore, #tpu.memory_space<semaphore_mem>> -> memref<1x!tpu.dma_semaphore, #tpu.memory_space<semaphore_mem>>
        %dma_wait3A_458 = tpu.memref_squeeze %dma_wait3A_457 : memref<1x!tpu.dma_semaphore, #tpu.memory_space<semaphore_mem>> -> memref<!tpu.dma_semaphore, #tpu.memory_space<semaphore_mem>>
        %dma_wait3A_459 = arith.constant 0 : i32
        %dma_wait3A_460 = tpu.memref_slice %arg6[%dma_wait3A_448, %dma_wait3A_449, %dma_wait3A_459] : memref<4x2x80xi32, #tpu.memory_space<vmem>> -> memref<1x1x80xi32, #tpu.memory_space<vmem>>
        %dma_wait3A_461 = tpu.memref_squeeze %dma_wait3A_460 : memref<1x1x80xi32, #tpu.memory_space<vmem>> -> memref<80xi32, #tpu.memory_space<vmem>>
        %dma_wait3A_462 = arith.constant 0 : i32
        %dma_wait3A_463 = tpu.memref_slice %arg2[%add3A, %add3A_447, %dma_wait3A_462] : memref<32x128x80xi32, #tpu.memory_space<hbm>> -> memref<1x1x80xi32, #tpu.memory_space<hbm>>
        %dma_wait3A_464 = tpu.memref_squeeze %dma_wait3A_463 : memref<1x1x80xi32, #tpu.memory_space<hbm>> -> memref<80xi32, #tpu.memory_space<hbm>>
        tpu.wait_dma2 semaphore(%dma_wait3A_458 : memref<!tpu.dma_semaphore, #tpu.memory_space<semaphore_mem>>) src(%dma_wait3A_464 : memref<80xi32, #tpu.memory_space<hbm>>) dst(%dma_wait3A_461 : memref<80xi32, #tpu.memory_space<vmem>>)
        %dma_wait3A_465 = arith.constant 1 : i32
        %dma_wait3A_466 = arith.constant 1 : i32
        %dma_wait3A_467 = arith.constant 1 : i32
        %dma_wait3A_468 = arith.constant 0 : i32
        %dma_wait3A_469 = tpu.memref_slice %arg6[%dma_wait3A_465, %dma_wait3A_466, %dma_wait3A_468] : memref<4x2x80xi32, #tpu.memory_space<vmem>> -> memref<1x1x80xi32, #tpu.memory_space<vmem>>
        %dma_wait3A_470 = tpu.memref_squeeze %dma_wait3A_469 : memref<1x1x80xi32, #tpu.memory_space<vmem>> -> memref<80xi32, #tpu.memory_space<vmem>>
        %dma_wait3A_471 = arith.constant 0 : i32
        %dma_wait3A_472 = tpu.memref_slice %arg3[%add3A, %add3A_447, %dma_wait3A_471] : memref<32x128x80xi32, #tpu.memory_space<hbm>> -> memref<1x1x80xi32, #tpu.memory_space<hbm>>
        %dma_wait3A_473 = tpu.memref_squeeze %dma_wait3A_472 : memref<1x1x80xi32, #tpu.memory_space<hbm>> -> memref<80xi32, #tpu.memory_space<hbm>>
        %dma_wait3A_474 = tpu.memref_slice %arg11[%dma_wait3A_467] : memref<4x!tpu.dma_semaphore, #tpu.memory_space<semaphore_mem>> -> memref<1x!tpu.dma_semaphore, #tpu.memory_space<semaphore_mem>>
        %dma_wait3A_475 = tpu.memref_squeeze %dma_wait3A_474 : memref<1x!tpu.dma_semaphore, #tpu.memory_space<semaphore_mem>> -> memref<!tpu.dma_semaphore, #tpu.memory_space<semaphore_mem>>
        %dma_wait3A_476 = arith.constant 0 : i32
        %dma_wait3A_477 = tpu.memref_slice %arg6[%dma_wait3A_465, %dma_wait3A_466, %dma_wait3A_476] : memref<4x2x80xi32, #tpu.memory_space<vmem>> -> memref<1x1x80xi32, #tpu.memory_space<vmem>>
        %dma_wait3A_478 = tpu.memref_squeeze %dma_wait3A_477 : memref<1x1x80xi32, #tpu.memory_space<vmem>> -> memref<80xi32, #tpu.memory_space<vmem>>
        %dma_wait3A_479 = arith.constant 0 : i32
        %dma_wait3A_480 = tpu.memref_slice %arg3[%add3A, %add3A_447, %dma_wait3A_479] : memref<32x128x80xi32, #tpu.memory_space<hbm>> -> memref<1x1x80xi32, #tpu.memory_space<hbm>>
        %dma_wait3A_481 = tpu.memref_squeeze %dma_wait3A_480 : memref<1x1x80xi32, #tpu.memory_space<hbm>> -> memref<80xi32, #tpu.memory_space<hbm>>
        tpu.wait_dma2 semaphore(%dma_wait3A_475 : memref<!tpu.dma_semaphore, #tpu.memory_space<semaphore_mem>>) src(%dma_wait3A_481 : memref<80xi32, #tpu.memory_space<hbm>>) dst(%dma_wait3A_478 : memref<80xi32, #tpu.memory_space<vmem>>)
        %dma_wait3A_482 = arith.constant 0 : i32
        %dma_wait3A_483 = arith.constant 0 : i32
        %dma_wait3A_484 = arith.constant 0 : i32
        %dma_wait3A_485 = arith.constant 0 : i32
        %dma_wait3A_486 = arith.constant 0 : i32
        %dma_wait3A_487 = arith.constant 0 : i32
        %dma_wait3A_488 = tpu.memref_slice %arg7[%dma_wait3A_484, %dma_wait3A_486, %dma_wait3A_487] : memref<2x80x128xf32, #tpu.memory_space<vmem>> -> memref<1x80x128xf32, #tpu.memory_space<vmem>>
        %dma_wait3A_489 = tpu.memref_squeeze %dma_wait3A_488 : memref<1x80x128xf32, #tpu.memory_space<vmem>> -> memref<80x128xf32, #tpu.memory_space<vmem>>
        %dma_wait3A_490 = arith.constant 0 : i32
        %dma_wait3A_491 = tpu.memref_slice %arg6[%dma_wait3A_482, %dma_wait3A_483, %dma_wait3A_490] : memref<4x2x80xi32, #tpu.memory_space<vmem>> -> memref<1x1x80xi32, #tpu.memory_space<vmem>>
        %dma_wait3A_492 = tpu.memref_squeeze %dma_wait3A_491 : memref<1x1x80xi32, #tpu.memory_space<vmem>> -> memref<80xi32, #tpu.memory_space<vmem>>
        %dma_wait3A_493 = arith.constant 0 : i32
        %dma_wait3A_494 = arith.constant 0 : i32
        %dma_wait3A_495 = tpu.memref_slice %arg4[%dma_wait3A_493, %dma_wait3A_494] : memref<10240x128xf32, #tpu.memory_space<hbm>> -> memref<10240x128xf32, #tpu.memory_space<hbm>>
        %dma_wait3A_496 = tpu.memref_slice %arg9[%dma_wait3A_485] : memref<2x!tpu.dma_semaphore, #tpu.memory_space<semaphore_mem>> -> memref<1x!tpu.dma_semaphore, #tpu.memory_space<semaphore_mem>>
        %dma_wait3A_497 = tpu.memref_squeeze %dma_wait3A_496 : memref<1x!tpu.dma_semaphore, #tpu.memory_space<semaphore_mem>> -> memref<!tpu.dma_semaphore, #tpu.memory_space<semaphore_mem>>
        tpu.wait_indirect_dma semaphore(%dma_wait3A_497 : memref<!tpu.dma_semaphore, #tpu.memory_space<semaphore_mem>>) src(%dma_wait3A_495 : memref<10240x128xf32, #tpu.memory_space<hbm>>) dst(%dma_wait3A_489 : memref<80x128xf32, #tpu.memory_space<vmem>>)
        %dma_wait3A_498 = arith.constant 1 : i32
        %dma_wait3A_499 = arith.constant 3 : i32
        %dma_wait3A_500 = arith.constant 1 : i32
        %dma_wait3A_501 = arith.constant 1 : i32
        %dma_wait3A_502 = arith.constant 0 : i32
        %dma_wait3A_503 = arith.constant 0 : i32
        %dma_wait3A_504 = tpu.memref_slice %arg7[%dma_wait3A_498, %dma_wait3A_502, %dma_wait3A_503] : memref<2x80x128xf32, #tpu.memory_space<vmem>> -> memref<1x80x128xf32, #tpu.memory_space<vmem>>
        %dma_wait3A_505 = tpu.memref_squeeze %dma_wait3A_504 : memref<1x80x128xf32, #tpu.memory_space<vmem>> -> memref<80x128xf32, #tpu.memory_space<vmem>>
        %dma_wait3A_506 = arith.constant 0 : i32
        %dma_wait3A_507 = tpu.memref_slice %arg6[%dma_wait3A_499, %dma_wait3A_500, %dma_wait3A_506] : memref<4x2x80xi32, #tpu.memory_space<vmem>> -> memref<1x1x80xi32, #tpu.memory_space<vmem>>
        %dma_wait3A_508 = tpu.memref_squeeze %dma_wait3A_507 : memref<1x1x80xi32, #tpu.memory_space<vmem>> -> memref<80xi32, #tpu.memory_space<vmem>>
        %dma_wait3A_509 = arith.constant 0 : i32
        %dma_wait3A_510 = arith.constant 0 : i32
        %dma_wait3A_511 = tpu.memref_slice %arg8[%dma_wait3A_509, %dma_wait3A_510] : memref<10240x128xf32, #tpu.memory_space<vmem_shared>> -> memref<10240x128xf32, #tpu.memory_space<vmem_shared>>
        %dma_wait3A_512 = tpu.memref_slice %arg10[%dma_wait3A_501] : memref<2x!tpu.dma_semaphore, #tpu.memory_space<semaphore_mem>> -> memref<1x!tpu.dma_semaphore, #tpu.memory_space<semaphore_mem>>
        %dma_wait3A_513 = tpu.memref_squeeze %dma_wait3A_512 : memref<1x!tpu.dma_semaphore, #tpu.memory_space<semaphore_mem>> -> memref<!tpu.dma_semaphore, #tpu.memory_space<semaphore_mem>>
        tpu.wait_indirect_dma semaphore(%dma_wait3A_513 : memref<!tpu.dma_semaphore, #tpu.memory_space<semaphore_mem>>) src(%dma_wait3A_505 : memref<80x128xf32, #tpu.memory_space<vmem>>) dst(%dma_wait3A_511 : memref<10240x128xf32, #tpu.memory_space<vmem_shared>>)
        %dma_start3A_514 = arith.constant 1 : i32
        %dma_start3A_515 = arith.constant 0 : i32
        %dma_start3A_516 = arith.constant 1 : i32
        %dma_start3A_517 = arith.constant 1 : i32
        %dma_start3A_518 = arith.constant 0 : i32
        %dma_start3A_519 = arith.constant 0 : i32
        %dma_start3A_520 = tpu.memref_slice %arg7[%dma_start3A_516, %dma_start3A_518, %dma_start3A_519] : memref<2x80x128xf32, #tpu.memory_space<vmem>> -> memref<1x80x128xf32, #tpu.memory_space<vmem>>
        %dma_start3A_521 = tpu.memref_squeeze %dma_start3A_520 : memref<1x80x128xf32, #tpu.memory_space<vmem>> -> memref<80x128xf32, #tpu.memory_space<vmem>>
        %dma_start3A_522 = arith.constant 0 : i32
        %dma_start3A_523 = tpu.memref_slice %arg6[%dma_start3A_514, %dma_start3A_515, %dma_start3A_522] : memref<4x2x80xi32, #tpu.memory_space<vmem>> -> memref<1x1x80xi32, #tpu.memory_space<vmem>>
        %dma_start3A_524 = tpu.memref_squeeze %dma_start3A_523 : memref<1x1x80xi32, #tpu.memory_space<vmem>> -> memref<80xi32, #tpu.memory_space<vmem>>
        %dma_start3A_525 = arith.constant 0 : i32
        %dma_start3A_526 = arith.constant 0 : i32
        %dma_start3A_527 = tpu.memref_slice %arg4[%dma_start3A_525, %dma_start3A_526] : memref<10240x128xf32, #tpu.memory_space<hbm>> -> memref<10240x128xf32, #tpu.memory_space<hbm>>
        %dma_start3A_528 = tpu.memref_slice %arg9[%dma_start3A_517] : memref<2x!tpu.dma_semaphore, #tpu.memory_space<semaphore_mem>> -> memref<1x!tpu.dma_semaphore, #tpu.memory_space<semaphore_mem>>
        %dma_start3A_529 = tpu.memref_squeeze %dma_start3A_528 : memref<1x!tpu.dma_semaphore, #tpu.memory_space<semaphore_mem>> -> memref<!tpu.dma_semaphore, #tpu.memory_space<semaphore_mem>>
        tpu.enqueue_indirect_dma source(%dma_start3A_527 : memref<10240x128xf32, #tpu.memory_space<hbm>>) target(%dma_start3A_521 : memref<80x128xf32, #tpu.memory_space<vmem>>) offsets(%dma_start3A_524 : memref<80xi32, #tpu.memory_space<vmem>>) semaphore(%dma_start3A_529 : memref<!tpu.dma_semaphore, #tpu.memory_space<semaphore_mem>>)
      } else {
      }
      %dma_start3A_146 = arith.constant 0 : i32
      %dma_start3A_147 = arith.constant 0 : i32
      %dma_start3A_148 = arith.constant 1 : i32
      %dma_start3A_149 = arith.constant 0 : i32
      %dma_start3A_150 = arith.constant 0 : i32
      %dma_start3A_151 = arith.constant 0 : i32
      %dma_start3A_152 = tpu.memref_slice %arg7[%dma_start3A_146, %dma_start3A_150, %dma_start3A_151] : memref<2x80x128xf32, #tpu.memory_space<vmem>> -> memref<1x80x128xf32, #tpu.memory_space<vmem>>
      %dma_start3A_153 = tpu.memref_squeeze %dma_start3A_152 : memref<1x80x128xf32, #tpu.memory_space<vmem>> -> memref<80x128xf32, #tpu.memory_space<vmem>>
      %dma_start3A_154 = arith.constant 0 : i32
      %dma_start3A_155 = tpu.memref_slice %arg6[%dma_start3A_147, %dma_start3A_148, %dma_start3A_154] : memref<4x2x80xi32, #tpu.memory_space<vmem>> -> memref<1x1x80xi32, #tpu.memory_space<vmem>>
      %dma_start3A_156 = tpu.memref_squeeze %dma_start3A_155 : memref<1x1x80xi32, #tpu.memory_space<vmem>> -> memref<80xi32, #tpu.memory_space<vmem>>
      %dma_start3A_157 = arith.constant 0 : i32
      %dma_start3A_158 = arith.constant 0 : i32
      %dma_start3A_159 = tpu.memref_slice %arg8[%dma_start3A_157, %dma_start3A_158] : memref<10240x128xf32, #tpu.memory_space<vmem_shared>> -> memref<10240x128xf32, #tpu.memory_space<vmem_shared>>
      %dma_start3A_160 = tpu.memref_slice %arg10[%dma_start3A_149] : memref<2x!tpu.dma_semaphore, #tpu.memory_space<semaphore_mem>> -> memref<1x!tpu.dma_semaphore, #tpu.memory_space<semaphore_mem>>
      %dma_start3A_161 = tpu.memref_squeeze %dma_start3A_160 : memref<1x!tpu.dma_semaphore, #tpu.memory_space<semaphore_mem>> -> memref<!tpu.dma_semaphore, #tpu.memory_space<semaphore_mem>>
      tpu.enqueue_indirect_dma source(%dma_start3A_153 : memref<80x128xf32, #tpu.memory_space<vmem>>) target(%dma_start3A_159 : memref<10240x128xf32, #tpu.memory_space<vmem_shared>>) offsets(%dma_start3A_156 : memref<80xi32, #tpu.memory_space<vmem>>) semaphore(%dma_start3A_161 : memref<!tpu.dma_semaphore, #tpu.memory_space<semaphore_mem>>) {add = true}
      %mul3A_162 = arith.constant 4 : i32
      %mul3A_163 = arith.muli %mul3A_162, %scan3A_98 : i32
      %add3A_164 = arith.constant 1 : i32
      %add3A_165 = arith.addi %mul3A_163, %add3A_164 : i32
      %add3A_166 = arith.constant 2 : i32
      %add3A_167 = arith.addi %add3A_165, %add3A_166 : i32
      %dma_start3A_168 = arith.constant 3 : i32
      %dma_start3A_169 = arith.constant 0 : i32
      %dma_start3A_170 = arith.constant 3 : i32
      %dma_start3A_171 = arith.constant 0 : i32
      %dma_start3A_172 = tpu.memref_slice %arg6[%dma_start3A_168, %dma_start3A_169, %dma_start3A_171] : memref<4x2x80xi32, #tpu.memory_space<vmem>> -> memref<1x1x80xi32, #tpu.memory_space<vmem>>
      %dma_start3A_173 = tpu.memref_squeeze %dma_start3A_172 : memref<1x1x80xi32, #tpu.memory_space<vmem>> -> memref<80xi32, #tpu.memory_space<vmem>>
      %dma_start3A_174 = arith.constant 0 : i32
      %dma_start3A_175 = tpu.memref_slice %arg2[%add3A, %add3A_167, %dma_start3A_174] : memref<32x128x80xi32, #tpu.memory_space<hbm>> -> memref<1x1x80xi32, #tpu.memory_space<hbm>>
      %dma_start3A_176 = tpu.memref_squeeze %dma_start3A_175 : memref<1x1x80xi32, #tpu.memory_space<hbm>> -> memref<80xi32, #tpu.memory_space<hbm>>
      %dma_start3A_177 = tpu.memref_slice %arg11[%dma_start3A_170] : memref<4x!tpu.dma_semaphore, #tpu.memory_space<semaphore_mem>> -> memref<1x!tpu.dma_semaphore, #tpu.memory_space<semaphore_mem>>
      %dma_start3A_178 = tpu.memref_squeeze %dma_start3A_177 : memref<1x!tpu.dma_semaphore, #tpu.memory_space<semaphore_mem>> -> memref<!tpu.dma_semaphore, #tpu.memory_space<semaphore_mem>>
      %dma_start3A_179 = arith.constant 0 : i32
      %dma_start3A_180 = tpu.memref_slice %arg6[%dma_start3A_168, %dma_start3A_169, %dma_start3A_179] : memref<4x2x80xi32, #tpu.memory_space<vmem>> -> memref<1x1x80xi32, #tpu.memory_space<vmem>>
      %dma_start3A_181 = tpu.memref_squeeze %dma_start3A_180 : memref<1x1x80xi32, #tpu.memory_space<vmem>> -> memref<80xi32, #tpu.memory_space<vmem>>
      %dma_start3A_182 = arith.constant 0 : i32
      %dma_start3A_183 = tpu.memref_slice %arg2[%add3A, %add3A_167, %dma_start3A_182] : memref<32x128x80xi32, #tpu.memory_space<hbm>> -> memref<1x1x80xi32, #tpu.memory_space<hbm>>
      %dma_start3A_184 = tpu.memref_squeeze %dma_start3A_183 : memref<1x1x80xi32, #tpu.memory_space<hbm>> -> memref<80xi32, #tpu.memory_space<hbm>>
      tpu.enqueue_dma source(%dma_start3A_184 : memref<80xi32, #tpu.memory_space<hbm>>) target(%dma_start3A_181 : memref<80xi32, #tpu.memory_space<vmem>>) target_semaphore(%dma_start3A_178 : memref<!tpu.dma_semaphore, #tpu.memory_space<semaphore_mem>>)
      %dma_start3A_185 = arith.constant 3 : i32
      %dma_start3A_186 = arith.constant 1 : i32
      %dma_start3A_187 = arith.constant 3 : i32
      %dma_start3A_188 = arith.constant 0 : i32
      %dma_start3A_189 = tpu.memref_slice %arg6[%dma_start3A_185, %dma_start3A_186, %dma_start3A_188] : memref<4x2x80xi32, #tpu.memory_space<vmem>> -> memref<1x1x80xi32, #tpu.memory_space<vmem>>
      %dma_start3A_190 = tpu.memref_squeeze %dma_start3A_189 : memref<1x1x80xi32, #tpu.memory_space<vmem>> -> memref<80xi32, #tpu.memory_space<vmem>>
      %dma_start3A_191 = arith.constant 0 : i32
      %dma_start3A_192 = tpu.memref_slice %arg3[%add3A, %add3A_167, %dma_start3A_191] : memref<32x128x80xi32, #tpu.memory_space<hbm>> -> memref<1x1x80xi32, #tpu.memory_space<hbm>>
      %dma_start3A_193 = tpu.memref_squeeze %dma_start3A_192 : memref<1x1x80xi32, #tpu.memory_space<hbm>> -> memref<80xi32, #tpu.memory_space<hbm>>
      %dma_start3A_194 = tpu.memref_slice %arg11[%dma_start3A_187] : memref<4x!tpu.dma_semaphore, #tpu.memory_space<semaphore_mem>> -> memref<1x!tpu.dma_semaphore, #tpu.memory_space<semaphore_mem>>
      %dma_start3A_195 = tpu.memref_squeeze %dma_start3A_194 : memref<1x!tpu.dma_semaphore, #tpu.memory_space<semaphore_mem>> -> memref<!tpu.dma_semaphore, #tpu.memory_space<semaphore_mem>>
      %dma_start3A_196 = arith.constant 0 : i32
      %dma_start3A_197 = tpu.memref_slice %arg6[%dma_start3A_185, %dma_start3A_186, %dma_start3A_196] : memref<4x2x80xi32, #tpu.memory_space<vmem>> -> memref<1x1x80xi32, #tpu.memory_space<vmem>>
      %dma_start3A_198 = tpu.memref_squeeze %dma_start3A_197 : memref<1x1x80xi32, #tpu.memory_space<vmem>> -> memref<80xi32, #tpu.memory_space<vmem>>
      %dma_start3A_199 = arith.constant 0 : i32
      %dma_start3A_200 = tpu.memref_slice %arg3[%add3A, %add3A_167, %dma_start3A_199] : memref<32x128x80xi32, #tpu.memory_space<hbm>> -> memref<1x1x80xi32, #tpu.memory_space<hbm>>
      %dma_start3A_201 = tpu.memref_squeeze %dma_start3A_200 : memref<1x1x80xi32, #tpu.memory_space<hbm>> -> memref<80xi32, #tpu.memory_space<hbm>>
      tpu.enqueue_dma source(%dma_start3A_201 : memref<80xi32, #tpu.memory_space<hbm>>) target(%dma_start3A_198 : memref<80xi32, #tpu.memory_space<vmem>>) target_semaphore(%dma_start3A_195 : memref<!tpu.dma_semaphore, #tpu.memory_space<semaphore_mem>>)
      %add3A_202 = arith.constant 1 : i32
      %add3A_203 = arith.addi %add3A_165, %add3A_202 : i32
      %dma_wait3A_204 = arith.constant 2 : i32
      %dma_wait3A_205 = arith.constant 0 : i32
      %dma_wait3A_206 = arith.constant 2 : i32
      %dma_wait3A_207 = arith.constant 0 : i32
      %dma_wait3A_208 = tpu.memref_slice %arg6[%dma_wait3A_204, %dma_wait3A_205, %dma_wait3A_207] : memref<4x2x80xi32, #tpu.memory_space<vmem>> -> memref<1x1x80xi32, #tpu.memory_space<vmem>>
      %dma_wait3A_209 = tpu.memref_squeeze %dma_wait3A_208 : memref<1x1x80xi32, #tpu.memory_space<vmem>> -> memref<80xi32, #tpu.memory_space<vmem>>
      %dma_wait3A_210 = arith.constant 0 : i32
      %dma_wait3A_211 = tpu.memref_slice %arg2[%add3A, %add3A_203, %dma_wait3A_210] : memref<32x128x80xi32, #tpu.memory_space<hbm>> -> memref<1x1x80xi32, #tpu.memory_space<hbm>>
      %dma_wait3A_212 = tpu.memref_squeeze %dma_wait3A_211 : memref<1x1x80xi32, #tpu.memory_space<hbm>> -> memref<80xi32, #tpu.memory_space<hbm>>
      %dma_wait3A_213 = tpu.memref_slice %arg11[%dma_wait3A_206] : memref<4x!tpu.dma_semaphore, #tpu.memory_space<semaphore_mem>> -> memref<1x!tpu.dma_semaphore, #tpu.memory_space<semaphore_mem>>
      %dma_wait3A_214 = tpu.memref_squeeze %dma_wait3A_213 : memref<1x!tpu.dma_semaphore, #tpu.memory_space<semaphore_mem>> -> memref<!tpu.dma_semaphore, #tpu.memory_space<semaphore_mem>>
      %dma_wait3A_215 = arith.constant 0 : i32
      %dma_wait3A_216 = tpu.memref_slice %arg6[%dma_wait3A_204, %dma_wait3A_205, %dma_wait3A_215] : memref<4x2x80xi32, #tpu.memory_space<vmem>> -> memref<1x1x80xi32, #tpu.memory_space<vmem>>
      %dma_wait3A_217 = tpu.memref_squeeze %dma_wait3A_216 : memref<1x1x80xi32, #tpu.memory_space<vmem>> -> memref<80xi32, #tpu.memory_space<vmem>>
      %dma_wait3A_218 = arith.constant 0 : i32
      %dma_wait3A_219 = tpu.memref_slice %arg2[%add3A, %add3A_203, %dma_wait3A_218] : memref<32x128x80xi32, #tpu.memory_space<hbm>> -> memref<1x1x80xi32, #tpu.memory_space<hbm>>
      %dma_wait3A_220 = tpu.memref_squeeze %dma_wait3A_219 : memref<1x1x80xi32, #tpu.memory_space<hbm>> -> memref<80xi32, #tpu.memory_space<hbm>>
      tpu.wait_dma2 semaphore(%dma_wait3A_214 : memref<!tpu.dma_semaphore, #tpu.memory_space<semaphore_mem>>) src(%dma_wait3A_220 : memref<80xi32, #tpu.memory_space<hbm>>) dst(%dma_wait3A_217 : memref<80xi32, #tpu.memory_space<vmem>>)
      %dma_wait3A_221 = arith.constant 2 : i32
      %dma_wait3A_222 = arith.constant 1 : i32
      %dma_wait3A_223 = arith.constant 2 : i32
      %dma_wait3A_224 = arith.constant 0 : i32
      %dma_wait3A_225 = tpu.memref_slice %arg6[%dma_wait3A_221, %dma_wait3A_222, %dma_wait3A_224] : memref<4x2x80xi32, #tpu.memory_space<vmem>> -> memref<1x1x80xi32, #tpu.memory_space<vmem>>
      %dma_wait3A_226 = tpu.memref_squeeze %dma_wait3A_225 : memref<1x1x80xi32, #tpu.memory_space<vmem>> -> memref<80xi32, #tpu.memory_space<vmem>>
      %dma_wait3A_227 = arith.constant 0 : i32
      %dma_wait3A_228 = tpu.memref_slice %arg3[%add3A, %add3A_203, %dma_wait3A_227] : memref<32x128x80xi32, #tpu.memory_space<hbm>> -> memref<1x1x80xi32, #tpu.memory_space<hbm>>
      %dma_wait3A_229 = tpu.memref_squeeze %dma_wait3A_228 : memref<1x1x80xi32, #tpu.memory_space<hbm>> -> memref<80xi32, #tpu.memory_space<hbm>>
      %dma_wait3A_230 = tpu.memref_slice %arg11[%dma_wait3A_223] : memref<4x!tpu.dma_semaphore, #tpu.memory_space<semaphore_mem>> -> memref<1x!tpu.dma_semaphore, #tpu.memory_space<semaphore_mem>>
      %dma_wait3A_231 = tpu.memref_squeeze %dma_wait3A_230 : memref<1x!tpu.dma_semaphore, #tpu.memory_space<semaphore_mem>> -> memref<!tpu.dma_semaphore, #tpu.memory_space<semaphore_mem>>
      %dma_wait3A_232 = arith.constant 0 : i32
      %dma_wait3A_233 = tpu.memref_slice %arg6[%dma_wait3A_221, %dma_wait3A_222, %dma_wait3A_232] : memref<4x2x80xi32, #tpu.memory_space<vmem>> -> memref<1x1x80xi32, #tpu.memory_space<vmem>>
      %dma_wait3A_234 = tpu.memref_squeeze %dma_wait3A_233 : memref<1x1x80xi32, #tpu.memory_space<vmem>> -> memref<80xi32, #tpu.memory_space<vmem>>
      %dma_wait3A_235 = arith.constant 0 : i32
      %dma_wait3A_236 = tpu.memref_slice %arg3[%add3A, %add3A_203, %dma_wait3A_235] : memref<32x128x80xi32, #tpu.memory_space<hbm>> -> memref<1x1x80xi32, #tpu.memory_space<hbm>>
      %dma_wait3A_237 = tpu.memref_squeeze %dma_wait3A_236 : memref<1x1x80xi32, #tpu.memory_space<hbm>> -> memref<80xi32, #tpu.memory_space<hbm>>
      tpu.wait_dma2 semaphore(%dma_wait3A_231 : memref<!tpu.dma_semaphore, #tpu.memory_space<semaphore_mem>>) src(%dma_wait3A_237 : memref<80xi32, #tpu.memory_space<hbm>>) dst(%dma_wait3A_234 : memref<80xi32, #tpu.memory_space<vmem>>)
      %dma_wait3A_238 = arith.constant 1 : i32
      %dma_wait3A_239 = arith.constant 0 : i32
      %dma_wait3A_240 = arith.constant 1 : i32
      %dma_wait3A_241 = arith.constant 1 : i32
      %dma_wait3A_242 = arith.constant 0 : i32
      %dma_wait3A_243 = arith.constant 0 : i32
      %dma_wait3A_244 = tpu.memref_slice %arg7[%dma_wait3A_240, %dma_wait3A_242, %dma_wait3A_243] : memref<2x80x128xf32, #tpu.memory_space<vmem>> -> memref<1x80x128xf32, #tpu.memory_space<vmem>>
      %dma_wait3A_245 = tpu.memref_squeeze %dma_wait3A_244 : memref<1x80x128xf32, #tpu.memory_space<vmem>> -> memref<80x128xf32, #tpu.memory_space<vmem>>
      %dma_wait3A_246 = arith.constant 0 : i32
      %dma_wait3A_247 = tpu.memref_slice %arg6[%dma_wait3A_238, %dma_wait3A_239, %dma_wait3A_246] : memref<4x2x80xi32, #tpu.memory_space<vmem>> -> memref<1x1x80xi32, #tpu.memory_space<vmem>>
      %dma_wait3A_248 = tpu.memref_squeeze %dma_wait3A_247 : memref<1x1x80xi32, #tpu.memory_space<vmem>> -> memref<80xi32, #tpu.memory_space<vmem>>
      %dma_wait3A_249 = arith.constant 0 : i32
      %dma_wait3A_250 = arith.constant 0 : i32
      %dma_wait3A_251 = tpu.memref_slice %arg4[%dma_wait3A_249, %dma_wait3A_250] : memref<10240x128xf32, #tpu.memory_space<hbm>> -> memref<10240x128xf32, #tpu.memory_space<hbm>>
      %dma_wait3A_252 = tpu.memref_slice %arg9[%dma_wait3A_241] : memref<2x!tpu.dma_semaphore, #tpu.memory_space<semaphore_mem>> -> memref<1x!tpu.dma_semaphore, #tpu.memory_space<semaphore_mem>>
      %dma_wait3A_253 = tpu.memref_squeeze %dma_wait3A_252 : memref<1x!tpu.dma_semaphore, #tpu.memory_space<semaphore_mem>> -> memref<!tpu.dma_semaphore, #tpu.memory_space<semaphore_mem>>
      tpu.wait_indirect_dma semaphore(%dma_wait3A_253 : memref<!tpu.dma_semaphore, #tpu.memory_space<semaphore_mem>>) src(%dma_wait3A_251 : memref<10240x128xf32, #tpu.memory_space<hbm>>) dst(%dma_wait3A_245 : memref<80x128xf32, #tpu.memory_space<vmem>>)
      %dma_wait3A_254 = arith.constant 0 : i32
      %dma_wait3A_255 = arith.constant 0 : i32
      %dma_wait3A_256 = arith.constant 1 : i32
      %dma_wait3A_257 = arith.constant 0 : i32
      %dma_wait3A_258 = arith.constant 0 : i32
      %dma_wait3A_259 = arith.constant 0 : i32
      %dma_wait3A_260 = tpu.memref_slice %arg7[%dma_wait3A_254, %dma_wait3A_258, %dma_wait3A_259] : memref<2x80x128xf32, #tpu.memory_space<vmem>> -> memref<1x80x128xf32, #tpu.memory_space<vmem>>
      %dma_wait3A_261 = tpu.memref_squeeze %dma_wait3A_260 : memref<1x80x128xf32, #tpu.memory_space<vmem>> -> memref<80x128xf32, #tpu.memory_space<vmem>>
      %dma_wait3A_262 = arith.constant 0 : i32
      %dma_wait3A_263 = tpu.memref_slice %arg6[%dma_wait3A_255, %dma_wait3A_256, %dma_wait3A_262] : memref<4x2x80xi32, #tpu.memory_space<vmem>> -> memref<1x1x80xi32, #tpu.memory_space<vmem>>
      %dma_wait3A_264 = tpu.memref_squeeze %dma_wait3A_263 : memref<1x1x80xi32, #tpu.memory_space<vmem>> -> memref<80xi32, #tpu.memory_space<vmem>>
      %dma_wait3A_265 = arith.constant 0 : i32
      %dma_wait3A_266 = arith.constant 0 : i32
      %dma_wait3A_267 = tpu.memref_slice %arg8[%dma_wait3A_265, %dma_wait3A_266] : memref<10240x128xf32, #tpu.memory_space<vmem_shared>> -> memref<10240x128xf32, #tpu.memory_space<vmem_shared>>
      %dma_wait3A_268 = tpu.memref_slice %arg10[%dma_wait3A_257] : memref<2x!tpu.dma_semaphore, #tpu.memory_space<semaphore_mem>> -> memref<1x!tpu.dma_semaphore, #tpu.memory_space<semaphore_mem>>
      %dma_wait3A_269 = tpu.memref_squeeze %dma_wait3A_268 : memref<1x!tpu.dma_semaphore, #tpu.memory_space<semaphore_mem>> -> memref<!tpu.dma_semaphore, #tpu.memory_space<semaphore_mem>>
      tpu.wait_indirect_dma semaphore(%dma_wait3A_269 : memref<!tpu.dma_semaphore, #tpu.memory_space<semaphore_mem>>) src(%dma_wait3A_261 : memref<80x128xf32, #tpu.memory_space<vmem>>) dst(%dma_wait3A_267 : memref<10240x128xf32, #tpu.memory_space<vmem_shared>>)
      %dma_start3A_270 = arith.constant 2 : i32
      %dma_start3A_271 = arith.constant 0 : i32
      %dma_start3A_272 = arith.constant 0 : i32
      %dma_start3A_273 = arith.constant 0 : i32
      %dma_start3A_274 = arith.constant 0 : i32
      %dma_start3A_275 = arith.constant 0 : i32
      %dma_start3A_276 = tpu.memref_slice %arg7[%dma_start3A_272, %dma_start3A_274, %dma_start3A_275] : memref<2x80x128xf32, #tpu.memory_space<vmem>> -> memref<1x80x128xf32, #tpu.memory_space<vmem>>
      %dma_start3A_277 = tpu.memref_squeeze %dma_start3A_276 : memref<1x80x128xf32, #tpu.memory_space<vmem>> -> memref<80x128xf32, #tpu.memory_space<vmem>>
      %dma_start3A_278 = arith.constant 0 : i32
      %dma_start3A_279 = tpu.memref_slice %arg6[%dma_start3A_270, %dma_start3A_271, %dma_start3A_278] : memref<4x2x80xi32, #tpu.memory_space<vmem>> -> memref<1x1x80xi32, #tpu.memory_space<vmem>>
      %dma_start3A_280 = tpu.memref_squeeze %dma_start3A_279 : memref<1x1x80xi32, #tpu.memory_space<vmem>> -> memref<80xi32, #tpu.memory_space<vmem>>
      %dma_start3A_281 = arith.constant 0 : i32
      %dma_start3A_282 = arith.constant 0 : i32
      %dma_start3A_283 = tpu.memref_slice %arg4[%dma_start3A_281, %dma_start3A_282] : memref<10240x128xf32, #tpu.memory_space<hbm>> -> memref<10240x128xf32, #tpu.memory_space<hbm>>
      %dma_start3A_284 = tpu.memref_slice %arg9[%dma_start3A_273] : memref<2x!tpu.dma_semaphore, #tpu.memory_space<semaphore_mem>> -> memref<1x!tpu.dma_semaphore, #tpu.memory_space<semaphore_mem>>
      %dma_start3A_285 = tpu.memref_squeeze %dma_start3A_284 : memref<1x!tpu.dma_semaphore, #tpu.memory_space<semaphore_mem>> -> memref<!tpu.dma_semaphore, #tpu.memory_space<semaphore_mem>>
      tpu.enqueue_indirect_dma source(%dma_start3A_283 : memref<10240x128xf32, #tpu.memory_space<hbm>>) target(%dma_start3A_277 : memref<80x128xf32, #tpu.memory_space<vmem>>) offsets(%dma_start3A_280 : memref<80xi32, #tpu.memory_space<vmem>>) semaphore(%dma_start3A_285 : memref<!tpu.dma_semaphore, #tpu.memory_space<semaphore_mem>>)
      %dma_start3A_286 = arith.constant 1 : i32
      %dma_start3A_287 = arith.constant 1 : i32
      %dma_start3A_288 = arith.constant 1 : i32
      %dma_start3A_289 = arith.constant 1 : i32
      %dma_start3A_290 = arith.constant 0 : i32
      %dma_start3A_291 = arith.constant 0 : i32
      %dma_start3A_292 = tpu.memref_slice %arg7[%dma_start3A_286, %dma_start3A_290, %dma_start3A_291] : memref<2x80x128xf32, #tpu.memory_space<vmem>> -> memref<1x80x128xf32, #tpu.memory_space<vmem>>
      %dma_start3A_293 = tpu.memref_squeeze %dma_start3A_292 : memref<1x80x128xf32, #tpu.memory_space<vmem>> -> memref<80x128xf32, #tpu.memory_space<vmem>>
      %dma_start3A_294 = arith.constant 0 : i32
      %dma_start3A_295 = tpu.memref_slice %arg6[%dma_start3A_287, %dma_start3A_288, %dma_start3A_294] : memref<4x2x80xi32, #tpu.memory_space<vmem>> -> memref<1x1x80xi32, #tpu.memory_space<vmem>>
      %dma_start3A_296 = tpu.memref_squeeze %dma_start3A_295 : memref<1x1x80xi32, #tpu.memory_space<vmem>> -> memref<80xi32, #tpu.memory_space<vmem>>
      %dma_start3A_297 = arith.constant 0 : i32
      %dma_start3A_298 = arith.constant 0 : i32
      %dma_start3A_299 = tpu.memref_slice %arg8[%dma_start3A_297, %dma_start3A_298] : memref<10240x128xf32, #tpu.memory_space<vmem_shared>> -> memref<10240x128xf32, #tpu.memory_space<vmem_shared>>
      %dma_start3A_300 = tpu.memref_slice %arg10[%dma_start3A_289] : memref<2x!tpu.dma_semaphore, #tpu.memory_space<semaphore_mem>> -> memref<1x!tpu.dma_semaphore, #tpu.memory_space<semaphore_mem>>
      %dma_start3A_301 = tpu.memref_squeeze %dma_start3A_300 : memref<1x!tpu.dma_semaphore, #tpu.memory_space<semaphore_mem>> -> memref<!tpu.dma_semaphore, #tpu.memory_space<semaphore_mem>>
      tpu.enqueue_indirect_dma source(%dma_start3A_293 : memref<80x128xf32, #tpu.memory_space<vmem>>) target(%dma_start3A_299 : memref<10240x128xf32, #tpu.memory_space<vmem_shared>>) offsets(%dma_start3A_296 : memref<80xi32, #tpu.memory_space<vmem>>) semaphore(%dma_start3A_301 : memref<!tpu.dma_semaphore, #tpu.memory_space<semaphore_mem>>) {add = true}
      %mul3A_302 = arith.constant 4 : i32
      %mul3A_303 = arith.muli %mul3A_302, %scan3A_98 : i32
      %add3A_304 = arith.constant 2 : i32
      %add3A_305 = arith.addi %mul3A_303, %add3A_304 : i32
      %lt3A = arith.constant 31 : i32
      %lt3A_306 = arith.cmpi slt, %scan3A_98, %lt3A : i32
      %convert_element_type3A_307 = arith.extui %lt3A_306 : i1 to i32
      %cond3A_308 = arith.constant 0 : i32
      %cond3A_309 = arith.cmpi ne, %convert_element_type3A_307, %cond3A_308 : i32
      scf.if %cond3A_309 {
        %add3A_446 = arith.constant 2 : i32
        %add3A_447 = arith.addi %add3A_305, %add3A_446 : i32
        %dma_start3A_448 = arith.constant 0 : i32
        %dma_start3A_449 = arith.constant 0 : i32
        %dma_start3A_450 = arith.constant 0 : i32
        %dma_start3A_451 = arith.constant 0 : i32
        %dma_start3A_452 = tpu.memref_slice %arg6[%dma_start3A_448, %dma_start3A_449, %dma_start3A_451] : memref<4x2x80xi32, #tpu.memory_space<vmem>> -> memref<1x1x80xi32, #tpu.memory_space<vmem>>
        %dma_start3A_453 = tpu.memref_squeeze %dma_start3A_452 : memref<1x1x80xi32, #tpu.memory_space<vmem>> -> memref<80xi32, #tpu.memory_space<vmem>>
        %dma_start3A_454 = arith.constant 0 : i32
        %dma_start3A_455 = tpu.memref_slice %arg2[%add3A, %add3A_447, %dma_start3A_454] : memref<32x128x80xi32, #tpu.memory_space<hbm>> -> memref<1x1x80xi32, #tpu.memory_space<hbm>>
        %dma_start3A_456 = tpu.memref_squeeze %dma_start3A_455 : memref<1x1x80xi32, #tpu.memory_space<hbm>> -> memref<80xi32, #tpu.memory_space<hbm>>
        %dma_start3A_457 = tpu.memref_slice %arg11[%dma_start3A_450] : memref<4x!tpu.dma_semaphore, #tpu.memory_space<semaphore_mem>> -> memref<1x!tpu.dma_semaphore, #tpu.memory_space<semaphore_mem>>
        %dma_start3A_458 = tpu.memref_squeeze %dma_start3A_457 : memref<1x!tpu.dma_semaphore, #tpu.memory_space<semaphore_mem>> -> memref<!tpu.dma_semaphore, #tpu.memory_space<semaphore_mem>>
        %dma_start3A_459 = arith.constant 0 : i32
        %dma_start3A_460 = tpu.memref_slice %arg6[%dma_start3A_448, %dma_start3A_449, %dma_start3A_459] : memref<4x2x80xi32, #tpu.memory_space<vmem>> -> memref<1x1x80xi32, #tpu.memory_space<vmem>>
        %dma_start3A_461 = tpu.memref_squeeze %dma_start3A_460 : memref<1x1x80xi32, #tpu.memory_space<vmem>> -> memref<80xi32, #tpu.memory_space<vmem>>
        %dma_start3A_462 = arith.constant 0 : i32
        %dma_start3A_463 = tpu.memref_slice %arg2[%add3A, %add3A_447, %dma_start3A_462] : memref<32x128x80xi32, #tpu.memory_space<hbm>> -> memref<1x1x80xi32, #tpu.memory_space<hbm>>
        %dma_start3A_464 = tpu.memref_squeeze %dma_start3A_463 : memref<1x1x80xi32, #tpu.memory_space<hbm>> -> memref<80xi32, #tpu.memory_space<hbm>>
        tpu.enqueue_dma source(%dma_start3A_464 : memref<80xi32, #tpu.memory_space<hbm>>) target(%dma_start3A_461 : memref<80xi32, #tpu.memory_space<vmem>>) target_semaphore(%dma_start3A_458 : memref<!tpu.dma_semaphore, #tpu.memory_space<semaphore_mem>>)
        %dma_start3A_465 = arith.constant 0 : i32
        %dma_start3A_466 = arith.constant 1 : i32
        %dma_start3A_467 = arith.constant 0 : i32
        %dma_start3A_468 = arith.constant 0 : i32
        %dma_start3A_469 = tpu.memref_slice %arg6[%dma_start3A_465, %dma_start3A_466, %dma_start3A_468] : memref<4x2x80xi32, #tpu.memory_space<vmem>> -> memref<1x1x80xi32, #tpu.memory_space<vmem>>
        %dma_start3A_470 = tpu.memref_squeeze %dma_start3A_469 : memref<1x1x80xi32, #tpu.memory_space<vmem>> -> memref<80xi32, #tpu.memory_space<vmem>>
        %dma_start3A_471 = arith.constant 0 : i32
        %dma_start3A_472 = tpu.memref_slice %arg3[%add3A, %add3A_447, %dma_start3A_471] : memref<32x128x80xi32, #tpu.memory_space<hbm>> -> memref<1x1x80xi32, #tpu.memory_space<hbm>>
        %dma_start3A_473 = tpu.memref_squeeze %dma_start3A_472 : memref<1x1x80xi32, #tpu.memory_space<hbm>> -> memref<80xi32, #tpu.memory_space<hbm>>
        %dma_start3A_474 = tpu.memref_slice %arg11[%dma_start3A_467] : memref<4x!tpu.dma_semaphore, #tpu.memory_space<semaphore_mem>> -> memref<1x!tpu.dma_semaphore, #tpu.memory_space<semaphore_mem>>
        %dma_start3A_475 = tpu.memref_squeeze %dma_start3A_474 : memref<1x!tpu.dma_semaphore, #tpu.memory_space<semaphore_mem>> -> memref<!tpu.dma_semaphore, #tpu.memory_space<semaphore_mem>>
        %dma_start3A_476 = arith.constant 0 : i32
        %dma_start3A_477 = tpu.memref_slice %arg6[%dma_start3A_465, %dma_start3A_466, %dma_start3A_476] : memref<4x2x80xi32, #tpu.memory_space<vmem>> -> memref<1x1x80xi32, #tpu.memory_space<vmem>>
        %dma_start3A_478 = tpu.memref_squeeze %dma_start3A_477 : memref<1x1x80xi32, #tpu.memory_space<vmem>> -> memref<80xi32, #tpu.memory_space<vmem>>
        %dma_start3A_479 = arith.constant 0 : i32
        %dma_start3A_480 = tpu.memref_slice %arg3[%add3A, %add3A_447, %dma_start3A_479] : memref<32x128x80xi32, #tpu.memory_space<hbm>> -> memref<1x1x80xi32, #tpu.memory_space<hbm>>
        %dma_start3A_481 = tpu.memref_squeeze %dma_start3A_480 : memref<1x1x80xi32, #tpu.memory_space<hbm>> -> memref<80xi32, #tpu.memory_space<hbm>>
        tpu.enqueue_dma source(%dma_start3A_481 : memref<80xi32, #tpu.memory_space<hbm>>) target(%dma_start3A_478 : memref<80xi32, #tpu.memory_space<vmem>>) target_semaphore(%dma_start3A_475 : memref<!tpu.dma_semaphore, #tpu.memory_space<semaphore_mem>>)
      } else {
      }
      %add3A_310 = arith.constant 1 : i32
      %add3A_311 = arith.addi %add3A_305, %add3A_310 : i32
      %dma_wait3A_312 = arith.constant 3 : i32
      %dma_wait3A_313 = arith.constant 0 : i32
      %dma_wait3A_314 = arith.constant 3 : i32
      %dma_wait3A_315 = arith.constant 0 : i32
      %dma_wait3A_316 = tpu.memref_slice %arg6[%dma_wait3A_312, %dma_wait3A_313, %dma_wait3A_315] : memref<4x2x80xi32, #tpu.memory_space<vmem>> -> memref<1x1x80xi32, #tpu.memory_space<vmem>>
      %dma_wait3A_317 = tpu.memref_squeeze %dma_wait3A_316 : memref<1x1x80xi32, #tpu.memory_space<vmem>> -> memref<80xi32, #tpu.memory_space<vmem>>
      %dma_wait3A_318 = arith.constant 0 : i32
      %dma_wait3A_319 = tpu.memref_slice %arg2[%add3A, %add3A_311, %dma_wait3A_318] : memref<32x128x80xi32, #tpu.memory_space<hbm>> -> memref<1x1x80xi32, #tpu.memory_space<hbm>>
      %dma_wait3A_320 = tpu.memref_squeeze %dma_wait3A_319 : memref<1x1x80xi32, #tpu.memory_space<hbm>> -> memref<80xi32, #tpu.memory_space<hbm>>
      %dma_wait3A_321 = tpu.memref_slice %arg11[%dma_wait3A_314] : memref<4x!tpu.dma_semaphore, #tpu.memory_space<semaphore_mem>> -> memref<1x!tpu.dma_semaphore, #tpu.memory_space<semaphore_mem>>
      %dma_wait3A_322 = tpu.memref_squeeze %dma_wait3A_321 : memref<1x!tpu.dma_semaphore, #tpu.memory_space<semaphore_mem>> -> memref<!tpu.dma_semaphore, #tpu.memory_space<semaphore_mem>>
      %dma_wait3A_323 = arith.constant 0 : i32
      %dma_wait3A_324 = tpu.memref_slice %arg6[%dma_wait3A_312, %dma_wait3A_313, %dma_wait3A_323] : memref<4x2x80xi32, #tpu.memory_space<vmem>> -> memref<1x1x80xi32, #tpu.memory_space<vmem>>
      %dma_wait3A_325 = tpu.memref_squeeze %dma_wait3A_324 : memref<1x1x80xi32, #tpu.memory_space<vmem>> -> memref<80xi32, #tpu.memory_space<vmem>>
      %dma_wait3A_326 = arith.constant 0 : i32
      %dma_wait3A_327 = tpu.memref_slice %arg2[%add3A, %add3A_311, %dma_wait3A_326] : memref<32x128x80xi32, #tpu.memory_space<hbm>> -> memref<1x1x80xi32, #tpu.memory_space<hbm>>
      %dma_wait3A_328 = tpu.memref_squeeze %dma_wait3A_327 : memref<1x1x80xi32, #tpu.memory_space<hbm>> -> memref<80xi32, #tpu.memory_space<hbm>>
      tpu.wait_dma2 semaphore(%dma_wait3A_322 : memref<!tpu.dma_semaphore, #tpu.memory_space<semaphore_mem>>) src(%dma_wait3A_328 : memref<80xi32, #tpu.memory_space<hbm>>) dst(%dma_wait3A_325 : memref<80xi32, #tpu.memory_space<vmem>>)
      %dma_wait3A_329 = arith.constant 3 : i32
      %dma_wait3A_330 = arith.constant 1 : i32
      %dma_wait3A_331 = arith.constant 3 : i32
      %dma_wait3A_332 = arith.constant 0 : i32
      %dma_wait3A_333 = tpu.memref_slice %arg6[%dma_wait3A_329, %dma_wait3A_330, %dma_wait3A_332] : memref<4x2x80xi32, #tpu.memory_space<vmem>> -> memref<1x1x80xi32, #tpu.memory_space<vmem>>
      %dma_wait3A_334 = tpu.memref_squeeze %dma_wait3A_333 : memref<1x1x80xi32, #tpu.memory_space<vmem>> -> memref<80xi32, #tpu.memory_space<vmem>>
      %dma_wait3A_335 = arith.constant 0 : i32
      %dma_wait3A_336 = tpu.memref_slice %arg3[%add3A, %add3A_311, %dma_wait3A_335] : memref<32x128x80xi32, #tpu.memory_space<hbm>> -> memref<1x1x80xi32, #tpu.memory_space<hbm>>
      %dma_wait3A_337 = tpu.memref_squeeze %dma_wait3A_336 : memref<1x1x80xi32, #tpu.memory_space<hbm>> -> memref<80xi32, #tpu.memory_space<hbm>>
      %dma_wait3A_338 = tpu.memref_slice %arg11[%dma_wait3A_331] : memref<4x!tpu.dma_semaphore, #tpu.memory_space<semaphore_mem>> -> memref<1x!tpu.dma_semaphore, #tpu.memory_space<semaphore_mem>>
      %dma_wait3A_339 = tpu.memref_squeeze %dma_wait3A_338 : memref<1x!tpu.dma_semaphore, #tpu.memory_space<semaphore_mem>> -> memref<!tpu.dma_semaphore, #tpu.memory_space<semaphore_mem>>
      %dma_wait3A_340 = arith.constant 0 : i32
      %dma_wait3A_341 = tpu.memref_slice %arg6[%dma_wait3A_329, %dma_wait3A_330, %dma_wait3A_340] : memref<4x2x80xi32, #tpu.memory_space<vmem>> -> memref<1x1x80xi32, #tpu.memory_space<vmem>>
      %dma_wait3A_342 = tpu.memref_squeeze %dma_wait3A_341 : memref<1x1x80xi32, #tpu.memory_space<vmem>> -> memref<80xi32, #tpu.memory_space<vmem>>
      %dma_wait3A_343 = arith.constant 0 : i32
      %dma_wait3A_344 = tpu.memref_slice %arg3[%add3A, %add3A_311, %dma_wait3A_343] : memref<32x128x80xi32, #tpu.memory_space<hbm>> -> memref<1x1x80xi32, #tpu.memory_space<hbm>>
      %dma_wait3A_345 = tpu.memref_squeeze %dma_wait3A_344 : memref<1x1x80xi32, #tpu.memory_space<hbm>> -> memref<80xi32, #tpu.memory_space<hbm>>
      tpu.wait_dma2 semaphore(%dma_wait3A_339 : memref<!tpu.dma_semaphore, #tpu.memory_space<semaphore_mem>>) src(%dma_wait3A_345 : memref<80xi32, #tpu.memory_space<hbm>>) dst(%dma_wait3A_342 : memref<80xi32, #tpu.memory_space<vmem>>)
      %dma_wait3A_346 = arith.constant 2 : i32
      %dma_wait3A_347 = arith.constant 0 : i32
      %dma_wait3A_348 = arith.constant 0 : i32
      %dma_wait3A_349 = arith.constant 0 : i32
      %dma_wait3A_350 = arith.constant 0 : i32
      %dma_wait3A_351 = arith.constant 0 : i32
      %dma_wait3A_352 = tpu.memref_slice %arg7[%dma_wait3A_348, %dma_wait3A_350, %dma_wait3A_351] : memref<2x80x128xf32, #tpu.memory_space<vmem>> -> memref<1x80x128xf32, #tpu.memory_space<vmem>>
      %dma_wait3A_353 = tpu.memref_squeeze %dma_wait3A_352 : memref<1x80x128xf32, #tpu.memory_space<vmem>> -> memref<80x128xf32, #tpu.memory_space<vmem>>
      %dma_wait3A_354 = arith.constant 0 : i32
      %dma_wait3A_355 = tpu.memref_slice %arg6[%dma_wait3A_346, %dma_wait3A_347, %dma_wait3A_354] : memref<4x2x80xi32, #tpu.memory_space<vmem>> -> memref<1x1x80xi32, #tpu.memory_space<vmem>>
      %dma_wait3A_356 = tpu.memref_squeeze %dma_wait3A_355 : memref<1x1x80xi32, #tpu.memory_space<vmem>> -> memref<80xi32, #tpu.memory_space<vmem>>
      %dma_wait3A_357 = arith.constant 0 : i32
      %dma_wait3A_358 = arith.constant 0 : i32
      %dma_wait3A_359 = tpu.memref_slice %arg4[%dma_wait3A_357, %dma_wait3A_358] : memref<10240x128xf32, #tpu.memory_space<hbm>> -> memref<10240x128xf32, #tpu.memory_space<hbm>>
      %dma_wait3A_360 = tpu.memref_slice %arg9[%dma_wait3A_349] : memref<2x!tpu.dma_semaphore, #tpu.memory_space<semaphore_mem>> -> memref<1x!tpu.dma_semaphore, #tpu.memory_space<semaphore_mem>>
      %dma_wait3A_361 = tpu.memref_squeeze %dma_wait3A_360 : memref<1x!tpu.dma_semaphore, #tpu.memory_space<semaphore_mem>> -> memref<!tpu.dma_semaphore, #tpu.memory_space<semaphore_mem>>
      tpu.wait_indirect_dma semaphore(%dma_wait3A_361 : memref<!tpu.dma_semaphore, #tpu.memory_space<semaphore_mem>>) src(%dma_wait3A_359 : memref<10240x128xf32, #tpu.memory_space<hbm>>) dst(%dma_wait3A_353 : memref<80x128xf32, #tpu.memory_space<vmem>>)
      %dma_wait3A_362 = arith.constant 1 : i32
      %dma_wait3A_363 = arith.constant 1 : i32
      %dma_wait3A_364 = arith.constant 1 : i32
      %dma_wait3A_365 = arith.constant 1 : i32
      %dma_wait3A_366 = arith.constant 0 : i32
      %dma_wait3A_367 = arith.constant 0 : i32
      %dma_wait3A_368 = tpu.memref_slice %arg7[%dma_wait3A_362, %dma_wait3A_366, %dma_wait3A_367] : memref<2x80x128xf32, #tpu.memory_space<vmem>> -> memref<1x80x128xf32, #tpu.memory_space<vmem>>
      %dma_wait3A_369 = tpu.memref_squeeze %dma_wait3A_368 : memref<1x80x128xf32, #tpu.memory_space<vmem>> -> memref<80x128xf32, #tpu.memory_space<vmem>>
      %dma_wait3A_370 = arith.constant 0 : i32
      %dma_wait3A_371 = tpu.memref_slice %arg6[%dma_wait3A_363, %dma_wait3A_364, %dma_wait3A_370] : memref<4x2x80xi32, #tpu.memory_space<vmem>> -> memref<1x1x80xi32, #tpu.memory_space<vmem>>
      %dma_wait3A_372 = tpu.memref_squeeze %dma_wait3A_371 : memref<1x1x80xi32, #tpu.memory_space<vmem>> -> memref<80xi32, #tpu.memory_space<vmem>>
      %dma_wait3A_373 = arith.constant 0 : i32
      %dma_wait3A_374 = arith.constant 0 : i32
      %dma_wait3A_375 = tpu.memref_slice %arg8[%dma_wait3A_373, %dma_wait3A_374] : memref<10240x128xf32, #tpu.memory_space<vmem_shared>> -> memref<10240x128xf32, #tpu.memory_space<vmem_shared>>
      %dma_wait3A_376 = tpu.memref_slice %arg10[%dma_wait3A_365] : memref<2x!tpu.dma_semaphore, #tpu.memory_space<semaphore_mem>> -> memref<1x!tpu.dma_semaphore, #tpu.memory_space<semaphore_mem>>
      %dma_wait3A_377 = tpu.memref_squeeze %dma_wait3A_376 : memref<1x!tpu.dma_semaphore, #tpu.memory_space<semaphore_mem>> -> memref<!tpu.dma_semaphore, #tpu.memory_space<semaphore_mem>>
      tpu.wait_indirect_dma semaphore(%dma_wait3A_377 : memref<!tpu.dma_semaphore, #tpu.memory_space<semaphore_mem>>) src(%dma_wait3A_369 : memref<80x128xf32, #tpu.memory_space<vmem>>) dst(%dma_wait3A_375 : memref<10240x128xf32, #tpu.memory_space<vmem_shared>>)
      %dma_start3A_378 = arith.constant 3 : i32
      %dma_start3A_379 = arith.constant 0 : i32
      %dma_start3A_380 = arith.constant 1 : i32
      %dma_start3A_381 = arith.constant 1 : i32
      %dma_start3A_382 = arith.constant 0 : i32
      %dma_start3A_383 = arith.constant 0 : i32
      %dma_start3A_384 = tpu.memref_slice %arg7[%dma_start3A_380, %dma_start3A_382, %dma_start3A_383] : memref<2x80x128xf32, #tpu.memory_space<vmem>> -> memref<1x80x128xf32, #tpu.memory_space<vmem>>
      %dma_start3A_385 = tpu.memref_squeeze %dma_start3A_384 : memref<1x80x128xf32, #tpu.memory_space<vmem>> -> memref<80x128xf32, #tpu.memory_space<vmem>>
      %dma_start3A_386 = arith.constant 0 : i32
      %dma_start3A_387 = tpu.memref_slice %arg6[%dma_start3A_378, %dma_start3A_379, %dma_start3A_386] : memref<4x2x80xi32, #tpu.memory_space<vmem>> -> memref<1x1x80xi32, #tpu.memory_space<vmem>>
      %dma_start3A_388 = tpu.memref_squeeze %dma_start3A_387 : memref<1x1x80xi32, #tpu.memory_space<vmem>> -> memref<80xi32, #tpu.memory_space<vmem>>
      %dma_start3A_389 = arith.constant 0 : i32
      %dma_start3A_390 = arith.constant 0 : i32
      %dma_start3A_391 = tpu.memref_slice %arg4[%dma_start3A_389, %dma_start3A_390] : memref<10240x128xf32, #tpu.memory_space<hbm>> -> memref<10240x128xf32, #tpu.memory_space<hbm>>
      %dma_start3A_392 = tpu.memref_slice %arg9[%dma_start3A_381] : memref<2x!tpu.dma_semaphore, #tpu.memory_space<semaphore_mem>> -> memref<1x!tpu.dma_semaphore, #tpu.memory_space<semaphore_mem>>
      %dma_start3A_393 = tpu.memref_squeeze %dma_start3A_392 : memref<1x!tpu.dma_semaphore, #tpu.memory_space<semaphore_mem>> -> memref<!tpu.dma_semaphore, #tpu.memory_space<semaphore_mem>>
      tpu.enqueue_indirect_dma source(%dma_start3A_391 : memref<10240x128xf32, #tpu.memory_space<hbm>>) target(%dma_start3A_385 : memref<80x128xf32, #tpu.memory_space<vmem>>) offsets(%dma_start3A_388 : memref<80xi32, #tpu.memory_space<vmem>>) semaphore(%dma_start3A_393 : memref<!tpu.dma_semaphore, #tpu.memory_space<semaphore_mem>>)
      %dma_start3A_394 = arith.constant 0 : i32
      %dma_start3A_395 = arith.constant 2 : i32
      %dma_start3A_396 = arith.constant 1 : i32
      %dma_start3A_397 = arith.constant 0 : i32
      %dma_start3A_398 = arith.constant 0 : i32
      %dma_start3A_399 = arith.constant 0 : i32
      %dma_start3A_400 = tpu.memref_slice %arg7[%dma_start3A_394, %dma_start3A_398, %dma_start3A_399] : memref<2x80x128xf32, #tpu.memory_space<vmem>> -> memref<1x80x128xf32, #tpu.memory_space<vmem>>
      %dma_start3A_401 = tpu.memref_squeeze %dma_start3A_400 : memref<1x80x128xf32, #tpu.memory_space<vmem>> -> memref<80x128xf32, #tpu.memory_space<vmem>>
      %dma_start3A_402 = arith.constant 0 : i32
      %dma_start3A_403 = tpu.memref_slice %arg6[%dma_start3A_395, %dma_start3A_396, %dma_start3A_402] : memref<4x2x80xi32, #tpu.memory_space<vmem>> -> memref<1x1x80xi32, #tpu.memory_space<vmem>>
      %dma_start3A_404 = tpu.memref_squeeze %dma_start3A_403 : memref<1x1x80xi32, #tpu.memory_space<vmem>> -> memref<80xi32, #tpu.memory_space<vmem>>
      %dma_start3A_405 = arith.constant 0 : i32
      %dma_start3A_406 = arith.constant 0 : i32
      %dma_start3A_407 = tpu.memref_slice %arg8[%dma_start3A_405, %dma_start3A_406] : memref<10240x128xf32, #tpu.memory_space<vmem_shared>> -> memref<10240x128xf32, #tpu.memory_space<vmem_shared>>
      %dma_start3A_408 = tpu.memref_slice %arg10[%dma_start3A_397] : memref<2x!tpu.dma_semaphore, #tpu.memory_space<semaphore_mem>> -> memref<1x!tpu.dma_semaphore, #tpu.memory_space<semaphore_mem>>
      %dma_start3A_409 = tpu.memref_squeeze %dma_start3A_408 : memref<1x!tpu.dma_semaphore, #tpu.memory_space<semaphore_mem>> -> memref<!tpu.dma_semaphore, #tpu.memory_space<semaphore_mem>>
      tpu.enqueue_indirect_dma source(%dma_start3A_401 : memref<80x128xf32, #tpu.memory_space<vmem>>) target(%dma_start3A_407 : memref<10240x128xf32, #tpu.memory_space<vmem_shared>>) offsets(%dma_start3A_404 : memref<80xi32, #tpu.memory_space<vmem>>) semaphore(%dma_start3A_409 : memref<!tpu.dma_semaphore, #tpu.memory_space<semaphore_mem>>) {add = true}
      %mul3A_410 = arith.constant 4 : i32
      %mul3A_411 = arith.muli %mul3A_410, %scan3A_98 : i32
      %add3A_412 = arith.constant 3 : i32
      %add3A_413 = arith.addi %mul3A_411, %add3A_412 : i32
      %lt3A_414 = arith.constant 31 : i32
      %lt3A_415 = arith.cmpi slt, %scan3A_98, %lt3A_414 : i32
      %convert_element_type3A_416 = arith.extui %lt3A_415 : i1 to i32
      %cond3A_417 = arith.constant 0 : i32
      %cond3A_418 = arith.cmpi ne, %convert_element_type3A_416, %cond3A_417 : i32
      scf.if %cond3A_418 {
        %add3A_446 = arith.constant 2 : i32
        %add3A_447 = arith.addi %add3A_413, %add3A_446 : i32
        %dma_start3A_448 = arith.constant 1 : i32
        %dma_start3A_449 = arith.constant 0 : i32
        %dma_start3A_450 = arith.constant 1 : i32
        %dma_start3A_451 = arith.constant 0 : i32
        %dma_start3A_452 = tpu.memref_slice %arg6[%dma_start3A_448, %dma_start3A_449, %dma_start3A_451] : memref<4x2x80xi32, #tpu.memory_space<vmem>> -> memref<1x1x80xi32, #tpu.memory_space<vmem>>
        %dma_start3A_453 = tpu.memref_squeeze %dma_start3A_452 : memref<1x1x80xi32, #tpu.memory_space<vmem>> -> memref<80xi32, #tpu.memory_space<vmem>>
        %dma_start3A_454 = arith.constant 0 : i32
        %dma_start3A_455 = tpu.memref_slice %arg2[%add3A, %add3A_447, %dma_start3A_454] : memref<32x128x80xi32, #tpu.memory_space<hbm>> -> memref<1x1x80xi32, #tpu.memory_space<hbm>>
        %dma_start3A_456 = tpu.memref_squeeze %dma_start3A_455 : memref<1x1x80xi32, #tpu.memory_space<hbm>> -> memref<80xi32, #tpu.memory_space<hbm>>
        %dma_start3A_457 = tpu.memref_slice %arg11[%dma_start3A_450] : memref<4x!tpu.dma_semaphore, #tpu.memory_space<semaphore_mem>> -> memref<1x!tpu.dma_semaphore, #tpu.memory_space<semaphore_mem>>
        %dma_start3A_458 = tpu.memref_squeeze %dma_start3A_457 : memref<1x!tpu.dma_semaphore, #tpu.memory_space<semaphore_mem>> -> memref<!tpu.dma_semaphore, #tpu.memory_space<semaphore_mem>>
        %dma_start3A_459 = arith.constant 0 : i32
        %dma_start3A_460 = tpu.memref_slice %arg6[%dma_start3A_448, %dma_start3A_449, %dma_start3A_459] : memref<4x2x80xi32, #tpu.memory_space<vmem>> -> memref<1x1x80xi32, #tpu.memory_space<vmem>>
        %dma_start3A_461 = tpu.memref_squeeze %dma_start3A_460 : memref<1x1x80xi32, #tpu.memory_space<vmem>> -> memref<80xi32, #tpu.memory_space<vmem>>
        %dma_start3A_462 = arith.constant 0 : i32
        %dma_start3A_463 = tpu.memref_slice %arg2[%add3A, %add3A_447, %dma_start3A_462] : memref<32x128x80xi32, #tpu.memory_space<hbm>> -> memref<1x1x80xi32, #tpu.memory_space<hbm>>
        %dma_start3A_464 = tpu.memref_squeeze %dma_start3A_463 : memref<1x1x80xi32, #tpu.memory_space<hbm>> -> memref<80xi32, #tpu.memory_space<hbm>>
        tpu.enqueue_dma source(%dma_start3A_464 : memref<80xi32, #tpu.memory_space<hbm>>) target(%dma_start3A_461 : memref<80xi32, #tpu.memory_space<vmem>>) target_semaphore(%dma_start3A_458 : memref<!tpu.dma_semaphore, #tpu.memory_space<semaphore_mem>>)
        %dma_start3A_465 = arith.constant 1 : i32
        %dma_start3A_466 = arith.constant 1 : i32
        %dma_start3A_467 = arith.constant 1 : i32
        %dma_start3A_468 = arith.constant 0 : i32
        %dma_start3A_469 = tpu.memref_slice %arg6[%dma_start3A_465, %dma_start3A_466, %dma_start3A_468] : memref<4x2x80xi32, #tpu.memory_space<vmem>> -> memref<1x1x80xi32, #tpu.memory_space<vmem>>
        %dma_start3A_470 = tpu.memref_squeeze %dma_start3A_469 : memref<1x1x80xi32, #tpu.memory_space<vmem>> -> memref<80xi32, #tpu.memory_space<vmem>>
        %dma_start3A_471 = arith.constant 0 : i32
        %dma_start3A_472 = tpu.memref_slice %arg3[%add3A, %add3A_447, %dma_start3A_471] : memref<32x128x80xi32, #tpu.memory_space<hbm>> -> memref<1x1x80xi32, #tpu.memory_space<hbm>>
        %dma_start3A_473 = tpu.memref_squeeze %dma_start3A_472 : memref<1x1x80xi32, #tpu.memory_space<hbm>> -> memref<80xi32, #tpu.memory_space<hbm>>
        %dma_start3A_474 = tpu.memref_slice %arg11[%dma_start3A_467] : memref<4x!tpu.dma_semaphore, #tpu.memory_space<semaphore_mem>> -> memref<1x!tpu.dma_semaphore, #tpu.memory_space<semaphore_mem>>
        %dma_start3A_475 = tpu.memref_squeeze %dma_start3A_474 : memref<1x!tpu.dma_semaphore, #tpu.memory_space<semaphore_mem>> -> memref<!tpu.dma_semaphore, #tpu.memory_space<semaphore_mem>>
        %dma_start3A_476 = arith.constant 0 : i32
        %dma_start3A_477 = tpu.memref_slice %arg6[%dma_start3A_465, %dma_start3A_466, %dma_start3A_476] : memref<4x2x80xi32, #tpu.memory_space<vmem>> -> memref<1x1x80xi32, #tpu.memory_space<vmem>>
        %dma_start3A_478 = tpu.memref_squeeze %dma_start3A_477 : memref<1x1x80xi32, #tpu.memory_space<vmem>> -> memref<80xi32, #tpu.memory_space<vmem>>
        %dma_start3A_479 = arith.constant 0 : i32
        %dma_start3A_480 = tpu.memref_slice %arg3[%add3A, %add3A_447, %dma_start3A_479] : memref<32x128x80xi32, #tpu.memory_space<hbm>> -> memref<1x1x80xi32, #tpu.memory_space<hbm>>
        %dma_start3A_481 = tpu.memref_squeeze %dma_start3A_480 : memref<1x1x80xi32, #tpu.memory_space<hbm>> -> memref<80xi32, #tpu.memory_space<hbm>>
        tpu.enqueue_dma source(%dma_start3A_481 : memref<80xi32, #tpu.memory_space<hbm>>) target(%dma_start3A_478 : memref<80xi32, #tpu.memory_space<vmem>>) target_semaphore(%dma_start3A_475 : memref<!tpu.dma_semaphore, #tpu.memory_space<semaphore_mem>>)
      } else {
      }
      %lt3A_419 = arith.constant 31 : i32
      %lt3A_420 = arith.cmpi slt, %scan3A_98, %lt3A_419 : i32
      %convert_element_type3A_421 = arith.extui %lt3A_420 : i1 to i32
      %cond3A_422 = arith.constant 0 : i32
      %cond3A_423 = arith.cmpi ne, %convert_element_type3A_421, %cond3A_422 : i32
      scf.if %cond3A_423 {
        %add3A_446 = arith.constant 1 : i32
        %add3A_447 = arith.addi %add3A_413, %add3A_446 : i32
        %dma_wait3A_448 = arith.constant 0 : i32
        %dma_wait3A_449 = arith.constant 0 : i32
        %dma_wait3A_450 = arith.constant 0 : i32
        %dma_wait3A_451 = arith.constant 0 : i32
        %dma_wait3A_452 = tpu.memref_slice %arg6[%dma_wait3A_448, %dma_wait3A_449, %dma_wait3A_451] : memref<4x2x80xi32, #tpu.memory_space<vmem>> -> memref<1x1x80xi32, #tpu.memory_space<vmem>>
        %dma_wait3A_453 = tpu.memref_squeeze %dma_wait3A_452 : memref<1x1x80xi32, #tpu.memory_space<vmem>> -> memref<80xi32, #tpu.memory_space<vmem>>
        %dma_wait3A_454 = arith.constant 0 : i32
        %dma_wait3A_455 = tpu.memref_slice %arg2[%add3A, %add3A_447, %dma_wait3A_454] : memref<32x128x80xi32, #tpu.memory_space<hbm>> -> memref<1x1x80xi32, #tpu.memory_space<hbm>>
        %dma_wait3A_456 = tpu.memref_squeeze %dma_wait3A_455 : memref<1x1x80xi32, #tpu.memory_space<hbm>> -> memref<80xi32, #tpu.memory_space<hbm>>
        %dma_wait3A_457 = tpu.memref_slice %arg11[%dma_wait3A_450] : memref<4x!tpu.dma_semaphore, #tpu.memory_space<semaphore_mem>> -> memref<1x!tpu.dma_semaphore, #tpu.memory_space<semaphore_mem>>
        %dma_wait3A_458 = tpu.memref_squeeze %dma_wait3A_457 : memref<1x!tpu.dma_semaphore, #tpu.memory_space<semaphore_mem>> -> memref<!tpu.dma_semaphore, #tpu.memory_space<semaphore_mem>>
        %dma_wait3A_459 = arith.constant 0 : i32
        %dma_wait3A_460 = tpu.memref_slice %arg6[%dma_wait3A_448, %dma_wait3A_449, %dma_wait3A_459] : memref<4x2x80xi32, #tpu.memory_space<vmem>> -> memref<1x1x80xi32, #tpu.memory_space<vmem>>
        %dma_wait3A_461 = tpu.memref_squeeze %dma_wait3A_460 : memref<1x1x80xi32, #tpu.memory_space<vmem>> -> memref<80xi32, #tpu.memory_space<vmem>>
        %dma_wait3A_462 = arith.constant 0 : i32
        %dma_wait3A_463 = tpu.memref_slice %arg2[%add3A, %add3A_447, %dma_wait3A_462] : memref<32x128x80xi32, #tpu.memory_space<hbm>> -> memref<1x1x80xi32, #tpu.memory_space<hbm>>
        %dma_wait3A_464 = tpu.memref_squeeze %dma_wait3A_463 : memref<1x1x80xi32, #tpu.memory_space<hbm>> -> memref<80xi32, #tpu.memory_space<hbm>>
        tpu.wait_dma2 semaphore(%dma_wait3A_458 : memref<!tpu.dma_semaphore, #tpu.memory_space<semaphore_mem>>) src(%dma_wait3A_464 : memref<80xi32, #tpu.memory_space<hbm>>) dst(%dma_wait3A_461 : memref<80xi32, #tpu.memory_space<vmem>>)
        %dma_wait3A_465 = arith.constant 0 : i32
        %dma_wait3A_466 = arith.constant 1 : i32
        %dma_wait3A_467 = arith.constant 0 : i32
        %dma_wait3A_468 = arith.constant 0 : i32
        %dma_wait3A_469 = tpu.memref_slice %arg6[%dma_wait3A_465, %dma_wait3A_466, %dma_wait3A_468] : memref<4x2x80xi32, #tpu.memory_space<vmem>> -> memref<1x1x80xi32, #tpu.memory_space<vmem>>
        %dma_wait3A_470 = tpu.memref_squeeze %dma_wait3A_469 : memref<1x1x80xi32, #tpu.memory_space<vmem>> -> memref<80xi32, #tpu.memory_space<vmem>>
        %dma_wait3A_471 = arith.constant 0 : i32
        %dma_wait3A_472 = tpu.memref_slice %arg3[%add3A, %add3A_447, %dma_wait3A_471] : memref<32x128x80xi32, #tpu.memory_space<hbm>> -> memref<1x1x80xi32, #tpu.memory_space<hbm>>
        %dma_wait3A_473 = tpu.memref_squeeze %dma_wait3A_472 : memref<1x1x80xi32, #tpu.memory_space<hbm>> -> memref<80xi32, #tpu.memory_space<hbm>>
        %dma_wait3A_474 = tpu.memref_slice %arg11[%dma_wait3A_467] : memref<4x!tpu.dma_semaphore, #tpu.memory_space<semaphore_mem>> -> memref<1x!tpu.dma_semaphore, #tpu.memory_space<semaphore_mem>>
        %dma_wait3A_475 = tpu.memref_squeeze %dma_wait3A_474 : memref<1x!tpu.dma_semaphore, #tpu.memory_space<semaphore_mem>> -> memref<!tpu.dma_semaphore, #tpu.memory_space<semaphore_mem>>
        %dma_wait3A_476 = arith.constant 0 : i32
        %dma_wait3A_477 = tpu.memref_slice %arg6[%dma_wait3A_465, %dma_wait3A_466, %dma_wait3A_476] : memref<4x2x80xi32, #tpu.memory_space<vmem>> -> memref<1x1x80xi32, #tpu.memory_space<vmem>>
        %dma_wait3A_478 = tpu.memref_squeeze %dma_wait3A_477 : memref<1x1x80xi32, #tpu.memory_space<vmem>> -> memref<80xi32, #tpu.memory_space<vmem>>
        %dma_wait3A_479 = arith.constant 0 : i32
        %dma_wait3A_480 = tpu.memref_slice %arg3[%add3A, %add3A_447, %dma_wait3A_479] : memref<32x128x80xi32, #tpu.memory_space<hbm>> -> memref<1x1x80xi32, #tpu.memory_space<hbm>>
        %dma_wait3A_481 = tpu.memref_squeeze %dma_wait3A_480 : memref<1x1x80xi32, #tpu.memory_space<hbm>> -> memref<80xi32, #tpu.memory_space<hbm>>
        tpu.wait_dma2 semaphore(%dma_wait3A_475 : memref<!tpu.dma_semaphore, #tpu.memory_space<semaphore_mem>>) src(%dma_wait3A_481 : memref<80xi32, #tpu.memory_space<hbm>>) dst(%dma_wait3A_478 : memref<80xi32, #tpu.memory_space<vmem>>)
        %dma_wait3A_482 = arith.constant 3 : i32
        %dma_wait3A_483 = arith.constant 0 : i32
        %dma_wait3A_484 = arith.constant 1 : i32
        %dma_wait3A_485 = arith.constant 1 : i32
        %dma_wait3A_486 = arith.constant 0 : i32
        %dma_wait3A_487 = arith.constant 0 : i32
        %dma_wait3A_488 = tpu.memref_slice %arg7[%dma_wait3A_484, %dma_wait3A_486, %dma_wait3A_487] : memref<2x80x128xf32, #tpu.memory_space<vmem>> -> memref<1x80x128xf32, #tpu.memory_space<vmem>>
        %dma_wait3A_489 = tpu.memref_squeeze %dma_wait3A_488 : memref<1x80x128xf32, #tpu.memory_space<vmem>> -> memref<80x128xf32, #tpu.memory_space<vmem>>
        %dma_wait3A_490 = arith.constant 0 : i32
        %dma_wait3A_491 = tpu.memref_slice %arg6[%dma_wait3A_482, %dma_wait3A_483, %dma_wait3A_490] : memref<4x2x80xi32, #tpu.memory_space<vmem>> -> memref<1x1x80xi32, #tpu.memory_space<vmem>>
        %dma_wait3A_492 = tpu.memref_squeeze %dma_wait3A_491 : memref<1x1x80xi32, #tpu.memory_space<vmem>> -> memref<80xi32, #tpu.memory_space<vmem>>
        %dma_wait3A_493 = arith.constant 0 : i32
        %dma_wait3A_494 = arith.constant 0 : i32
        %dma_wait3A_495 = tpu.memref_slice %arg4[%dma_wait3A_493, %dma_wait3A_494] : memref<10240x128xf32, #tpu.memory_space<hbm>> -> memref<10240x128xf32, #tpu.memory_space<hbm>>
        %dma_wait3A_496 = tpu.memref_slice %arg9[%dma_wait3A_485] : memref<2x!tpu.dma_semaphore, #tpu.memory_space<semaphore_mem>> -> memref<1x!tpu.dma_semaphore, #tpu.memory_space<semaphore_mem>>
        %dma_wait3A_497 = tpu.memref_squeeze %dma_wait3A_496 : memref<1x!tpu.dma_semaphore, #tpu.memory_space<semaphore_mem>> -> memref<!tpu.dma_semaphore, #tpu.memory_space<semaphore_mem>>
        tpu.wait_indirect_dma semaphore(%dma_wait3A_497 : memref<!tpu.dma_semaphore, #tpu.memory_space<semaphore_mem>>) src(%dma_wait3A_495 : memref<10240x128xf32, #tpu.memory_space<hbm>>) dst(%dma_wait3A_489 : memref<80x128xf32, #tpu.memory_space<vmem>>)
        %dma_wait3A_498 = arith.constant 0 : i32
        %dma_wait3A_499 = arith.constant 2 : i32
        %dma_wait3A_500 = arith.constant 1 : i32
        %dma_wait3A_501 = arith.constant 0 : i32
        %dma_wait3A_502 = arith.constant 0 : i32
        %dma_wait3A_503 = arith.constant 0 : i32
        %dma_wait3A_504 = tpu.memref_slice %arg7[%dma_wait3A_498, %dma_wait3A_502, %dma_wait3A_503] : memref<2x80x128xf32, #tpu.memory_space<vmem>> -> memref<1x80x128xf32, #tpu.memory_space<vmem>>
        %dma_wait3A_505 = tpu.memref_squeeze %dma_wait3A_504 : memref<1x80x128xf32, #tpu.memory_space<vmem>> -> memref<80x128xf32, #tpu.memory_space<vmem>>
        %dma_wait3A_506 = arith.constant 0 : i32
        %dma_wait3A_507 = tpu.memref_slice %arg6[%dma_wait3A_499, %dma_wait3A_500, %dma_wait3A_506] : memref<4x2x80xi32, #tpu.memory_space<vmem>> -> memref<1x1x80xi32, #tpu.memory_space<vmem>>
        %dma_wait3A_508 = tpu.memref_squeeze %dma_wait3A_507 : memref<1x1x80xi32, #tpu.memory_space<vmem>> -> memref<80xi32, #tpu.memory_space<vmem>>
        %dma_wait3A_509 = arith.constant 0 : i32
        %dma_wait3A_510 = arith.constant 0 : i32
        %dma_wait3A_511 = tpu.memref_slice %arg8[%dma_wait3A_509, %dma_wait3A_510] : memref<10240x128xf32, #tpu.memory_space<vmem_shared>> -> memref<10240x128xf32, #tpu.memory_space<vmem_shared>>
        %dma_wait3A_512 = tpu.memref_slice %arg10[%dma_wait3A_501] : memref<2x!tpu.dma_semaphore, #tpu.memory_space<semaphore_mem>> -> memref<1x!tpu.dma_semaphore, #tpu.memory_space<semaphore_mem>>
        %dma_wait3A_513 = tpu.memref_squeeze %dma_wait3A_512 : memref<1x!tpu.dma_semaphore, #tpu.memory_space<semaphore_mem>> -> memref<!tpu.dma_semaphore, #tpu.memory_space<semaphore_mem>>
        tpu.wait_indirect_dma semaphore(%dma_wait3A_513 : memref<!tpu.dma_semaphore, #tpu.memory_space<semaphore_mem>>) src(%dma_wait3A_505 : memref<80x128xf32, #tpu.memory_space<vmem>>) dst(%dma_wait3A_511 : memref<10240x128xf32, #tpu.memory_space<vmem_shared>>)
        %dma_start3A_514 = arith.constant 0 : i32
        %dma_start3A_515 = arith.constant 0 : i32
        %dma_start3A_516 = arith.constant 0 : i32
        %dma_start3A_517 = arith.constant 0 : i32
        %dma_start3A_518 = arith.constant 0 : i32
        %dma_start3A_519 = arith.constant 0 : i32
        %dma_start3A_520 = tpu.memref_slice %arg7[%dma_start3A_516, %dma_start3A_518, %dma_start3A_519] : memref<2x80x128xf32, #tpu.memory_space<vmem>> -> memref<1x80x128xf32, #tpu.memory_space<vmem>>
        %dma_start3A_521 = tpu.memref_squeeze %dma_start3A_520 : memref<1x80x128xf32, #tpu.memory_space<vmem>> -> memref<80x128xf32, #tpu.memory_space<vmem>>
        %dma_start3A_522 = arith.constant 0 : i32
        %dma_start3A_523 = tpu.memref_slice %arg6[%dma_start3A_514, %dma_start3A_515, %dma_start3A_522] : memref<4x2x80xi32, #tpu.memory_space<vmem>> -> memref<1x1x80xi32, #tpu.memory_space<vmem>>
        %dma_start3A_524 = tpu.memref_squeeze %dma_start3A_523 : memref<1x1x80xi32, #tpu.memory_space<vmem>> -> memref<80xi32, #tpu.memory_space<vmem>>
        %dma_start3A_525 = arith.constant 0 : i32
        %dma_start3A_526 = arith.constant 0 : i32
        %dma_start3A_527 = tpu.memref_slice %arg4[%dma_start3A_525, %dma_start3A_526] : memref<10240x128xf32, #tpu.memory_space<hbm>> -> memref<10240x128xf32, #tpu.memory_space<hbm>>
        %dma_start3A_528 = tpu.memref_slice %arg9[%dma_start3A_517] : memref<2x!tpu.dma_semaphore, #tpu.memory_space<semaphore_mem>> -> memref<1x!tpu.dma_semaphore, #tpu.memory_space<semaphore_mem>>
        %dma_start3A_529 = tpu.memref_squeeze %dma_start3A_528 : memref<1x!tpu.dma_semaphore, #tpu.memory_space<semaphore_mem>> -> memref<!tpu.dma_semaphore, #tpu.memory_space<semaphore_mem>>
        tpu.enqueue_indirect_dma source(%dma_start3A_527 : memref<10240x128xf32, #tpu.memory_space<hbm>>) target(%dma_start3A_521 : memref<80x128xf32, #tpu.memory_space<vmem>>) offsets(%dma_start3A_524 : memref<80xi32, #tpu.memory_space<vmem>>) semaphore(%dma_start3A_529 : memref<!tpu.dma_semaphore, #tpu.memory_space<semaphore_mem>>)
      } else {
      }
      %eq3A_424 = arith.constant 31 : i32
      %eq3A_425 = arith.cmpi eq, %scan3A_98, %eq3A_424 : i32
      %convert_element_type3A_426 = arith.extui %eq3A_425 : i1 to i32
      %cond3A_427 = arith.constant 0 : i32
      %cond3A_428 = arith.cmpi ne, %convert_element_type3A_426, %cond3A_427 : i32
      scf.if %cond3A_428 {
        %dma_wait3A_446 = arith.constant 3 : i32
        %dma_wait3A_447 = arith.constant 0 : i32
        %dma_wait3A_448 = arith.constant 1 : i32
        %dma_wait3A_449 = arith.constant 1 : i32
        %dma_wait3A_450 = arith.constant 0 : i32
        %dma_wait3A_451 = arith.constant 0 : i32
        %dma_wait3A_452 = tpu.memref_slice %arg7[%dma_wait3A_448, %dma_wait3A_450, %dma_wait3A_451] : memref<2x80x128xf32, #tpu.memory_space<vmem>> -> memref<1x80x128xf32, #tpu.memory_space<vmem>>
        %dma_wait3A_453 = tpu.memref_squeeze %dma_wait3A_452 : memref<1x80x128xf32, #tpu.memory_space<vmem>> -> memref<80x128xf32, #tpu.memory_space<vmem>>
        %dma_wait3A_454 = arith.constant 0 : i32
        %dma_wait3A_455 = tpu.memref_slice %arg6[%dma_wait3A_446, %dma_wait3A_447, %dma_wait3A_454] : memref<4x2x80xi32, #tpu.memory_space<vmem>> -> memref<1x1x80xi32, #tpu.memory_space<vmem>>
        %dma_wait3A_456 = tpu.memref_squeeze %dma_wait3A_455 : memref<1x1x80xi32, #tpu.memory_space<vmem>> -> memref<80xi32, #tpu.memory_space<vmem>>
        %dma_wait3A_457 = arith.constant 0 : i32
        %dma_wait3A_458 = arith.constant 0 : i32
        %dma_wait3A_459 = tpu.memref_slice %arg4[%dma_wait3A_457, %dma_wait3A_458] : memref<10240x128xf32, #tpu.memory_space<hbm>> -> memref<10240x128xf32, #tpu.memory_space<hbm>>
        %dma_wait3A_460 = tpu.memref_slice %arg9[%dma_wait3A_449] : memref<2x!tpu.dma_semaphore, #tpu.memory_space<semaphore_mem>> -> memref<1x!tpu.dma_semaphore, #tpu.memory_space<semaphore_mem>>
        %dma_wait3A_461 = tpu.memref_squeeze %dma_wait3A_460 : memref<1x!tpu.dma_semaphore, #tpu.memory_space<semaphore_mem>> -> memref<!tpu.dma_semaphore, #tpu.memory_space<semaphore_mem>>
        tpu.wait_indirect_dma semaphore(%dma_wait3A_461 : memref<!tpu.dma_semaphore, #tpu.memory_space<semaphore_mem>>) src(%dma_wait3A_459 : memref<10240x128xf32, #tpu.memory_space<hbm>>) dst(%dma_wait3A_453 : memref<80x128xf32, #tpu.memory_space<vmem>>)
        %dma_wait3A_462 = arith.constant 0 : i32
        %dma_wait3A_463 = arith.constant 2 : i32
        %dma_wait3A_464 = arith.constant 1 : i32
        %dma_wait3A_465 = arith.constant 0 : i32
        %dma_wait3A_466 = arith.constant 0 : i32
        %dma_wait3A_467 = arith.constant 0 : i32
        %dma_wait3A_468 = tpu.memref_slice %arg7[%dma_wait3A_462, %dma_wait3A_466, %dma_wait3A_467] : memref<2x80x128xf32, #tpu.memory_space<vmem>> -> memref<1x80x128xf32, #tpu.memory_space<vmem>>
        %dma_wait3A_469 = tpu.memref_squeeze %dma_wait3A_468 : memref<1x80x128xf32, #tpu.memory_space<vmem>> -> memref<80x128xf32, #tpu.memory_space<vmem>>
        %dma_wait3A_470 = arith.constant 0 : i32
        %dma_wait3A_471 = tpu.memref_slice %arg6[%dma_wait3A_463, %dma_wait3A_464, %dma_wait3A_470] : memref<4x2x80xi32, #tpu.memory_space<vmem>> -> memref<1x1x80xi32, #tpu.memory_space<vmem>>
        %dma_wait3A_472 = tpu.memref_squeeze %dma_wait3A_471 : memref<1x1x80xi32, #tpu.memory_space<vmem>> -> memref<80xi32, #tpu.memory_space<vmem>>
        %dma_wait3A_473 = arith.constant 0 : i32
        %dma_wait3A_474 = arith.constant 0 : i32
        %dma_wait3A_475 = tpu.memref_slice %arg8[%dma_wait3A_473, %dma_wait3A_474] : memref<10240x128xf32, #tpu.memory_space<vmem_shared>> -> memref<10240x128xf32, #tpu.memory_space<vmem_shared>>
        %dma_wait3A_476 = tpu.memref_slice %arg10[%dma_wait3A_465] : memref<2x!tpu.dma_semaphore, #tpu.memory_space<semaphore_mem>> -> memref<1x!tpu.dma_semaphore, #tpu.memory_space<semaphore_mem>>
        %dma_wait3A_477 = tpu.memref_squeeze %dma_wait3A_476 : memref<1x!tpu.dma_semaphore, #tpu.memory_space<semaphore_mem>> -> memref<!tpu.dma_semaphore, #tpu.memory_space<semaphore_mem>>
        tpu.wait_indirect_dma semaphore(%dma_wait3A_477 : memref<!tpu.dma_semaphore, #tpu.memory_space<semaphore_mem>>) src(%dma_wait3A_469 : memref<80x128xf32, #tpu.memory_space<vmem>>) dst(%dma_wait3A_475 : memref<10240x128xf32, #tpu.memory_space<vmem_shared>>)
      } else {
      }
      %dma_start3A_429 = arith.constant 1 : i32
      %dma_start3A_430 = arith.constant 3 : i32
      %dma_start3A_431 = arith.constant 1 : i32
      %dma_start3A_432 = arith.constant 1 : i32
      %dma_start3A_433 = arith.constant 0 : i32
      %dma_start3A_434 = arith.constant 0 : i32
      %dma_start3A_435 = tpu.memref_slice %arg7[%dma_start3A_429, %dma_start3A_433, %dma_start3A_434] : memref<2x80x128xf32, #tpu.memory_space<vmem>> -> memref<1x80x128xf32, #tpu.memory_space<vmem>>
      %dma_start3A_436 = tpu.memref_squeeze %dma_start3A_435 : memref<1x80x128xf32, #tpu.memory_space<vmem>> -> memref<80x128xf32, #tpu.memory_space<vmem>>
      %dma_start3A_437 = arith.constant 0 : i32
      %dma_start3A_438 = tpu.memref_slice %arg6[%dma_start3A_430, %dma_start3A_431, %dma_start3A_437] : memref<4x2x80xi32, #tpu.memory_space<vmem>> -> memref<1x1x80xi32, #tpu.memory_space<vmem>>
      %dma_start3A_439 = tpu.memref_squeeze %dma_start3A_438 : memref<1x1x80xi32, #tpu.memory_space<vmem>> -> memref<80xi32, #tpu.memory_space<vmem>>
      %dma_start3A_440 = arith.constant 0 : i32
      %dma_start3A_441 = arith.constant 0 : i32
      %dma_start3A_442 = tpu.memref_slice %arg8[%dma_start3A_440, %dma_start3A_441] : memref<10240x128xf32, #tpu.memory_space<vmem_shared>> -> memref<10240x128xf32, #tpu.memory_space<vmem_shared>>
      %dma_start3A_443 = tpu.memref_slice %arg10[%dma_start3A_432] : memref<2x!tpu.dma_semaphore, #tpu.memory_space<semaphore_mem>> -> memref<1x!tpu.dma_semaphore, #tpu.memory_space<semaphore_mem>>
      %dma_start3A_444 = tpu.memref_squeeze %dma_start3A_443 : memref<1x!tpu.dma_semaphore, #tpu.memory_space<semaphore_mem>> -> memref<!tpu.dma_semaphore, #tpu.memory_space<semaphore_mem>>
      tpu.enqueue_indirect_dma source(%dma_start3A_436 : memref<80x128xf32, #tpu.memory_space<vmem>>) target(%dma_start3A_442 : memref<10240x128xf32, #tpu.memory_space<vmem_shared>>) offsets(%dma_start3A_439 : memref<80xi32, #tpu.memory_space<vmem>>) semaphore(%dma_start3A_444 : memref<!tpu.dma_semaphore, #tpu.memory_space<semaphore_mem>>) {add = true}
      %scan3A_445 = arith.constant 0 : i32
      scf.yield %scan3A_445 : i32
    }
    %scan3A_77 = arith.constant 32 : i32
    %dma_wait3A = arith.constant 1 : i32
    %dma_wait3A_78 = arith.constant 3 : i32
    %dma_wait3A_79 = arith.constant 1 : i32
    %dma_wait3A_80 = arith.constant 1 : i32
    %dma_wait3A_81 = arith.constant 0 : i32
    %dma_wait3A_82 = arith.constant 0 : i32
    %dma_wait3A_83 = tpu.memref_slice %arg7[%dma_wait3A, %dma_wait3A_81, %dma_wait3A_82] : memref<2x80x128xf32, #tpu.memory_space<vmem>> -> memref<1x80x128xf32, #tpu.memory_space<vmem>>
    %dma_wait3A_84 = tpu.memref_squeeze %dma_wait3A_83 : memref<1x80x128xf32, #tpu.memory_space<vmem>> -> memref<80x128xf32, #tpu.memory_space<vmem>>
    %dma_wait3A_85 = arith.constant 0 : i32
    %dma_wait3A_86 = tpu.memref_slice %arg6[%dma_wait3A_78, %dma_wait3A_79, %dma_wait3A_85] : memref<4x2x80xi32, #tpu.memory_space<vmem>> -> memref<1x1x80xi32, #tpu.memory_space<vmem>>
    %dma_wait3A_87 = tpu.memref_squeeze %dma_wait3A_86 : memref<1x1x80xi32, #tpu.memory_space<vmem>> -> memref<80xi32, #tpu.memory_space<vmem>>
    %dma_wait3A_88 = arith.constant 0 : i32
    %dma_wait3A_89 = arith.constant 0 : i32
    %dma_wait3A_90 = tpu.memref_slice %arg8[%dma_wait3A_88, %dma_wait3A_89] : memref<10240x128xf32, #tpu.memory_space<vmem_shared>> -> memref<10240x128xf32, #tpu.memory_space<vmem_shared>>
    %dma_wait3A_91 = tpu.memref_slice %arg10[%dma_wait3A_80] : memref<2x!tpu.dma_semaphore, #tpu.memory_space<semaphore_mem>> -> memref<1x!tpu.dma_semaphore, #tpu.memory_space<semaphore_mem>>
    %dma_wait3A_92 = tpu.memref_squeeze %dma_wait3A_91 : memref<1x!tpu.dma_semaphore, #tpu.memory_space<semaphore_mem>> -> memref<!tpu.dma_semaphore, #tpu.memory_space<semaphore_mem>>
    tpu.wait_indirect_dma semaphore(%dma_wait3A_92 : memref<!tpu.dma_semaphore, #tpu.memory_space<semaphore_mem>>) src(%dma_wait3A_84 : memref<80x128xf32, #tpu.memory_space<vmem>>) dst(%dma_wait3A_90 : memref<10240x128xf32, #tpu.memory_space<vmem_shared>>)
    %barrier3A_93 = arith.constant 0 : index
    tpu.barrier barrier_id(%barrier3A_93)
    %mul3A_94 = arith.constant 640 : i32
    %mul3A_95 = arith.muli %arg1, %mul3A_94 : i32
    %mul3A_96 = arith.constant 640 : i32
    %mul3A_97 = arith.muli %arg1, %mul3A_96 : i32
    "tpu.region"() ({
      %run_scoped3A_98 = tpu.sem_alloc : memref<!tpu.dma_semaphore, #tpu.memory_space<semaphore_mem>>
      %dma_start3A_99 = arith.constant 0 : i32
      %dma_start3A_100 = tpu.memref_slice %arg5[%arg0, %mul3A_97, %dma_start3A_99] : memref<2x10240x128xf32, #tpu.memory_space<hbm>> -> memref<1x640x128xf32, #tpu.memory_space<hbm>>
      %dma_start3A_101 = tpu.memref_squeeze %dma_start3A_100 : memref<1x640x128xf32, #tpu.memory_space<hbm>> -> memref<640x128xf32, #tpu.memory_space<hbm>>
      %dma_start3A_102 = arith.constant 0 : i32
      %dma_start3A_103 = tpu.memref_slice %arg8[%mul3A_95, %dma_start3A_102] : memref<10240x128xf32, #tpu.memory_space<vmem_shared>> -> memref<640x128xf32, #tpu.memory_space<vmem_shared>>
      tpu.enqueue_dma source(%dma_start3A_103 : memref<640x128xf32, #tpu.memory_space<vmem_shared>>) target(%dma_start3A_101 : memref<640x128xf32, #tpu.memory_space<hbm>>) target_semaphore(%run_scoped3A_98 : memref<!tpu.dma_semaphore, #tpu.memory_space<semaphore_mem>>)
      %dma_wait3A_104 = arith.constant 0 : i32
      %dma_wait3A_105 = tpu.memref_slice %arg5[%arg0, %mul3A_97, %dma_wait3A_104] : memref<2x10240x128xf32, #tpu.memory_space<hbm>> -> memref<1x640x128xf32, #tpu.memory_space<hbm>>
      %dma_wait3A_106 = tpu.memref_squeeze %dma_wait3A_105 : memref<1x640x128xf32, #tpu.memory_space<hbm>> -> memref<640x128xf32, #tpu.memory_space<hbm>>
      %dma_wait3A_107 = arith.constant 0 : i32
      %dma_wait3A_108 = tpu.memref_slice %arg8[%mul3A_95, %dma_wait3A_107] : memref<10240x128xf32, #tpu.memory_space<vmem_shared>> -> memref<640x128xf32, #tpu.memory_space<vmem_shared>>
      tpu.wait_dma2 semaphore(%run_scoped3A_98 : memref<!tpu.dma_semaphore, #tpu.memory_space<semaphore_mem>>) src(%dma_wait3A_108 : memref<640x128xf32, #tpu.memory_space<vmem_shared>>) dst(%dma_wait3A_106 : memref<640x128xf32, #tpu.memory_space<hbm>>)
      tpu.yield
    }) : () -> ()
    return
  }
}

#map = affine_map<(d0, d1) -> (0)>
#map1 = affine_map<(d0, d1) -> (0, 0)>
module attributes {stable_mosaic.version = 14 : i64} {
  func.func @_sc_degree(%arg0: i32, %arg1: i32, %arg2: memref<320000xi32, #tpu.memory_space<hbm>>, %arg3: memref<32x10240xf32, #tpu.memory_space<hbm>>, %arg4: memref<10000xi32, #tpu.memory_space<vmem>>, %arg5: memref<10240xf32, #tpu.memory_space<vmem>>) attributes {dimension_semantics = [#tpu.dimension_semantics<core_parallel>, #tpu.dimension_semantics<subcore_parallel>], iteration_bounds = array<i64: 2, 16>, scalar_prefetch = 0 : i64, scratch_operands = 2 : i64, tpu.core_type = #tpu.core_type<sc_vector_subcore>, window_params = [{transform_indices = #map}, {transform_indices = #map1}]} {
    %mul3A = arith.constant 16 : i32
    %mul3A_0 = arith.muli %arg0, %mul3A : i32
    %add3A = arith.addi %mul3A_0, %arg1 : i32
    %mul3A_1 = arith.constant 10000 : i32
    %mul3A_2 = arith.muli %add3A, %mul3A_1 : i32
    "tpu.region"() ({
      %run_scoped3A = tpu.sem_alloc : memref<!tpu.dma_semaphore, #tpu.memory_space<semaphore_mem>>
      %dma_start3A = tpu.memref_slice %arg2[%mul3A_2] : memref<320000xi32, #tpu.memory_space<hbm>> -> memref<10000xi32, #tpu.memory_space<hbm>>
      %dma_start3A_19 = tpu.memref_slice %arg2[%mul3A_2] : memref<320000xi32, #tpu.memory_space<hbm>> -> memref<10000xi32, #tpu.memory_space<hbm>>
      tpu.enqueue_dma source(%dma_start3A_19 : memref<10000xi32, #tpu.memory_space<hbm>>) target(%arg4 : memref<10000xi32, #tpu.memory_space<vmem>>) target_semaphore(%run_scoped3A : memref<!tpu.dma_semaphore, #tpu.memory_space<semaphore_mem>>)
      %dma_wait3A = tpu.memref_slice %arg2[%mul3A_2] : memref<320000xi32, #tpu.memory_space<hbm>> -> memref<10000xi32, #tpu.memory_space<hbm>>
      %dma_wait3A_20 = tpu.memref_slice %arg2[%mul3A_2] : memref<320000xi32, #tpu.memory_space<hbm>> -> memref<10000xi32, #tpu.memory_space<hbm>>
      tpu.wait_dma2 semaphore(%run_scoped3A : memref<!tpu.dma_semaphore, #tpu.memory_space<semaphore_mem>>) src(%dma_wait3A_20 : memref<10000xi32, #tpu.memory_space<hbm>>) dst(%arg4 : memref<10000xi32, #tpu.memory_space<vmem>>)
      tpu.yield
    }) : () -> ()
    %broadcast_in_dim3A = arith.constant 0.000000e+00 : f32
    %broadcast_in_dim3A_3 = vector.broadcast %broadcast_in_dim3A : f32 to vector<16xf32>
    %scan3A = arith.constant 0 : i32
    %scan3A_4 = arith.constant 0 : i32
    %scan3A_5 = arith.constant 640 : i32
    %scan3A_6 = arith.addi %scan3A_4, %scan3A_5 : i32
    %scan3A_7 = arith.constant 1 : i32
    %scan3A_8 = scf.for %scan3A_19 = %scan3A_4 to %scan3A_6 step %scan3A_7 iter_args(%scan3A_20 = %scan3A) -> (i32)  : i32 {
      %mul3A_21 = arith.constant 16 : i32
      %mul3A_22 = arith.muli %scan3A_19, %mul3A_21 : i32
      %swap3A = arith.index_cast %mul3A_22 : i32 to index
      %swap3A_23 = tpu.vector_load %arg5[%swap3A] {strides = array<i32>} : memref<10240xf32, #tpu.memory_space<vmem>>, vector<16xf32>,
      tpu.vector_store %arg5[%swap3A], %broadcast_in_dim3A_3 {strides = array<i32>} : memref<10240xf32, #tpu.memory_space<vmem>>, vector<16xf32>,
      %scan3A_24 = arith.constant 0 : i32
      scf.yield %scan3A_24 : i32
    }
    %scan3A_9 = arith.constant 640 : i32
    %broadcast_in_dim3A_10 = arith.constant 1.000000e+00 : f32
    %broadcast_in_dim3A_11 = vector.broadcast %broadcast_in_dim3A_10 : f32 to vector<16xf32>
    %scan3A_12 = arith.constant 0 : i32
    %scan3A_13 = arith.constant 0 : i32
    %scan3A_14 = arith.constant 625 : i32
    %scan3A_15 = arith.addi %scan3A_13, %scan3A_14 : i32
    %scan3A_16 = arith.constant 1 : i32
    %scan3A_17 = scf.for %scan3A_19 = %scan3A_13 to %scan3A_15 step %scan3A_16 iter_args(%scan3A_20 = %scan3A_12) -> (i32)  : i32 {
      %mul3A_21 = arith.constant 16 : i32
      %mul3A_22 = arith.muli %scan3A_19, %mul3A_21 : i32
      %get3A = arith.index_cast %mul3A_22 : i32 to index
      %get3A_23 = tpu.vector_load %arg4[%get3A] {strides = array<i32>} : memref<10000xi32, #tpu.memory_space<vmem>>, vector<16xi32>,
      tpu.vector_store_idx %arg5[%get3A_23], %broadcast_in_dim3A_11 {add = true} : memref<10240xf32, #tpu.memory_space<vmem>>[vector<16xi32>], vector<16xf32>,
      %scan3A_24 = arith.constant 0 : i32
      scf.yield %scan3A_24 : i32
    }
    %scan3A_18 = arith.constant 625 : i32
    "tpu.region"() ({
      %run_scoped3A = tpu.sem_alloc : memref<!tpu.dma_semaphore, #tpu.memory_space<semaphore_mem>>
      %dma_start3A = arith.constant 0 : i32
      %dma_start3A_19 = tpu.memref_slice %arg3[%add3A, %dma_start3A] : memref<32x10240xf32, #tpu.memory_space<hbm>> -> memref<1x10240xf32, #tpu.memory_space<hbm>>
      %dma_start3A_20 = tpu.memref_squeeze %dma_start3A_19 : memref<1x10240xf32, #tpu.memory_space<hbm>> -> memref<10240xf32, #tpu.memory_space<hbm>>
      %dma_start3A_21 = arith.constant 0 : i32
      %dma_start3A_22 = tpu.memref_slice %arg3[%add3A, %dma_start3A_21] : memref<32x10240xf32, #tpu.memory_space<hbm>> -> memref<1x10240xf32, #tpu.memory_space<hbm>>
      %dma_start3A_23 = tpu.memref_squeeze %dma_start3A_22 : memref<1x10240xf32, #tpu.memory_space<hbm>> -> memref<10240xf32, #tpu.memory_space<hbm>>
      tpu.enqueue_dma source(%arg5 : memref<10240xf32, #tpu.memory_space<vmem>>) target(%dma_start3A_23 : memref<10240xf32, #tpu.memory_space<hbm>>) target_semaphore(%run_scoped3A : memref<!tpu.dma_semaphore, #tpu.memory_space<semaphore_mem>>)
      %dma_wait3A = arith.constant 0 : i32
      %dma_wait3A_24 = tpu.memref_slice %arg3[%add3A, %dma_wait3A] : memref<32x10240xf32, #tpu.memory_space<hbm>> -> memref<1x10240xf32, #tpu.memory_space<hbm>>
      %dma_wait3A_25 = tpu.memref_squeeze %dma_wait3A_24 : memref<1x10240xf32, #tpu.memory_space<hbm>> -> memref<10240xf32, #tpu.memory_space<hbm>>
      %dma_wait3A_26 = arith.constant 0 : i32
      %dma_wait3A_27 = tpu.memref_slice %arg3[%add3A, %dma_wait3A_26] : memref<32x10240xf32, #tpu.memory_space<hbm>> -> memref<1x10240xf32, #tpu.memory_space<hbm>>
      %dma_wait3A_28 = tpu.memref_squeeze %dma_wait3A_27 : memref<1x10240xf32, #tpu.memory_space<hbm>> -> memref<10240xf32, #tpu.memory_space<hbm>>
      tpu.wait_dma2 semaphore(%run_scoped3A : memref<!tpu.dma_semaphore, #tpu.memory_space<semaphore_mem>>) src(%arg5 : memref<10240xf32, #tpu.memory_space<vmem>>) dst(%dma_wait3A_28 : memref<10240xf32, #tpu.memory_space<hbm>>)
      tpu.yield
    }) : () -> ()
    return
  }
}

module attributes {stable_mosaic.version = 14 : i64} {
  func.func @_tc_mid_body(%arg0: i32, %arg1: memref<2x512x128xf32, #tpu.memory_space<vmem>>, %arg2: memref<32x512xf32, #tpu.memory_space<vmem>>, %arg3: memref<1x128xf32, #tpu.memory_space<vmem>>, %arg4: memref<512x128xf32, #tpu.memory_space<vmem>>) attributes {dimension_semantics = [#tpu.dimension_semantics<arbitrary>], iteration_bounds = array<i64: 20>, scalar_prefetch = 0 : i64, scratch_operands = 0 : i64, tpu.core_type = #tpu.core_type<tc>, window_params = [{transform_indices = @transform_0, window_bounds = array<i64: 2, 512, 128>}, {transform_indices = @transform_1, window_bounds = array<i64: 32, 512>}, {pipeline_mode = #tpu.pipeline_mode<synchronous>, transform_indices = @transform_2, window_bounds = array<i64: 1, 128>}, {transform_indices = @transform_3, window_bounds = array<i64: 512, 128>}]} {
    %get3A = arith.constant 0 : index
    %get3A_0 = arith.constant 0 : index
    %get3A_1 = vector.load %arg2[%get3A, %get3A_0] : memref<32x512xf32, #tpu.memory_space<vmem>>, vector<32x512xf32>
    %broadcast_in_dim3A = arith.constant 1.000000e+00 : f32
    %broadcast_in_dim3A_2 = vector.broadcast %broadcast_in_dim3A : f32 to vector<32x1xf32>
    %dot_general3A = arith.constant dense<0.000000e+00> : vector<512x1xf32>
    %dot_general3A_3 = tpu.matmul %get3A_1, %broadcast_in_dim3A_2, %dot_general3A {dimension_numbers = #tpu.dot_dimension_numbers<[0], [0], [1], [1], [0, 1, 1, 1], [], []>, transpose_lhs_hint = false} : vector<32x512xf32>, vector<32x1xf32>, vector<512x1xf32> -> vector<512x1xf32>
    %max3A = arith.constant 1.000000e+00 : f32
    %max3A_4 = vector.broadcast %max3A : f32 to vector<512x1xf32>
    %max3A_5 = arith.maximumf %dot_general3A_3, %max3A_4 : vector<512x1xf32>
    %rsqrt3A = math.rsqrt %max3A_5 : vector<512x1xf32>
    %get3A_6 = arith.constant 0 : index
    %get3A_7 = arith.constant 0 : index
    %get3A_8 = arith.constant 0 : index
    %get3A_9 = vector.load %arg1[%get3A_6, %get3A_7, %get3A_8] : memref<2x512x128xf32, #tpu.memory_space<vmem>>, vector<1x512x128xf32>
    %get3A_10 = vector.shape_cast %get3A_9 : vector<1x512x128xf32> to vector<512x128xf32>
    %get3A_11 = arith.constant 1 : index
    %get3A_12 = arith.constant 0 : index
    %get3A_13 = arith.constant 0 : index
    %get3A_14 = vector.load %arg1[%get3A_11, %get3A_12, %get3A_13] : memref<2x512x128xf32, #tpu.memory_space<vmem>>, vector<1x512x128xf32>
    %get3A_15 = vector.shape_cast %get3A_14 : vector<1x512x128xf32> to vector<512x128xf32>
    %add3A = arith.addf %get3A_10, %get3A_15 : vector<512x128xf32>
    %mul3A = vector.broadcast %rsqrt3A : vector<512x1xf32> to vector<512x128xf32>
    %mul3A_16 = arith.mulf %mul3A, %add3A : vector<512x128xf32>
    %get3A_17 = arith.constant 0 : index
    %get3A_18 = arith.constant 0 : index
    %get3A_19 = vector.load %arg3[%get3A_17, %get3A_18] : memref<1x128xf32, #tpu.memory_space<vmem>>, vector<1x128xf32>
    %add3A_20 = vector.broadcast %get3A_19 : vector<1x128xf32> to vector<512x128xf32>
    %add3A_21 = arith.addf %mul3A_16, %add3A_20 : vector<512x128xf32>
    %max3A_22 = arith.constant 0.000000e+00 : f32
    %max3A_23 = vector.broadcast %max3A_22 : f32 to vector<512x128xf32>
    %max3A_24 = arith.maximumf %add3A_21, %max3A_23 : vector<512x128xf32>
    %mul3A_25 = vector.broadcast %rsqrt3A : vector<512x1xf32> to vector<512x128xf32>
    %mul3A_26 = arith.mulf %mul3A_25, %max3A_24 : vector<512x128xf32>
    %swap3A = arith.constant 0 : index
    %swap3A_27 = arith.constant 0 : index
    %swap3A_28 = vector.load %arg4[%swap3A, %swap3A_27] : memref<512x128xf32, #tpu.memory_space<vmem>>, vector<512x128xf32>
    tpu.vector_store %arg4[%swap3A, %swap3A_27], %mul3A_26 {strides = array<i32>} : memref<512x128xf32, #tpu.memory_space<vmem>>, vector<512x128xf32>,
    return
  }
  func.func @transform_0(%arg0: i32) -> (i32, i32, i32) {
    %c0_i32 = arith.constant 0 : i32
    %c0_i32_0 = arith.constant 0 : i32
    %c0_i32_1 = arith.constant 0 : i32
    return %c0_i32, %arg0, %c0_i32_0 : i32, i32, i32
  }
  func.func @transform_1(%arg0: i32) -> (i32, i32) {
    %c0_i32 = arith.constant 0 : i32
    %c0_i32_0 = arith.constant 0 : i32
    return %c0_i32, %arg0 : i32, i32
  }
  func.func @transform_2(%arg0: i32) -> (i32, i32) {
    %c0_i32 = arith.constant 0 : i32
    %c0_i32_0 = arith.constant 0 : i32
    %c0_i32_1 = arith.constant 0 : i32
    return %c0_i32, %c0_i32_0 : i32, i32
  }
  func.func @transform_3(%arg0: i32) -> (i32, i32) {
    %c0_i32 = arith.constant 0 : i32
    %c0_i32_0 = arith.constant 0 : i32
    return %arg0, %c0_i32 : i32, i32
  }
}

module attributes {stable_mosaic.version = 14 : i64} {
  func.func @_tc_pre_body(%arg0: i32, %arg1: memref<512x128xf32, #tpu.memory_space<vmem>>, %arg2: memref<128x128xf32, #tpu.memory_space<vmem>>, %arg3: memref<32x512xf32, #tpu.memory_space<vmem>>, %arg4: memref<512x128xf32, #tpu.memory_space<vmem>>) attributes {dimension_semantics = [#tpu.dimension_semantics<arbitrary>], iteration_bounds = array<i64: 20>, scalar_prefetch = 0 : i64, scratch_operands = 0 : i64, tpu.core_type = #tpu.core_type<tc>, window_params = [{transform_indices = @transform_0, window_bounds = array<i64: 512, 128>}, {pipeline_mode = #tpu.pipeline_mode<synchronous>, transform_indices = @transform_1, window_bounds = array<i64: 128, 128>}, {transform_indices = @transform_2, window_bounds = array<i64: 32, 512>}, {transform_indices = @transform_3, window_bounds = array<i64: 512, 128>}]} {
    %get3A = arith.constant 0 : index
    %get3A_0 = arith.constant 0 : index
    %get3A_1 = vector.load %arg1[%get3A, %get3A_0] : memref<512x128xf32, #tpu.memory_space<vmem>>, vector<512x128xf32>
    %get3A_2 = arith.constant 0 : index
    %get3A_3 = arith.constant 0 : index
    %get3A_4 = vector.load %arg2[%get3A_2, %get3A_3] : memref<128x128xf32, #tpu.memory_space<vmem>>, vector<128x128xf32>
    %dot_general3A = arith.constant dense<0.000000e+00> : vector<512x128xf32>
    %dot_general3A_5 = tpu.matmul %get3A_1, %get3A_4, %dot_general3A {dimension_numbers = #tpu.dot_dimension_numbers<[1], [0], [0], [1], [0, 0, 1, 1], [], []>, transpose_lhs_hint = false} : vector<512x128xf32>, vector<128x128xf32>, vector<512x128xf32> -> vector<512x128xf32>
    %get3A_6 = arith.constant 0 : index
    %get3A_7 = arith.constant 0 : index
    %get3A_8 = vector.load %arg3[%get3A_6, %get3A_7] : memref<32x512xf32, #tpu.memory_space<vmem>>, vector<32x512xf32>
    %broadcast_in_dim3A = arith.constant 1.000000e+00 : f32
    %broadcast_in_dim3A_9 = vector.broadcast %broadcast_in_dim3A : f32 to vector<32x1xf32>
    %dot_general3A_10 = arith.constant dense<0.000000e+00> : vector<512x1xf32>
    %dot_general3A_11 = tpu.matmul %get3A_8, %broadcast_in_dim3A_9, %dot_general3A_10 {dimension_numbers = #tpu.dot_dimension_numbers<[0], [0], [1], [1], [0, 1, 1, 1], [], []>, transpose_lhs_hint = false} : vector<32x512xf32>, vector<32x1xf32>, vector<512x1xf32> -> vector<512x1xf32>
    %max3A = arith.constant 1.000000e+00 : f32
    %max3A_12 = vector.broadcast %max3A : f32 to vector<512x1xf32>
    %max3A_13 = arith.maximumf %dot_general3A_11, %max3A_12 : vector<512x1xf32>
    %rsqrt3A = math.rsqrt %max3A_13 : vector<512x1xf32>
    %mul3A = vector.broadcast %rsqrt3A : vector<512x1xf32> to vector<512x128xf32>
    %mul3A_14 = arith.mulf %dot_general3A_5, %mul3A : vector<512x128xf32>
    %swap3A = arith.constant 0 : index
    %swap3A_15 = arith.constant 0 : index
    %swap3A_16 = vector.load %arg4[%swap3A, %swap3A_15] : memref<512x128xf32, #tpu.memory_space<vmem>>, vector<512x128xf32>
    tpu.vector_store %arg4[%swap3A, %swap3A_15], %mul3A_14 {strides = array<i32>} : memref<512x128xf32, #tpu.memory_space<vmem>>, vector<512x128xf32>,
    return
  }
  func.func @transform_0(%arg0: i32) -> (i32, i32) {
    %c0_i32 = arith.constant 0 : i32
    %c0_i32_0 = arith.constant 0 : i32
    return %arg0, %c0_i32 : i32, i32
  }
  func.func @transform_1(%arg0: i32) -> (i32, i32) {
    %c0_i32 = arith.constant 0 : i32
    %c0_i32_0 = arith.constant 0 : i32
    %c0_i32_1 = arith.constant 0 : i32
    return %c0_i32, %c0_i32_0 : i32, i32
  }
  func.func @transform_2(%arg0: i32) -> (i32, i32) {
    %c0_i32 = arith.constant 0 : i32
    %c0_i32_0 = arith.constant 0 : i32
    return %c0_i32, %arg0 : i32, i32
  }
  func.func @transform_3(%arg0: i32) -> (i32, i32) {
    %c0_i32 = arith.constant 0 : i32
    %c0_i32_0 = arith.constant 0 : i32
    return %arg0, %c0_i32 : i32, i32
  }
}

module attributes {stable_mosaic.version = 14 : i64} {
  func.func @_tc_final_body(%arg0: i32, %arg1: memref<2x512x128xf32, #tpu.memory_space<vmem>>, %arg2: memref<32x512xf32, #tpu.memory_space<vmem>>, %arg3: memref<128x128xf32, #tpu.memory_space<vmem>>, %arg4: memref<128x128xf32, #tpu.memory_space<vmem>>, %arg5: memref<1x128xf32, #tpu.memory_space<vmem>>, %arg6: memref<1x128xf32, #tpu.memory_space<vmem>>, %arg7: memref<128x128xf32, #tpu.memory_space<vmem>>, %arg8: memref<1x128xf32, #tpu.memory_space<vmem>>, %arg9: memref<1x128xf32, #tpu.memory_space<vmem>>, %arg10: memref<1x128xf32, #tpu.memory_space<vmem>>, %arg11: memref<128x128xf32, #tpu.memory_space<vmem>>, %arg12: memref<1x128xf32, #tpu.memory_space<vmem>>) attributes {dimension_semantics = [#tpu.dimension_semantics<arbitrary>], iteration_bounds = array<i64: 20>, scalar_prefetch = 0 : i64, scratch_operands = 3 : i64, tpu.core_type = #tpu.core_type<tc>, window_params = [{transform_indices = @transform_0, window_bounds = array<i64: 2, 512, 128>}, {transform_indices = @transform_1, window_bounds = array<i64: 32, 512>}, {pipeline_mode = #tpu.pipeline_mode<synchronous>, transform_indices = @transform_2, window_bounds = array<i64: 128, 128>}, {pipeline_mode = #tpu.pipeline_mode<synchronous>, transform_indices = @transform_3, window_bounds = array<i64: 128, 128>}, {pipeline_mode = #tpu.pipeline_mode<synchronous>, transform_indices = @transform_4, window_bounds = array<i64: 1, 128>}, {pipeline_mode = #tpu.pipeline_mode<synchronous>, transform_indices = @transform_5, window_bounds = array<i64: 1, 128>}, {pipeline_mode = #tpu.pipeline_mode<synchronous>, transform_indices = @transform_6, window_bounds = array<i64: 128, 128>}, {pipeline_mode = #tpu.pipeline_mode<synchronous>, transform_indices = @transform_7, window_bounds = array<i64: 1, 128>}, {pipeline_mode = #tpu.pipeline_mode<synchronous>, transform_indices = @transform_8, window_bounds = array<i64: 1, 128>}]} {
    %eq3A = arith.constant 0 : i32
    %eq3A_0 = arith.cmpi eq, %arg0, %eq3A : i32
    %convert_element_type3A = arith.extui %eq3A_0 : i1 to i32
    %cond3A = arith.constant 0 : i32
    %cond3A_1 = arith.cmpi ne, %convert_element_type3A, %cond3A : i32
    scf.if %cond3A_1 {
      %get3A_54 = arith.constant 0 : index
      %get3A_55 = arith.constant 0 : index
      %get3A_56 = vector.load %arg3[%get3A_54, %get3A_55] : memref<128x128xf32, #tpu.memory_space<vmem>>, vector<128x128xf32>
      %get3A_57 = arith.constant 0 : index
      %get3A_58 = arith.constant 0 : index
      %get3A_59 = vector.load %arg4[%get3A_57, %get3A_58] : memref<128x128xf32, #tpu.memory_space<vmem>>, vector<128x128xf32>
      %dot_general3A_60 = arith.constant dense<0.000000e+00> : vector<128x128xf32>
      %dot_general3A_61 = tpu.matmul %get3A_56, %get3A_59, %dot_general3A_60 {dimension_numbers = #tpu.dot_dimension_numbers<[1], [0], [0], [1], [0, 0, 1, 1], [], []>, transpose_lhs_hint = false} : vector<128x128xf32>, vector<128x128xf32>, vector<128x128xf32> -> vector<128x128xf32>
      %swap3A_62 = arith.constant 0 : index
      %swap3A_63 = arith.constant 0 : index
      %swap3A_64 = vector.load %arg11[%swap3A_62, %swap3A_63] : memref<128x128xf32, #tpu.memory_space<vmem>>, vector<128x128xf32>
      tpu.vector_store %arg11[%swap3A_62, %swap3A_63], %dot_general3A_61 {strides = array<i32>} : memref<128x128xf32, #tpu.memory_space<vmem>>, vector<128x128xf32>,
      %get3A_65 = arith.constant 0 : index
      %get3A_66 = arith.constant 0 : index
      %get3A_67 = vector.load %arg5[%get3A_65, %get3A_66] : memref<1x128xf32, #tpu.memory_space<vmem>>, vector<1x128xf32>
      %get3A_68 = arith.constant 0 : index
      %get3A_69 = arith.constant 0 : index
      %get3A_70 = vector.load %arg4[%get3A_68, %get3A_69] : memref<128x128xf32, #tpu.memory_space<vmem>>, vector<128x128xf32>
      %dot_general3A_71 = arith.constant dense<0.000000e+00> : vector<1x128xf32>
      %dot_general3A_72 = tpu.matmul %get3A_67, %get3A_70, %dot_general3A_71 {dimension_numbers = #tpu.dot_dimension_numbers<[1], [0], [0], [1], [0, 0, 1, 1], [], []>, transpose_lhs_hint = false} : vector<1x128xf32>, vector<128x128xf32>, vector<1x128xf32> -> vector<1x128xf32>
      %get3A_73 = arith.constant 0 : index
      %get3A_74 = arith.constant 0 : index
      %get3A_75 = vector.load %arg6[%get3A_73, %get3A_74] : memref<1x128xf32, #tpu.memory_space<vmem>>, vector<1x128xf32>
      %add3A_76 = arith.addf %dot_general3A_72, %get3A_75 : vector<1x128xf32>
      %swap3A_77 = arith.constant 0 : index
      %swap3A_78 = arith.constant 0 : index
      %swap3A_79 = vector.load %arg12[%swap3A_77, %swap3A_78] : memref<1x128xf32, #tpu.memory_space<vmem>>, vector<1x128xf32>
      tpu.vector_store %arg12[%swap3A_77, %swap3A_78], %add3A_76 {strides = array<i32>} : memref<1x128xf32, #tpu.memory_space<vmem>>, vector<1x128xf32>,
      %broadcast_in_dim3A_80 = arith.constant 0.000000e+00 : f32
      %broadcast_in_dim3A_81 = vector.broadcast %broadcast_in_dim3A_80 : f32 to vector<1x128xf32>
      %swap3A_82 = arith.constant 0 : index
      %swap3A_83 = arith.constant 0 : index
      %swap3A_84 = vector.load %arg10[%swap3A_82, %swap3A_83] : memref<1x128xf32, #tpu.memory_space<vmem>>, vector<1x128xf32>
      tpu.vector_store %arg10[%swap3A_82, %swap3A_83], %broadcast_in_dim3A_81 {strides = array<i32>} : memref<1x128xf32, #tpu.memory_space<vmem>>, vector<1x128xf32>,
    } else {
    }
    %get3A = arith.constant 0 : index
    %get3A_2 = arith.constant 0 : index
    %get3A_3 = vector.load %arg2[%get3A, %get3A_2] : memref<32x512xf32, #tpu.memory_space<vmem>>, vector<32x512xf32>
    %broadcast_in_dim3A = arith.constant 1.000000e+00 : f32
    %broadcast_in_dim3A_4 = vector.broadcast %broadcast_in_dim3A : f32 to vector<32x1xf32>
    %dot_general3A = arith.constant dense<0.000000e+00> : vector<512x1xf32>
    %dot_general3A_5 = tpu.matmul %get3A_3, %broadcast_in_dim3A_4, %dot_general3A {dimension_numbers = #tpu.dot_dimension_numbers<[0], [0], [1], [1], [0, 1, 1, 1], [], []>, transpose_lhs_hint = false} : vector<32x512xf32>, vector<32x1xf32>, vector<512x1xf32> -> vector<512x1xf32>
    %max3A = arith.constant 1.000000e+00 : f32
    %max3A_6 = vector.broadcast %max3A : f32 to vector<512x1xf32>
    %max3A_7 = arith.maximumf %dot_general3A_5, %max3A_6 : vector<512x1xf32>
    %rsqrt3A = math.rsqrt %max3A_7 : vector<512x1xf32>
    %get3A_8 = arith.constant 0 : index
    %get3A_9 = arith.constant 0 : index
    %get3A_10 = arith.constant 0 : index
    %get3A_11 = vector.load %arg1[%get3A_8, %get3A_9, %get3A_10] : memref<2x512x128xf32, #tpu.memory_space<vmem>>, vector<1x512x128xf32>
    %get3A_12 = vector.shape_cast %get3A_11 : vector<1x512x128xf32> to vector<512x128xf32>
    %get3A_13 = arith.constant 1 : index
    %get3A_14 = arith.constant 0 : index
    %get3A_15 = arith.constant 0 : index
    %get3A_16 = vector.load %arg1[%get3A_13, %get3A_14, %get3A_15] : memref<2x512x128xf32, #tpu.memory_space<vmem>>, vector<1x512x128xf32>
    %get3A_17 = vector.shape_cast %get3A_16 : vector<1x512x128xf32> to vector<512x128xf32>
    %add3A = arith.addf %get3A_12, %get3A_17 : vector<512x128xf32>
    %mul3A = vector.broadcast %rsqrt3A : vector<512x1xf32> to vector<512x128xf32>
    %mul3A_18 = arith.mulf %mul3A, %add3A : vector<512x128xf32>
    %get3A_19 = arith.constant 0 : index
    %get3A_20 = arith.constant 0 : index
    %get3A_21 = vector.load %arg11[%get3A_19, %get3A_20] : memref<128x128xf32, #tpu.memory_space<vmem>>, vector<128x128xf32>
    %dot_general3A_22 = arith.constant dense<0.000000e+00> : vector<512x128xf32>
    %dot_general3A_23 = tpu.matmul %mul3A_18, %get3A_21, %dot_general3A_22 {dimension_numbers = #tpu.dot_dimension_numbers<[1], [0], [0], [1], [0, 0, 1, 1], [], []>, transpose_lhs_hint = false} : vector<512x128xf32>, vector<128x128xf32>, vector<512x128xf32> -> vector<512x128xf32>
    %get3A_24 = arith.constant 0 : index
    %get3A_25 = arith.constant 0 : index
    %get3A_26 = vector.load %arg12[%get3A_24, %get3A_25] : memref<1x128xf32, #tpu.memory_space<vmem>>, vector<1x128xf32>
    %add3A_27 = vector.broadcast %get3A_26 : vector<1x128xf32> to vector<512x128xf32>
    %add3A_28 = arith.addf %dot_general3A_23, %add3A_27 : vector<512x128xf32>
    %max3A_29 = arith.constant 0.000000e+00 : f32
    %max3A_30 = vector.broadcast %max3A_29 : f32 to vector<512x128xf32>
    %max3A_31 = arith.maximumf %add3A_28, %max3A_30 : vector<512x128xf32>
    %mul3A_32 = arith.constant 512 : i32
    %mul3A_33 = arith.muli %arg0, %mul3A_32 : i32
    %iota3A = tpu.iota {dimensions = array<i32: 0>} : vector<512x1xi32>
    %add3A_34 = vector.broadcast %mul3A_33 : i32 to vector<512x1xi32>
    %add3A_35 = arith.addi %add3A_34, %iota3A : vector<512x1xi32>
    %lt3A = arith.constant 10000 : i32
    %lt3A_36 = vector.broadcast %lt3A : i32 to vector<512x1xi32>
    %lt3A_37 = arith.cmpi slt, %add3A_35, %lt3A_36 : vector<512x1xi32>
    %jit3A = arith.constant 0.000000e+00 : f32
    %broadcast_in_dim3A_38 = vector.shape_cast %lt3A_37 : vector<512x1xi1> to vector<512x1xi1>
    %broadcast_in_dim3A_39 = vector.broadcast %broadcast_in_dim3A_38 : vector<512x1xi1> to vector<512x128xi1>
    %broadcast_in_dim3A_40 = vector.broadcast %jit3A : f32 to vector<512x128xf32>
    %select_n3A = arith.select %broadcast_in_dim3A_39, %max3A_31, %broadcast_in_dim3A_40 : vector<512x128xi1>, vector<512x128xf32>
    %get3A_41 = arith.constant 0 : index
    %get3A_42 = arith.constant 0 : index
    %get3A_43 = vector.load %arg10[%get3A_41, %get3A_42] : memref<1x128xf32, #tpu.memory_space<vmem>>, vector<1x128xf32>
    %reduce_sum3A = arith.constant dense<0.000000e+00> : vector<128xf32>
    %reduce_sum3A_44 = vector.multi_reduction <add>, %select_n3A, %reduce_sum3A [0] : vector<512x128xf32> to vector<128xf32>
    %broadcast_in_dim3A_45 = vector.shape_cast %reduce_sum3A_44 : vector<128xf32> to vector<1x128xf32>
    %add3A_46 = arith.addf %get3A_43, %broadcast_in_dim3A_45 : vector<1x128xf32>
    %swap3A = arith.constant 0 : index
    %swap3A_47 = arith.constant 0 : index
    %swap3A_48 = vector.load %arg10[%swap3A, %swap3A_47] : memref<1x128xf32, #tpu.memory_space<vmem>>, vector<1x128xf32>
    tpu.vector_store %arg10[%swap3A, %swap3A_47], %add3A_46 {strides = array<i32>} : memref<1x128xf32, #tpu.memory_space<vmem>>, vector<1x128xf32>,
    %eq3A_49 = arith.constant 19 : i32
    %eq3A_50 = arith.cmpi eq, %arg0, %eq3A_49 : i32
    %convert_element_type3A_51 = arith.extui %eq3A_50 : i1 to i32
    %cond3A_52 = arith.constant 0 : i32
    %cond3A_53 = arith.cmpi ne, %convert_element_type3A_51, %cond3A_52 : i32
    scf.if %cond3A_53 {
      %get3A_54 = arith.constant 0 : index
      %get3A_55 = arith.constant 0 : index
      %get3A_56 = vector.load %arg10[%get3A_54, %get3A_55] : memref<1x128xf32, #tpu.memory_space<vmem>>, vector<1x128xf32>
      %mul3A_57 = arith.constant 9.99999974E-5 : f32
      %mul3A_58 = vector.broadcast %mul3A_57 : f32 to vector<1x128xf32>
      %mul3A_59 = arith.mulf %get3A_56, %mul3A_58 : vector<1x128xf32>
      %get3A_60 = arith.constant 0 : index
      %get3A_61 = arith.constant 0 : index
      %get3A_62 = vector.load %arg7[%get3A_60, %get3A_61] : memref<128x128xf32, #tpu.memory_space<vmem>>, vector<128x128xf32>
      %dot_general3A_63 = arith.constant dense<0.000000e+00> : vector<1x128xf32>
      %dot_general3A_64 = tpu.matmul %mul3A_59, %get3A_62, %dot_general3A_63 {dimension_numbers = #tpu.dot_dimension_numbers<[1], [0], [0], [1], [0, 0, 1, 1], [], []>, transpose_lhs_hint = false} : vector<1x128xf32>, vector<128x128xf32>, vector<1x128xf32> -> vector<1x128xf32>
      %get3A_65 = arith.constant 0 : index
      %get3A_66 = arith.constant 0 : index
      %get3A_67 = vector.load %arg8[%get3A_65, %get3A_66] : memref<1x128xf32, #tpu.memory_space<vmem>>, vector<1x128xf32>
      %add3A_68 = arith.addf %dot_general3A_64, %get3A_67 : vector<1x128xf32>
      %swap3A_69 = arith.constant 0 : index
      %swap3A_70 = arith.constant 0 : index
      %swap3A_71 = vector.load %arg9[%swap3A_69, %swap3A_70] : memref<1x128xf32, #tpu.memory_space<vmem>>, vector<1x128xf32>
      tpu.vector_store %arg9[%swap3A_69, %swap3A_70], %add3A_68 {strides = array<i32>} : memref<1x128xf32, #tpu.memory_space<vmem>>, vector<1x128xf32>,
    } else {
    }
    return
  }
  func.func @transform_0(%arg0: i32) -> (i32, i32, i32) {
    %c0_i32 = arith.constant 0 : i32
    %c0_i32_0 = arith.constant 0 : i32
    %c0_i32_1 = arith.constant 0 : i32
    return %c0_i32, %arg0, %c0_i32_0 : i32, i32, i32
  }
  func.func @transform_1(%arg0: i32) -> (i32, i32) {
    %c0_i32 = arith.constant 0 : i32
    %c0_i32_0 = arith.constant 0 : i32
    return %c0_i32, %arg0 : i32, i32
  }
  func.func @transform_2(%arg0: i32) -> (i32, i32) {
    %c0_i32 = arith.constant 0 : i32
    %c0_i32_0 = arith.constant 0 : i32
    %c0_i32_1 = arith.constant 0 : i32
    return %c0_i32, %c0_i32_0 : i32, i32
  }
  func.func @transform_3(%arg0: i32) -> (i32, i32) {
    %c0_i32 = arith.constant 0 : i32
    %c0_i32_0 = arith.constant 0 : i32
    %c0_i32_1 = arith.constant 0 : i32
    return %c0_i32, %c0_i32_0 : i32, i32
  }
  func.func @transform_4(%arg0: i32) -> (i32, i32) {
    %c0_i32 = arith.constant 0 : i32
    %c0_i32_0 = arith.constant 0 : i32
    %c0_i32_1 = arith.constant 0 : i32
    return %c0_i32, %c0_i32_0 : i32, i32
  }
  func.func @transform_5(%arg0: i32) -> (i32, i32) {
    %c0_i32 = arith.constant 0 : i32
    %c0_i32_0 = arith.constant 0 : i32
    %c0_i32_1 = arith.constant 0 : i32
    return %c0_i32, %c0_i32_0 : i32, i32
  }
  func.func @transform_6(%arg0: i32) -> (i32, i32) {
    %c0_i32 = arith.constant 0 : i32
    %c0_i32_0 = arith.constant 0 : i32
    %c0_i32_1 = arith.constant 0 : i32
    return %c0_i32, %c0_i32_0 : i32, i32
  }
  func.func @transform_7(%arg0: i32) -> (i32, i32) {
    %c0_i32 = arith.constant 0 : i32
    %c0_i32_0 = arith.constant 0 : i32
    %c0_i32_1 = arith.constant 0 : i32
    return %c0_i32, %c0_i32_0 : i32, i32
  }
  func.func @transform_8(%arg0: i32) -> (i32, i32) {
    %c0_i32 = arith.constant 0 : i32
    %c0_i32_0 = arith.constant 0 : i32
    %c0_i32_1 = arith.constant 0 : i32
    return %c0_i32, %c0_i32_0 : i32, i32
  }
}

</mosaic_0001>

<sc_bundles>
// kernel: kernel.11.cloned.1.call-start
scs
__scs_entry_jumppad:
0x0: {  	(pc) =	sbr.rel $0x88, $3  }
0x1: {  	(tag) =	ssettag $0x0;
	lr =	simm.s32 $0x1  }
0x2: {  	[smem:$0x3F97] =	sst lr;
	_ =	strace $0xD0000000  }
0x3: {  	_ = 	snop  }
0x4: {  	_ = 	snop  }
0x5: {  	_ = 	snop  }
0x6: {  	_ = 	snop  }
0x7: {  	_ = 	snop  }
__scs_overlays_trampoline_lowered:
0x8: {  	[smem:$0x3FA6] =	sst s0  }
0x9: {  	[smem:$0x3FA7] =	sst s1  }
0xa: {  	[smem:$0x3FA8] =	sst s2  }
0xb: {  	[smem:$0x3FA9] =	sst s3  }
0xc: {  	[smem:$0x3FAA] =	sst s4  }
0xd: {  	[smem:$0x3FAB] =	sst s5  }
0xe: {  	[smem:$0x3FAC] =	sst s6  }
0xf: {  	[smem:$0x3FAD] =	sst s7  }
0x10: {  	[smem:$0x3FAE] =	sst s8  }
0x11: {  	[smem:$0x3FAF] =	sst s9;
	s0 =	simm.s32 @!p0 $0x0  }
0x12: {  	s1 =	sld [smem:$0x3F95];
	s0 =	simm.s32 @p0 $0x1  }
0x13: {  	[smem:$0x3FB0] =	sst s0;
	s0 =	simm.s32 @!p1 $0x0  }
0x14: {  	s2 =	sld [smem:$0x3F94];
	s0 =	simm.s32 @p1 $0x1  }
0x15: {  	[smem:$0x3FB1] =	sst s0;
	s0 =	simm.s32 @!p2 $0x0  }
0x16: {  	s3 =	sld [smem:$0x3FDB];
	s0 =	simm.s32 @p2 $0x1  }
0x17: {  	s4 =	simm.s32 $0x1BF5;
	[smem:$0x3FB3] =	sst s0  }
0x18: {  	s0 =	sld [smem:$0x3F96];
	_ =	swait.ge [sflag:s4], $0x0  }
0x19: {  	s7 =	sld [smem:$0x3F97]  }
0x1a: {  	s8 =	sadd.s32 $0xFFFFE003, lr  }
0x1b: {  	s9 =	sadd.s32 $0xFFFFFEF7, lr;
	s5 =	simm.s32 $0xFFFFFFFF;
	p2 =	slt.u32 s8, $0xFFFFF086  }
0x1c: {  	p1 =	slt.u32 s9, $0xF7A;
	s5 =	simm.s32 @!p2 $0x0  }
0x1d: {  	s5 =	simm.s32 @p1 $0x1;
	p0 =	seq.s32 s7, s2  }
0x1e: {  	s7 =	smul.u32 @!p0 $0xF7A, s2;
	p2 =	seq.s32 @!p0 s5, $0x0  }
0x1f: {  	s9 =	smul.u32 $0xF7A, s1;
	s8 =	simm.s32 @!p0 $0x1BF5;
	p2 =	por !p2, p0  }
0x20: {  	[sflag:s8] =	ssyncset.s32 @!p0 $0xFFFFF086;
	s6 =	sadd.s32 @!p0 s3, s7;
	s7 =	simm.s32 @!p0 $0x108  }
0x21: {  	s3 =	sadd.s32 s3, s9;
	s6 =	sadd.s32 @!p0 $0x88, s6;
	s7 =	simm.s32 @p2 $0x1082  }
0x22: {  	[simem:s7], [sflag:s8] =	dma.local @!p0 [hbm:s6], $0xF7A  }
0x23: {  	s9 =	sor.u32 $0xD0000000, s2;
	s6 =	simm.s32 $0x108;
	_ =	swait.ge @!p0 [sflag:s8], $0x0  }
0x24: {  	s3 =	sadd.s32 $0x88, s3;
	s6 =	simm.s32 @!p1 $0x1082;
	[sflag:s4] =	ssyncset.s32 $0xFFFFF086  }
0x25: {  	[simem:s6], [sflag:s4] =	dma.local [hbm:s3], $0xF7A  }
0x26: {  	[smem:$0x3F97] =	sst s1;
	(tag) =	ssettag s2;
	_ =	strace s9  }
0x27: {  	s1 =	sld [smem:$0x3FA7]  }
0x28: {  	s2 =	sld [smem:$0x3FA8]  }
0x29: {  	s4 =	sld [smem:$0x3FAA]  }
0x2a: {  	p0 =	seq.s32 s5, $0x0;
	s5 =	sld [smem:$0x3FAB]  }
0x2b: {  	s6 =	sld [smem:$0x3FAC]  }
0x2c: {  	s7 =	sld [smem:$0x3FAD]  }
0x2d: {  	s3 =	simm.s32 $0x108;
	s8 =	sld [smem:$0x3FAE]  }
0x2e: {  	s3 =	simm.s32 @!p0 $0x1082;
	s9 =	sld [smem:$0x3FAF]  }
0x2f: {  	lr =	sadd.s32 s0, s3;
	s0 =	sld [smem:$0x3FA6]  }
0x30: {  	s3 =	sld [smem:$0x3FA9]  }
0x31: {  	[smem:$0x3FB2] =	sst s10  }
0x32: {  	s10 =	sld [smem:$0x3FB0];
	_ =	sdelay $0x3  }
0x33: {  	p0 =	seq.s32 s10, $0x1;
	s10 =	sld [smem:$0x3FB2];
	_ =	sdelay $0x3  }
0x34: {  	[smem:$0x3FB2] =	sst s10  }
0x35: {  	s10 =	sld [smem:$0x3FB1];
	_ =	sdelay $0x3  }
0x36: {  	p1 =	seq.s32 s10, $0x1;
	s10 =	sld [smem:$0x3FB2];
	_ =	sdelay $0x3  }
0x37: {  	[smem:$0x3FB2] =	sst s10  }
0x38: {  	s10 =	sld [smem:$0x3FB3]  }
0x39: {  	_ = 	snop;
	(pc) =	sbr.ind lr, $3  }
0x3a: {  	_ = 	snop  }
0x3b: {  	_ = 	snop  }
0x3c: {  	p2 =	seq.s32 s10, $0x1;
	s10 =	sld [smem:$0x3FB2]  }
0x3d: {  	_ =	shalt  }
0x3e: {  	_ =	shalt  }
0x3f: {  	_ =	shalt  }
0x40: {  	_ =	shalt  }
0x41: {  	_ =	shalt  }
0x42: {  	_ =	shalt  }
0x43: {  	_ =	shalt  }
0x44: {  	_ =	shalt  }
0x45: {  	_ =	shalt  }
0x46: {  	_ =	shalt  }
0x47: {  	_ =	shalt  }
0x48: {  	_ =	shalt  }
0x49: {  	_ =	shalt  }
0x4a: {  	_ =	shalt  }
0x4b: {  	_ =	shalt  }
0x4c: {  	_ =	shalt  }
0x4d: {  	_ =	shalt  }
0x4e: {  	_ =	shalt  }
0x4f: {  	_ =	shalt  }
0x50: {  	_ =	shalt  }
0x51: {  	_ =	shalt  }
0x52: {  	_ =	shalt  }
0x53: {  	_ =	shalt  }
0x54: {  	_ =	shalt  }
0x55: {  	_ =	shalt  }
0x56: {  	_ =	shalt  }
0x57: {  	_ =	shalt  }
0x58: {  	_ =	shalt  }
0x59: {  	_ =	shalt  }
0x5a: {  	_ =	shalt  }
0x5b: {  	_ =	shalt  }
0x5c: {  	_ =	shalt  }
0x5d: {  	_ =	shalt  }
0x5e: {  	_ =	shalt  }
0x5f: {  	_ =	shalt  }
0x60: {  	_ =	shalt  }
0x61: {  	_ =	shalt  }
0x62: {  	_ =	shalt  }
0x63: {  	_ =	shalt  }
0x64: {  	_ =	shalt  }
0x65: {  	_ =	shalt  }
0x66: {  	_ =	shalt  }
0x67: {  	_ =	shalt  }
0x68: {  	_ =	shalt  }
0x69: {  	_ =	shalt  }
0x6a: {  	_ =	shalt  }
0x6b: {  	_ =	shalt  }
0x6c: {  	_ =	shalt  }
0x6d: {  	_ =	shalt  }
0x6e: {  	_ =	shalt  }
0x6f: {  	_ =	shalt  }
0x70: {  	_ =	shalt  }
0x71: {  	_ =	shalt  }
0x72: {  	_ =	shalt  }
0x73: {  	_ =	shalt  }
0x74: {  	_ =	shalt  }
0x75: {  	_ =	shalt  }
0x76: {  	_ =	shalt  }
0x77: {  	_ =	shalt  }
0x78: {  	_ =	shalt  }
0x79: {  	_ =	shalt  }
0x7a: {  	_ =	shalt  }
0x7b: {  	_ =	shalt  }
0x7c: {  	_ =	shalt  }
0x7d: {  	_ =	shalt  }
0x7e: {  	_ =	shalt  }
0x7f: {  	_ =	shalt  }
0x80: {  	_ =	shalt  }
0x81: {  	_ =	shalt  }
0x82: {  	_ =	shalt  }
0x83: {  	_ =	shalt  }
0x84: {  	_ =	shalt  }
0x85: {  	_ =	shalt  }
0x86: {  	_ =	shalt  }
0x87: {  	_ =	shalt  }
.Lfunc_end0:
.L_simem_size_0:
called_computation.1_lowered:
.L_overlay_start_0:
0x88: {  	s2 =	sld [smem:$0x3FD9]  }
0x89: {  	s3 =	sld [smem:$0x3FFE];
	_ =	sdelay $0x1  }
0x8a: {  	s1 =	srdreg.scid  }
0x8b: {  	s0 =	sand.u32 $0x1, s1  }
0x8c: {  	s16 =	sshll.u32 s0, $0xA;
	s2 =	sadd.s32 s3, s2  }
0x8d: {  	s2 =	sadd.s32 s2, s16  }
0x8e: {  	[smem:$0x3FBE] =	sst s2  }
0x8f: {  	_ = 	snop  }
0x90: {  	(tm) =	ssettm $0x1  }
0x91: {  	s17 =	sld [smem:$0x3FFB];
	_ =	sdelay $0x3  }
0x92: {  	_ =	strace s17  }
0x93: {  	s2 =	sld [smem:$0x3FFC];
	_ =	sdelay $0x3  }
0x94: {  	_ =	strace s2  }
0x95: {  	s2 =	sld [smem:$0x3FFD];
	_ =	sdelay $0x3  }
0x96: {  	_ =	strace s2  }
0x97: {  	_ =	strace $0x8FFFFFFF  }
0x98: {  	s18 =	sld [smem:$0x3FDB];
	_ =	sdelay $0x1  }
0x99: {  	s19 =	simm.s32 $_scs_section_size  }
0x9a: {  	s4 =	simm.s32 $_size__tile_overlayer_lowered;
	s5 =	simm.s32 $_tile_overlayer_lowered  }
0x9b: {  	s22 =	simm.s32 $0x1BFF;
	s21 =	sshll.u32 s5, $0x1;
	s2 =	sadd.s32 s19, s18  }
0x9c: {  	s6 =	simm.s32 $0x0;
	s20 =	sshll.u32 s4, $0x1;
	s4 =	sadd.s32 s21, s2  }
0x9d: {  	[timem:s6], [sflag:s22] =	dma.local [hbm:s4], s20  }
0x9e: {  	_ =	swait.ge [sflag:s22], s20  }
0x9f: {  	s3 =	ssub.s32 $0x0, s20;
	[sflag:s22] =	ssyncset.done $0x0  }
0xa0: {  	[sflag:s22] =	ssyncadd.s32 s3;
	_ =	sdelay $0x1  }
0xa1: {  	s23 =	simm.s32 $0x1B8B  }
0xa2: {  	_ =	swait.ge [sflag:s23], $0x1  }
0xa3: {  	[sflag:s23] =	ssyncset.done $0x0  }
0xa4: {  	s25 =	simm.s32 $0x1B8E;
	s24 =	sld [smem:$0x3FFE];
	[sflag:s23] =	ssyncadd.s32 $0xFFFFFFFF  }
0xa5: {  	s26 =	simm.s32 $execute0_lowered;
	[smem:$0x3FD2] =	sst s25  }
0xa6: {  	s4 =	sshll.u32 s26, $0x1;
	_ =	strace $0x80000049;
	[dreg:$0x1] =	wrdreg $0xFFFFFFFF  }
0xa7: {  	s28 =	simm.s32 $_size_execute0_lowered;
	s2 =	sadd.s32 s2, s4;
	[dreg:$0x0] =	wrdreg $0x0  }
0xa8: {  	s4 =	sshll.u32 s28, $0x1;
	[dreg:$0x2] =	wrdreg s2  }
0xa9: {  	[dreg:$0x3] =	wrdreg s4  }
0xaa: {  	[dreg:$0x4] =	wrdreg $0xC0  }
0xab: {  	_ =	task [dreg:s6], $0x5FFFF  }
0xac: {  	[dreg:$0x1] =	wrdreg $0xFFFFFFFF  }
0xad: {  	[dreg:$0x0] =	wrdreg $0x60  }
0xae: {  	[dreg:$0x2] =	wrdreg s24  }
0xaf: {  	[dreg:$0x3] =	wrdreg $0x54000  }
0xb0: {  	[dreg:$0x4] =	wrdreg $0x9  }
0xb1: {  	_ =	task.clear_ibuf [dreg:s6], $0x5FFFF;
	_ =	strace $0x90000049  }
0xb2: {  	s29 =	simm.s32 $0x9;
	_ =	strace $0x8000004B  }
0xb3: {  	_ =	swait.ge [sflag:s29], $0x1  }
0xb4: {  	[sflag:s29] =	ssyncadd.s32 $0xFFFFFFFF  }
0xb5: {  	_ =	strace $0x9000004B  }
0xb6: {  	_ =	sfence  }
0xb7: {  	s30 =	sld [smem:$0x0];
	_ =	sdelay $0x2  }
0xb8: {  	s31 =	sshll.u32 s1, $0xD;
	s1 =	sshrl.u32 s1, $0x2  }
0xb9: {  	s3 =	sand.u32 $0x4000, s31;
	s1 =	sadd.s32 s1, s30  }
0xba: {  	s0 =	sor.u32 s3, s0;
	s1 =	sshll.u32 s1, $0x11  }
0xbb: {  	s0 =	sor.u32 s1, s0  }
0xbc: {  	s0 =	sadd.s32 $0x8F2B, s0  }
0xbd: {  	[sflag:s0] =	ssyncadd.remote.s32 $0x1  }
0xbe: {  	_ =	sfence.sel $0xFFFF  }
0xbf: {  	[dreg:$0x0] =	wrdreg $0xFFFFFFFF;
	(pc) =	sbr.abs _section_cstart, $3  }
0xc0: {  	[dreg:$0x1] =	wrdreg $0xFFFFFFFF  }
0xc1: {  	_ =	task.clear_ibuf [dreg:s6], $0x2FFFF;
	_ =	strace $0x9FFFFFFF  }
0xc2: {  	(tm) =	ssettm $0x7FFFFFFF  }
0xc3: {  	_ =	shalt  }
tec
execute0_lowered:
.L_overlay_start_1:
0x0: {  	(tag) =	ssettag $0x1  }
0x1: {  	s0 =	rddreg [dreg:$0x0]  }
0x2: {  	s1 =	srdreg.scid;
	s2 =	rddreg [dreg:$0x1]  }
0x3: {  	s11 =	stileid.u32;
	s3 =	simm.s32 $0x0;
	s28 =	simm.s32 $0x50  }
0x4: {  	s29 =	simm.s32 $0x200;
	s30 =	simm.s32 $0x280;
	s31 =	simm.s32 $0x6  }
0x5: {  	s14 =	simm.s32 $0x2;
	s1 =	sand.u32 $0x1, s1;
	s6 =	smul.u32 $0x14000, s11  }
0x6: {  	[smem:$0x7FF] =	sst s3;
	s9 =	sshll.u32 s11, $0xE;
	s11 =	smul.u32 $0x50000, s11  }
0x7: {  	s4 =	sadd.s32 $0x26800, s0;
	s5 =	smul.u32 $0x140000, s1;
	s8 =	ssub.s32 $0x2, s1  }
0x8: {  	_ =	strace $0x8000004A;
	s10 =	sshrl.u32 s8, $0x1;
	s17 =	sshrl.u32 s11, $0x2  }
0x9: {  	s1 =	sshll.u32 s1, $0x12;
	s15 =	ssub.s32 s8, s10;
	s23 =	sadd.s32 s17, s2  }
0xa: {  	s11 =	simm.s32 $0x380;
	s18 =	smax.u32 s15, $0x1;
	[dreg:$0x6] =	wrdreg s23  }
0xb: {  	s7 =	sadd.s32 s6, s5;
	s19 =	sadd.s32 $0x2800, s23;
	[dreg:$0x7] =	wrdreg s18  }
0xc: {  	s5 =	sadd.s32 $0x16800, s0;
	s20 =	sadd.s32 $0x5000, s23;
	[dreg:$0x8] =	wrdreg s19  }
0xd: {  	s6 =	sadd.s32 $0x36800, s0;
	s21 =	sadd.s32 $0x7800, s23;
	[dreg:$0x9] =	wrdreg s20  }
0xe: {  	s17 =	simm.s32 $0x4;
	s22 =	sadd.s32 $0xA000, s23;
	[dreg:$0xa] =	wrdreg s21  }
0xf: {  	s7 =	sshrl.u32 s7, $0x3;
	s24 =	sadd.s32 $0xC800, s23;
	[dreg:$0xb] =	wrdreg s22  }
0x10: {  	s25 =	sadd.s32 $0xF000, s23;
	s26 =	sadd.s32 $0x11800, s23;
	[dreg:$0xc] =	wrdreg s24  }
0x11: {  	s15 =	simm.s32 $0x3;
	s0 =	sadd.s32 s7, s0;
	[dreg:$0xd] =	wrdreg s25  }
0x12: {  	s7 =	sor.u32 s9, s1;
	[dreg:$0xe] =	wrdreg s26;
	s22 =	simm.s32 $0x400  }
0x13: {  	s24 =	simm.s32 $0x80;
	s25 =	simm.s32 $0x100;
	s26 =	simm.s32 $0x180  }
0x14: {  	s1 =	simm.s32 $0x2C00;
	s18 =	simm.s32 $0x5;
	s20 =	simm.s32 $0x0  }
.Ltmp0:
0x15: {  	s16 =	sshrl.u32 s7, $0x3;
	s0 =	sadd.s32 $0x5E800, s0;
	(pc) =	sbr.rel .LBB2_1-.Ltmp0, $4  }
0x16: {  	s8 =	sadd.s32 s16, s4;
	s9 =	sadd.s32 s16, s5;
	s10 =	sor.u32 $0x10, s16  }
0x17: {  	[dreg:$0x5] =	wrdreg s0;
	s0 =	simm.s32 $0x1;
	s12 =	sadd.s32 s4, s10  }
0x18: {  	s16 =	simm.s32 $0x8;
	s10 =	sadd.s32 s5, s10;
	[dreg:$0x3] =	wrdreg s12  }
0x19: {  	v0 =	vimm.f32 $0.0e+00;
	[dreg:$0x4] =	wrdreg s10;
	s10 =	simm.s32 $0x300;
	s12 =	simm.s32 $0x7  }
.LBB2_6:
0x1a: {  	_ =	swait.ge [sflag:s14], $0x2800  }
0x1b: {  	[sflag:s14] =	ssyncset.done $0x0  }
0x1c: {  	[sflag:s14] =	ssyncadd.s32 $0xFFFFD800  }
0x1d: {  	_ =	swait.ge [sflag:s15], $0x2800  }
0x1e: {  	[sflag:s15] =	ssyncset.done $0x0  }
0x1f: {  	[sflag:s15] =	ssyncadd.s32 $0xFFFFD800  }
0x20: {  	[spmem:s2] =	stream.indirect.scatter.add.f32 [tilespmem:s1], [sflag:$0x4], $0x80, s11, s28, $0xb8;
	[tilespmem:$0x19400] =	vst v63  }
0x21: {  	_ =	swait.ge [sflag:s17], $0x2800  }
0x22: {  	[sflag:s17] =	ssyncset.done $0x0  }
0x23: {  	[sflag:s17] =	ssyncadd.s32 $0xFFFFD800  }
0x24: {  	s13 =	stileid.u32;
	[bflag:$0x0] =	sbarrier.arrive $0xFFFF  }
0x25: {  	s13 =	sshll.u32 s13, $0x6;
	s23 =	rddreg [dreg:$0x6]  }
0x26: {  	s13 =	sor.u32 $0x1C09, s13;
	s20 =	rddreg [dreg:$0x5];
	s19 =	sshrl.u32 s23, $0x3  }
0x27: {  	[hbm:s20], [sflag:s13] =	dma.local [spmem:s19], $0x2800  }
0x28: {  	s19 =	simm.s32 $0x9  }
0x29: {  	_ =	swait.ge [sflag:s19], $0x2800  }
0x2a: {  	s13 =	rddreg [dreg:$0xf]  }
0x2b: {  	s21 =	rddreg [dreg:$0x7];
	s20 =	sadd.s32 $0x1, s13  }
0x2c: {  	p0 =	sne.s32 s20, s21  }
.Ltmp1:
0x2d: {  	_ = 	snop;
	(pc) =	sbr.rel @!p0 .LBB2_7-.Ltmp1, $3  }
0x2e: {  	_ =	sdelay $0x1  }
0x2f: {  	[sflag:s19] =	ssyncset.done $0x0  }
0x30: {  	[sflag:s19] =	ssyncadd.s32 $0xFFFFD800  }
.LBB2_1:
0x31: {  	s13 =	sand.u32 $0xFE00, s3  }
0x32: {  	[dreg:$0xf] =	wrdreg s20;
	s21 =	sand.u32 $0x70, s3;
	s13 =	sshrl.u32 s13, $0x2  }
0x33: {  	s20 =	simm.s32 $0x40;
	s13 =	sor.u32 s21, s13;
	s21 =	simm.s32 $0x0  }
.LBB2_2:
0x34: {  	p0 =	sne.s32 s20, $0x9FC0  }
0x35: {  	[tilespmem:s13+$0x400] =	vst v0;
	s21 =	sadd.s32 $0x10, s21;
	s13 =	smov.u32 s20;
	s20 =	sadd.s32 $0x40, s20  }
.Ltmp2:
0x36: {  	(pc) =	sbr.rel @p0 .LBB2_2-.Ltmp2, $4  }
0x37: {  	_ = 	snop  }
0x38: {  	s13 =	sand.u32 $0xFE00, s13  }
0x39: {  	s19 =	sand.u32 $0x70, s21;
	s13 =	sshrl.u32 s13, $0x2  }
0x3a: {  	s13 =	sor.u32 s19, s13  }
0x3b: {  	[tilespmem:s13+$0x400] =	vst v0;
	s19 =	simm.s32 $0x9  }
0x3c: {  	[spmem:s23] =	stream.linear.scatter [tilespmem:s22], [sflag:$0x9], $0x2800, $0x38;
	[tilespmem:$0x19400] =	vst v63  }
0x3d: {  	_ =	swait.ge [sflag:s19], $0x2800  }
0x3e: {  	[sflag:s19] =	ssyncset.done $0x0  }
0x3f: {  	s20 =	rddreg [dreg:$0x8];
	[sflag:s19] =	ssyncadd.s32 $0xFFFFD800  }
0x40: {  	[spmem:s20] =	stream.linear.scatter [tilespmem:s22], [sflag:$0x9], $0x2800, $0x38;
	[tilespmem:$0x19400] =	vst v63  }
0x41: {  	_ =	swait.ge [sflag:s19], $0x2800  }
0x42: {  	[sflag:s19] =	ssyncset.done $0x0  }
0x43: {  	s21 =	rddreg [dreg:$0x9];
	[sflag:s19] =	ssyncadd.s32 $0xFFFFD800  }
0x44: {  	[spmem:s21] =	stream.linear.scatter [tilespmem:s22], [sflag:$0x9], $0x2800, $0x38;
	[tilespmem:$0x19400] =	vst v63  }
0x45: {  	_ =	swait.ge [sflag:s19], $0x2800  }
0x46: {  	[sflag:s19] =	ssyncset.done $0x0  }
0x47: {  	s23 =	rddreg [dreg:$0xa];
	[sflag:s19] =	ssyncadd.s32 $0xFFFFD800  }
0x48: {  	[spmem:s23] =	stream.linear.scatter [tilespmem:s22], [sflag:$0x9], $0x2800, $0x38;
	[tilespmem:$0x19400] =	vst v63  }
0x49: {  	_ =	swait.ge [sflag:s19], $0x2800  }
0x4a: {  	[sflag:s19] =	ssyncset.done $0x0  }
0x4b: {  	s20 =	rddreg [dreg:$0xb];
	[sflag:s19] =	ssyncadd.s32 $0xFFFFD800  }
0x4c: {  	[spmem:s20] =	stream.linear.scatter [tilespmem:s22], [sflag:$0x9], $0x2800, $0x38;
	[tilespmem:$0x19400] =	vst v63  }
0x4d: {  	_ =	swait.ge [sflag:s19], $0x2800  }
0x4e: {  	[sflag:s19] =	ssyncset.done $0x0  }
0x4f: {  	s21 =	rddreg [dreg:$0xc];
	[sflag:s19] =	ssyncadd.s32 $0xFFFFD800  }
0x50: {  	[spmem:s21] =	stream.linear.scatter [tilespmem:s22], [sflag:$0x9], $0x2800, $0x38;
	[tilespmem:$0x19400] =	vst v63  }
0x51: {  	_ =	swait.ge [sflag:s19], $0x2800  }
0x52: {  	[sflag:s19] =	ssyncset.done $0x0  }
0x53: {  	s23 =	rddreg [dreg:$0xd];
	[sflag:s19] =	ssyncadd.s32 $0xFFFFD800  }
0x54: {  	[spmem:s23] =	stream.linear.scatter [tilespmem:s22], [sflag:$0x9], $0x2800, $0x38;
	[tilespmem:$0x19400] =	vst v63  }
0x55: {  	_ =	swait.ge [sflag:s19], $0x2800  }
0x56: {  	[sflag:s19] =	ssyncset.done $0x0  }
0x57: {  	s20 =	rddreg [dreg:$0xe];
	[sflag:s19] =	ssyncadd.s32 $0xFFFFD800  }
0x58: {  	[spmem:s20] =	stream.linear.scatter [tilespmem:s22], [sflag:$0x9], $0x2800, $0x38;
	[tilespmem:$0x19400] =	vst v63  }
0x59: {  	_ =	swait.ge [sflag:s19], $0x2800  }
0x5a: {  	[sflag:s19] =	ssyncset.done $0x0  }
0x5b: {  	[sflag:s19] =	ssyncadd.s32 $0xFFFFD800  }
0x5c: {  	s20 =	simm.s32 $0x0;
	[bflag:$0x0] =	sbarrier.arrive $0xFFFF  }
0x5d: {  	[tilespmem:s20], [sflag:$0x9] =	stream.linear.gather [hbm4b:s8+s20], $0x80, $0x38;
	[tilespmem:$0x19400] =	vst v63  }
0x5e: {  	_ =	swait.ge [sflag:s19], $0x80  }
0x5f: {  	[sflag:s19] =	ssyncset.done $0x0  }
0x60: {  	[sflag:s19] =	ssyncadd.s32 $0xFFFFFF80  }
0x61: {  	[tilespmem:s24], [sflag:$0x9] =	stream.linear.gather [hbm4b:s9+s20], $0x80, $0x38;
	[tilespmem:$0x19400] =	vst v63  }
0x62: {  	_ =	swait.ge [sflag:s19], $0x80  }
0x63: {  	[sflag:s19] =	ssyncset.done $0x0  }
0x64: {  	s21 =	rddreg [dreg:$0x3];
	[sflag:s19] =	ssyncadd.s32 $0xFFFFFF80  }
0x65: {  	[tilespmem:s25], [sflag:$0x6] =	stream.linear.gather [hbm4b:s21+s20], $0x80, $0x38;
	[tilespmem:$0x19400] =	vst v63  }
0x66: {  	s23 =	rddreg [dreg:$0x4]  }
0x67: {  	[tilespmem:s26], [sflag:$0x6] =	stream.linear.gather [hbm4b:s23+s20], $0x80, $0x38;
	[tilespmem:$0x19400] =	vst v63  }
0x68: {  	s21 =	simm.s32 $0x280  }
0x69: {  	[tilespmem:s22], [sflag:$0x1] =	stream.indirect.gather [hbm4b:s6+s28], $0x80, s20, s28, $0xb8;
	[tilespmem:$0x19400] =	vst v63  }
.LBB2_4:
0x6a: {  	s13 =	sadd.s32 s20, s8  }
0x6b: {  	s19 =	sadd.s32 $0x20, s13  }
0x6c: {  	[tilespmem:s29], [sflag:$0x7] =	stream.linear.gather [hbm4b:s19+s3], $0x80, $0x38;
	[tilespmem:$0x19400] =	vst v63  }
0x6d: {  	s19 =	sadd.s32 s20, s9  }
0x6e: {  	s23 =	sadd.s32 $0x20, s19  }
0x6f: {  	[tilespmem:s30], [sflag:$0x7] =	stream.linear.gather [hbm4b:s23+s3], $0x80, $0x38;
	[tilespmem:$0x19400] =	vst v63  }
0x70: {  	_ =	swait.ge [sflag:s31], $0x80  }
0x71: {  	[sflag:s31] =	ssyncset.done $0x0  }
0x72: {  	[sflag:s31] =	ssyncadd.s32 $0xFFFFFF80  }
0x73: {  	_ =	swait.ge [sflag:s31], $0x80  }
0x74: {  	[sflag:s31] =	ssyncset.done $0x0  }
0x75: {  	[sflag:s31] =	ssyncadd.s32 $0xFFFFFF80  }
0x76: {  	_ =	swait.ge [sflag:s0], $0x2800  }
0x77: {  	p0 =	seq.s32 s20, $0x0;
	[sflag:s0] =	ssyncset.done $0x0  }
0x78: {  	s23 =	simm.s32 @!p0 $0x4;
	[sflag:s0] =	ssyncadd.s32 $0xFFFFD800  }
0x79: {  	_ =	swait.ge @!p0 [sflag:s23], $0x2800  }
0x7a: {  	[sflag:s23] =	ssyncset.done @!p0 $0x0  }
0x7b: {  	[sflag:s23] =	ssyncadd.s32 @!p0 $0xFFFFD800  }
0x7c: {  	[tilespmem:s1], [sflag:$0x2] =	stream.indirect.gather [hbm4b:s6+s28], $0x80, s25, s28, $0xb8;
	[tilespmem:$0x19400] =	vst v63  }
0x7d: {  	_ = 	snop  }
0x7e: {  	[spmem:s2] =	stream.indirect.scatter.add.f32 [tilespmem:s22], [sflag:$0x3], $0x80, s24, s28, $0xb8;
	[tilespmem:$0x19400] =	vst v63  }
0x7f: {  	s13 =	sadd.s32 $0x30, s13  }
0x80: {  	[tilespmem:s10], [sflag:$0x8] =	stream.linear.gather [hbm4b:s13+s3], $0x80, $0x38;
	[tilespmem:$0x19400] =	vst v63  }
0x81: {  	s23 =	sadd.s32 $0x30, s19  }
0x82: {  	[tilespmem:s11], [sflag:$0x8] =	stream.linear.gather [hbm4b:s23+s3], $0x80, $0x38;
	[tilespmem:$0x19400] =	vst v63  }
0x83: {  	_ =	swait.ge [sflag:s12], $0x80  }
0x84: {  	[sflag:s12] =	ssyncset.done $0x0  }
0x85: {  	[sflag:s12] =	ssyncadd.s32 $0xFFFFFF80  }
0x86: {  	_ =	swait.ge [sflag:s12], $0x80  }
0x87: {  	[sflag:s12] =	ssyncset.done $0x0  }
0x88: {  	[sflag:s12] =	ssyncadd.s32 $0xFFFFFF80  }
0x89: {  	_ =	swait.ge [sflag:s14], $0x2800  }
0x8a: {  	p0 =	seq.s32 s20, $0x7C0;
	[sflag:s14] =	ssyncset.done $0x0  }
0x8b: {  	s13 =	sadd.s32 @!p0 $0xFFFFFF80, s21;
	[sflag:s14] =	ssyncadd.s32 $0xFFFFD800  }
0x8c: {  	s19 =	sand.u32 @!p0 $0x7C00, s13;
	_ =	swait.ge [sflag:s15], $0x2800  }
0x8d: {  	s13 =	sand.u32 @!p0 $0x200, s13;
	s19 =	sadd.s32 @!p0 s7, s19;
	[sflag:s15] =	ssyncset.done $0x0  }
0x8e: {  	s13 =	sor.u32 @!p0 s13, s19;
	[sflag:s15] =	ssyncadd.s32 $0xFFFFD800  }
0x8f: {  	[tilespmem:s22], [sflag:$0x1] =	stream.indirect.gather [hbm4b:s6+s28], $0x80, s29, s28, $0xb8;
	[tilespmem:$0x19400] =	vst v63  }
0x90: {  	s13 =	sshrl.u32 @!p0 s13, $0x3  }
0x91: {  	[spmem:s2] =	stream.indirect.scatter.add.f32 [tilespmem:s1], [sflag:$0x4], $0x80, s26, s28, $0xb8;
	[tilespmem:$0x19400] =	vst v63  }
0x92: {  	s23 =	simm.s32 @!p0 $0x0;
	s19 =	sadd.s32 @!p0 s4, s13  }
0x93: {  	[tilespmem:s23], [sflag:$0x5] =	stream.linear.gather @!p0 [hbm4b:s19+s23], $0x80, $0x38;
	[tilespmem:$0x19400] =	vst v63  }
0x94: {  	s13 =	sadd.s32 @!p0 s5, s13;
	s19 =	simm.s32 @!p0 $0x80  }
0x95: {  	[tilespmem:s19], [sflag:$0x5] =	stream.linear.gather @!p0 [hbm4b:s13+s23], $0x80, $0x38;
	[tilespmem:$0x19400] =	vst v63  }
0x96: {  	_ =	swait.ge [sflag:s16], $0x80  }
0x97: {  	[sflag:s16] =	ssyncset.done $0x0  }
0x98: {  	[sflag:s16] =	ssyncadd.s32 $0xFFFFFF80  }
0x99: {  	_ =	swait.ge [sflag:s16], $0x80  }
0x9a: {  	[sflag:s16] =	ssyncset.done $0x0  }
0x9b: {  	[sflag:s16] =	ssyncadd.s32 $0xFFFFFF80  }
0x9c: {  	_ =	swait.ge [sflag:s0], $0x2800  }
0x9d: {  	[sflag:s0] =	ssyncset.done $0x0  }
0x9e: {  	[sflag:s0] =	ssyncadd.s32 $0xFFFFD800  }
0x9f: {  	_ =	swait.ge [sflag:s17], $0x2800  }
.Ltmp3:
0xa0: {  	[sflag:s17] =	ssyncset.done $0x0;
	(pc) =	sbr.rel @p0 .LBB2_6-.Ltmp3, $4  }
0xa1: {  	[sflag:s17] =	ssyncadd.s32 $0xFFFFD800  }
0xa2: {  	[tilespmem:s1], [sflag:$0x2] =	stream.indirect.gather [hbm4b:s6+s28], $0x80, s10, s28, $0xb8;
	[tilespmem:$0x19400] =	vst v63  }
0xa3: {  	_ = 	snop  }
0xa4: {  	[spmem:s2] =	stream.indirect.scatter.add.f32 [tilespmem:s22], [sflag:$0x3], $0x80, s30, s28, $0xb8;
	[tilespmem:$0x19400] =	vst v63  }
0xa5: {  	s13 =	sand.u32 $0x7C00, s21  }
0xa6: {  	s19 =	sand.u32 $0x280, s21;
	s13 =	sadd.s32 s7, s13  }
0xa7: {  	s13 =	sor.u32 s19, s13  }
0xa8: {  	s13 =	sshrl.u32 s13, $0x3  }
0xa9: {  	s23 =	sadd.s32 s4, s13  }
0xaa: {  	[tilespmem:s25], [sflag:$0x6] =	stream.linear.gather [hbm4b:s23+s3], $0x80, $0x38;
	[tilespmem:$0x19400] =	vst v63  }
0xab: {  	s13 =	sadd.s32 s5, s13  }
0xac: {  	[tilespmem:s26], [sflag:$0x6] =	stream.linear.gather [hbm4b:s13+s3], $0x80, $0x38;
	[tilespmem:$0x19400] =	vst v63  }
0xad: {  	_ =	swait.ge [sflag:s18], $0x80  }
0xae: {  	[sflag:s18] =	ssyncset.done $0x0  }
0xaf: {  	[sflag:s18] =	ssyncadd.s32 $0xFFFFFF80  }
0xb0: {  	_ =	swait.ge [sflag:s18], $0x80  }
0xb1: {  	[sflag:s18] =	ssyncset.done $0x0  }
0xb2: {  	[sflag:s18] =	ssyncadd.s32 $0xFFFFFF80  }
0xb3: {  	_ =	swait.ge [sflag:s14], $0x2800  }
0xb4: {  	[sflag:s14] =	ssyncset.done $0x0  }
0xb5: {  	[sflag:s14] =	ssyncadd.s32 $0xFFFFD800  }
0xb6: {  	_ =	swait.ge [sflag:s15], $0x2800  }
.Ltmp4:
0xb7: {  	[sflag:s15] =	ssyncset.done $0x0;
	(pc) =	sbr.rel .LBB2_4-.Ltmp4, $4  }
0xb8: {  	[sflag:s15] =	ssyncadd.s32 $0xFFFFD800  }
0xb9: {  	[tilespmem:s22], [sflag:$0x1] =	stream.indirect.gather [hbm4b:s6+s28], $0x80, s3, s28, $0xb8;
	[tilespmem:$0x19400] =	vst v63  }
0xba: {  	s20 =	sadd.s32 $0x40, s20;
	s21 =	sadd.s32 $0x200, s21  }
0xbb: {  	[spmem:s2] =	stream.indirect.scatter.add.f32 [tilespmem:s1], [sflag:$0x4], $0x80, s11, s28, $0xb8;
	[tilespmem:$0x19400] =	vst v63  }
.LBB2_7:
0xbc: {  	_ =	sfence.sel $0x180000  }
0xbd: {  	[bflag:$0x0] =	sbarrier.arrive $0xFFFF  }
0xbe: {  	_ =	strace $0x9000004A  }
0xbf: {  	s0 =	stileid.u32;
	[bflag:$0x2] =	sbarrier.arrive $0xFFFF  }
0xc0: {  	p0 =	sne.s32 s0, $0x0;
	s0 =	rddreg [dreg:$0x2]  }
0xc1: {  	s0 =	sadd.s32 @!p0 $0x100000, s0  }
0xc2: {  	[sflag:s0] =	ssyncadd.tile.s32 @!p0 $0x1;
	_ =	shalt  }
.Lfunc_end2:
_tile_overlayer_lowered:
.L_overlay_start_2:
0xc3: {  	(tag) =	ssettag $0x2  }
0xc4: {  	s0 =	rddreg [dreg:$0x0];
	s2 =	stileid.u32  }
0xc5: {  	s1 =	rddreg [dreg:$0x1];
	p0 =	sne.s32 s2, $0x0  }
0xc6: {  	s3 =	rddreg [dreg:$0x2];
	[bflag:$0x3] =	sbarrier.arrive $0xFFFF;
	s2 =	simm.s32 @!p0 $0x1C09  }
0xc7: {  	[timem:s3], [sflag:s2] =	dma.local @!p0 [hbm:s0], s1  }
0xc8: {  	s0 =	simm.s32 @!p0 $0x9  }
0xc9: {  	_ =	swait.ge @!p0 [sflag:s0], s1  }
0xca: {  	s1 =	ssub.s32 @!p0 $0x0, s1;
	[sflag:s0] =	ssyncset.done @!p0 $0x0  }
0xcb: {  	[sflag:s0] =	ssyncadd.s32 @!p0 s1  }
0xcc: {  	[bflag:$0x3] =	sbarrier.arrive $0xFFFF  }
0xcd: {  	_ =	shalt  }

// kernel: kernel.14.cloned.1.call-start
scs
__scs_entry_jumppad:
0x0: {  	(pc) =	sbr.rel $0x88, $3  }
0x1: {  	(tag) =	ssettag $0x0;
	lr =	simm.s32 $0x1  }
0x2: {  	[smem:$0x3F97] =	sst lr;
	_ =	strace $0xD0000000  }
0x3: {  	_ = 	snop  }
0x4: {  	_ = 	snop  }
0x5: {  	_ = 	snop  }
0x6: {  	_ = 	snop  }
0x7: {  	_ = 	snop  }
__scs_overlays_trampoline_lowered:
0x8: {  	[smem:$0x3FA6] =	sst s0  }
0x9: {  	[smem:$0x3FA7] =	sst s1  }
0xa: {  	[smem:$0x3FA8] =	sst s2  }
0xb: {  	[smem:$0x3FA9] =	sst s3  }
0xc: {  	[smem:$0x3FAA] =	sst s4  }
0xd: {  	[smem:$0x3FAB] =	sst s5  }
0xe: {  	[smem:$0x3FAC] =	sst s6  }
0xf: {  	[smem:$0x3FAD] =	sst s7  }
0x10: {  	[smem:$0x3FAE] =	sst s8  }
0x11: {  	[smem:$0x3FAF] =	sst s9;
	s0 =	simm.s32 @!p0 $0x0  }
0x12: {  	s1 =	sld [smem:$0x3F95];
	s0 =	simm.s32 @p0 $0x1  }
0x13: {  	[smem:$0x3FB0] =	sst s0;
	s0 =	simm.s32 @!p1 $0x0  }
0x14: {  	s2 =	sld [smem:$0x3F94];
	s0 =	simm.s32 @p1 $0x1  }
0x15: {  	[smem:$0x3FB1] =	sst s0;
	s0 =	simm.s32 @!p2 $0x0  }
0x16: {  	s3 =	sld [smem:$0x3FDB];
	s0 =	simm.s32 @p2 $0x1  }
0x17: {  	s4 =	simm.s32 $0x1BF5;
	[smem:$0x3FB3] =	sst s0  }
0x18: {  	s0 =	sld [smem:$0x3F96];
	_ =	swait.ge [sflag:s4], $0x0  }
0x19: {  	s7 =	sld [smem:$0x3F97]  }
0x1a: {  	s8 =	sadd.s32 $0xFFFFE003, lr  }
0x1b: {  	s9 =	sadd.s32 $0xFFFFFEF7, lr;
	s5 =	simm.s32 $0xFFFFFFFF;
	p2 =	slt.u32 s8, $0xFFFFF086  }
0x1c: {  	p1 =	slt.u32 s9, $0xF7A;
	s5 =	simm.s32 @!p2 $0x0  }
0x1d: {  	s5 =	simm.s32 @p1 $0x1;
	p0 =	seq.s32 s7, s2  }
0x1e: {  	s7 =	smul.u32 @!p0 $0xF7A, s2;
	p2 =	seq.s32 @!p0 s5, $0x0  }
0x1f: {  	s9 =	smul.u32 $0xF7A, s1;
	s8 =	simm.s32 @!p0 $0x1BF5;
	p2 =	por !p2, p0  }
0x20: {  	[sflag:s8] =	ssyncset.s32 @!p0 $0xFFFFF086;
	s6 =	sadd.s32 @!p0 s3, s7;
	s7 =	simm.s32 @!p0 $0x108  }
0x21: {  	s3 =	sadd.s32 s3, s9;
	s6 =	sadd.s32 @!p0 $0x88, s6;
	s7 =	simm.s32 @p2 $0x1082  }
0x22: {  	[simem:s7], [sflag:s8] =	dma.local @!p0 [hbm:s6], $0xF7A  }
0x23: {  	s9 =	sor.u32 $0xD0000000, s2;
	s6 =	simm.s32 $0x108;
	_ =	swait.ge @!p0 [sflag:s8], $0x0  }
0x24: {  	s3 =	sadd.s32 $0x88, s3;
	s6 =	simm.s32 @!p1 $0x1082;
	[sflag:s4] =	ssyncset.s32 $0xFFFFF086  }
0x25: {  	[simem:s6], [sflag:s4] =	dma.local [hbm:s3], $0xF7A  }
0x26: {  	[smem:$0x3F97] =	sst s1;
	(tag) =	ssettag s2;
	_ =	strace s9  }
0x27: {  	s1 =	sld [smem:$0x3FA7]  }
0x28: {  	s2 =	sld [smem:$0x3FA8]  }
0x29: {  	s4 =	sld [smem:$0x3FAA]  }
0x2a: {  	p0 =	seq.s32 s5, $0x0;
	s5 =	sld [smem:$0x3FAB]  }
0x2b: {  	s6 =	sld [smem:$0x3FAC]  }
0x2c: {  	s7 =	sld [smem:$0x3FAD]  }
0x2d: {  	s3 =	simm.s32 $0x108;
	s8 =	sld [smem:$0x3FAE]  }
0x2e: {  	s3 =	simm.s32 @!p0 $0x1082;
	s9 =	sld [smem:$0x3FAF]  }
0x2f: {  	lr =	sadd.s32 s0, s3;
	s0 =	sld [smem:$0x3FA6]  }
0x30: {  	s3 =	sld [smem:$0x3FA9]  }
0x31: {  	[smem:$0x3FB2] =	sst s10  }
0x32: {  	s10 =	sld [smem:$0x3FB0];
	_ =	sdelay $0x3  }
0x33: {  	p0 =	seq.s32 s10, $0x1;
	s10 =	sld [smem:$0x3FB2];
	_ =	sdelay $0x3  }
0x34: {  	[smem:$0x3FB2] =	sst s10  }
0x35: {  	s10 =	sld [smem:$0x3FB1];
	_ =	sdelay $0x3  }
0x36: {  	p1 =	seq.s32 s10, $0x1;
	s10 =	sld [smem:$0x3FB2];
	_ =	sdelay $0x3  }
0x37: {  	[smem:$0x3FB2] =	sst s10  }
0x38: {  	s10 =	sld [smem:$0x3FB3]  }
0x39: {  	_ = 	snop;
	(pc) =	sbr.ind lr, $3  }
0x3a: {  	_ = 	snop  }
0x3b: {  	_ = 	snop  }
0x3c: {  	p2 =	seq.s32 s10, $0x1;
	s10 =	sld [smem:$0x3FB2]  }
0x3d: {  	_ =	shalt  }
0x3e: {  	_ =	shalt  }
0x3f: {  	_ =	shalt  }
0x40: {  	_ =	shalt  }
0x41: {  	_ =	shalt  }
0x42: {  	_ =	shalt  }
0x43: {  	_ =	shalt  }
0x44: {  	_ =	shalt  }
0x45: {  	_ =	shalt  }
0x46: {  	_ =	shalt  }
0x47: {  	_ =	shalt  }
0x48: {  	_ =	shalt  }
0x49: {  	_ =	shalt  }
0x4a: {  	_ =	shalt  }
0x4b: {  	_ =	shalt  }
0x4c: {  	_ =	shalt  }
0x4d: {  	_ =	shalt  }
0x4e: {  	_ =	shalt  }
0x4f: {  	_ =	shalt  }
0x50: {  	_ =	shalt  }
0x51: {  	_ =	shalt  }
0x52: {  	_ =	shalt  }
0x53: {  	_ =	shalt  }
0x54: {  	_ =	shalt  }
0x55: {  	_ =	shalt  }
0x56: {  	_ =	shalt  }
0x57: {  	_ =	shalt  }
0x58: {  	_ =	shalt  }
0x59: {  	_ =	shalt  }
0x5a: {  	_ =	shalt  }
0x5b: {  	_ =	shalt  }
0x5c: {  	_ =	shalt  }
0x5d: {  	_ =	shalt  }
0x5e: {  	_ =	shalt  }
0x5f: {  	_ =	shalt  }
0x60: {  	_ =	shalt  }
0x61: {  	_ =	shalt  }
0x62: {  	_ =	shalt  }
0x63: {  	_ =	shalt  }
0x64: {  	_ =	shalt  }
0x65: {  	_ =	shalt  }
0x66: {  	_ =	shalt  }
0x67: {  	_ =	shalt  }
0x68: {  	_ =	shalt  }
0x69: {  	_ =	shalt  }
0x6a: {  	_ =	shalt  }
0x6b: {  	_ =	shalt  }
0x6c: {  	_ =	shalt  }
0x6d: {  	_ =	shalt  }
0x6e: {  	_ =	shalt  }
0x6f: {  	_ =	shalt  }
0x70: {  	_ =	shalt  }
0x71: {  	_ =	shalt  }
0x72: {  	_ =	shalt  }
0x73: {  	_ =	shalt  }
0x74: {  	_ =	shalt  }
0x75: {  	_ =	shalt  }
0x76: {  	_ =	shalt  }
0x77: {  	_ =	shalt  }
0x78: {  	_ =	shalt  }
0x79: {  	_ =	shalt  }
0x7a: {  	_ =	shalt  }
0x7b: {  	_ =	shalt  }
0x7c: {  	_ =	shalt  }
0x7d: {  	_ =	shalt  }
0x7e: {  	_ =	shalt  }
0x7f: {  	_ =	shalt  }
0x80: {  	_ =	shalt  }
0x81: {  	_ =	shalt  }
0x82: {  	_ =	shalt  }
0x83: {  	_ =	shalt  }
0x84: {  	_ =	shalt  }
0x85: {  	_ =	shalt  }
0x86: {  	_ =	shalt  }
0x87: {  	_ =	shalt  }
.Lfunc_end0:
.L_simem_size_0:
called_computation.2_lowered:
.L_overlay_start_0:
0x88: {  	s2 =	sld [smem:$0x3FD9]  }
0x89: {  	s3 =	sld [smem:$0x3FFE];
	_ =	sdelay $0x1  }
0x8a: {  	s1 =	srdreg.scid  }
0x8b: {  	s0 =	sand.u32 $0x1, s1  }
0x8c: {  	s16 =	sshll.u32 s0, $0xA;
	s2 =	sadd.s32 s3, s2  }
0x8d: {  	s2 =	sadd.s32 s2, s16  }
0x8e: {  	[smem:$0x3FBE] =	sst s2  }
0x8f: {  	_ = 	snop  }
0x90: {  	(tm) =	ssettm $0x1  }
0x91: {  	s17 =	sld [smem:$0x3FFB];
	_ =	sdelay $0x3  }
0x92: {  	_ =	strace s17  }
0x93: {  	s2 =	sld [smem:$0x3FFC];
	_ =	sdelay $0x3  }
0x94: {  	_ =	strace s2  }
0x95: {  	s2 =	sld [smem:$0x3FFD];
	_ =	sdelay $0x3  }
0x96: {  	_ =	strace s2  }
0x97: {  	_ =	strace $0x8FFFFFFF  }
0x98: {  	s18 =	sld [smem:$0x3FDB];
	_ =	sdelay $0x1  }
0x99: {  	s19 =	simm.s32 $_scs_section_size  }
0x9a: {  	s4 =	simm.s32 $_size__tile_overlayer_lowered;
	s5 =	simm.s32 $_tile_overlayer_lowered  }
0x9b: {  	s22 =	simm.s32 $0x1BFF;
	s21 =	sshll.u32 s5, $0x1;
	s2 =	sadd.s32 s19, s18  }
0x9c: {  	s6 =	simm.s32 $0x0;
	s20 =	sshll.u32 s4, $0x1;
	s4 =	sadd.s32 s21, s2  }
0x9d: {  	[timem:s6], [sflag:s22] =	dma.local [hbm:s4], s20  }
0x9e: {  	_ =	swait.ge [sflag:s22], s20  }
0x9f: {  	s3 =	ssub.s32 $0x0, s20;
	[sflag:s22] =	ssyncset.done $0x0  }
0xa0: {  	[sflag:s22] =	ssyncadd.s32 s3;
	_ =	sdelay $0x1  }
0xa1: {  	s23 =	simm.s32 $0x1B8B  }
0xa2: {  	_ =	swait.ge [sflag:s23], $0x1  }
0xa3: {  	[sflag:s23] =	ssyncset.done $0x0  }
0xa4: {  	s25 =	simm.s32 $0x1B8E;
	s24 =	sld [smem:$0x3FFE];
	[sflag:s23] =	ssyncadd.s32 $0xFFFFFFFF  }
0xa5: {  	s26 =	simm.s32 $execute0_lowered;
	[smem:$0x3FD2] =	sst s25  }
0xa6: {  	s4 =	sshll.u32 s26, $0x1;
	_ =	strace $0x8000004C;
	[dreg:$0x1] =	wrdreg $0xFFFFFFFF  }
0xa7: {  	s28 =	simm.s32 $_size_execute0_lowered;
	s2 =	sadd.s32 s2, s4;
	[dreg:$0x0] =	wrdreg $0x0  }
0xa8: {  	s4 =	sshll.u32 s28, $0x1;
	[dreg:$0x2] =	wrdreg s2  }
0xa9: {  	[dreg:$0x3] =	wrdreg s4  }
0xaa: {  	[dreg:$0x4] =	wrdreg $0xC0  }
0xab: {  	_ =	task [dreg:s6], $0x5FFFF  }
0xac: {  	[dreg:$0x1] =	wrdreg $0xFFFFFFFF  }
0xad: {  	[dreg:$0x0] =	wrdreg $0x60  }
0xae: {  	[dreg:$0x2] =	wrdreg s24  }
0xaf: {  	[dreg:$0x3] =	wrdreg $0x54000  }
0xb0: {  	[dreg:$0x4] =	wrdreg $0x9  }
0xb1: {  	_ =	task.clear_ibuf [dreg:s6], $0x5FFFF;
	_ =	strace $0x9000004C  }
0xb2: {  	s29 =	simm.s32 $0x9;
	_ =	strace $0x8000004E  }
0xb3: {  	_ =	swait.ge [sflag:s29], $0x1  }
0xb4: {  	[sflag:s29] =	ssyncadd.s32 $0xFFFFFFFF  }
0xb5: {  	_ =	strace $0x9000004E  }
0xb6: {  	_ =	sfence  }
0xb7: {  	s30 =	sld [smem:$0x0];
	_ =	sdelay $0x2  }
0xb8: {  	s31 =	sshll.u32 s1, $0xD;
	s1 =	sshrl.u32 s1, $0x2  }
0xb9: {  	s3 =	sand.u32 $0x4000, s31;
	s1 =	sadd.s32 s1, s30  }
0xba: {  	s0 =	sor.u32 s3, s0;
	s1 =	sshll.u32 s1, $0x11  }
0xbb: {  	s0 =	sor.u32 s1, s0  }
0xbc: {  	s0 =	sadd.s32 $0x8F2B, s0  }
0xbd: {  	[sflag:s0] =	ssyncadd.remote.s32 $0x1  }
0xbe: {  	_ =	sfence.sel $0xFFFF  }
0xbf: {  	[dreg:$0x0] =	wrdreg $0xFFFFFFFF;
	(pc) =	sbr.abs _section_cstart, $3  }
0xc0: {  	[dreg:$0x1] =	wrdreg $0xFFFFFFFF  }
0xc1: {  	_ =	task.clear_ibuf [dreg:s6], $0x2FFFF;
	_ =	strace $0x9FFFFFFF  }
0xc2: {  	(tm) =	ssettm $0x7FFFFFFF  }
0xc3: {  	_ =	shalt  }
tec
execute0_lowered:
.L_overlay_start_1:
0x0: {  	(tag) =	ssettag $0x1  }
0x1: {  	s0 =	rddreg [dreg:$0x0]  }
0x2: {  	s1 =	srdreg.scid;
	s2 =	rddreg [dreg:$0x1]  }
0x3: {  	s11 =	stileid.u32;
	s3 =	simm.s32 $0x0;
	s28 =	simm.s32 $0x50  }
0x4: {  	s29 =	simm.s32 $0x200;
	s30 =	simm.s32 $0x280;
	s31 =	simm.s32 $0x6  }
0x5: {  	s14 =	simm.s32 $0x2;
	s1 =	sand.u32 $0x1, s1;
	s6 =	smul.u32 $0x14000, s11  }
0x6: {  	[smem:$0x7FF] =	sst s3;
	s9 =	sshll.u32 s11, $0xE;
	s11 =	smul.u32 $0x50000, s11  }
0x7: {  	s4 =	sadd.s32 $0x26800, s0;
	s5 =	smul.u32 $0x140000, s1;
	s8 =	ssub.s32 $0x2, s1  }
0x8: {  	_ =	strace $0x8000004D;
	s10 =	sshrl.u32 s8, $0x1;
	s17 =	sshrl.u32 s11, $0x2  }
0x9: {  	s1 =	sshll.u32 s1, $0x12;
	s15 =	ssub.s32 s8, s10;
	s23 =	sadd.s32 s17, s2  }
0xa: {  	s11 =	simm.s32 $0x380;
	s18 =	smax.u32 s15, $0x1;
	[dreg:$0x6] =	wrdreg s23  }
0xb: {  	s7 =	sadd.s32 s6, s5;
	s19 =	sadd.s32 $0x2800, s23;
	[dreg:$0x7] =	wrdreg s18  }
0xc: {  	s5 =	sadd.s32 $0x16800, s0;
	s20 =	sadd.s32 $0x5000, s23;
	[dreg:$0x8] =	wrdreg s19  }
0xd: {  	s6 =	sadd.s32 $0x36800, s0;
	s21 =	sadd.s32 $0x7800, s23;
	[dreg:$0x9] =	wrdreg s20  }
0xe: {  	s17 =	simm.s32 $0x4;
	s22 =	sadd.s32 $0xA000, s23;
	[dreg:$0xa] =	wrdreg s21  }
0xf: {  	s7 =	sshrl.u32 s7, $0x3;
	s24 =	sadd.s32 $0xC800, s23;
	[dreg:$0xb] =	wrdreg s22  }
0x10: {  	s25 =	sadd.s32 $0xF000, s23;
	s26 =	sadd.s32 $0x11800, s23;
	[dreg:$0xc] =	wrdreg s24  }
0x11: {  	s15 =	simm.s32 $0x3;
	s0 =	sadd.s32 s7, s0;
	[dreg:$0xd] =	wrdreg s25  }
0x12: {  	s7 =	sor.u32 s9, s1;
	[dreg:$0xe] =	wrdreg s26;
	s22 =	simm.s32 $0x400  }
0x13: {  	s24 =	simm.s32 $0x80;
	s25 =	simm.s32 $0x100;
	s26 =	simm.s32 $0x180  }
0x14: {  	s1 =	simm.s32 $0x2C00;
	s18 =	simm.s32 $0x5;
	s20 =	simm.s32 $0x0  }
.Ltmp0:
0x15: {  	s16 =	sshrl.u32 s7, $0x3;
	s0 =	sadd.s32 $0x5E800, s0;
	(pc) =	sbr.rel .LBB2_1-.Ltmp0, $4  }
0x16: {  	s8 =	sadd.s32 s16, s4;
	s9 =	sadd.s32 s16, s5;
	s10 =	sor.u32 $0x10, s16  }
0x17: {  	[dreg:$0x5] =	wrdreg s0;
	s0 =	simm.s32 $0x1;
	s12 =	sadd.s32 s4, s10  }
0x18: {  	s16 =	simm.s32 $0x8;
	s10 =	sadd.s32 s5, s10;
	[dreg:$0x3] =	wrdreg s12  }
0x19: {  	v0 =	vimm.f32 $0.0e+00;
	[dreg:$0x4] =	wrdreg s10;
	s10 =	simm.s32 $0x300;
	s12 =	simm.s32 $0x7  }
.LBB2_6:
0x1a: {  	_ =	swait.ge [sflag:s14], $0x2800  }
0x1b: {  	[sflag:s14] =	ssyncset.done $0x0  }
0x1c: {  	[sflag:s14] =	ssyncadd.s32 $0xFFFFD800  }
0x1d: {  	_ =	swait.ge [sflag:s15], $0x2800  }
0x1e: {  	[sflag:s15] =	ssyncset.done $0x0  }
0x1f: {  	[sflag:s15] =	ssyncadd.s32 $0xFFFFD800  }
0x20: {  	[spmem:s2] =	stream.indirect.scatter.add.f32 [tilespmem:s1], [sflag:$0x4], $0x80, s11, s28, $0xb8;
	[tilespmem:$0x19400] =	vst v63  }
0x21: {  	_ =	swait.ge [sflag:s17], $0x2800  }
0x22: {  	[sflag:s17] =	ssyncset.done $0x0  }
0x23: {  	[sflag:s17] =	ssyncadd.s32 $0xFFFFD800  }
0x24: {  	s13 =	stileid.u32;
	[bflag:$0x0] =	sbarrier.arrive $0xFFFF  }
0x25: {  	s13 =	sshll.u32 s13, $0x6;
	s23 =	rddreg [dreg:$0x6]  }
0x26: {  	s13 =	sor.u32 $0x1C09, s13;
	s20 =	rddreg [dreg:$0x5];
	s19 =	sshrl.u32 s23, $0x3  }
0x27: {  	[hbm:s20], [sflag:s13] =	dma.local [spmem:s19], $0x2800  }
0x28: {  	s19 =	simm.s32 $0x9  }
0x29: {  	_ =	swait.ge [sflag:s19], $0x2800  }
0x2a: {  	s13 =	rddreg [dreg:$0xf]  }
0x2b: {  	s21 =	rddreg [dreg:$0x7];
	s20 =	sadd.s32 $0x1, s13  }
0x2c: {  	p0 =	sne.s32 s20, s21  }
.Ltmp1:
0x2d: {  	_ = 	snop;
	(pc) =	sbr.rel @!p0 .LBB2_7-.Ltmp1, $3  }
0x2e: {  	_ =	sdelay $0x1  }
0x2f: {  	[sflag:s19] =	ssyncset.done $0x0  }
0x30: {  	[sflag:s19] =	ssyncadd.s32 $0xFFFFD800  }
.LBB2_1:
0x31: {  	s13 =	sand.u32 $0xFE00, s3  }
0x32: {  	[dreg:$0xf] =	wrdreg s20;
	s21 =	sand.u32 $0x70, s3;
	s13 =	sshrl.u32 s13, $0x2  }
0x33: {  	s20 =	simm.s32 $0x40;
	s13 =	sor.u32 s21, s13;
	s21 =	simm.s32 $0x0  }
.LBB2_2:
0x34: {  	p0 =	sne.s32 s20, $0x9FC0  }
0x35: {  	[tilespmem:s13+$0x400] =	vst v0;
	s21 =	sadd.s32 $0x10, s21;
	s13 =	smov.u32 s20;
	s20 =	sadd.s32 $0x40, s20  }
.Ltmp2:
0x36: {  	(pc) =	sbr.rel @p0 .LBB2_2-.Ltmp2, $4  }
0x37: {  	_ = 	snop  }
0x38: {  	s13 =	sand.u32 $0xFE00, s13  }
0x39: {  	s19 =	sand.u32 $0x70, s21;
	s13 =	sshrl.u32 s13, $0x2  }
0x3a: {  	s13 =	sor.u32 s19, s13  }
0x3b: {  	[tilespmem:s13+$0x400] =	vst v0;
	s19 =	simm.s32 $0x9  }
0x3c: {  	[spmem:s23] =	stream.linear.scatter [tilespmem:s22], [sflag:$0x9], $0x2800, $0x38;
	[tilespmem:$0x19400] =	vst v63  }
0x3d: {  	_ =	swait.ge [sflag:s19], $0x2800  }
0x3e: {  	[sflag:s19] =	ssyncset.done $0x0  }
0x3f: {  	s20 =	rddreg [dreg:$0x8];
	[sflag:s19] =	ssyncadd.s32 $0xFFFFD800  }
0x40: {  	[spmem:s20] =	stream.linear.scatter [tilespmem:s22], [sflag:$0x9], $0x2800, $0x38;
	[tilespmem:$0x19400] =	vst v63  }
0x41: {  	_ =	swait.ge [sflag:s19], $0x2800  }
0x42: {  	[sflag:s19] =	ssyncset.done $0x0  }
0x43: {  	s21 =	rddreg [dreg:$0x9];
	[sflag:s19] =	ssyncadd.s32 $0xFFFFD800  }
0x44: {  	[spmem:s21] =	stream.linear.scatter [tilespmem:s22], [sflag:$0x9], $0x2800, $0x38;
	[tilespmem:$0x19400] =	vst v63  }
0x45: {  	_ =	swait.ge [sflag:s19], $0x2800  }
0x46: {  	[sflag:s19] =	ssyncset.done $0x0  }
0x47: {  	s23 =	rddreg [dreg:$0xa];
	[sflag:s19] =	ssyncadd.s32 $0xFFFFD800  }
0x48: {  	[spmem:s23] =	stream.linear.scatter [tilespmem:s22], [sflag:$0x9], $0x2800, $0x38;
	[tilespmem:$0x19400] =	vst v63  }
0x49: {  	_ =	swait.ge [sflag:s19], $0x2800  }
0x4a: {  	[sflag:s19] =	ssyncset.done $0x0  }
0x4b: {  	s20 =	rddreg [dreg:$0xb];
	[sflag:s19] =	ssyncadd.s32 $0xFFFFD800  }
0x4c: {  	[spmem:s20] =	stream.linear.scatter [tilespmem:s22], [sflag:$0x9], $0x2800, $0x38;
	[tilespmem:$0x19400] =	vst v63  }
0x4d: {  	_ =	swait.ge [sflag:s19], $0x2800  }
0x4e: {  	[sflag:s19] =	ssyncset.done $0x0  }
0x4f: {  	s21 =	rddreg [dreg:$0xc];
	[sflag:s19] =	ssyncadd.s32 $0xFFFFD800  }
0x50: {  	[spmem:s21] =	stream.linear.scatter [tilespmem:s22], [sflag:$0x9], $0x2800, $0x38;
	[tilespmem:$0x19400] =	vst v63  }
0x51: {  	_ =	swait.ge [sflag:s19], $0x2800  }
0x52: {  	[sflag:s19] =	ssyncset.done $0x0  }
0x53: {  	s23 =	rddreg [dreg:$0xd];
	[sflag:s19] =	ssyncadd.s32 $0xFFFFD800  }
0x54: {  	[spmem:s23] =	stream.linear.scatter [tilespmem:s22], [sflag:$0x9], $0x2800, $0x38;
	[tilespmem:$0x19400] =	vst v63  }
0x55: {  	_ =	swait.ge [sflag:s19], $0x2800  }
0x56: {  	[sflag:s19] =	ssyncset.done $0x0  }
0x57: {  	s20 =	rddreg [dreg:$0xe];
	[sflag:s19] =	ssyncadd.s32 $0xFFFFD800  }
0x58: {  	[spmem:s20] =	stream.linear.scatter [tilespmem:s22], [sflag:$0x9], $0x2800, $0x38;
	[tilespmem:$0x19400] =	vst v63  }
0x59: {  	_ =	swait.ge [sflag:s19], $0x2800  }
0x5a: {  	[sflag:s19] =	ssyncset.done $0x0  }
0x5b: {  	[sflag:s19] =	ssyncadd.s32 $0xFFFFD800  }
0x5c: {  	s20 =	simm.s32 $0x0;
	[bflag:$0x0] =	sbarrier.arrive $0xFFFF  }
0x5d: {  	[tilespmem:s20], [sflag:$0x9] =	stream.linear.gather [hbm4b:s8+s20], $0x80, $0x38;
	[tilespmem:$0x19400] =	vst v63  }
0x5e: {  	_ =	swait.ge [sflag:s19], $0x80  }
0x5f: {  	[sflag:s19] =	ssyncset.done $0x0  }
0x60: {  	[sflag:s19] =	ssyncadd.s32 $0xFFFFFF80  }
0x61: {  	[tilespmem:s24], [sflag:$0x9] =	stream.linear.gather [hbm4b:s9+s20], $0x80, $0x38;
	[tilespmem:$0x19400] =	vst v63  }
0x62: {  	_ =	swait.ge [sflag:s19], $0x80  }
0x63: {  	[sflag:s19] =	ssyncset.done $0x0  }
0x64: {  	s21 =	rddreg [dreg:$0x3];
	[sflag:s19] =	ssyncadd.s32 $0xFFFFFF80  }
0x65: {  	[tilespmem:s25], [sflag:$0x6] =	stream.linear.gather [hbm4b:s21+s20], $0x80, $0x38;
	[tilespmem:$0x19400] =	vst v63  }
0x66: {  	s23 =	rddreg [dreg:$0x4]  }
0x67: {  	[tilespmem:s26], [sflag:$0x6] =	stream.linear.gather [hbm4b:s23+s20], $0x80, $0x38;
	[tilespmem:$0x19400] =	vst v63  }
0x68: {  	s21 =	simm.s32 $0x280  }
0x69: {  	[tilespmem:s22], [sflag:$0x1] =	stream.indirect.gather [hbm4b:s6+s28], $0x80, s20, s28, $0xb8;
	[tilespmem:$0x19400] =	vst v63  }
.LBB2_4:
0x6a: {  	s13 =	sadd.s32 s20, s8  }
0x6b: {  	s19 =	sadd.s32 $0x20, s13  }
0x6c: {  	[tilespmem:s29], [sflag:$0x7] =	stream.linear.gather [hbm4b:s19+s3], $0x80, $0x38;
	[tilespmem:$0x19400] =	vst v63  }
0x6d: {  	s19 =	sadd.s32 s20, s9  }
0x6e: {  	s23 =	sadd.s32 $0x20, s19  }
0x6f: {  	[tilespmem:s30], [sflag:$0x7] =	stream.linear.gather [hbm4b:s23+s3], $0x80, $0x38;
	[tilespmem:$0x19400] =	vst v63  }
0x70: {  	_ =	swait.ge [sflag:s31], $0x80  }
0x71: {  	[sflag:s31] =	ssyncset.done $0x0  }
0x72: {  	[sflag:s31] =	ssyncadd.s32 $0xFFFFFF80  }
0x73: {  	_ =	swait.ge [sflag:s31], $0x80  }
0x74: {  	[sflag:s31] =	ssyncset.done $0x0  }
0x75: {  	[sflag:s31] =	ssyncadd.s32 $0xFFFFFF80  }
0x76: {  	_ =	swait.ge [sflag:s0], $0x2800  }
0x77: {  	p0 =	seq.s32 s20, $0x0;
	[sflag:s0] =	ssyncset.done $0x0  }
0x78: {  	s23 =	simm.s32 @!p0 $0x4;
	[sflag:s0] =	ssyncadd.s32 $0xFFFFD800  }
0x79: {  	_ =	swait.ge @!p0 [sflag:s23], $0x2800  }
0x7a: {  	[sflag:s23] =	ssyncset.done @!p0 $0x0  }
0x7b: {  	[sflag:s23] =	ssyncadd.s32 @!p0 $0xFFFFD800  }
0x7c: {  	[tilespmem:s1], [sflag:$0x2] =	stream.indirect.gather [hbm4b:s6+s28], $0x80, s25, s28, $0xb8;
	[tilespmem:$0x19400] =	vst v63  }
0x7d: {  	_ = 	snop  }
0x7e: {  	[spmem:s2] =	stream.indirect.scatter.add.f32 [tilespmem:s22], [sflag:$0x3], $0x80, s24, s28, $0xb8;
	[tilespmem:$0x19400] =	vst v63  }
0x7f: {  	s13 =	sadd.s32 $0x30, s13  }
0x80: {  	[tilespmem:s10], [sflag:$0x8] =	stream.linear.gather [hbm4b:s13+s3], $0x80, $0x38;
	[tilespmem:$0x19400] =	vst v63  }
0x81: {  	s23 =	sadd.s32 $0x30, s19  }
0x82: {  	[tilespmem:s11], [sflag:$0x8] =	stream.linear.gather [hbm4b:s23+s3], $0x80, $0x38;
	[tilespmem:$0x19400] =	vst v63  }
0x83: {  	_ =	swait.ge [sflag:s12], $0x80  }
0x84: {  	[sflag:s12] =	ssyncset.done $0x0  }
0x85: {  	[sflag:s12] =	ssyncadd.s32 $0xFFFFFF80  }
0x86: {  	_ =	swait.ge [sflag:s12], $0x80  }
0x87: {  	[sflag:s12] =	ssyncset.done $0x0  }
0x88: {  	[sflag:s12] =	ssyncadd.s32 $0xFFFFFF80  }
0x89: {  	_ =	swait.ge [sflag:s14], $0x2800  }
0x8a: {  	p0 =	seq.s32 s20, $0x7C0;
	[sflag:s14] =	ssyncset.done $0x0  }
0x8b: {  	s13 =	sadd.s32 @!p0 $0xFFFFFF80, s21;
	[sflag:s14] =	ssyncadd.s32 $0xFFFFD800  }
0x8c: {  	s19 =	sand.u32 @!p0 $0x7C00, s13;
	_ =	swait.ge [sflag:s15], $0x2800  }
0x8d: {  	s13 =	sand.u32 @!p0 $0x200, s13;
	s19 =	sadd.s32 @!p0 s7, s19;
	[sflag:s15] =	ssyncset.done $0x0  }
0x8e: {  	s13 =	sor.u32 @!p0 s13, s19;
	[sflag:s15] =	ssyncadd.s32 $0xFFFFD800  }
0x8f: {  	[tilespmem:s22], [sflag:$0x1] =	stream.indirect.gather [hbm4b:s6+s28], $0x80, s29, s28, $0xb8;
	[tilespmem:$0x19400] =	vst v63  }
0x90: {  	s13 =	sshrl.u32 @!p0 s13, $0x3  }
0x91: {  	[spmem:s2] =	stream.indirect.scatter.add.f32 [tilespmem:s1], [sflag:$0x4], $0x80, s26, s28, $0xb8;
	[tilespmem:$0x19400] =	vst v63  }
0x92: {  	s23 =	simm.s32 @!p0 $0x0;
	s19 =	sadd.s32 @!p0 s4, s13  }
0x93: {  	[tilespmem:s23], [sflag:$0x5] =	stream.linear.gather @!p0 [hbm4b:s19+s23], $0x80, $0x38;
	[tilespmem:$0x19400] =	vst v63  }
0x94: {  	s13 =	sadd.s32 @!p0 s5, s13;
	s19 =	simm.s32 @!p0 $0x80  }
0x95: {  	[tilespmem:s19], [sflag:$0x5] =	stream.linear.gather @!p0 [hbm4b:s13+s23], $0x80, $0x38;
	[tilespmem:$0x19400] =	vst v63  }
0x96: {  	_ =	swait.ge [sflag:s16], $0x80  }
0x97: {  	[sflag:s16] =	ssyncset.done $0x0  }
0x98: {  	[sflag:s16] =	ssyncadd.s32 $0xFFFFFF80  }
0x99: {  	_ =	swait.ge [sflag:s16], $0x80  }
0x9a: {  	[sflag:s16] =	ssyncset.done $0x0  }
0x9b: {  	[sflag:s16] =	ssyncadd.s32 $0xFFFFFF80  }
0x9c: {  	_ =	swait.ge [sflag:s0], $0x2800  }
0x9d: {  	[sflag:s0] =	ssyncset.done $0x0  }
0x9e: {  	[sflag:s0] =	ssyncadd.s32 $0xFFFFD800  }
0x9f: {  	_ =	swait.ge [sflag:s17], $0x2800  }
.Ltmp3:
0xa0: {  	[sflag:s17] =	ssyncset.done $0x0;
	(pc) =	sbr.rel @p0 .LBB2_6-.Ltmp3, $4  }
0xa1: {  	[sflag:s17] =	ssyncadd.s32 $0xFFFFD800  }
0xa2: {  	[tilespmem:s1], [sflag:$0x2] =	stream.indirect.gather [hbm4b:s6+s28], $0x80, s10, s28, $0xb8;
	[tilespmem:$0x19400] =	vst v63  }
0xa3: {  	_ = 	snop  }
0xa4: {  	[spmem:s2] =	stream.indirect.scatter.add.f32 [tilespmem:s22], [sflag:$0x3], $0x80, s30, s28, $0xb8;
	[tilespmem:$0x19400] =	vst v63  }
0xa5: {  	s13 =	sand.u32 $0x7C00, s21  }
0xa6: {  	s19 =	sand.u32 $0x280, s21;
	s13 =	sadd.s32 s7, s13  }
0xa7: {  	s13 =	sor.u32 s19, s13  }
0xa8: {  	s13 =	sshrl.u32 s13, $0x3  }
0xa9: {  	s23 =	sadd.s32 s4, s13  }
0xaa: {  	[tilespmem:s25], [sflag:$0x6] =	stream.linear.gather [hbm4b:s23+s3], $0x80, $0x38;
	[tilespmem:$0x19400] =	vst v63  }
0xab: {  	s13 =	sadd.s32 s5, s13  }
0xac: {  	[tilespmem:s26], [sflag:$0x6] =	stream.linear.gather [hbm4b:s13+s3], $0x80, $0x38;
	[tilespmem:$0x19400] =	vst v63  }
0xad: {  	_ =	swait.ge [sflag:s18], $0x80  }
0xae: {  	[sflag:s18] =	ssyncset.done $0x0  }
0xaf: {  	[sflag:s18] =	ssyncadd.s32 $0xFFFFFF80  }
0xb0: {  	_ =	swait.ge [sflag:s18], $0x80  }
0xb1: {  	[sflag:s18] =	ssyncset.done $0x0  }
0xb2: {  	[sflag:s18] =	ssyncadd.s32 $0xFFFFFF80  }
0xb3: {  	_ =	swait.ge [sflag:s14], $0x2800  }
0xb4: {  	[sflag:s14] =	ssyncset.done $0x0  }
0xb5: {  	[sflag:s14] =	ssyncadd.s32 $0xFFFFD800  }
0xb6: {  	_ =	swait.ge [sflag:s15], $0x2800  }
.Ltmp4:
0xb7: {  	[sflag:s15] =	ssyncset.done $0x0;
	(pc) =	sbr.rel .LBB2_4-.Ltmp4, $4  }
0xb8: {  	[sflag:s15] =	ssyncadd.s32 $0xFFFFD800  }
0xb9: {  	[tilespmem:s22], [sflag:$0x1] =	stream.indirect.gather [hbm4b:s6+s28], $0x80, s3, s28, $0xb8;
	[tilespmem:$0x19400] =	vst v63  }
0xba: {  	s20 =	sadd.s32 $0x40, s20;
	s21 =	sadd.s32 $0x200, s21  }
0xbb: {  	[spmem:s2] =	stream.indirect.scatter.add.f32 [tilespmem:s1], [sflag:$0x4], $0x80, s11, s28, $0xb8;
	[tilespmem:$0x19400] =	vst v63  }
.LBB2_7:
0xbc: {  	_ =	sfence.sel $0x180000  }
0xbd: {  	[bflag:$0x0] =	sbarrier.arrive $0xFFFF  }
0xbe: {  	_ =	strace $0x9000004D  }
0xbf: {  	s0 =	stileid.u32;
	[bflag:$0x2] =	sbarrier.arrive $0xFFFF  }
0xc0: {  	p0 =	sne.s32 s0, $0x0;
	s0 =	rddreg [dreg:$0x2]  }
0xc1: {  	s0 =	sadd.s32 @!p0 $0x100000, s0  }
0xc2: {  	[sflag:s0] =	ssyncadd.tile.s32 @!p0 $0x1;
	_ =	shalt  }
.Lfunc_end2:
_tile_overlayer_lowered:
.L_overlay_start_2:
0xc3: {  	(tag) =	ssettag $0x2  }
0xc4: {  	s0 =	rddreg [dreg:$0x0];
	s2 =	stileid.u32  }
0xc5: {  	s1 =	rddreg [dreg:$0x1];
	p0 =	sne.s32 s2, $0x0  }
0xc6: {  	s3 =	rddreg [dreg:$0x2];
	[bflag:$0x3] =	sbarrier.arrive $0xFFFF;
	s2 =	simm.s32 @!p0 $0x1C09  }
0xc7: {  	[timem:s3], [sflag:s2] =	dma.local @!p0 [hbm:s0], s1  }
0xc8: {  	s0 =	simm.s32 @!p0 $0x9  }
0xc9: {  	_ =	swait.ge @!p0 [sflag:s0], s1  }
0xca: {  	s1 =	ssub.s32 @!p0 $0x0, s1;
	[sflag:s0] =	ssyncset.done @!p0 $0x0  }
0xcb: {  	[sflag:s0] =	ssyncadd.s32 @!p0 s1  }
0xcc: {  	[bflag:$0x3] =	sbarrier.arrive $0xFFFF  }
0xcd: {  	_ =	shalt  }

// kernel: kernel.8.cloned.1.call-start
scs
__scs_entry_jumppad:
0x0: {  	(pc) =	sbr.rel $0x88, $3  }
0x1: {  	(tag) =	ssettag $0x0;
	lr =	simm.s32 $0x1  }
0x2: {  	[smem:$0x3F97] =	sst lr;
	_ =	strace $0xD0000000  }
0x3: {  	_ = 	snop  }
0x4: {  	_ = 	snop  }
0x5: {  	_ = 	snop  }
0x6: {  	_ = 	snop  }
0x7: {  	_ = 	snop  }
__scs_overlays_trampoline_lowered:
0x8: {  	[smem:$0x3FA6] =	sst s0  }
0x9: {  	[smem:$0x3FA7] =	sst s1  }
0xa: {  	[smem:$0x3FA8] =	sst s2  }
0xb: {  	[smem:$0x3FA9] =	sst s3  }
0xc: {  	[smem:$0x3FAA] =	sst s4  }
0xd: {  	[smem:$0x3FAB] =	sst s5  }
0xe: {  	[smem:$0x3FAC] =	sst s6  }
0xf: {  	[smem:$0x3FAD] =	sst s7  }
0x10: {  	[smem:$0x3FAE] =	sst s8  }
0x11: {  	[smem:$0x3FAF] =	sst s9;
	s0 =	simm.s32 @!p0 $0x0  }
0x12: {  	s1 =	sld [smem:$0x3F95];
	s0 =	simm.s32 @p0 $0x1  }
0x13: {  	[smem:$0x3FB0] =	sst s0;
	s0 =	simm.s32 @!p1 $0x0  }
0x14: {  	s2 =	sld [smem:$0x3F94];
	s0 =	simm.s32 @p1 $0x1  }
0x15: {  	[smem:$0x3FB1] =	sst s0;
	s0 =	simm.s32 @!p2 $0x0  }
0x16: {  	s3 =	sld [smem:$0x3FDB];
	s0 =	simm.s32 @p2 $0x1  }
0x17: {  	s4 =	simm.s32 $0x1BF5;
	[smem:$0x3FB3] =	sst s0  }
0x18: {  	s0 =	sld [smem:$0x3F96];
	_ =	swait.ge [sflag:s4], $0x0  }
0x19: {  	s7 =	sld [smem:$0x3F97]  }
0x1a: {  	s8 =	sadd.s32 $0xFFFFE003, lr  }
0x1b: {  	s9 =	sadd.s32 $0xFFFFFEF7, lr;
	s5 =	simm.s32 $0xFFFFFFFF;
	p2 =	slt.u32 s8, $0xFFFFF086  }
0x1c: {  	p1 =	slt.u32 s9, $0xF7A;
	s5 =	simm.s32 @!p2 $0x0  }
0x1d: {  	s5 =	simm.s32 @p1 $0x1;
	p0 =	seq.s32 s7, s2  }
0x1e: {  	s7 =	smul.u32 @!p0 $0xF7A, s2;
	p2 =	seq.s32 @!p0 s5, $0x0  }
0x1f: {  	s9 =	smul.u32 $0xF7A, s1;
	s8 =	simm.s32 @!p0 $0x1BF5;
	p2 =	por !p2, p0  }
0x20: {  	[sflag:s8] =	ssyncset.s32 @!p0 $0xFFFFF086;
	s6 =	sadd.s32 @!p0 s3, s7;
	s7 =	simm.s32 @!p0 $0x108  }
0x21: {  	s3 =	sadd.s32 s3, s9;
	s6 =	sadd.s32 @!p0 $0x88, s6;
	s7 =	simm.s32 @p2 $0x1082  }
0x22: {  	[simem:s7], [sflag:s8] =	dma.local @!p0 [hbm:s6], $0xF7A  }
0x23: {  	s9 =	sor.u32 $0xD0000000, s2;
	s6 =	simm.s32 $0x108;
	_ =	swait.ge @!p0 [sflag:s8], $0x0  }
0x24: {  	s3 =	sadd.s32 $0x88, s3;
	s6 =	simm.s32 @!p1 $0x1082;
	[sflag:s4] =	ssyncset.s32 $0xFFFFF086  }
0x25: {  	[simem:s6], [sflag:s4] =	dma.local [hbm:s3], $0xF7A  }
0x26: {  	[smem:$0x3F97] =	sst s1;
	(tag) =	ssettag s2;
	_ =	strace s9  }
0x27: {  	s1 =	sld [smem:$0x3FA7]  }
0x28: {  	s2 =	sld [smem:$0x3FA8]  }
0x29: {  	s4 =	sld [smem:$0x3FAA]  }
0x2a: {  	p0 =	seq.s32 s5, $0x0;
	s5 =	sld [smem:$0x3FAB]  }
0x2b: {  	s6 =	sld [smem:$0x3FAC]  }
0x2c: {  	s7 =	sld [smem:$0x3FAD]  }
0x2d: {  	s3 =	simm.s32 $0x108;
	s8 =	sld [smem:$0x3FAE]  }
0x2e: {  	s3 =	simm.s32 @!p0 $0x1082;
	s9 =	sld [smem:$0x3FAF]  }
0x2f: {  	lr =	sadd.s32 s0, s3;
	s0 =	sld [smem:$0x3FA6]  }
0x30: {  	s3 =	sld [smem:$0x3FA9]  }
0x31: {  	[smem:$0x3FB2] =	sst s10  }
0x32: {  	s10 =	sld [smem:$0x3FB0];
	_ =	sdelay $0x3  }
0x33: {  	p0 =	seq.s32 s10, $0x1;
	s10 =	sld [smem:$0x3FB2];
	_ =	sdelay $0x3  }
0x34: {  	[smem:$0x3FB2] =	sst s10  }
0x35: {  	s10 =	sld [smem:$0x3FB1];
	_ =	sdelay $0x3  }
0x36: {  	p1 =	seq.s32 s10, $0x1;
	s10 =	sld [smem:$0x3FB2];
	_ =	sdelay $0x3  }
0x37: {  	[smem:$0x3FB2] =	sst s10  }
0x38: {  	s10 =	sld [smem:$0x3FB3]  }
0x39: {  	_ = 	snop;
	(pc) =	sbr.ind lr, $3  }
0x3a: {  	_ = 	snop  }
0x3b: {  	_ = 	snop  }
0x3c: {  	p2 =	seq.s32 s10, $0x1;
	s10 =	sld [smem:$0x3FB2]  }
0x3d: {  	_ =	shalt  }
0x3e: {  	_ =	shalt  }
0x3f: {  	_ =	shalt  }
0x40: {  	_ =	shalt  }
0x41: {  	_ =	shalt  }
0x42: {  	_ =	shalt  }
0x43: {  	_ =	shalt  }
0x44: {  	_ =	shalt  }
0x45: {  	_ =	shalt  }
0x46: {  	_ =	shalt  }
0x47: {  	_ =	shalt  }
0x48: {  	_ =	shalt  }
0x49: {  	_ =	shalt  }
0x4a: {  	_ =	shalt  }
0x4b: {  	_ =	shalt  }
0x4c: {  	_ =	shalt  }
0x4d: {  	_ =	shalt  }
0x4e: {  	_ =	shalt  }
0x4f: {  	_ =	shalt  }
0x50: {  	_ =	shalt  }
0x51: {  	_ =	shalt  }
0x52: {  	_ =	shalt  }
0x53: {  	_ =	shalt  }
0x54: {  	_ =	shalt  }
0x55: {  	_ =	shalt  }
0x56: {  	_ =	shalt  }
0x57: {  	_ =	shalt  }
0x58: {  	_ =	shalt  }
0x59: {  	_ =	shalt  }
0x5a: {  	_ =	shalt  }
0x5b: {  	_ =	shalt  }
0x5c: {  	_ =	shalt  }
0x5d: {  	_ =	shalt  }
0x5e: {  	_ =	shalt  }
0x5f: {  	_ =	shalt  }
0x60: {  	_ =	shalt  }
0x61: {  	_ =	shalt  }
0x62: {  	_ =	shalt  }
0x63: {  	_ =	shalt  }
0x64: {  	_ =	shalt  }
0x65: {  	_ =	shalt  }
0x66: {  	_ =	shalt  }
0x67: {  	_ =	shalt  }
0x68: {  	_ =	shalt  }
0x69: {  	_ =	shalt  }
0x6a: {  	_ =	shalt  }
0x6b: {  	_ =	shalt  }
0x6c: {  	_ =	shalt  }
0x6d: {  	_ =	shalt  }
0x6e: {  	_ =	shalt  }
0x6f: {  	_ =	shalt  }
0x70: {  	_ =	shalt  }
0x71: {  	_ =	shalt  }
0x72: {  	_ =	shalt  }
0x73: {  	_ =	shalt  }
0x74: {  	_ =	shalt  }
0x75: {  	_ =	shalt  }
0x76: {  	_ =	shalt  }
0x77: {  	_ =	shalt  }
0x78: {  	_ =	shalt  }
0x79: {  	_ =	shalt  }
0x7a: {  	_ =	shalt  }
0x7b: {  	_ =	shalt  }
0x7c: {  	_ =	shalt  }
0x7d: {  	_ =	shalt  }
0x7e: {  	_ =	shalt  }
0x7f: {  	_ =	shalt  }
0x80: {  	_ =	shalt  }
0x81: {  	_ =	shalt  }
0x82: {  	_ =	shalt  }
0x83: {  	_ =	shalt  }
0x84: {  	_ =	shalt  }
0x85: {  	_ =	shalt  }
0x86: {  	_ =	shalt  }
0x87: {  	_ =	shalt  }
.Lfunc_end0:
.L_simem_size_0:
called_computation_lowered:
.L_overlay_start_0:
0x88: {  	s2 =	sld [smem:$0x3FD9]  }
0x89: {  	s3 =	sld [smem:$0x3FFE];
	_ =	sdelay $0x1  }
0x8a: {  	s1 =	srdreg.scid  }
0x8b: {  	s0 =	sand.u32 $0x1, s1  }
0x8c: {  	s16 =	sshll.u32 s0, $0xA;
	s2 =	sadd.s32 s3, s2  }
0x8d: {  	s2 =	sadd.s32 s2, s16  }
0x8e: {  	[smem:$0x3FBE] =	sst s2  }
0x8f: {  	_ = 	snop  }
0x90: {  	(tm) =	ssettm $0x1  }
0x91: {  	s17 =	sld [smem:$0x3FFB];
	_ =	sdelay $0x3  }
0x92: {  	_ =	strace s17  }
0x93: {  	s2 =	sld [smem:$0x3FFC];
	_ =	sdelay $0x3  }
0x94: {  	_ =	strace s2  }
0x95: {  	s2 =	sld [smem:$0x3FFD];
	_ =	sdelay $0x3  }
0x96: {  	_ =	strace s2  }
0x97: {  	_ =	strace $0x8FFFFFFF  }
0x98: {  	s18 =	sld [smem:$0x3FDB];
	_ =	sdelay $0x1  }
0x99: {  	s19 =	simm.s32 $_scs_section_size  }
0x9a: {  	s4 =	simm.s32 $_size__tile_overlayer_lowered;
	s5 =	simm.s32 $_tile_overlayer_lowered  }
0x9b: {  	s22 =	simm.s32 $0x1BFF;
	s21 =	sshll.u32 s5, $0x1;
	s2 =	sadd.s32 s19, s18  }
0x9c: {  	s6 =	simm.s32 $0x0;
	s20 =	sshll.u32 s4, $0x1;
	s4 =	sadd.s32 s21, s2  }
0x9d: {  	[timem:s6], [sflag:s22] =	dma.local [hbm:s4], s20  }
0x9e: {  	_ =	swait.ge [sflag:s22], s20  }
0x9f: {  	s3 =	ssub.s32 $0x0, s20;
	[sflag:s22] =	ssyncset.done $0x0  }
0xa0: {  	[sflag:s22] =	ssyncadd.s32 s3;
	_ =	sdelay $0x1  }
0xa1: {  	s23 =	simm.s32 $0x1B8B  }
0xa2: {  	_ =	swait.ge [sflag:s23], $0x1  }
0xa3: {  	[sflag:s23] =	ssyncset.done $0x0  }
0xa4: {  	s25 =	simm.s32 $0x1B8E;
	s24 =	sld [smem:$0x3FFE];
	[sflag:s23] =	ssyncadd.s32 $0xFFFFFFFF  }
0xa5: {  	s26 =	simm.s32 $execute0_lowered;
	[smem:$0x3FD2] =	sst s25  }
0xa6: {  	s4 =	sshll.u32 s26, $0x1;
	_ =	strace $0x80000046;
	[dreg:$0x1] =	wrdreg $0xFFFFFFFF  }
0xa7: {  	s28 =	simm.s32 $_size_execute0_lowered;
	s2 =	sadd.s32 s2, s4;
	[dreg:$0x0] =	wrdreg $0x0  }
0xa8: {  	s4 =	sshll.u32 s28, $0x1;
	[dreg:$0x2] =	wrdreg s2  }
0xa9: {  	[dreg:$0x3] =	wrdreg s4  }
0xaa: {  	[dreg:$0x4] =	wrdreg $0xC0  }
0xab: {  	_ =	task [dreg:s6], $0x5FFFF  }
0xac: {  	[dreg:$0x1] =	wrdreg $0xFFFFFFFF  }
0xad: {  	[dreg:$0x0] =	wrdreg $0x60  }
0xae: {  	[dreg:$0x2] =	wrdreg s24  }
0xaf: {  	[dreg:$0x3] =	wrdreg $0x9  }
0xb0: {  	_ =	task.clear_ibuf [dreg:s6], $0x4FFFF;
	_ =	strace $0x90000046  }
0xb1: {  	s29 =	simm.s32 $0x9;
	_ =	strace $0x80000048  }
0xb2: {  	_ =	swait.ge [sflag:s29], $0x1  }
0xb3: {  	[sflag:s29] =	ssyncadd.s32 $0xFFFFFFFF  }
0xb4: {  	_ =	strace $0x90000048  }
0xb5: {  	_ =	sfence  }
0xb6: {  	s30 =	sld [smem:$0x0];
	_ =	sdelay $0x2  }
0xb7: {  	s31 =	sshll.u32 s1, $0xD;
	s1 =	sshrl.u32 s1, $0x2  }
0xb8: {  	s3 =	sand.u32 $0x4000, s31;
	s1 =	sadd.s32 s1, s30  }
0xb9: {  	s0 =	sor.u32 s3, s0;
	s1 =	sshll.u32 s1, $0x11  }
0xba: {  	s0 =	sor.u32 s1, s0  }
0xbb: {  	s0 =	sadd.s32 $0x8F2B, s0  }
0xbc: {  	[sflag:s0] =	ssyncadd.remote.s32 $0x1  }
0xbd: {  	_ =	sfence.sel $0xFFFF  }
0xbe: {  	[dreg:$0x0] =	wrdreg $0xFFFFFFFF;
	(pc) =	sbr.abs _section_cstart, $3  }
0xbf: {  	[dreg:$0x1] =	wrdreg $0xFFFFFFFF  }
0xc0: {  	_ =	task.clear_ibuf [dreg:s6], $0x2FFFF;
	_ =	strace $0x9FFFFFFF  }
0xc1: {  	(tm) =	ssettm $0x7FFFFFFF  }
tec
execute0_lowered:
.L_overlay_start_1:
0x0: {  	(tag) =	ssettag $0x1  }
0x1: {  	s0 =	srdreg.scid  }
0x2: {  	s5 =	rddreg [dreg:$0x0];
	s3 =	sand.u32 $0x1, s0  }
0x3: {  	s2 =	simm.s32 $0x0;
	s0 =	stileid.u32;
	s1 =	sshll.u32 s3, $0x4  }
0x4: {  	s8 =	simm.s32 $0x80;
	s9 =	simm.s32 $0x400;
	s4 =	sor.u32 s0, s1  }
0x5: {  	s10 =	simm.s32 $0x0;
	[smem:$0x7FF] =	sst s2;
	s1 =	sshrl.u32 s4, $0x3  }
0x6: {  	s7 =	sshll.u32 s0, $0x7;
	s3 =	ssub.s32 $0x2, s3;
	s6 =	smul.u32 $0x14000, s1  }
0x7: {  	s7 =	sand.u32 $0x380, s7;
	s31 =	sshrl.u32 s3, $0x1;
	s4 =	smul.u32 $0x4E2, s4  }
0x8: {  	s1 =	rddreg [dreg:$0x1];
	_ =	strace $0x80000047;
	s6 =	sor.u32 s7, s6  }
0x9: {  	s4 =	sadd.s32 s4, s5;
	s7 =	simm.s32 $0x2780;
	s6 =	sshrl.u32 s6, $0x3  }
0xa: {  	s5 =	sadd.s32 s6, s5;
	s6 =	ssub.s32 s3, s31;
	s3 =	sadd.s32 $0x2A00, s4  }
0xb: {  	v0 =	vimm.f32 $0.0e+00;
	v1 =	vimm.f32 $1.000000000e+00;
	s4 =	sadd.s32 $0xC800, s5;
	s5 =	smax.u32 s6, $0x1;
	s6 =	simm.s32 $0x1  }
.LBB2_1:
0xc: {  	[tilespmem:s2], [sflag:$0x1] =	stream.linear.gather [hbm4b:s3+s2], $0x2710, $0x38;
	[tilespmem:$0x4F80] =	vst v63  }
0xd: {  	_ =	swait.ge [sflag:s6], $0x2710  }
0xe: {  	[sflag:s6] =	ssyncset.done $0x0  }
0xf: {  	s11 =	simm.s32 $0x0;
	[sflag:s6] =	ssyncadd.s32 $0xFFFFD8F0  }
.LBB2_2:
0x10: {  	p0 =	sne.s32 s11, $0x9FC0  }
.Ltmp0:
0x11: {  	_ = 	snop;
	(pc) =	sbr.rel @p0 .LBB2_2-.Ltmp0, $3  }
0x12: {  	_ =	sdelay $0x1  }
0x13: {  	s12 =	sshra.s32 s11, $0x2  }
0x14: {  	s11 =	sadd.s32 $0x40, s11;
	[tilespmem:s12+$0x2780] =	vst v0  }
0x15: {  	s12 =	simm.s32 $0x0;
	s11 =	simm.s32 $0x40  }
.LBB2_4:
0x16: {  	p0 =	sne.s32 s11, $0x9C00;
	v2 =	vld [tilespmem:s12+$0x0];
	_ =	sdelay $0x3  }
.Ltmp1:
0x17: {  	(pc) =	sbr.rel @p0 .LBB2_4-.Ltmp1, $2  }
0x18: {  	_ =	sdelay $0x2  }
0x19: {  	s12 =	sshra.s32 s11, $0x2;
	s11 =	sadd.s32 $0x40, s11;
	[tilespmem:v2+s7+$0x0] =	vst.idx.add.f32.msk $0xffff, v1  }
0x1a: {  	v2 =	vld [tilespmem:s12+$0x0];
	_ =	sdelay $0x5  }
0x1b: {  	s10 =	sadd.s32 $0x1, s10  }
0x1c: {  	p0 =	sne.s32 s10, s5  }
.Ltmp2:
0x1d: {  	[tilespmem:v2+s7+$0x0] =	vst.idx.add.f32.msk $0xffff, v1;
	(pc) =	sbr.rel @p0 .LBB2_1-.Ltmp2, $4  }
0x1e: {  	[hbm4b:s4+s8] =	stream.strided.scatter [tilespmem:s7], [sflag:$0x1], $0x2800, s9, s8, $0x38;
	[tilespmem:$0x4F80] =	vst v63  }
0x1f: {  	_ =	swait.ge [sflag:s6], $0x2800  }
0x20: {  	[sflag:s6] =	ssyncset.done $0x0  }
0x21: {  	[sflag:s6] =	ssyncadd.s32 $0xFFFFD800  }
0x22: {  	_ =	sfence.sel $0x180000  }
0x23: {  	[bflag:$0x0] =	sbarrier.arrive $0xFFFF  }
0x24: {  	p0 =	sne.s32 s0, $0x0;
	_ =	strace $0x90000047  }
0x25: {  	s0 =	sadd.s32 @!p0 $0x100000, s1;
	[bflag:$0x2] =	sbarrier.arrive $0xFFFF  }
0x26: {  	[sflag:s0] =	ssyncadd.tile.s32 @!p0 $0x1;
	_ =	shalt  }
.Lfunc_end2:
_tile_overlayer_lowered:
.L_overlay_start_2:
0x27: {  	(tag) =	ssettag $0x2  }
0x28: {  	s0 =	rddreg [dreg:$0x0];
	s2 =	stileid.u32  }
0x29: {  	s1 =	rddreg [dreg:$0x1];
	p0 =	sne.s32 s2, $0x0  }
0x2a: {  	s3 =	rddreg [dreg:$0x2];
	[bflag:$0x3] =	sbarrier.arrive $0xFFFF;
	s2 =	simm.s32 @!p0 $0x1C01  }
0x2b: {  	[timem:s3], [sflag:s2] =	dma.local @!p0 [hbm:s0], s1  }
0x2c: {  	s0 =	simm.s32 @!p0 $0x1  }
0x2d: {  	_ =	swait.ge @!p0 [sflag:s0], s1  }
0x2e: {  	s1 =	ssub.s32 @!p0 $0x0, s1;
	[sflag:s0] =	ssyncset.done @!p0 $0x0  }
0x2f: {  	[sflag:s0] =	ssyncadd.s32 @!p0 s1  }
0x30: {  	[bflag:$0x3] =	sbarrier.arrive $0xFFFF  }
0x31: {  	_ =	shalt  }

</sc_bundles>
